<compile_context>
chip_gen: v7x
topology: tpu7x:2x2x1
jax: 0.10.2.dev20260603
libtpu: 0.0.44.dev20260713+nightly
codegen_flags: <defaults>
</compile_context>

<pallas_src>
import jax
import jax.numpy as jnp
from jax import lax
from jax.experimental import pallas as pl
from jax.experimental.pallas import tpu as pltpu
from jax.experimental.pallas import tpu_sc as plsc

_NC = 2
_NS = 16
_NW = _NC * _NS

_CHUNK = 80


def _splits(n):
  stripe = (n // _NS) // 8 * 8
  stripe_last = n - stripe * (_NS - 1)
  assert stripe > 0 and stripe_last > 0 and stripe_last % 8 == 0
  return stripe, stripe_last


def _mk_stripe_loops(s, stripe, stripe_last):
  def for_stripe_chunks(fn):
    def piece(row0, nrows):
      full, rem = divmod(nrows, _CHUNK)

      def chunk(j, carry):
        fn(pl.multiple_of(row0 + j * _CHUNK, 8), _CHUNK)
        return carry

      lax.fori_loop(0, full, chunk, 0)
      if rem:
        fn(pl.multiple_of(row0 + full * _CHUNK, 8), rem)

    @pl.when(s < _NS - 1)
    def _():
      piece(pl.multiple_of(s * stripe, 8), stripe)

    @pl.when(s == _NS - 1)
    def _():
      piece((_NS - 1) * stripe, stripe_last)

  return for_stripe_chunks


def _make_aggregate(n, d, e):
  per_w = e // _NW
  n_chunks = per_w // _CHUNK
  assert per_w * _NW == e and n_chunks * _CHUNK == per_w
  stripe, stripe_last = _splits(n)

  mesh = plsc.VectorSubcoreMesh(core_axis_name="c", subcore_axis_name="s")

  def body(x_hbm, src_hbm, dst_hbm, zeros_hbm, part_hbm,
           src_v, dst_v, rows_v, acc_sh, sem):
    c = lax.axis_index("c")
    s = lax.axis_index("s")
    wid = s * _NC + c
    for_stripe_chunks = _mk_stripe_loops(s, stripe, stripe_last)

    pltpu.sync_copy(zeros_hbm.at[pl.ds(0, _CHUNK)], rows_v)
    for_stripe_chunks(
        lambda r, nr: pltpu.sync_copy(rows_v.at[pl.ds(0, nr)],
                                      acc_sh.at[pl.ds(r, nr)]))
    plsc.subcore_barrier()

    base = wid * per_w

    def step(i, carry):
      off = pl.multiple_of(base + i * _CHUNK, 8)
      pltpu.sync_copy(src_hbm.at[pl.ds(off, _CHUNK)], src_v)
      pltpu.sync_copy(dst_hbm.at[pl.ds(off, _CHUNK)], dst_v)
      pltpu.async_copy(x_hbm.at[src_v], rows_v, sem).wait()
      pltpu.sync_copy(rows_v, acc_sh.at[dst_v], add=True)
      return carry

    lax.fori_loop(0, n_chunks, step, 0)
    plsc.subcore_barrier()

    def write_chunk(r, nrows):
      ro = pl.multiple_of(c * n + r, 8)
      pltpu.sync_copy(acc_sh.at[pl.ds(r, nrows)], rows_v.at[pl.ds(0, nrows)])
      pltpu.sync_copy(rows_v.at[pl.ds(0, nrows)],
                      part_hbm.at[pl.ds(ro, nrows)])

    for_stripe_chunks(write_chunk)

  return pl.kernel(
      body,
      out_type=[jax.ShapeDtypeStruct((_NC * n, d), jnp.float32)],
      mesh=mesh,
      scratch_types=[
          pltpu.VMEM((_CHUNK,), jnp.int32),
          pltpu.VMEM((_CHUNK,), jnp.int32),
          pltpu.VMEM((_CHUNK, d), jnp.float32),
          pltpu.VMEM_SHARED((n, d), jnp.float32),
          pltpu.SemaphoreType.DMA,
      ],
  )


def _make_counts(n, d, e):
  per_w = e // _NW
  n_chunks = per_w // _CHUNK
  assert per_w * _NW == e and n_chunks * _CHUNK == per_w
  stripe, stripe_last = _splits(n)

  mesh = plsc.VectorSubcoreMesh(core_axis_name="c", subcore_axis_name="s")

  def body(dst_hbm, zeros_hbm, ones_hbm, cnt_hbm,
           dst_v, ones_v, stage_v, acc_sh, sem):
    c = lax.axis_index("c")
    s = lax.axis_index("s")
    wid = s * _NC + c
    for_stripe_chunks = _mk_stripe_loops(s, stripe, stripe_last)

    pltpu.sync_copy(zeros_hbm.at[pl.ds(0, _CHUNK)], stage_v)
    pltpu.sync_copy(ones_hbm, ones_v)
    for_stripe_chunks(
        lambda r, nr: pltpu.sync_copy(stage_v.at[pl.ds(0, nr)],
                                      acc_sh.at[pl.ds(r, nr)]))
    plsc.subcore_barrier()

    base = wid * per_w

    def step(i, carry):
      off = pl.multiple_of(base + i * _CHUNK, 8)
      pltpu.sync_copy(dst_hbm.at[pl.ds(off, _CHUNK)], dst_v)
      pltpu.sync_copy(ones_v, acc_sh.at[dst_v], add=True)
      return carry

    lax.fori_loop(0, n_chunks, step, 0)
    plsc.subcore_barrier()

    def write_chunk(r, nrows):
      ro = pl.multiple_of(c * n + r, 8)
      pltpu.sync_copy(acc_sh.at[pl.ds(r, nrows)], stage_v.at[pl.ds(0, nrows)])
      pltpu.sync_copy(stage_v.at[pl.ds(0, nrows)],
                      cnt_hbm.at[pl.ds(ro, nrows)])

    for_stripe_chunks(write_chunk)

  return pl.kernel(
      body,
      out_type=[jax.ShapeDtypeStruct((_NC * n, d), jnp.float32)],
      mesh=mesh,
      scratch_types=[
          pltpu.VMEM((_CHUNK,), jnp.int32),
          pltpu.VMEM((_CHUNK, d), jnp.float32),
          pltpu.VMEM((_CHUNK, d), jnp.float32),
          pltpu.VMEM_SHARED((n, d), jnp.float32),
          pltpu.SemaphoreType.DMA,
      ],
  )


def _dense_body(x_ref, p_ref, cnt_ref, wl_ref, wr_ref, b_ref, o_ref):
  cnt = cnt_ref[0, :, 0:1] + cnt_ref[1, :, 0:1]
  mean = (p_ref[0] + p_ref[1]) / jnp.maximum(cnt, 1.0)
  acc = jnp.dot(mean, wl_ref[...], preferred_element_type=jnp.float32)
  acc += jnp.dot(x_ref[...], wr_ref[...], preferred_element_type=jnp.float32)
  acc += b_ref[...]
  nrm2 = jnp.sum(acc * acc, axis=-1, keepdims=True)
  acc = acc * lax.rsqrt(jnp.maximum(nrm2, 1e-24))
  o_ref[...] = jnp.maximum(acc, 0.0)


def _make_dense(n, d, rows):
  grid = (n // rows,)
  assert grid[0] * rows == n
  return pl.pallas_call(
      _dense_body,
      grid=grid,
      in_specs=[
          pl.BlockSpec((rows, d), lambda i: (i, 0)),
          pl.BlockSpec((_NC, rows, d), lambda i: (0, i, 0)),
          pl.BlockSpec((_NC, rows, d), lambda i: (0, i, 0)),
          pl.BlockSpec((d, d), lambda i: (0, 0)),
          pl.BlockSpec((d, d), lambda i: (0, 0)),
          pl.BlockSpec((1, d), lambda i: (0, 0)),
      ],
      out_specs=pl.BlockSpec((rows, d), lambda i: (i, 0)),
      out_shape=jax.ShapeDtypeStruct((n, d), jnp.float32),
  )


def kernel(x, edge_index, Wl0, Wr0, b0, Wl1, Wr1, b1, Wl2, Wr2, b2):
  n, d = x.shape
  e = edge_index.shape[1]
  src = edge_index[0]
  dst = edge_index[1]
  zeros = jnp.zeros((n, d), jnp.float32)
  ones = jnp.ones((_CHUNK, d), jnp.float32)

  agg = _make_aggregate(n, d, e)
  counts = _make_counts(n, d, e)
  dense = _make_dense(n, d, rows=2000)

  (cnt,) = counts(dst, zeros, ones)
  cnt = cnt.reshape(_NC, n, d)
  (p,) = agg(x, src, dst, zeros)
  h = dense(x, p.reshape(_NC, n, d), cnt, Wl0, Wr0, b0.reshape(1, d))
  (p,) = agg(h, src, dst, zeros)
  h = dense(h, p.reshape(_NC, n, d), cnt, Wl1, Wr1, b1.reshape(1, d))
  (p,) = agg(h, src, dst, zeros)
  h = dense(h, p.reshape(_NC, n, d), cnt, Wl2, Wr2, b2.reshape(1, d))
  return h

# --- scband reference (transcript-rebuilt; emitter-appended) ---
"""Pipeline reference for scband-graph-sage-25220047962465 (READ-ONLY COPY).

The authoritative reference and input builder live on the scoring server;
editing this copy changes nothing except your own understanding.
"""

import jax, jax.numpy as jnp
import numpy as np

N = 10000
E = 320000
D = 128


def setup_inputs(seed: int = 0) -> dict:
    key = jax.random.key(seed)
    ks = jax.random.split(key, 12)
    x = jax.random.normal(ks[0], (N, D), dtype=jnp.float32)
    edge_index = jax.random.randint(ks[1], (2, E), 0, N, dtype=jnp.int32)
    s = 1.0 / np.sqrt(D)
    params = {}
    for i in range(3):
        params[f"Wl{i}"] = jax.random.uniform(ks[2 + 3 * i], (D, D), dtype=jnp.float32, minval=-s, maxval=s)
        params[f"Wr{i}"] = jax.random.uniform(ks[3 + 3 * i], (D, D), dtype=jnp.float32, minval=-s, maxval=s)
        params[f"b{i}"] = jax.random.uniform(ks[4 + 3 * i], (D,), dtype=jnp.float32, minval=-s, maxval=s)
    inp = {"x": x, "edge_index": edge_index}
    inp.update(params)
    return inp


def _sage_conv(x, edge_index, Wl, Wr, b):
    # PyG SAGEConv with mean aggregation, root weight, bias, normalize=True.
    src = edge_index[0]
    dst = edge_index[1]
    msgs = jnp.take(x, src, axis=0)                                  # gather x_j
    summed = jax.ops.segment_sum(msgs, dst, num_segments=N)          # scatter-add to dst
    cnt = jax.ops.segment_sum(jnp.ones((edge_index.shape[1],), dtype=x.dtype), dst, num_segments=N)
    mean = summed / jnp.maximum(cnt, 1.0)[:, None]                   # mean aggregation
    out = mean @ Wl + b + x @ Wr                                     # lin_l(aggr) + lin_r(x)
    nrm = jnp.sqrt(jnp.sum(out * out, axis=-1, keepdims=True))
    out = out / jnp.maximum(nrm, 1e-12)                              # F.normalize(out, p=2, dim=-1)
    return out


def reference(x, edge_index, Wl0, Wr0, b0, Wl1, Wr1, b1, Wl2, Wr2, b2):
    # eval mode: dropout is identity
    h = _sage_conv(x, edge_index, Wl0, Wr0, b0)
    h = jax.nn.relu(h)
    h = _sage_conv(h, edge_index, Wl1, Wr1, b1)
    h = jax.nn.relu(h)
    h = _sage_conv(h, edge_index, Wl2, Wr2, b2)
    h = jax.nn.relu(h)
    return h

if __name__ == "__main__":
    import jax
    _d = setup_inputs()
    print(jax.jit(kernel)(*tuple(_d.values())))

</pallas_src>

<mosaic_0001>
#map = affine_map<(d0, d1) -> (0, 0)>
#map1 = affine_map<(d0, d1) -> (0)>
module attributes {stable_mosaic.version = 14 : i64} {
  func.func @body(%arg0: i32, %arg1: i32, %arg2: memref<10000x128xf32, #tpu.memory_space<hbm>>, %arg3: memref<320000xi32, #tpu.memory_space<hbm>>, %arg4: memref<320000xi32, #tpu.memory_space<hbm>>, %arg5: memref<10000x128xf32, #tpu.memory_space<hbm>>, %arg6: memref<20000x128xf32, #tpu.memory_space<hbm>>, %arg7: memref<80xi32, #tpu.memory_space<vmem>>, %arg8: memref<80xi32, #tpu.memory_space<vmem>>, %arg9: memref<80x128xf32, #tpu.memory_space<vmem>>, %arg10: memref<10000x128xf32, #tpu.memory_space<vmem_shared>>, %arg11: memref<!tpu.dma_semaphore, #tpu.memory_space<semaphore_mem>>) attributes {dimension_semantics = [#tpu.dimension_semantics<core_parallel>, #tpu.dimension_semantics<subcore_parallel>], iteration_bounds = array<i64: 2, 16>, scalar_prefetch = 0 : i64, scratch_operands = 5 : i64, tpu.core_type = #tpu.core_type<sc_vector_subcore>, window_params = [{transform_indices = #map}, {transform_indices = #map1}, {transform_indices = #map1}, {transform_indices = #map}, {transform_indices = #map}]} {
    %mul3A = arith.constant 2 : i32
    %mul3A_0 = arith.muli %arg1, %mul3A : i32
    %add3A = arith.addi %mul3A_0, %arg0 : i32
    "tpu.region"() ({
      %run_scoped3A = tpu.sem_alloc : memref<!tpu.dma_semaphore, #tpu.memory_space<semaphore_mem>>
      %dma_start3A = arith.constant 0 : i32
      %dma_start3A_25 = arith.constant 0 : i32
      %dma_start3A_26 = tpu.memref_slice %arg5[%dma_start3A, %dma_start3A_25] : memref<10000x128xf32, #tpu.memory_space<hbm>> -> memref<80x128xf32, #tpu.memory_space<hbm>>
      %dma_start3A_27 = arith.constant 0 : i32
      %dma_start3A_28 = arith.constant 0 : i32
      %dma_start3A_29 = tpu.memref_slice %arg5[%dma_start3A_27, %dma_start3A_28] : memref<10000x128xf32, #tpu.memory_space<hbm>> -> memref<80x128xf32, #tpu.memory_space<hbm>>
      tpu.enqueue_dma source(%dma_start3A_29 : memref<80x128xf32, #tpu.memory_space<hbm>>) target(%arg9 : memref<80x128xf32, #tpu.memory_space<vmem>>) target_semaphore(%run_scoped3A : memref<!tpu.dma_semaphore, #tpu.memory_space<semaphore_mem>>)
      %dma_wait3A = arith.constant 0 : i32
      %dma_wait3A_30 = arith.constant 0 : i32
      %dma_wait3A_31 = tpu.memref_slice %arg5[%dma_wait3A, %dma_wait3A_30] : memref<10000x128xf32, #tpu.memory_space<hbm>> -> memref<80x128xf32, #tpu.memory_space<hbm>>
      %dma_wait3A_32 = arith.constant 0 : i32
      %dma_wait3A_33 = arith.constant 0 : i32
      %dma_wait3A_34 = tpu.memref_slice %arg5[%dma_wait3A_32, %dma_wait3A_33] : memref<10000x128xf32, #tpu.memory_space<hbm>> -> memref<80x128xf32, #tpu.memory_space<hbm>>
      tpu.wait_dma2 semaphore(%run_scoped3A : memref<!tpu.dma_semaphore, #tpu.memory_space<semaphore_mem>>) src(%dma_wait3A_34 : memref<80x128xf32, #tpu.memory_space<hbm>>) dst(%arg9 : memref<80x128xf32, #tpu.memory_space<vmem>>)
      tpu.yield
    }) : () -> ()
    %lt3A = arith.constant 15 : i32
    %lt3A_1 = arith.cmpi slt, %arg1, %lt3A : i32
    %convert_element_type3A = arith.extui %lt3A_1 : i1 to i32
    %cond3A = arith.constant 0 : i32
    %cond3A_2 = arith.cmpi ne, %convert_element_type3A, %cond3A : i32
    scf.if %cond3A_2 {
      %mul3A_25 = arith.constant 624 : i32
      %mul3A_26 = arith.muli %arg1, %mul3A_25 : i32
      %multiple_of3A = tpu.assume_multiple %mul3A_26, 8 : i32
      %scan3A_27 = arith.constant 0 : i32
      %scan3A_28 = arith.constant 0 : i32
      %scan3A_29 = arith.constant 7 : i32
      %scan3A_30 = arith.addi %scan3A_28, %scan3A_29 : i32
      %scan3A_31 = arith.constant 1 : i32
      scf.for %scan3A_36 = %scan3A_28 to %scan3A_30 step %scan3A_31  : i32 {
        %mul3A_37 = arith.constant 80 : i32
        %mul3A_38 = arith.muli %scan3A_36, %mul3A_37 : i32
        %add3A_39 = arith.addi %multiple_of3A, %mul3A_38 : i32
        %multiple_of3A_40 = tpu.assume_multiple %add3A_39, 8 : i32
        "tpu.region"() ({
          %run_scoped3A = tpu.sem_alloc : memref<!tpu.dma_semaphore, #tpu.memory_space<semaphore_mem>>
          %dma_start3A = arith.constant 0 : i32
          %dma_start3A_41 = arith.constant 0 : i32
          %dma_start3A_42 = tpu.memref_slice %arg9[%dma_start3A, %dma_start3A_41] : memref<80x128xf32, #tpu.memory_space<vmem>> -> memref<80x128xf32, #tpu.memory_space<vmem>>
          %dma_start3A_43 = arith.constant 0 : i32
          %dma_start3A_44 = tpu.memref_slice %arg10[%multiple_of3A_40, %dma_start3A_43] : memref<10000x128xf32, #tpu.memory_space<vmem_shared>> -> memref<80x128xf32, #tpu.memory_space<vmem_shared>>
          %dma_start3A_45 = arith.constant 0 : i32
          %dma_start3A_46 = tpu.memref_slice %arg10[%multiple_of3A_40, %dma_start3A_45] : memref<10000x128xf32, #tpu.memory_space<vmem_shared>> -> memref<80x128xf32, #tpu.memory_space<vmem_shared>>
          %dma_start3A_47 = arith.constant 0 : i32
          %dma_start3A_48 = arith.constant 0 : i32
          %dma_start3A_49 = tpu.memref_slice %arg9[%dma_start3A_47, %dma_start3A_48] : memref<80x128xf32, #tpu.memory_space<vmem>> -> memref<80x128xf32, #tpu.memory_space<vmem>>
          tpu.enqueue_dma source(%dma_start3A_49 : memref<80x128xf32, #tpu.memory_space<vmem>>) target(%dma_start3A_46 : memref<80x128xf32, #tpu.memory_space<vmem_shared>>) target_semaphore(%run_scoped3A : memref<!tpu.dma_semaphore, #tpu.memory_space<semaphore_mem>>)
          %dma_wait3A = arith.constant 0 : i32
          %dma_wait3A_50 = arith.constant 0 : i32
          %dma_wait3A_51 = tpu.memref_slice %arg9[%dma_wait3A, %dma_wait3A_50] : memref<80x128xf32, #tpu.memory_space<vmem>> -> memref<80x128xf32, #tpu.memory_space<vmem>>
          %dma_wait3A_52 = arith.constant 0 : i32
          %dma_wait3A_53 = tpu.memref_slice %arg10[%multiple_of3A_40, %dma_wait3A_52] : memref<10000x128xf32, #tpu.memory_space<vmem_shared>> -> memref<80x128xf32, #tpu.memory_space<vmem_shared>>
          %dma_wait3A_54 = arith.constant 0 : i32
          %dma_wait3A_55 = tpu.memref_slice %arg10[%multiple_of3A_40, %dma_wait3A_54] : memref<10000x128xf32, #tpu.memory_space<vmem_shared>> -> memref<80x128xf32, #tpu.memory_space<vmem_shared>>
          %dma_wait3A_56 = arith.constant 0 : i32
          %dma_wait3A_57 = arith.constant 0 : i32
          %dma_wait3A_58 = tpu.memref_slice %arg9[%dma_wait3A_56, %dma_wait3A_57] : memref<80x128xf32, #tpu.memory_space<vmem>> -> memref<80x128xf32, #tpu.memory_space<vmem>>
          tpu.wait_dma2 semaphore(%run_scoped3A : memref<!tpu.dma_semaphore, #tpu.memory_space<semaphore_mem>>) src(%dma_wait3A_58 : memref<80x128xf32, #tpu.memory_space<vmem>>) dst(%dma_wait3A_55 : memref<80x128xf32, #tpu.memory_space<vmem_shared>>)
          tpu.yield
        }) : () -> ()
      }
      %scan3A_32 = arith.constant 7 : i32
      %add3A_33 = arith.constant 560 : i32
      %add3A_34 = arith.addi %multiple_of3A, %add3A_33 : i32
      %multiple_of3A_35 = tpu.assume_multiple %add3A_34, 8 : i32
      "tpu.region"() ({
        %run_scoped3A = tpu.sem_alloc : memref<!tpu.dma_semaphore, #tpu.memory_space<semaphore_mem>>
        %dma_start3A = arith.constant 0 : i32
        %dma_start3A_36 = arith.constant 0 : i32
        %dma_start3A_37 = tpu.memref_slice %arg9[%dma_start3A, %dma_start3A_36] : memref<80x128xf32, #tpu.memory_space<vmem>> -> memref<64x128xf32, #tpu.memory_space<vmem>>
        %dma_start3A_38 = arith.constant 0 : i32
        %dma_start3A_39 = tpu.memref_slice %arg10[%multiple_of3A_35, %dma_start3A_38] : memref<10000x128xf32, #tpu.memory_space<vmem_shared>> -> memref<64x128xf32, #tpu.memory_space<vmem_shared>>
        %dma_start3A_40 = arith.constant 0 : i32
        %dma_start3A_41 = tpu.memref_slice %arg10[%multiple_of3A_35, %dma_start3A_40] : memref<10000x128xf32, #tpu.memory_space<vmem_shared>> -> memref<64x128xf32, #tpu.memory_space<vmem_shared>>
        %dma_start3A_42 = arith.constant 0 : i32
        %dma_start3A_43 = arith.constant 0 : i32
        %dma_start3A_44 = tpu.memref_slice %arg9[%dma_start3A_42, %dma_start3A_43] : memref<80x128xf32, #tpu.memory_space<vmem>> -> memref<64x128xf32, #tpu.memory_space<vmem>>
        tpu.enqueue_dma source(%dma_start3A_44 : memref<64x128xf32, #tpu.memory_space<vmem>>) target(%dma_start3A_41 : memref<64x128xf32, #tpu.memory_space<vmem_shared>>) target_semaphore(%run_scoped3A : memref<!tpu.dma_semaphore, #tpu.memory_space<semaphore_mem>>)
        %dma_wait3A = arith.constant 0 : i32
        %dma_wait3A_45 = arith.constant 0 : i32
        %dma_wait3A_46 = tpu.memref_slice %arg9[%dma_wait3A, %dma_wait3A_45] : memref<80x128xf32, #tpu.memory_space<vmem>> -> memref<64x128xf32, #tpu.memory_space<vmem>>
        %dma_wait3A_47 = arith.constant 0 : i32
        %dma_wait3A_48 = tpu.memref_slice %arg10[%multiple_of3A_35, %dma_wait3A_47] : memref<10000x128xf32, #tpu.memory_space<vmem_shared>> -> memref<64x128xf32, #tpu.memory_space<vmem_shared>>
        %dma_wait3A_49 = arith.constant 0 : i32
        %dma_wait3A_50 = tpu.memref_slice %arg10[%multiple_of3A_35, %dma_wait3A_49] : memref<10000x128xf32, #tpu.memory_space<vmem_shared>> -> memref<64x128xf32, #tpu.memory_space<vmem_shared>>
        %dma_wait3A_51 = arith.constant 0 : i32
        %dma_wait3A_52 = arith.constant 0 : i32
        %dma_wait3A_53 = tpu.memref_slice %arg9[%dma_wait3A_51, %dma_wait3A_52] : memref<80x128xf32, #tpu.memory_space<vmem>> -> memref<64x128xf32, #tpu.memory_space<vmem>>
        tpu.wait_dma2 semaphore(%run_scoped3A : memref<!tpu.dma_semaphore, #tpu.memory_space<semaphore_mem>>) src(%dma_wait3A_53 : memref<64x128xf32, #tpu.memory_space<vmem>>) dst(%dma_wait3A_50 : memref<64x128xf32, #tpu.memory_space<vmem_shared>>)
        tpu.yield
      }) : () -> ()
    } else {
    }
    %eq3A = arith.constant 15 : i32
    %eq3A_3 = arith.cmpi eq, %arg1, %eq3A : i32
    %convert_element_type3A_4 = arith.extui %eq3A_3 : i1 to i32
    %cond3A_5 = arith.constant 0 : i32
    %cond3A_6 = arith.cmpi ne, %convert_element_type3A_4, %cond3A_5 : i32
    scf.if %cond3A_6 {
      %scan3A_25 = arith.constant 0 : i32
      %scan3A_26 = arith.constant 0 : i32
      %scan3A_27 = arith.constant 8 : i32
      %scan3A_28 = arith.addi %scan3A_26, %scan3A_27 : i32
      %scan3A_29 = arith.constant 1 : i32
      scf.for %scan3A_31 = %scan3A_26 to %scan3A_28 step %scan3A_29  : i32 {
        %mul3A_32 = arith.constant 80 : i32
        %mul3A_33 = arith.muli %scan3A_31, %mul3A_32 : i32
        %add3A_34 = arith.constant 9360 : i32
        %add3A_35 = arith.addi %add3A_34, %mul3A_33 : i32
        %multiple_of3A = tpu.assume_multiple %add3A_35, 8 : i32
        "tpu.region"() ({
          %run_scoped3A = tpu.sem_alloc : memref<!tpu.dma_semaphore, #tpu.memory_space<semaphore_mem>>
          %dma_start3A = arith.constant 0 : i32
          %dma_start3A_36 = arith.constant 0 : i32
          %dma_start3A_37 = tpu.memref_slice %arg9[%dma_start3A, %dma_start3A_36] : memref<80x128xf32, #tpu.memory_space<vmem>> -> memref<80x128xf32, #tpu.memory_space<vmem>>
          %dma_start3A_38 = arith.constant 0 : i32
          %dma_start3A_39 = tpu.memref_slice %arg10[%multiple_of3A, %dma_start3A_38] : memref<10000x128xf32, #tpu.memory_space<vmem_shared>> -> memref<80x128xf32, #tpu.memory_space<vmem_shared>>
          %dma_start3A_40 = arith.constant 0 : i32
          %dma_start3A_41 = tpu.memref_slice %arg10[%multiple_of3A, %dma_start3A_40] : memref<10000x128xf32, #tpu.memory_space<vmem_shared>> -> memref<80x128xf32, #tpu.memory_space<vmem_shared>>
          %dma_start3A_42 = arith.constant 0 : i32
          %dma_start3A_43 = arith.constant 0 : i32
          %dma_start3A_44 = tpu.memref_slice %arg9[%dma_start3A_42, %dma_start3A_43] : memref<80x128xf32, #tpu.memory_space<vmem>> -> memref<80x128xf32, #tpu.memory_space<vmem>>
          tpu.enqueue_dma source(%dma_start3A_44 : memref<80x128xf32, #tpu.memory_space<vmem>>) target(%dma_start3A_41 : memref<80x128xf32, #tpu.memory_space<vmem_shared>>) target_semaphore(%run_scoped3A : memref<!tpu.dma_semaphore, #tpu.memory_space<semaphore_mem>>)
          %dma_wait3A = arith.constant 0 : i32
          %dma_wait3A_45 = arith.constant 0 : i32
          %dma_wait3A_46 = tpu.memref_slice %arg9[%dma_wait3A, %dma_wait3A_45] : memref<80x128xf32, #tpu.memory_space<vmem>> -> memref<80x128xf32, #tpu.memory_space<vmem>>
          %dma_wait3A_47 = arith.constant 0 : i32
          %dma_wait3A_48 = tpu.memref_slice %arg10[%multiple_of3A, %dma_wait3A_47] : memref<10000x128xf32, #tpu.memory_space<vmem_shared>> -> memref<80x128xf32, #tpu.memory_space<vmem_shared>>
          %dma_wait3A_49 = arith.constant 0 : i32
          %dma_wait3A_50 = tpu.memref_slice %arg10[%multiple_of3A, %dma_wait3A_49] : memref<10000x128xf32, #tpu.memory_space<vmem_shared>> -> memref<80x128xf32, #tpu.memory_space<vmem_shared>>
          %dma_wait3A_51 = arith.constant 0 : i32
          %dma_wait3A_52 = arith.constant 0 : i32
          %dma_wait3A_53 = tpu.memref_slice %arg9[%dma_wait3A_51, %dma_wait3A_52] : memref<80x128xf32, #tpu.memory_space<vmem>> -> memref<80x128xf32, #tpu.memory_space<vmem>>
          tpu.wait_dma2 semaphore(%run_scoped3A : memref<!tpu.dma_semaphore, #tpu.memory_space<semaphore_mem>>) src(%dma_wait3A_53 : memref<80x128xf32, #tpu.memory_space<vmem>>) dst(%dma_wait3A_50 : memref<80x128xf32, #tpu.memory_space<vmem_shared>>)
          tpu.yield
        }) : () -> ()
      }
      %scan3A_30 = arith.constant 8 : i32
    } else {
    }
    %barrier3A = arith.constant 0 : index
    tpu.barrier barrier_id(%barrier3A)
    %mul3A_7 = arith.constant 10000 : i32
    %mul3A_8 = arith.muli %add3A, %mul3A_7 : i32
    %scan3A = arith.constant 0 : i32
    %scan3A_9 = arith.constant 0 : i32
    %scan3A_10 = arith.constant 125 : i32
    %scan3A_11 = arith.addi %scan3A_9, %scan3A_10 : i32
    %scan3A_12 = arith.constant 1 : i32
    scf.for %scan3A_25 = %scan3A_9 to %scan3A_11 step %scan3A_12  : i32 {
      %mul3A_26 = arith.constant 80 : i32
      %mul3A_27 = arith.muli %scan3A_25, %mul3A_26 : i32
      %add3A_28 = arith.addi %mul3A_8, %mul3A_27 : i32
      %multiple_of3A = tpu.assume_multiple %add3A_28, 8 : i32
      "tpu.region"() ({
        %run_scoped3A = tpu.sem_alloc : memref<!tpu.dma_semaphore, #tpu.memory_space<semaphore_mem>>
        %dma_start3A_33 = tpu.memref_slice %arg3[%multiple_of3A] : memref<320000xi32, #tpu.memory_space<hbm>> -> memref<80xi32, #tpu.memory_space<hbm>>
        %dma_start3A_34 = tpu.memref_slice %arg3[%multiple_of3A] : memref<320000xi32, #tpu.memory_space<hbm>> -> memref<80xi32, #tpu.memory_space<hbm>>
        tpu.enqueue_dma source(%dma_start3A_34 : memref<80xi32, #tpu.memory_space<hbm>>) target(%arg7 : memref<80xi32, #tpu.memory_space<vmem>>) target_semaphore(%run_scoped3A : memref<!tpu.dma_semaphore, #tpu.memory_space<semaphore_mem>>)
        %dma_wait3A_35 = tpu.memref_slice %arg3[%multiple_of3A] : memref<320000xi32, #tpu.memory_space<hbm>> -> memref<80xi32, #tpu.memory_space<hbm>>
        %dma_wait3A_36 = tpu.memref_slice %arg3[%multiple_of3A] : memref<320000xi32, #tpu.memory_space<hbm>> -> memref<80xi32, #tpu.memory_space<hbm>>
        tpu.wait_dma2 semaphore(%run_scoped3A : memref<!tpu.dma_semaphore, #tpu.memory_space<semaphore_mem>>) src(%dma_wait3A_36 : memref<80xi32, #tpu.memory_space<hbm>>) dst(%arg7 : memref<80xi32, #tpu.memory_space<vmem>>)
        tpu.yield
      }) : () -> ()
      "tpu.region"() ({
        %run_scoped3A = tpu.sem_alloc : memref<!tpu.dma_semaphore, #tpu.memory_space<semaphore_mem>>
        %dma_start3A_33 = tpu.memref_slice %arg4[%multiple_of3A] : memref<320000xi32, #tpu.memory_space<hbm>> -> memref<80xi32, #tpu.memory_space<hbm>>
        %dma_start3A_34 = tpu.memref_slice %arg4[%multiple_of3A] : memref<320000xi32, #tpu.memory_space<hbm>> -> memref<80xi32, #tpu.memory_space<hbm>>
        tpu.enqueue_dma source(%dma_start3A_34 : memref<80xi32, #tpu.memory_space<hbm>>) target(%arg8 : memref<80xi32, #tpu.memory_space<vmem>>) target_semaphore(%run_scoped3A : memref<!tpu.dma_semaphore, #tpu.memory_space<semaphore_mem>>)
        %dma_wait3A_35 = tpu.memref_slice %arg4[%multiple_of3A] : memref<320000xi32, #tpu.memory_space<hbm>> -> memref<80xi32, #tpu.memory_space<hbm>>
        %dma_wait3A_36 = tpu.memref_slice %arg4[%multiple_of3A] : memref<320000xi32, #tpu.memory_space<hbm>> -> memref<80xi32, #tpu.memory_space<hbm>>
        tpu.wait_dma2 semaphore(%run_scoped3A : memref<!tpu.dma_semaphore, #tpu.memory_space<semaphore_mem>>) src(%dma_wait3A_36 : memref<80xi32, #tpu.memory_space<hbm>>) dst(%arg8 : memref<80xi32, #tpu.memory_space<vmem>>)
        tpu.yield
      }) : () -> ()
      %dma_start3A = arith.constant 0 : i32
      %dma_start3A_29 = arith.constant 0 : i32
      %dma_start3A_30 = tpu.memref_slice %arg2[%dma_start3A, %dma_start3A_29] : memref<10000x128xf32, #tpu.memory_space<hbm>> -> memref<10000x128xf32, #tpu.memory_space<hbm>>
      tpu.enqueue_indirect_dma source(%dma_start3A_30 : memref<10000x128xf32, #tpu.memory_space<hbm>>) target(%arg9 : memref<80x128xf32, #tpu.memory_space<vmem>>) offsets(%arg7 : memref<80xi32, #tpu.memory_space<vmem>>) semaphore(%arg11 : memref<!tpu.dma_semaphore, #tpu.memory_space<semaphore_mem>>)
      %dma_wait3A = arith.constant 0 : i32
      %dma_wait3A_31 = arith.constant 0 : i32
      %dma_wait3A_32 = tpu.memref_slice %arg2[%dma_wait3A, %dma_wait3A_31] : memref<10000x128xf32, #tpu.memory_space<hbm>> -> memref<10000x128xf32, #tpu.memory_space<hbm>>
      tpu.wait_indirect_dma semaphore(%arg11 : memref<!tpu.dma_semaphore, #tpu.memory_space<semaphore_mem>>) src(%dma_wait3A_32 : memref<10000x128xf32, #tpu.memory_space<hbm>>) dst(%arg9 : memref<80x128xf32, #tpu.memory_space<vmem>>)
      "tpu.region"() ({
        %run_scoped3A = tpu.sem_alloc : memref<!tpu.dma_semaphore, #tpu.memory_space<semaphore_mem>>
        %dma_start3A_33 = arith.constant 0 : i32
        %dma_start3A_34 = arith.constant 0 : i32
        %dma_start3A_35 = tpu.memref_slice %arg10[%dma_start3A_33, %dma_start3A_34] : memref<10000x128xf32, #tpu.memory_space<vmem_shared>> -> memref<10000x128xf32, #tpu.memory_space<vmem_shared>>
        tpu.enqueue_indirect_dma source(%arg9 : memref<80x128xf32, #tpu.memory_space<vmem>>) target(%dma_start3A_35 : memref<10000x128xf32, #tpu.memory_space<vmem_shared>>) offsets(%arg8 : memref<80xi32, #tpu.memory_space<vmem>>) semaphore(%run_scoped3A : memref<!tpu.dma_semaphore, #tpu.memory_space<semaphore_mem>>) {add = true}
        %dma_wait3A_36 = arith.constant 0 : i32
        %dma_wait3A_37 = arith.constant 0 : i32
        %dma_wait3A_38 = tpu.memref_slice %arg10[%dma_wait3A_36, %dma_wait3A_37] : memref<10000x128xf32, #tpu.memory_space<vmem_shared>> -> memref<10000x128xf32, #tpu.memory_space<vmem_shared>>
        tpu.wait_indirect_dma semaphore(%run_scoped3A : memref<!tpu.dma_semaphore, #tpu.memory_space<semaphore_mem>>) src(%arg9 : memref<80x128xf32, #tpu.memory_space<vmem>>) dst(%dma_wait3A_38 : memref<10000x128xf32, #tpu.memory_space<vmem_shared>>)
        tpu.yield
      }) : () -> ()
    }
    %scan3A_13 = arith.constant 125 : i32
    %barrier3A_14 = arith.constant 0 : index
    tpu.barrier barrier_id(%barrier3A_14)
    %lt3A_15 = arith.constant 15 : i32
    %lt3A_16 = arith.cmpi slt, %arg1, %lt3A_15 : i32
    %convert_element_type3A_17 = arith.extui %lt3A_16 : i1 to i32
    %cond3A_18 = arith.constant 0 : i32
    %cond3A_19 = arith.cmpi ne, %convert_element_type3A_17, %cond3A_18 : i32
    scf.if %cond3A_19 {
      %mul3A_25 = arith.constant 624 : i32
      %mul3A_26 = arith.muli %arg1, %mul3A_25 : i32
      %multiple_of3A = tpu.assume_multiple %mul3A_26, 8 : i32
      %scan3A_27 = arith.constant 0 : i32
      %scan3A_28 = arith.constant 0 : i32
      %scan3A_29 = arith.constant 7 : i32
      %scan3A_30 = arith.addi %scan3A_28, %scan3A_29 : i32
      %scan3A_31 = arith.constant 1 : i32
      scf.for %scan3A_40 = %scan3A_28 to %scan3A_30 step %scan3A_31  : i32 {
        %mul3A_41 = arith.constant 80 : i32
        %mul3A_42 = arith.muli %scan3A_40, %mul3A_41 : i32
        %add3A_43 = arith.addi %multiple_of3A, %mul3A_42 : i32
        %multiple_of3A_44 = tpu.assume_multiple %add3A_43, 8 : i32
        %mul3A_45 = arith.constant 10000 : i32
        %mul3A_46 = arith.muli %arg0, %mul3A_45 : i32
        %add3A_47 = arith.addi %mul3A_46, %multiple_of3A_44 : i32
        %multiple_of3A_48 = tpu.assume_multiple %add3A_47, 8 : i32
        "tpu.region"() ({
          %run_scoped3A = tpu.sem_alloc : memref<!tpu.dma_semaphore, #tpu.memory_space<semaphore_mem>>
          %dma_start3A = arith.constant 0 : i32
          %dma_start3A_49 = arith.constant 0 : i32
          %dma_start3A_50 = tpu.memref_slice %arg9[%dma_start3A, %dma_start3A_49] : memref<80x128xf32, #tpu.memory_space<vmem>> -> memref<80x128xf32, #tpu.memory_space<vmem>>
          %dma_start3A_51 = arith.constant 0 : i32
          %dma_start3A_52 = tpu.memref_slice %arg10[%multiple_of3A_44, %dma_start3A_51] : memref<10000x128xf32, #tpu.memory_space<vmem_shared>> -> memref<80x128xf32, #tpu.memory_space<vmem_shared>>
          %dma_start3A_53 = arith.constant 0 : i32
          %dma_start3A_54 = arith.constant 0 : i32
          %dma_start3A_55 = tpu.memref_slice %arg9[%dma_start3A_53, %dma_start3A_54] : memref<80x128xf32, #tpu.memory_space<vmem>> -> memref<80x128xf32, #tpu.memory_space<vmem>>
          %dma_start3A_56 = arith.constant 0 : i32
          %dma_start3A_57 = tpu.memref_slice %arg10[%multiple_of3A_44, %dma_start3A_56] : memref<10000x128xf32, #tpu.memory_space<vmem_shared>> -> memref<80x128xf32, #tpu.memory_space<vmem_shared>>
          tpu.enqueue_dma source(%dma_start3A_57 : memref<80x128xf32, #tpu.memory_space<vmem_shared>>) target(%dma_start3A_55 : memref<80x128xf32, #tpu.memory_space<vmem>>) target_semaphore(%run_scoped3A : memref<!tpu.dma_semaphore, #tpu.memory_space<semaphore_mem>>)
          %dma_wait3A = arith.constant 0 : i32
          %dma_wait3A_58 = arith.constant 0 : i32
          %dma_wait3A_59 = tpu.memref_slice %arg9[%dma_wait3A, %dma_wait3A_58] : memref<80x128xf32, #tpu.memory_space<vmem>> -> memref<80x128xf32, #tpu.memory_space<vmem>>
          %dma_wait3A_60 = arith.constant 0 : i32
          %dma_wait3A_61 = tpu.memref_slice %arg10[%multiple_of3A_44, %dma_wait3A_60] : memref<10000x128xf32, #tpu.memory_space<vmem_shared>> -> memref<80x128xf32, #tpu.memory_space<vmem_shared>>
          %dma_wait3A_62 = arith.constant 0 : i32
          %dma_wait3A_63 = arith.constant 0 : i32
          %dma_wait3A_64 = tpu.memref_slice %arg9[%dma_wait3A_62, %dma_wait3A_63] : memref<80x128xf32, #tpu.memory_space<vmem>> -> memref<80x128xf32, #tpu.memory_space<vmem>>
          %dma_wait3A_65 = arith.constant 0 : i32
          %dma_wait3A_66 = tpu.memref_slice %arg10[%multiple_of3A_44, %dma_wait3A_65] : memref<10000x128xf32, #tpu.memory_space<vmem_shared>> -> memref<80x128xf32, #tpu.memory_space<vmem_shared>>
          tpu.wait_dma2 semaphore(%run_scoped3A : memref<!tpu.dma_semaphore, #tpu.memory_space<semaphore_mem>>) src(%dma_wait3A_66 : memref<80x128xf32, #tpu.memory_space<vmem_shared>>) dst(%dma_wait3A_64 : memref<80x128xf32, #tpu.memory_space<vmem>>)
          tpu.yield
        }) : () -> ()
        "tpu.region"() ({
          %run_scoped3A = tpu.sem_alloc : memref<!tpu.dma_semaphore, #tpu.memory_space<semaphore_mem>>
          %dma_start3A = arith.constant 0 : i32
          %dma_start3A_49 = arith.constant 0 : i32
          %dma_start3A_50 = tpu.memref_slice %arg9[%dma_start3A, %dma_start3A_49] : memref<80x128xf32, #tpu.memory_space<vmem>> -> memref<80x128xf32, #tpu.memory_space<vmem>>
          %dma_start3A_51 = arith.constant 0 : i32
          %dma_start3A_52 = tpu.memref_slice %arg6[%multiple_of3A_48, %dma_start3A_51] : memref<20000x128xf32, #tpu.memory_space<hbm>> -> memref<80x128xf32, #tpu.memory_space<hbm>>
          %dma_start3A_53 = arith.constant 0 : i32
          %dma_start3A_54 = tpu.memref_slice %arg6[%multiple_of3A_48, %dma_start3A_53] : memref<20000x128xf32, #tpu.memory_space<hbm>> -> memref<80x128xf32, #tpu.memory_space<hbm>>
          %dma_start3A_55 = arith.constant 0 : i32
          %dma_start3A_56 = arith.constant 0 : i32
          %dma_start3A_57 = tpu.memref_slice %arg9[%dma_start3A_55, %dma_start3A_56] : memref<80x128xf32, #tpu.memory_space<vmem>> -> memref<80x128xf32, #tpu.memory_space<vmem>>
          tpu.enqueue_dma source(%dma_start3A_57 : memref<80x128xf32, #tpu.memory_space<vmem>>) target(%dma_start3A_54 : memref<80x128xf32, #tpu.memory_space<hbm>>) target_semaphore(%run_scoped3A : memref<!tpu.dma_semaphore, #tpu.memory_space<semaphore_mem>>)
          %dma_wait3A = arith.constant 0 : i32
          %dma_wait3A_58 = arith.constant 0 : i32
          %dma_wait3A_59 = tpu.memref_slice %arg9[%dma_wait3A, %dma_wait3A_58] : memref<80x128xf32, #tpu.memory_space<vmem>> -> memref<80x128xf32, #tpu.memory_space<vmem>>
          %dma_wait3A_60 = arith.constant 0 : i32
          %dma_wait3A_61 = tpu.memref_slice %arg6[%multiple_of3A_48, %dma_wait3A_60] : memref<20000x128xf32, #tpu.memory_space<hbm>> -> memref<80x128xf32, #tpu.memory_space<hbm>>
          %dma_wait3A_62 = arith.constant 0 : i32
          %dma_wait3A_63 = tpu.memref_slice %arg6[%multiple_of3A_48, %dma_wait3A_62] : memref<20000x128xf32, #tpu.memory_space<hbm>> -> memref<80x128xf32, #tpu.memory_space<hbm>>
          %dma_wait3A_64 = arith.constant 0 : i32
          %dma_wait3A_65 = arith.constant 0 : i32
          %dma_wait3A_66 = tpu.memref_slice %arg9[%dma_wait3A_64, %dma_wait3A_65] : memref<80x128xf32, #tpu.memory_space<vmem>> -> memref<80x128xf32, #tpu.memory_space<vmem>>
          tpu.wait_dma2 semaphore(%run_scoped3A : memref<!tpu.dma_semaphore, #tpu.memory_space<semaphore_mem>>) src(%dma_wait3A_66 : memref<80x128xf32, #tpu.memory_space<vmem>>) dst(%dma_wait3A_63 : memref<80x128xf32, #tpu.memory_space<hbm>>)
          tpu.yield
        }) : () -> ()
      }
      %scan3A_32 = arith.constant 7 : i32
      %add3A_33 = arith.constant 560 : i32
      %add3A_34 = arith.addi %multiple_of3A, %add3A_33 : i32
      %multiple_of3A_35 = tpu.assume_multiple %add3A_34, 8 : i32
      %mul3A_36 = arith.constant 10000 : i32
      %mul3A_37 = arith.muli %arg0, %mul3A_36 : i32
      %add3A_38 = arith.addi %mul3A_37, %multiple_of3A_35 : i32
      %multiple_of3A_39 = tpu.assume_multiple %add3A_38, 8 : i32
      "tpu.region"() ({
        %run_scoped3A = tpu.sem_alloc : memref<!tpu.dma_semaphore, #tpu.memory_space<semaphore_mem>>
        %dma_start3A = arith.constant 0 : i32
        %dma_start3A_40 = arith.constant 0 : i32
        %dma_start3A_41 = tpu.memref_slice %arg9[%dma_start3A, %dma_start3A_40] : memref<80x128xf32, #tpu.memory_space<vmem>> -> memref<64x128xf32, #tpu.memory_space<vmem>>
        %dma_start3A_42 = arith.constant 0 : i32
        %dma_start3A_43 = tpu.memref_slice %arg10[%multiple_of3A_35, %dma_start3A_42] : memref<10000x128xf32, #tpu.memory_space<vmem_shared>> -> memref<64x128xf32, #tpu.memory_space<vmem_shared>>
        %dma_start3A_44 = arith.constant 0 : i32
        %dma_start3A_45 = arith.constant 0 : i32
        %dma_start3A_46 = tpu.memref_slice %arg9[%dma_start3A_44, %dma_start3A_45] : memref<80x128xf32, #tpu.memory_space<vmem>> -> memref<64x128xf32, #tpu.memory_space<vmem>>
        %dma_start3A_47 = arith.constant 0 : i32
        %dma_start3A_48 = tpu.memref_slice %arg10[%multiple_of3A_35, %dma_start3A_47] : memref<10000x128xf32, #tpu.memory_space<vmem_shared>> -> memref<64x128xf32, #tpu.memory_space<vmem_shared>>
        tpu.enqueue_dma source(%dma_start3A_48 : memref<64x128xf32, #tpu.memory_space<vmem_shared>>) target(%dma_start3A_46 : memref<64x128xf32, #tpu.memory_space<vmem>>) target_semaphore(%run_scoped3A : memref<!tpu.dma_semaphore, #tpu.memory_space<semaphore_mem>>)
        %dma_wait3A = arith.constant 0 : i32
        %dma_wait3A_49 = arith.constant 0 : i32
        %dma_wait3A_50 = tpu.memref_slice %arg9[%dma_wait3A, %dma_wait3A_49] : memref<80x128xf32, #tpu.memory_space<vmem>> -> memref<64x128xf32, #tpu.memory_space<vmem>>
        %dma_wait3A_51 = arith.constant 0 : i32
        %dma_wait3A_52 = tpu.memref_slice %arg10[%multiple_of3A_35, %dma_wait3A_51] : memref<10000x128xf32, #tpu.memory_space<vmem_shared>> -> memref<64x128xf32, #tpu.memory_space<vmem_shared>>
        %dma_wait3A_53 = arith.constant 0 : i32
        %dma_wait3A_54 = arith.constant 0 : i32
        %dma_wait3A_55 = tpu.memref_slice %arg9[%dma_wait3A_53, %dma_wait3A_54] : memref<80x128xf32, #tpu.memory_space<vmem>> -> memref<64x128xf32, #tpu.memory_space<vmem>>
        %dma_wait3A_56 = arith.constant 0 : i32
        %dma_wait3A_57 = tpu.memref_slice %arg10[%multiple_of3A_35, %dma_wait3A_56] : memref<10000x128xf32, #tpu.memory_space<vmem_shared>> -> memref<64x128xf32, #tpu.memory_space<vmem_shared>>
        tpu.wait_dma2 semaphore(%run_scoped3A : memref<!tpu.dma_semaphore, #tpu.memory_space<semaphore_mem>>) src(%dma_wait3A_57 : memref<64x128xf32, #tpu.memory_space<vmem_shared>>) dst(%dma_wait3A_55 : memref<64x128xf32, #tpu.memory_space<vmem>>)
        tpu.yield
      }) : () -> ()
      "tpu.region"() ({
        %run_scoped3A = tpu.sem_alloc : memref<!tpu.dma_semaphore, #tpu.memory_space<semaphore_mem>>
        %dma_start3A = arith.constant 0 : i32
        %dma_start3A_40 = arith.constant 0 : i32
        %dma_start3A_41 = tpu.memref_slice %arg9[%dma_start3A, %dma_start3A_40] : memref<80x128xf32, #tpu.memory_space<vmem>> -> memref<64x128xf32, #tpu.memory_space<vmem>>
        %dma_start3A_42 = arith.constant 0 : i32
        %dma_start3A_43 = tpu.memref_slice %arg6[%multiple_of3A_39, %dma_start3A_42] : memref<20000x128xf32, #tpu.memory_space<hbm>> -> memref<64x128xf32, #tpu.memory_space<hbm>>
        %dma_start3A_44 = arith.constant 0 : i32
        %dma_start3A_45 = tpu.memref_slice %arg6[%multiple_of3A_39, %dma_start3A_44] : memref<20000x128xf32, #tpu.memory_space<hbm>> -> memref<64x128xf32, #tpu.memory_space<hbm>>
        %dma_start3A_46 = arith.constant 0 : i32
        %dma_start3A_47 = arith.constant 0 : i32
        %dma_start3A_48 = tpu.memref_slice %arg9[%dma_start3A_46, %dma_start3A_47] : memref<80x128xf32, #tpu.memory_space<vmem>> -> memref<64x128xf32, #tpu.memory_space<vmem>>
        tpu.enqueue_dma source(%dma_start3A_48 : memref<64x128xf32, #tpu.memory_space<vmem>>) target(%dma_start3A_45 : memref<64x128xf32, #tpu.memory_space<hbm>>) target_semaphore(%run_scoped3A : memref<!tpu.dma_semaphore, #tpu.memory_space<semaphore_mem>>)
        %dma_wait3A = arith.constant 0 : i32
        %dma_wait3A_49 = arith.constant 0 : i32
        %dma_wait3A_50 = tpu.memref_slice %arg9[%dma_wait3A, %dma_wait3A_49] : memref<80x128xf32, #tpu.memory_space<vmem>> -> memref<64x128xf32, #tpu.memory_space<vmem>>
        %dma_wait3A_51 = arith.constant 0 : i32
        %dma_wait3A_52 = tpu.memref_slice %arg6[%multiple_of3A_39, %dma_wait3A_51] : memref<20000x128xf32, #tpu.memory_space<hbm>> -> memref<64x128xf32, #tpu.memory_space<hbm>>
        %dma_wait3A_53 = arith.constant 0 : i32
        %dma_wait3A_54 = tpu.memref_slice %arg6[%multiple_of3A_39, %dma_wait3A_53] : memref<20000x128xf32, #tpu.memory_space<hbm>> -> memref<64x128xf32, #tpu.memory_space<hbm>>
        %dma_wait3A_55 = arith.constant 0 : i32
        %dma_wait3A_56 = arith.constant 0 : i32
        %dma_wait3A_57 = tpu.memref_slice %arg9[%dma_wait3A_55, %dma_wait3A_56] : memref<80x128xf32, #tpu.memory_space<vmem>> -> memref<64x128xf32, #tpu.memory_space<vmem>>
        tpu.wait_dma2 semaphore(%run_scoped3A : memref<!tpu.dma_semaphore, #tpu.memory_space<semaphore_mem>>) src(%dma_wait3A_57 : memref<64x128xf32, #tpu.memory_space<vmem>>) dst(%dma_wait3A_54 : memref<64x128xf32, #tpu.memory_space<hbm>>)
        tpu.yield
      }) : () -> ()
    } else {
    }
    %eq3A_20 = arith.constant 15 : i32
    %eq3A_21 = arith.cmpi eq, %arg1, %eq3A_20 : i32
    %convert_element_type3A_22 = arith.extui %eq3A_21 : i1 to i32
    %cond3A_23 = arith.constant 0 : i32
    %cond3A_24 = arith.cmpi ne, %convert_element_type3A_22, %cond3A_23 : i32
    scf.if %cond3A_24 {
      %scan3A_25 = arith.constant 0 : i32
      %scan3A_26 = arith.constant 0 : i32
      %scan3A_27 = arith.constant 8 : i32
      %scan3A_28 = arith.addi %scan3A_26, %scan3A_27 : i32
      %scan3A_29 = arith.constant 1 : i32
      scf.for %scan3A_31 = %scan3A_26 to %scan3A_28 step %scan3A_29  : i32 {
        %mul3A_32 = arith.constant 80 : i32
        %mul3A_33 = arith.muli %scan3A_31, %mul3A_32 : i32
        %add3A_34 = arith.constant 9360 : i32
        %add3A_35 = arith.addi %add3A_34, %mul3A_33 : i32
        %multiple_of3A = tpu.assume_multiple %add3A_35, 8 : i32
        %mul3A_36 = arith.constant 10000 : i32
        %mul3A_37 = arith.muli %arg0, %mul3A_36 : i32
        %add3A_38 = arith.addi %mul3A_37, %multiple_of3A : i32
        %multiple_of3A_39 = tpu.assume_multiple %add3A_38, 8 : i32
        "tpu.region"() ({
          %run_scoped3A = tpu.sem_alloc : memref<!tpu.dma_semaphore, #tpu.memory_space<semaphore_mem>>
          %dma_start3A = arith.constant 0 : i32
          %dma_start3A_40 = arith.constant 0 : i32
          %dma_start3A_41 = tpu.memref_slice %arg9[%dma_start3A, %dma_start3A_40] : memref<80x128xf32, #tpu.memory_space<vmem>> -> memref<80x128xf32, #tpu.memory_space<vmem>>
          %dma_start3A_42 = arith.constant 0 : i32
          %dma_start3A_43 = tpu.memref_slice %arg10[%multiple_of3A, %dma_start3A_42] : memref<10000x128xf32, #tpu.memory_space<vmem_shared>> -> memref<80x128xf32, #tpu.memory_space<vmem_shared>>
          %dma_start3A_44 = arith.constant 0 : i32
          %dma_start3A_45 = arith.constant 0 : i32
          %dma_start3A_46 = tpu.memref_slice %arg9[%dma_start3A_44, %dma_start3A_45] : memref<80x128xf32, #tpu.memory_space<vmem>> -> memref<80x128xf32, #tpu.memory_space<vmem>>
          %dma_start3A_47 = arith.constant 0 : i32
          %dma_start3A_48 = tpu.memref_slice %arg10[%multiple_of3A, %dma_start3A_47] : memref<10000x128xf32, #tpu.memory_space<vmem_shared>> -> memref<80x128xf32, #tpu.memory_space<vmem_shared>>
          tpu.enqueue_dma source(%dma_start3A_48 : memref<80x128xf32, #tpu.memory_space<vmem_shared>>) target(%dma_start3A_46 : memref<80x128xf32, #tpu.memory_space<vmem>>) target_semaphore(%run_scoped3A : memref<!tpu.dma_semaphore, #tpu.memory_space<semaphore_mem>>)
          %dma_wait3A = arith.constant 0 : i32
          %dma_wait3A_49 = arith.constant 0 : i32
          %dma_wait3A_50 = tpu.memref_slice %arg9[%dma_wait3A, %dma_wait3A_49] : memref<80x128xf32, #tpu.memory_space<vmem>> -> memref<80x128xf32, #tpu.memory_space<vmem>>
          %dma_wait3A_51 = arith.constant 0 : i32
          %dma_wait3A_52 = tpu.memref_slice %arg10[%multiple_of3A, %dma_wait3A_51] : memref<10000x128xf32, #tpu.memory_space<vmem_shared>> -> memref<80x128xf32, #tpu.memory_space<vmem_shared>>
          %dma_wait3A_53 = arith.constant 0 : i32
          %dma_wait3A_54 = arith.constant 0 : i32
          %dma_wait3A_55 = tpu.memref_slice %arg9[%dma_wait3A_53, %dma_wait3A_54] : memref<80x128xf32, #tpu.memory_space<vmem>> -> memref<80x128xf32, #tpu.memory_space<vmem>>
          %dma_wait3A_56 = arith.constant 0 : i32
          %dma_wait3A_57 = tpu.memref_slice %arg10[%multiple_of3A, %dma_wait3A_56] : memref<10000x128xf32, #tpu.memory_space<vmem_shared>> -> memref<80x128xf32, #tpu.memory_space<vmem_shared>>
          tpu.wait_dma2 semaphore(%run_scoped3A : memref<!tpu.dma_semaphore, #tpu.memory_space<semaphore_mem>>) src(%dma_wait3A_57 : memref<80x128xf32, #tpu.memory_space<vmem_shared>>) dst(%dma_wait3A_55 : memref<80x128xf32, #tpu.memory_space<vmem>>)
          tpu.yield
        }) : () -> ()
        "tpu.region"() ({
          %run_scoped3A = tpu.sem_alloc : memref<!tpu.dma_semaphore, #tpu.memory_space<semaphore_mem>>
          %dma_start3A = arith.constant 0 : i32
          %dma_start3A_40 = arith.constant 0 : i32
          %dma_start3A_41 = tpu.memref_slice %arg9[%dma_start3A, %dma_start3A_40] : memref<80x128xf32, #tpu.memory_space<vmem>> -> memref<80x128xf32, #tpu.memory_space<vmem>>
          %dma_start3A_42 = arith.constant 0 : i32
          %dma_start3A_43 = tpu.memref_slice %arg6[%multiple_of3A_39, %dma_start3A_42] : memref<20000x128xf32, #tpu.memory_space<hbm>> -> memref<80x128xf32, #tpu.memory_space<hbm>>
          %dma_start3A_44 = arith.constant 0 : i32
          %dma_start3A_45 = tpu.memref_slice %arg6[%multiple_of3A_39, %dma_start3A_44] : memref<20000x128xf32, #tpu.memory_space<hbm>> -> memref<80x128xf32, #tpu.memory_space<hbm>>
          %dma_start3A_46 = arith.constant 0 : i32
          %dma_start3A_47 = arith.constant 0 : i32
          %dma_start3A_48 = tpu.memref_slice %arg9[%dma_start3A_46, %dma_start3A_47] : memref<80x128xf32, #tpu.memory_space<vmem>> -> memref<80x128xf32, #tpu.memory_space<vmem>>
          tpu.enqueue_dma source(%dma_start3A_48 : memref<80x128xf32, #tpu.memory_space<vmem>>) target(%dma_start3A_45 : memref<80x128xf32, #tpu.memory_space<hbm>>) target_semaphore(%run_scoped3A : memref<!tpu.dma_semaphore, #tpu.memory_space<semaphore_mem>>)
          %dma_wait3A = arith.constant 0 : i32
          %dma_wait3A_49 = arith.constant 0 : i32
          %dma_wait3A_50 = tpu.memref_slice %arg9[%dma_wait3A, %dma_wait3A_49] : memref<80x128xf32, #tpu.memory_space<vmem>> -> memref<80x128xf32, #tpu.memory_space<vmem>>
          %dma_wait3A_51 = arith.constant 0 : i32
          %dma_wait3A_52 = tpu.memref_slice %arg6[%multiple_of3A_39, %dma_wait3A_51] : memref<20000x128xf32, #tpu.memory_space<hbm>> -> memref<80x128xf32, #tpu.memory_space<hbm>>
          %dma_wait3A_53 = arith.constant 0 : i32
          %dma_wait3A_54 = tpu.memref_slice %arg6[%multiple_of3A_39, %dma_wait3A_53] : memref<20000x128xf32, #tpu.memory_space<hbm>> -> memref<80x128xf32, #tpu.memory_space<hbm>>
          %dma_wait3A_55 = arith.constant 0 : i32
          %dma_wait3A_56 = arith.constant 0 : i32
          %dma_wait3A_57 = tpu.memref_slice %arg9[%dma_wait3A_55, %dma_wait3A_56] : memref<80x128xf32, #tpu.memory_space<vmem>> -> memref<80x128xf32, #tpu.memory_space<vmem>>
          tpu.wait_dma2 semaphore(%run_scoped3A : memref<!tpu.dma_semaphore, #tpu.memory_space<semaphore_mem>>) src(%dma_wait3A_57 : memref<80x128xf32, #tpu.memory_space<vmem>>) dst(%dma_wait3A_54 : memref<80x128xf32, #tpu.memory_space<hbm>>)
          tpu.yield
        }) : () -> ()
      }
      %scan3A_30 = arith.constant 8 : i32
    } else {
    }
    return
  }
}

#map = affine_map<(d0, d1) -> (0)>
#map1 = affine_map<(d0, d1) -> (0, 0)>
module attributes {stable_mosaic.version = 14 : i64} {
  func.func @body(%arg0: i32, %arg1: i32, %arg2: memref<320000xi32, #tpu.memory_space<hbm>>, %arg3: memref<10000x128xf32, #tpu.memory_space<hbm>>, %arg4: memref<80x128xf32, #tpu.memory_space<hbm>>, %arg5: memref<20000x128xf32, #tpu.memory_space<hbm>>, %arg6: memref<80xi32, #tpu.memory_space<vmem>>, %arg7: memref<80x128xf32, #tpu.memory_space<vmem>>, %arg8: memref<80x128xf32, #tpu.memory_space<vmem>>, %arg9: memref<10000x128xf32, #tpu.memory_space<vmem_shared>>, %arg10: memref<!tpu.dma_semaphore, #tpu.memory_space<semaphore_mem>>) attributes {dimension_semantics = [#tpu.dimension_semantics<core_parallel>, #tpu.dimension_semantics<subcore_parallel>], iteration_bounds = array<i64: 2, 16>, scalar_prefetch = 0 : i64, scratch_operands = 5 : i64, tpu.core_type = #tpu.core_type<sc_vector_subcore>, window_params = [{transform_indices = #map}, {transform_indices = #map1}, {transform_indices = #map1}, {transform_indices = #map1}]} {
    %mul3A = arith.constant 2 : i32
    %mul3A_0 = arith.muli %arg1, %mul3A : i32
    %add3A = arith.addi %mul3A_0, %arg0 : i32
    "tpu.region"() ({
      %run_scoped3A = tpu.sem_alloc : memref<!tpu.dma_semaphore, #tpu.memory_space<semaphore_mem>>
      %dma_start3A = arith.constant 0 : i32
      %dma_start3A_25 = arith.constant 0 : i32
      %dma_start3A_26 = tpu.memref_slice %arg3[%dma_start3A, %dma_start3A_25] : memref<10000x128xf32, #tpu.memory_space<hbm>> -> memref<80x128xf32, #tpu.memory_space<hbm>>
      %dma_start3A_27 = arith.constant 0 : i32
      %dma_start3A_28 = arith.constant 0 : i32
      %dma_start3A_29 = tpu.memref_slice %arg3[%dma_start3A_27, %dma_start3A_28] : memref<10000x128xf32, #tpu.memory_space<hbm>> -> memref<80x128xf32, #tpu.memory_space<hbm>>
      tpu.enqueue_dma source(%dma_start3A_29 : memref<80x128xf32, #tpu.memory_space<hbm>>) target(%arg8 : memref<80x128xf32, #tpu.memory_space<vmem>>) target_semaphore(%run_scoped3A : memref<!tpu.dma_semaphore, #tpu.memory_space<semaphore_mem>>)
      %dma_wait3A = arith.constant 0 : i32
      %dma_wait3A_30 = arith.constant 0 : i32
      %dma_wait3A_31 = tpu.memref_slice %arg3[%dma_wait3A, %dma_wait3A_30] : memref<10000x128xf32, #tpu.memory_space<hbm>> -> memref<80x128xf32, #tpu.memory_space<hbm>>
      %dma_wait3A_32 = arith.constant 0 : i32
      %dma_wait3A_33 = arith.constant 0 : i32
      %dma_wait3A_34 = tpu.memref_slice %arg3[%dma_wait3A_32, %dma_wait3A_33] : memref<10000x128xf32, #tpu.memory_space<hbm>> -> memref<80x128xf32, #tpu.memory_space<hbm>>
      tpu.wait_dma2 semaphore(%run_scoped3A : memref<!tpu.dma_semaphore, #tpu.memory_space<semaphore_mem>>) src(%dma_wait3A_34 : memref<80x128xf32, #tpu.memory_space<hbm>>) dst(%arg8 : memref<80x128xf32, #tpu.memory_space<vmem>>)
      tpu.yield
    }) : () -> ()
    "tpu.region"() ({
      %run_scoped3A = tpu.sem_alloc : memref<!tpu.dma_semaphore, #tpu.memory_space<semaphore_mem>>
      tpu.enqueue_dma source(%arg4 : memref<80x128xf32, #tpu.memory_space<hbm>>) target(%arg7 : memref<80x128xf32, #tpu.memory_space<vmem>>) target_semaphore(%run_scoped3A : memref<!tpu.dma_semaphore, #tpu.memory_space<semaphore_mem>>)
      tpu.wait_dma2 semaphore(%run_scoped3A : memref<!tpu.dma_semaphore, #tpu.memory_space<semaphore_mem>>) src(%arg4 : memref<80x128xf32, #tpu.memory_space<hbm>>) dst(%arg7 : memref<80x128xf32, #tpu.memory_space<vmem>>)
      tpu.yield
    }) : () -> ()
    %lt3A = arith.constant 15 : i32
    %lt3A_1 = arith.cmpi slt, %arg1, %lt3A : i32
    %convert_element_type3A = arith.extui %lt3A_1 : i1 to i32
    %cond3A = arith.constant 0 : i32
    %cond3A_2 = arith.cmpi ne, %convert_element_type3A, %cond3A : i32
    scf.if %cond3A_2 {
      %mul3A_25 = arith.constant 624 : i32
      %mul3A_26 = arith.muli %arg1, %mul3A_25 : i32
      %multiple_of3A = tpu.assume_multiple %mul3A_26, 8 : i32
      %scan3A_27 = arith.constant 0 : i32
      %scan3A_28 = arith.constant 0 : i32
      %scan3A_29 = arith.constant 7 : i32
      %scan3A_30 = arith.addi %scan3A_28, %scan3A_29 : i32
      %scan3A_31 = arith.constant 1 : i32
      scf.for %scan3A_36 = %scan3A_28 to %scan3A_30 step %scan3A_31  : i32 {
        %mul3A_37 = arith.constant 80 : i32
        %mul3A_38 = arith.muli %scan3A_36, %mul3A_37 : i32
        %add3A_39 = arith.addi %multiple_of3A, %mul3A_38 : i32
        %multiple_of3A_40 = tpu.assume_multiple %add3A_39, 8 : i32
        "tpu.region"() ({
          %run_scoped3A = tpu.sem_alloc : memref<!tpu.dma_semaphore, #tpu.memory_space<semaphore_mem>>
          %dma_start3A = arith.constant 0 : i32
          %dma_start3A_41 = arith.constant 0 : i32
          %dma_start3A_42 = tpu.memref_slice %arg8[%dma_start3A, %dma_start3A_41] : memref<80x128xf32, #tpu.memory_space<vmem>> -> memref<80x128xf32, #tpu.memory_space<vmem>>
          %dma_start3A_43 = arith.constant 0 : i32
          %dma_start3A_44 = tpu.memref_slice %arg9[%multiple_of3A_40, %dma_start3A_43] : memref<10000x128xf32, #tpu.memory_space<vmem_shared>> -> memref<80x128xf32, #tpu.memory_space<vmem_shared>>
          %dma_start3A_45 = arith.constant 0 : i32
          %dma_start3A_46 = tpu.memref_slice %arg9[%multiple_of3A_40, %dma_start3A_45] : memref<10000x128xf32, #tpu.memory_space<vmem_shared>> -> memref<80x128xf32, #tpu.memory_space<vmem_shared>>
          %dma_start3A_47 = arith.constant 0 : i32
          %dma_start3A_48 = arith.constant 0 : i32
          %dma_start3A_49 = tpu.memref_slice %arg8[%dma_start3A_47, %dma_start3A_48] : memref<80x128xf32, #tpu.memory_space<vmem>> -> memref<80x128xf32, #tpu.memory_space<vmem>>
          tpu.enqueue_dma source(%dma_start3A_49 : memref<80x128xf32, #tpu.memory_space<vmem>>) target(%dma_start3A_46 : memref<80x128xf32, #tpu.memory_space<vmem_shared>>) target_semaphore(%run_scoped3A : memref<!tpu.dma_semaphore, #tpu.memory_space<semaphore_mem>>)
          %dma_wait3A = arith.constant 0 : i32
          %dma_wait3A_50 = arith.constant 0 : i32
          %dma_wait3A_51 = tpu.memref_slice %arg8[%dma_wait3A, %dma_wait3A_50] : memref<80x128xf32, #tpu.memory_space<vmem>> -> memref<80x128xf32, #tpu.memory_space<vmem>>
          %dma_wait3A_52 = arith.constant 0 : i32
          %dma_wait3A_53 = tpu.memref_slice %arg9[%multiple_of3A_40, %dma_wait3A_52] : memref<10000x128xf32, #tpu.memory_space<vmem_shared>> -> memref<80x128xf32, #tpu.memory_space<vmem_shared>>
          %dma_wait3A_54 = arith.constant 0 : i32
          %dma_wait3A_55 = tpu.memref_slice %arg9[%multiple_of3A_40, %dma_wait3A_54] : memref<10000x128xf32, #tpu.memory_space<vmem_shared>> -> memref<80x128xf32, #tpu.memory_space<vmem_shared>>
          %dma_wait3A_56 = arith.constant 0 : i32
          %dma_wait3A_57 = arith.constant 0 : i32
          %dma_wait3A_58 = tpu.memref_slice %arg8[%dma_wait3A_56, %dma_wait3A_57] : memref<80x128xf32, #tpu.memory_space<vmem>> -> memref<80x128xf32, #tpu.memory_space<vmem>>
          tpu.wait_dma2 semaphore(%run_scoped3A : memref<!tpu.dma_semaphore, #tpu.memory_space<semaphore_mem>>) src(%dma_wait3A_58 : memref<80x128xf32, #tpu.memory_space<vmem>>) dst(%dma_wait3A_55 : memref<80x128xf32, #tpu.memory_space<vmem_shared>>)
          tpu.yield
        }) : () -> ()
      }
      %scan3A_32 = arith.constant 7 : i32
      %add3A_33 = arith.constant 560 : i32
      %add3A_34 = arith.addi %multiple_of3A, %add3A_33 : i32
      %multiple_of3A_35 = tpu.assume_multiple %add3A_34, 8 : i32
      "tpu.region"() ({
        %run_scoped3A = tpu.sem_alloc : memref<!tpu.dma_semaphore, #tpu.memory_space<semaphore_mem>>
        %dma_start3A = arith.constant 0 : i32
        %dma_start3A_36 = arith.constant 0 : i32
        %dma_start3A_37 = tpu.memref_slice %arg8[%dma_start3A, %dma_start3A_36] : memref<80x128xf32, #tpu.memory_space<vmem>> -> memref<64x128xf32, #tpu.memory_space<vmem>>
        %dma_start3A_38 = arith.constant 0 : i32
        %dma_start3A_39 = tpu.memref_slice %arg9[%multiple_of3A_35, %dma_start3A_38] : memref<10000x128xf32, #tpu.memory_space<vmem_shared>> -> memref<64x128xf32, #tpu.memory_space<vmem_shared>>
        %dma_start3A_40 = arith.constant 0 : i32
        %dma_start3A_41 = tpu.memref_slice %arg9[%multiple_of3A_35, %dma_start3A_40] : memref<10000x128xf32, #tpu.memory_space<vmem_shared>> -> memref<64x128xf32, #tpu.memory_space<vmem_shared>>
        %dma_start3A_42 = arith.constant 0 : i32
        %dma_start3A_43 = arith.constant 0 : i32
        %dma_start3A_44 = tpu.memref_slice %arg8[%dma_start3A_42, %dma_start3A_43] : memref<80x128xf32, #tpu.memory_space<vmem>> -> memref<64x128xf32, #tpu.memory_space<vmem>>
        tpu.enqueue_dma source(%dma_start3A_44 : memref<64x128xf32, #tpu.memory_space<vmem>>) target(%dma_start3A_41 : memref<64x128xf32, #tpu.memory_space<vmem_shared>>) target_semaphore(%run_scoped3A : memref<!tpu.dma_semaphore, #tpu.memory_space<semaphore_mem>>)
        %dma_wait3A = arith.constant 0 : i32
        %dma_wait3A_45 = arith.constant 0 : i32
        %dma_wait3A_46 = tpu.memref_slice %arg8[%dma_wait3A, %dma_wait3A_45] : memref<80x128xf32, #tpu.memory_space<vmem>> -> memref<64x128xf32, #tpu.memory_space<vmem>>
        %dma_wait3A_47 = arith.constant 0 : i32
        %dma_wait3A_48 = tpu.memref_slice %arg9[%multiple_of3A_35, %dma_wait3A_47] : memref<10000x128xf32, #tpu.memory_space<vmem_shared>> -> memref<64x128xf32, #tpu.memory_space<vmem_shared>>
        %dma_wait3A_49 = arith.constant 0 : i32
        %dma_wait3A_50 = tpu.memref_slice %arg9[%multiple_of3A_35, %dma_wait3A_49] : memref<10000x128xf32, #tpu.memory_space<vmem_shared>> -> memref<64x128xf32, #tpu.memory_space<vmem_shared>>
        %dma_wait3A_51 = arith.constant 0 : i32
        %dma_wait3A_52 = arith.constant 0 : i32
        %dma_wait3A_53 = tpu.memref_slice %arg8[%dma_wait3A_51, %dma_wait3A_52] : memref<80x128xf32, #tpu.memory_space<vmem>> -> memref<64x128xf32, #tpu.memory_space<vmem>>
        tpu.wait_dma2 semaphore(%run_scoped3A : memref<!tpu.dma_semaphore, #tpu.memory_space<semaphore_mem>>) src(%dma_wait3A_53 : memref<64x128xf32, #tpu.memory_space<vmem>>) dst(%dma_wait3A_50 : memref<64x128xf32, #tpu.memory_space<vmem_shared>>)
        tpu.yield
      }) : () -> ()
    } else {
    }
    %eq3A = arith.constant 15 : i32
    %eq3A_3 = arith.cmpi eq, %arg1, %eq3A : i32
    %convert_element_type3A_4 = arith.extui %eq3A_3 : i1 to i32
    %cond3A_5 = arith.constant 0 : i32
    %cond3A_6 = arith.cmpi ne, %convert_element_type3A_4, %cond3A_5 : i32
    scf.if %cond3A_6 {
      %scan3A_25 = arith.constant 0 : i32
      %scan3A_26 = arith.constant 0 : i32
      %scan3A_27 = arith.constant 8 : i32
      %scan3A_28 = arith.addi %scan3A_26, %scan3A_27 : i32
      %scan3A_29 = arith.constant 1 : i32
      scf.for %scan3A_31 = %scan3A_26 to %scan3A_28 step %scan3A_29  : i32 {
        %mul3A_32 = arith.constant 80 : i32
        %mul3A_33 = arith.muli %scan3A_31, %mul3A_32 : i32
        %add3A_34 = arith.constant 9360 : i32
        %add3A_35 = arith.addi %add3A_34, %mul3A_33 : i32
        %multiple_of3A = tpu.assume_multiple %add3A_35, 8 : i32
        "tpu.region"() ({
          %run_scoped3A = tpu.sem_alloc : memref<!tpu.dma_semaphore, #tpu.memory_space<semaphore_mem>>
          %dma_start3A = arith.constant 0 : i32
          %dma_start3A_36 = arith.constant 0 : i32
          %dma_start3A_37 = tpu.memref_slice %arg8[%dma_start3A, %dma_start3A_36] : memref<80x128xf32, #tpu.memory_space<vmem>> -> memref<80x128xf32, #tpu.memory_space<vmem>>
          %dma_start3A_38 = arith.constant 0 : i32
          %dma_start3A_39 = tpu.memref_slice %arg9[%multiple_of3A, %dma_start3A_38] : memref<10000x128xf32, #tpu.memory_space<vmem_shared>> -> memref<80x128xf32, #tpu.memory_space<vmem_shared>>
          %dma_start3A_40 = arith.constant 0 : i32
          %dma_start3A_41 = tpu.memref_slice %arg9[%multiple_of3A, %dma_start3A_40] : memref<10000x128xf32, #tpu.memory_space<vmem_shared>> -> memref<80x128xf32, #tpu.memory_space<vmem_shared>>
          %dma_start3A_42 = arith.constant 0 : i32
          %dma_start3A_43 = arith.constant 0 : i32
          %dma_start3A_44 = tpu.memref_slice %arg8[%dma_start3A_42, %dma_start3A_43] : memref<80x128xf32, #tpu.memory_space<vmem>> -> memref<80x128xf32, #tpu.memory_space<vmem>>
          tpu.enqueue_dma source(%dma_start3A_44 : memref<80x128xf32, #tpu.memory_space<vmem>>) target(%dma_start3A_41 : memref<80x128xf32, #tpu.memory_space<vmem_shared>>) target_semaphore(%run_scoped3A : memref<!tpu.dma_semaphore, #tpu.memory_space<semaphore_mem>>)
          %dma_wait3A = arith.constant 0 : i32
          %dma_wait3A_45 = arith.constant 0 : i32
          %dma_wait3A_46 = tpu.memref_slice %arg8[%dma_wait3A, %dma_wait3A_45] : memref<80x128xf32, #tpu.memory_space<vmem>> -> memref<80x128xf32, #tpu.memory_space<vmem>>
          %dma_wait3A_47 = arith.constant 0 : i32
          %dma_wait3A_48 = tpu.memref_slice %arg9[%multiple_of3A, %dma_wait3A_47] : memref<10000x128xf32, #tpu.memory_space<vmem_shared>> -> memref<80x128xf32, #tpu.memory_space<vmem_shared>>
          %dma_wait3A_49 = arith.constant 0 : i32
          %dma_wait3A_50 = tpu.memref_slice %arg9[%multiple_of3A, %dma_wait3A_49] : memref<10000x128xf32, #tpu.memory_space<vmem_shared>> -> memref<80x128xf32, #tpu.memory_space<vmem_shared>>
          %dma_wait3A_51 = arith.constant 0 : i32
          %dma_wait3A_52 = arith.constant 0 : i32
          %dma_wait3A_53 = tpu.memref_slice %arg8[%dma_wait3A_51, %dma_wait3A_52] : memref<80x128xf32, #tpu.memory_space<vmem>> -> memref<80x128xf32, #tpu.memory_space<vmem>>
          tpu.wait_dma2 semaphore(%run_scoped3A : memref<!tpu.dma_semaphore, #tpu.memory_space<semaphore_mem>>) src(%dma_wait3A_53 : memref<80x128xf32, #tpu.memory_space<vmem>>) dst(%dma_wait3A_50 : memref<80x128xf32, #tpu.memory_space<vmem_shared>>)
          tpu.yield
        }) : () -> ()
      }
      %scan3A_30 = arith.constant 8 : i32
    } else {
    }
    %barrier3A = arith.constant 0 : index
    tpu.barrier barrier_id(%barrier3A)
    %mul3A_7 = arith.constant 10000 : i32
    %mul3A_8 = arith.muli %add3A, %mul3A_7 : i32
    %scan3A = arith.constant 0 : i32
    %scan3A_9 = arith.constant 0 : i32
    %scan3A_10 = arith.constant 125 : i32
    %scan3A_11 = arith.addi %scan3A_9, %scan3A_10 : i32
    %scan3A_12 = arith.constant 1 : i32
    scf.for %scan3A_25 = %scan3A_9 to %scan3A_11 step %scan3A_12  : i32 {
      %mul3A_26 = arith.constant 80 : i32
      %mul3A_27 = arith.muli %scan3A_25, %mul3A_26 : i32
      %add3A_28 = arith.addi %mul3A_8, %mul3A_27 : i32
      %multiple_of3A = tpu.assume_multiple %add3A_28, 8 : i32
      "tpu.region"() ({
        %run_scoped3A = tpu.sem_alloc : memref<!tpu.dma_semaphore, #tpu.memory_space<semaphore_mem>>
        %dma_start3A = tpu.memref_slice %arg2[%multiple_of3A] : memref<320000xi32, #tpu.memory_space<hbm>> -> memref<80xi32, #tpu.memory_space<hbm>>
        %dma_start3A_29 = tpu.memref_slice %arg2[%multiple_of3A] : memref<320000xi32, #tpu.memory_space<hbm>> -> memref<80xi32, #tpu.memory_space<hbm>>
        tpu.enqueue_dma source(%dma_start3A_29 : memref<80xi32, #tpu.memory_space<hbm>>) target(%arg6 : memref<80xi32, #tpu.memory_space<vmem>>) target_semaphore(%run_scoped3A : memref<!tpu.dma_semaphore, #tpu.memory_space<semaphore_mem>>)
        %dma_wait3A = tpu.memref_slice %arg2[%multiple_of3A] : memref<320000xi32, #tpu.memory_space<hbm>> -> memref<80xi32, #tpu.memory_space<hbm>>
        %dma_wait3A_30 = tpu.memref_slice %arg2[%multiple_of3A] : memref<320000xi32, #tpu.memory_space<hbm>> -> memref<80xi32, #tpu.memory_space<hbm>>
        tpu.wait_dma2 semaphore(%run_scoped3A : memref<!tpu.dma_semaphore, #tpu.memory_space<semaphore_mem>>) src(%dma_wait3A_30 : memref<80xi32, #tpu.memory_space<hbm>>) dst(%arg6 : memref<80xi32, #tpu.memory_space<vmem>>)
        tpu.yield
      }) : () -> ()
      "tpu.region"() ({
        %run_scoped3A = tpu.sem_alloc : memref<!tpu.dma_semaphore, #tpu.memory_space<semaphore_mem>>
        %dma_start3A = arith.constant 0 : i32
        %dma_start3A_29 = arith.constant 0 : i32
        %dma_start3A_30 = tpu.memref_slice %arg9[%dma_start3A, %dma_start3A_29] : memref<10000x128xf32, #tpu.memory_space<vmem_shared>> -> memref<10000x128xf32, #tpu.memory_space<vmem_shared>>
        tpu.enqueue_indirect_dma source(%arg7 : memref<80x128xf32, #tpu.memory_space<vmem>>) target(%dma_start3A_30 : memref<10000x128xf32, #tpu.memory_space<vmem_shared>>) offsets(%arg6 : memref<80xi32, #tpu.memory_space<vmem>>) semaphore(%run_scoped3A : memref<!tpu.dma_semaphore, #tpu.memory_space<semaphore_mem>>) {add = true}
        %dma_wait3A = arith.constant 0 : i32
        %dma_wait3A_31 = arith.constant 0 : i32
        %dma_wait3A_32 = tpu.memref_slice %arg9[%dma_wait3A, %dma_wait3A_31] : memref<10000x128xf32, #tpu.memory_space<vmem_shared>> -> memref<10000x128xf32, #tpu.memory_space<vmem_shared>>
        tpu.wait_indirect_dma semaphore(%run_scoped3A : memref<!tpu.dma_semaphore, #tpu.memory_space<semaphore_mem>>) src(%arg7 : memref<80x128xf32, #tpu.memory_space<vmem>>) dst(%dma_wait3A_32 : memref<10000x128xf32, #tpu.memory_space<vmem_shared>>)
        tpu.yield
      }) : () -> ()
    }
    %scan3A_13 = arith.constant 125 : i32
    %barrier3A_14 = arith.constant 0 : index
    tpu.barrier barrier_id(%barrier3A_14)
    %lt3A_15 = arith.constant 15 : i32
    %lt3A_16 = arith.cmpi slt, %arg1, %lt3A_15 : i32
    %convert_element_type3A_17 = arith.extui %lt3A_16 : i1 to i32
    %cond3A_18 = arith.constant 0 : i32
    %cond3A_19 = arith.cmpi ne, %convert_element_type3A_17, %cond3A_18 : i32
    scf.if %cond3A_19 {
      %mul3A_25 = arith.constant 624 : i32
      %mul3A_26 = arith.muli %arg1, %mul3A_25 : i32
      %multiple_of3A = tpu.assume_multiple %mul3A_26, 8 : i32
      %scan3A_27 = arith.constant 0 : i32
      %scan3A_28 = arith.constant 0 : i32
      %scan3A_29 = arith.constant 7 : i32
      %scan3A_30 = arith.addi %scan3A_28, %scan3A_29 : i32
      %scan3A_31 = arith.constant 1 : i32
      scf.for %scan3A_40 = %scan3A_28 to %scan3A_30 step %scan3A_31  : i32 {
        %mul3A_41 = arith.constant 80 : i32
        %mul3A_42 = arith.muli %scan3A_40, %mul3A_41 : i32
        %add3A_43 = arith.addi %multiple_of3A, %mul3A_42 : i32
        %multiple_of3A_44 = tpu.assume_multiple %add3A_43, 8 : i32
        %mul3A_45 = arith.constant 10000 : i32
        %mul3A_46 = arith.muli %arg0, %mul3A_45 : i32
        %add3A_47 = arith.addi %mul3A_46, %multiple_of3A_44 : i32
        %multiple_of3A_48 = tpu.assume_multiple %add3A_47, 8 : i32
        "tpu.region"() ({
          %run_scoped3A = tpu.sem_alloc : memref<!tpu.dma_semaphore, #tpu.memory_space<semaphore_mem>>
          %dma_start3A = arith.constant 0 : i32
          %dma_start3A_49 = arith.constant 0 : i32
          %dma_start3A_50 = tpu.memref_slice %arg8[%dma_start3A, %dma_start3A_49] : memref<80x128xf32, #tpu.memory_space<vmem>> -> memref<80x128xf32, #tpu.memory_space<vmem>>
          %dma_start3A_51 = arith.constant 0 : i32
          %dma_start3A_52 = tpu.memref_slice %arg9[%multiple_of3A_44, %dma_start3A_51] : memref<10000x128xf32, #tpu.memory_space<vmem_shared>> -> memref<80x128xf32, #tpu.memory_space<vmem_shared>>
          %dma_start3A_53 = arith.constant 0 : i32
          %dma_start3A_54 = arith.constant 0 : i32
          %dma_start3A_55 = tpu.memref_slice %arg8[%dma_start3A_53, %dma_start3A_54] : memref<80x128xf32, #tpu.memory_space<vmem>> -> memref<80x128xf32, #tpu.memory_space<vmem>>
          %dma_start3A_56 = arith.constant 0 : i32
          %dma_start3A_57 = tpu.memref_slice %arg9[%multiple_of3A_44, %dma_start3A_56] : memref<10000x128xf32, #tpu.memory_space<vmem_shared>> -> memref<80x128xf32, #tpu.memory_space<vmem_shared>>
          tpu.enqueue_dma source(%dma_start3A_57 : memref<80x128xf32, #tpu.memory_space<vmem_shared>>) target(%dma_start3A_55 : memref<80x128xf32, #tpu.memory_space<vmem>>) target_semaphore(%run_scoped3A : memref<!tpu.dma_semaphore, #tpu.memory_space<semaphore_mem>>)
          %dma_wait3A = arith.constant 0 : i32
          %dma_wait3A_58 = arith.constant 0 : i32
          %dma_wait3A_59 = tpu.memref_slice %arg8[%dma_wait3A, %dma_wait3A_58] : memref<80x128xf32, #tpu.memory_space<vmem>> -> memref<80x128xf32, #tpu.memory_space<vmem>>
          %dma_wait3A_60 = arith.constant 0 : i32
          %dma_wait3A_61 = tpu.memref_slice %arg9[%multiple_of3A_44, %dma_wait3A_60] : memref<10000x128xf32, #tpu.memory_space<vmem_shared>> -> memref<80x128xf32, #tpu.memory_space<vmem_shared>>
          %dma_wait3A_62 = arith.constant 0 : i32
          %dma_wait3A_63 = arith.constant 0 : i32
          %dma_wait3A_64 = tpu.memref_slice %arg8[%dma_wait3A_62, %dma_wait3A_63] : memref<80x128xf32, #tpu.memory_space<vmem>> -> memref<80x128xf32, #tpu.memory_space<vmem>>
          %dma_wait3A_65 = arith.constant 0 : i32
          %dma_wait3A_66 = tpu.memref_slice %arg9[%multiple_of3A_44, %dma_wait3A_65] : memref<10000x128xf32, #tpu.memory_space<vmem_shared>> -> memref<80x128xf32, #tpu.memory_space<vmem_shared>>
          tpu.wait_dma2 semaphore(%run_scoped3A : memref<!tpu.dma_semaphore, #tpu.memory_space<semaphore_mem>>) src(%dma_wait3A_66 : memref<80x128xf32, #tpu.memory_space<vmem_shared>>) dst(%dma_wait3A_64 : memref<80x128xf32, #tpu.memory_space<vmem>>)
          tpu.yield
        }) : () -> ()
        "tpu.region"() ({
          %run_scoped3A = tpu.sem_alloc : memref<!tpu.dma_semaphore, #tpu.memory_space<semaphore_mem>>
          %dma_start3A = arith.constant 0 : i32
          %dma_start3A_49 = arith.constant 0 : i32
          %dma_start3A_50 = tpu.memref_slice %arg8[%dma_start3A, %dma_start3A_49] : memref<80x128xf32, #tpu.memory_space<vmem>> -> memref<80x128xf32, #tpu.memory_space<vmem>>
          %dma_start3A_51 = arith.constant 0 : i32
          %dma_start3A_52 = tpu.memref_slice %arg5[%multiple_of3A_48, %dma_start3A_51] : memref<20000x128xf32, #tpu.memory_space<hbm>> -> memref<80x128xf32, #tpu.memory_space<hbm>>
          %dma_start3A_53 = arith.constant 0 : i32
          %dma_start3A_54 = tpu.memref_slice %arg5[%multiple_of3A_48, %dma_start3A_53] : memref<20000x128xf32, #tpu.memory_space<hbm>> -> memref<80x128xf32, #tpu.memory_space<hbm>>
          %dma_start3A_55 = arith.constant 0 : i32
          %dma_start3A_56 = arith.constant 0 : i32
          %dma_start3A_57 = tpu.memref_slice %arg8[%dma_start3A_55, %dma_start3A_56] : memref<80x128xf32, #tpu.memory_space<vmem>> -> memref<80x128xf32, #tpu.memory_space<vmem>>
          tpu.enqueue_dma source(%dma_start3A_57 : memref<80x128xf32, #tpu.memory_space<vmem>>) target(%dma_start3A_54 : memref<80x128xf32, #tpu.memory_space<hbm>>) target_semaphore(%run_scoped3A : memref<!tpu.dma_semaphore, #tpu.memory_space<semaphore_mem>>)
          %dma_wait3A = arith.constant 0 : i32
          %dma_wait3A_58 = arith.constant 0 : i32
          %dma_wait3A_59 = tpu.memref_slice %arg8[%dma_wait3A, %dma_wait3A_58] : memref<80x128xf32, #tpu.memory_space<vmem>> -> memref<80x128xf32, #tpu.memory_space<vmem>>
          %dma_wait3A_60 = arith.constant 0 : i32
          %dma_wait3A_61 = tpu.memref_slice %arg5[%multiple_of3A_48, %dma_wait3A_60] : memref<20000x128xf32, #tpu.memory_space<hbm>> -> memref<80x128xf32, #tpu.memory_space<hbm>>
          %dma_wait3A_62 = arith.constant 0 : i32
          %dma_wait3A_63 = tpu.memref_slice %arg5[%multiple_of3A_48, %dma_wait3A_62] : memref<20000x128xf32, #tpu.memory_space<hbm>> -> memref<80x128xf32, #tpu.memory_space<hbm>>
          %dma_wait3A_64 = arith.constant 0 : i32
          %dma_wait3A_65 = arith.constant 0 : i32
          %dma_wait3A_66 = tpu.memref_slice %arg8[%dma_wait3A_64, %dma_wait3A_65] : memref<80x128xf32, #tpu.memory_space<vmem>> -> memref<80x128xf32, #tpu.memory_space<vmem>>
          tpu.wait_dma2 semaphore(%run_scoped3A : memref<!tpu.dma_semaphore, #tpu.memory_space<semaphore_mem>>) src(%dma_wait3A_66 : memref<80x128xf32, #tpu.memory_space<vmem>>) dst(%dma_wait3A_63 : memref<80x128xf32, #tpu.memory_space<hbm>>)
          tpu.yield
        }) : () -> ()
      }
      %scan3A_32 = arith.constant 7 : i32
      %add3A_33 = arith.constant 560 : i32
      %add3A_34 = arith.addi %multiple_of3A, %add3A_33 : i32
      %multiple_of3A_35 = tpu.assume_multiple %add3A_34, 8 : i32
      %mul3A_36 = arith.constant 10000 : i32
      %mul3A_37 = arith.muli %arg0, %mul3A_36 : i32
      %add3A_38 = arith.addi %mul3A_37, %multiple_of3A_35 : i32
      %multiple_of3A_39 = tpu.assume_multiple %add3A_38, 8 : i32
      "tpu.region"() ({
        %run_scoped3A = tpu.sem_alloc : memref<!tpu.dma_semaphore, #tpu.memory_space<semaphore_mem>>
        %dma_start3A = arith.constant 0 : i32
        %dma_start3A_40 = arith.constant 0 : i32
        %dma_start3A_41 = tpu.memref_slice %arg8[%dma_start3A, %dma_start3A_40] : memref<80x128xf32, #tpu.memory_space<vmem>> -> memref<64x128xf32, #tpu.memory_space<vmem>>
        %dma_start3A_42 = arith.constant 0 : i32
        %dma_start3A_43 = tpu.memref_slice %arg9[%multiple_of3A_35, %dma_start3A_42] : memref<10000x128xf32, #tpu.memory_space<vmem_shared>> -> memref<64x128xf32, #tpu.memory_space<vmem_shared>>
        %dma_start3A_44 = arith.constant 0 : i32
        %dma_start3A_45 = arith.constant 0 : i32
        %dma_start3A_46 = tpu.memref_slice %arg8[%dma_start3A_44, %dma_start3A_45] : memref<80x128xf32, #tpu.memory_space<vmem>> -> memref<64x128xf32, #tpu.memory_space<vmem>>
        %dma_start3A_47 = arith.constant 0 : i32
        %dma_start3A_48 = tpu.memref_slice %arg9[%multiple_of3A_35, %dma_start3A_47] : memref<10000x128xf32, #tpu.memory_space<vmem_shared>> -> memref<64x128xf32, #tpu.memory_space<vmem_shared>>
        tpu.enqueue_dma source(%dma_start3A_48 : memref<64x128xf32, #tpu.memory_space<vmem_shared>>) target(%dma_start3A_46 : memref<64x128xf32, #tpu.memory_space<vmem>>) target_semaphore(%run_scoped3A : memref<!tpu.dma_semaphore, #tpu.memory_space<semaphore_mem>>)
        %dma_wait3A = arith.constant 0 : i32
        %dma_wait3A_49 = arith.constant 0 : i32
        %dma_wait3A_50 = tpu.memref_slice %arg8[%dma_wait3A, %dma_wait3A_49] : memref<80x128xf32, #tpu.memory_space<vmem>> -> memref<64x128xf32, #tpu.memory_space<vmem>>
        %dma_wait3A_51 = arith.constant 0 : i32
        %dma_wait3A_52 = tpu.memref_slice %arg9[%multiple_of3A_35, %dma_wait3A_51] : memref<10000x128xf32, #tpu.memory_space<vmem_shared>> -> memref<64x128xf32, #tpu.memory_space<vmem_shared>>
        %dma_wait3A_53 = arith.constant 0 : i32
        %dma_wait3A_54 = arith.constant 0 : i32
        %dma_wait3A_55 = tpu.memref_slice %arg8[%dma_wait3A_53, %dma_wait3A_54] : memref<80x128xf32, #tpu.memory_space<vmem>> -> memref<64x128xf32, #tpu.memory_space<vmem>>
        %dma_wait3A_56 = arith.constant 0 : i32
        %dma_wait3A_57 = tpu.memref_slice %arg9[%multiple_of3A_35, %dma_wait3A_56] : memref<10000x128xf32, #tpu.memory_space<vmem_shared>> -> memref<64x128xf32, #tpu.memory_space<vmem_shared>>
        tpu.wait_dma2 semaphore(%run_scoped3A : memref<!tpu.dma_semaphore, #tpu.memory_space<semaphore_mem>>) src(%dma_wait3A_57 : memref<64x128xf32, #tpu.memory_space<vmem_shared>>) dst(%dma_wait3A_55 : memref<64x128xf32, #tpu.memory_space<vmem>>)
        tpu.yield
      }) : () -> ()
      "tpu.region"() ({
        %run_scoped3A = tpu.sem_alloc : memref<!tpu.dma_semaphore, #tpu.memory_space<semaphore_mem>>
        %dma_start3A = arith.constant 0 : i32
        %dma_start3A_40 = arith.constant 0 : i32
        %dma_start3A_41 = tpu.memref_slice %arg8[%dma_start3A, %dma_start3A_40] : memref<80x128xf32, #tpu.memory_space<vmem>> -> memref<64x128xf32, #tpu.memory_space<vmem>>
        %dma_start3A_42 = arith.constant 0 : i32
        %dma_start3A_43 = tpu.memref_slice %arg5[%multiple_of3A_39, %dma_start3A_42] : memref<20000x128xf32, #tpu.memory_space<hbm>> -> memref<64x128xf32, #tpu.memory_space<hbm>>
        %dma_start3A_44 = arith.constant 0 : i32
        %dma_start3A_45 = tpu.memref_slice %arg5[%multiple_of3A_39, %dma_start3A_44] : memref<20000x128xf32, #tpu.memory_space<hbm>> -> memref<64x128xf32, #tpu.memory_space<hbm>>
        %dma_start3A_46 = arith.constant 0 : i32
        %dma_start3A_47 = arith.constant 0 : i32
        %dma_start3A_48 = tpu.memref_slice %arg8[%dma_start3A_46, %dma_start3A_47] : memref<80x128xf32, #tpu.memory_space<vmem>> -> memref<64x128xf32, #tpu.memory_space<vmem>>
        tpu.enqueue_dma source(%dma_start3A_48 : memref<64x128xf32, #tpu.memory_space<vmem>>) target(%dma_start3A_45 : memref<64x128xf32, #tpu.memory_space<hbm>>) target_semaphore(%run_scoped3A : memref<!tpu.dma_semaphore, #tpu.memory_space<semaphore_mem>>)
        %dma_wait3A = arith.constant 0 : i32
        %dma_wait3A_49 = arith.constant 0 : i32
        %dma_wait3A_50 = tpu.memref_slice %arg8[%dma_wait3A, %dma_wait3A_49] : memref<80x128xf32, #tpu.memory_space<vmem>> -> memref<64x128xf32, #tpu.memory_space<vmem>>
        %dma_wait3A_51 = arith.constant 0 : i32
        %dma_wait3A_52 = tpu.memref_slice %arg5[%multiple_of3A_39, %dma_wait3A_51] : memref<20000x128xf32, #tpu.memory_space<hbm>> -> memref<64x128xf32, #tpu.memory_space<hbm>>
        %dma_wait3A_53 = arith.constant 0 : i32
        %dma_wait3A_54 = tpu.memref_slice %arg5[%multiple_of3A_39, %dma_wait3A_53] : memref<20000x128xf32, #tpu.memory_space<hbm>> -> memref<64x128xf32, #tpu.memory_space<hbm>>
        %dma_wait3A_55 = arith.constant 0 : i32
        %dma_wait3A_56 = arith.constant 0 : i32
        %dma_wait3A_57 = tpu.memref_slice %arg8[%dma_wait3A_55, %dma_wait3A_56] : memref<80x128xf32, #tpu.memory_space<vmem>> -> memref<64x128xf32, #tpu.memory_space<vmem>>
        tpu.wait_dma2 semaphore(%run_scoped3A : memref<!tpu.dma_semaphore, #tpu.memory_space<semaphore_mem>>) src(%dma_wait3A_57 : memref<64x128xf32, #tpu.memory_space<vmem>>) dst(%dma_wait3A_54 : memref<64x128xf32, #tpu.memory_space<hbm>>)
        tpu.yield
      }) : () -> ()
    } else {
    }
    %eq3A_20 = arith.constant 15 : i32
    %eq3A_21 = arith.cmpi eq, %arg1, %eq3A_20 : i32
    %convert_element_type3A_22 = arith.extui %eq3A_21 : i1 to i32
    %cond3A_23 = arith.constant 0 : i32
    %cond3A_24 = arith.cmpi ne, %convert_element_type3A_22, %cond3A_23 : i32
    scf.if %cond3A_24 {
      %scan3A_25 = arith.constant 0 : i32
      %scan3A_26 = arith.constant 0 : i32
      %scan3A_27 = arith.constant 8 : i32
      %scan3A_28 = arith.addi %scan3A_26, %scan3A_27 : i32
      %scan3A_29 = arith.constant 1 : i32
      scf.for %scan3A_31 = %scan3A_26 to %scan3A_28 step %scan3A_29  : i32 {
        %mul3A_32 = arith.constant 80 : i32
        %mul3A_33 = arith.muli %scan3A_31, %mul3A_32 : i32
        %add3A_34 = arith.constant 9360 : i32
        %add3A_35 = arith.addi %add3A_34, %mul3A_33 : i32
        %multiple_of3A = tpu.assume_multiple %add3A_35, 8 : i32
        %mul3A_36 = arith.constant 10000 : i32
        %mul3A_37 = arith.muli %arg0, %mul3A_36 : i32
        %add3A_38 = arith.addi %mul3A_37, %multiple_of3A : i32
        %multiple_of3A_39 = tpu.assume_multiple %add3A_38, 8 : i32
        "tpu.region"() ({
          %run_scoped3A = tpu.sem_alloc : memref<!tpu.dma_semaphore, #tpu.memory_space<semaphore_mem>>
          %dma_start3A = arith.constant 0 : i32
          %dma_start3A_40 = arith.constant 0 : i32
          %dma_start3A_41 = tpu.memref_slice %arg8[%dma_start3A, %dma_start3A_40] : memref<80x128xf32, #tpu.memory_space<vmem>> -> memref<80x128xf32, #tpu.memory_space<vmem>>
          %dma_start3A_42 = arith.constant 0 : i32
          %dma_start3A_43 = tpu.memref_slice %arg9[%multiple_of3A, %dma_start3A_42] : memref<10000x128xf32, #tpu.memory_space<vmem_shared>> -> memref<80x128xf32, #tpu.memory_space<vmem_shared>>
          %dma_start3A_44 = arith.constant 0 : i32
          %dma_start3A_45 = arith.constant 0 : i32
          %dma_start3A_46 = tpu.memref_slice %arg8[%dma_start3A_44, %dma_start3A_45] : memref<80x128xf32, #tpu.memory_space<vmem>> -> memref<80x128xf32, #tpu.memory_space<vmem>>
          %dma_start3A_47 = arith.constant 0 : i32
          %dma_start3A_48 = tpu.memref_slice %arg9[%multiple_of3A, %dma_start3A_47] : memref<10000x128xf32, #tpu.memory_space<vmem_shared>> -> memref<80x128xf32, #tpu.memory_space<vmem_shared>>
          tpu.enqueue_dma source(%dma_start3A_48 : memref<80x128xf32, #tpu.memory_space<vmem_shared>>) target(%dma_start3A_46 : memref<80x128xf32, #tpu.memory_space<vmem>>) target_semaphore(%run_scoped3A : memref<!tpu.dma_semaphore, #tpu.memory_space<semaphore_mem>>)
          %dma_wait3A = arith.constant 0 : i32
          %dma_wait3A_49 = arith.constant 0 : i32
          %dma_wait3A_50 = tpu.memref_slice %arg8[%dma_wait3A, %dma_wait3A_49] : memref<80x128xf32, #tpu.memory_space<vmem>> -> memref<80x128xf32, #tpu.memory_space<vmem>>
          %dma_wait3A_51 = arith.constant 0 : i32
          %dma_wait3A_52 = tpu.memref_slice %arg9[%multiple_of3A, %dma_wait3A_51] : memref<10000x128xf32, #tpu.memory_space<vmem_shared>> -> memref<80x128xf32, #tpu.memory_space<vmem_shared>>
          %dma_wait3A_53 = arith.constant 0 : i32
          %dma_wait3A_54 = arith.constant 0 : i32
          %dma_wait3A_55 = tpu.memref_slice %arg8[%dma_wait3A_53, %dma_wait3A_54] : memref<80x128xf32, #tpu.memory_space<vmem>> -> memref<80x128xf32, #tpu.memory_space<vmem>>
          %dma_wait3A_56 = arith.constant 0 : i32
          %dma_wait3A_57 = tpu.memref_slice %arg9[%multiple_of3A, %dma_wait3A_56] : memref<10000x128xf32, #tpu.memory_space<vmem_shared>> -> memref<80x128xf32, #tpu.memory_space<vmem_shared>>
          tpu.wait_dma2 semaphore(%run_scoped3A : memref<!tpu.dma_semaphore, #tpu.memory_space<semaphore_mem>>) src(%dma_wait3A_57 : memref<80x128xf32, #tpu.memory_space<vmem_shared>>) dst(%dma_wait3A_55 : memref<80x128xf32, #tpu.memory_space<vmem>>)
          tpu.yield
        }) : () -> ()
        "tpu.region"() ({
          %run_scoped3A = tpu.sem_alloc : memref<!tpu.dma_semaphore, #tpu.memory_space<semaphore_mem>>
          %dma_start3A = arith.constant 0 : i32
          %dma_start3A_40 = arith.constant 0 : i32
          %dma_start3A_41 = tpu.memref_slice %arg8[%dma_start3A, %dma_start3A_40] : memref<80x128xf32, #tpu.memory_space<vmem>> -> memref<80x128xf32, #tpu.memory_space<vmem>>
          %dma_start3A_42 = arith.constant 0 : i32
          %dma_start3A_43 = tpu.memref_slice %arg5[%multiple_of3A_39, %dma_start3A_42] : memref<20000x128xf32, #tpu.memory_space<hbm>> -> memref<80x128xf32, #tpu.memory_space<hbm>>
          %dma_start3A_44 = arith.constant 0 : i32
          %dma_start3A_45 = tpu.memref_slice %arg5[%multiple_of3A_39, %dma_start3A_44] : memref<20000x128xf32, #tpu.memory_space<hbm>> -> memref<80x128xf32, #tpu.memory_space<hbm>>
          %dma_start3A_46 = arith.constant 0 : i32
          %dma_start3A_47 = arith.constant 0 : i32
          %dma_start3A_48 = tpu.memref_slice %arg8[%dma_start3A_46, %dma_start3A_47] : memref<80x128xf32, #tpu.memory_space<vmem>> -> memref<80x128xf32, #tpu.memory_space<vmem>>
          tpu.enqueue_dma source(%dma_start3A_48 : memref<80x128xf32, #tpu.memory_space<vmem>>) target(%dma_start3A_45 : memref<80x128xf32, #tpu.memory_space<hbm>>) target_semaphore(%run_scoped3A : memref<!tpu.dma_semaphore, #tpu.memory_space<semaphore_mem>>)
          %dma_wait3A = arith.constant 0 : i32
          %dma_wait3A_49 = arith.constant 0 : i32
          %dma_wait3A_50 = tpu.memref_slice %arg8[%dma_wait3A, %dma_wait3A_49] : memref<80x128xf32, #tpu.memory_space<vmem>> -> memref<80x128xf32, #tpu.memory_space<vmem>>
          %dma_wait3A_51 = arith.constant 0 : i32
          %dma_wait3A_52 = tpu.memref_slice %arg5[%multiple_of3A_39, %dma_wait3A_51] : memref<20000x128xf32, #tpu.memory_space<hbm>> -> memref<80x128xf32, #tpu.memory_space<hbm>>
          %dma_wait3A_53 = arith.constant 0 : i32
          %dma_wait3A_54 = tpu.memref_slice %arg5[%multiple_of3A_39, %dma_wait3A_53] : memref<20000x128xf32, #tpu.memory_space<hbm>> -> memref<80x128xf32, #tpu.memory_space<hbm>>
          %dma_wait3A_55 = arith.constant 0 : i32
          %dma_wait3A_56 = arith.constant 0 : i32
          %dma_wait3A_57 = tpu.memref_slice %arg8[%dma_wait3A_55, %dma_wait3A_56] : memref<80x128xf32, #tpu.memory_space<vmem>> -> memref<80x128xf32, #tpu.memory_space<vmem>>
          tpu.wait_dma2 semaphore(%run_scoped3A : memref<!tpu.dma_semaphore, #tpu.memory_space<semaphore_mem>>) src(%dma_wait3A_57 : memref<80x128xf32, #tpu.memory_space<vmem>>) dst(%dma_wait3A_54 : memref<80x128xf32, #tpu.memory_space<hbm>>)
          tpu.yield
        }) : () -> ()
      }
      %scan3A_30 = arith.constant 8 : i32
    } else {
    }
    return
  }
}

#map = affine_map<(d0, d1) -> (0, 0)>
#map1 = affine_map<(d0, d1) -> (0)>
module attributes {stable_mosaic.version = 14 : i64} {
  func.func @body(%arg0: i32, %arg1: i32, %arg2: memref<10000x128xf32, #tpu.memory_space<hbm>>, %arg3: memref<320000xi32, #tpu.memory_space<hbm>>, %arg4: memref<320000xi32, #tpu.memory_space<hbm>>, %arg5: memref<10000x128xf32, #tpu.memory_space<hbm>>, %arg6: memref<20000x128xf32, #tpu.memory_space<hbm>>, %arg7: memref<80xi32, #tpu.memory_space<vmem>>, %arg8: memref<80xi32, #tpu.memory_space<vmem>>, %arg9: memref<80x128xf32, #tpu.memory_space<vmem>>, %arg10: memref<10000x128xf32, #tpu.memory_space<vmem_shared>>, %arg11: memref<!tpu.dma_semaphore, #tpu.memory_space<semaphore_mem>>) attributes {dimension_semantics = [#tpu.dimension_semantics<core_parallel>, #tpu.dimension_semantics<subcore_parallel>], iteration_bounds = array<i64: 2, 16>, scalar_prefetch = 0 : i64, scratch_operands = 5 : i64, tpu.core_type = #tpu.core_type<sc_vector_subcore>, window_params = [{transform_indices = #map}, {transform_indices = #map1}, {transform_indices = #map1}, {transform_indices = #map}, {transform_indices = #map}]} {
    %mul3A = arith.constant 2 : i32
    %mul3A_0 = arith.muli %arg1, %mul3A : i32
    %add3A = arith.addi %mul3A_0, %arg0 : i32
    "tpu.region"() ({
      %run_scoped3A = tpu.sem_alloc : memref<!tpu.dma_semaphore, #tpu.memory_space<semaphore_mem>>
      %dma_start3A = arith.constant 0 : i32
      %dma_start3A_25 = arith.constant 0 : i32
      %dma_start3A_26 = tpu.memref_slice %arg5[%dma_start3A, %dma_start3A_25] : memref<10000x128xf32, #tpu.memory_space<hbm>> -> memref<80x128xf32, #tpu.memory_space<hbm>>
      %dma_start3A_27 = arith.constant 0 : i32
      %dma_start3A_28 = arith.constant 0 : i32
      %dma_start3A_29 = tpu.memref_slice %arg5[%dma_start3A_27, %dma_start3A_28] : memref<10000x128xf32, #tpu.memory_space<hbm>> -> memref<80x128xf32, #tpu.memory_space<hbm>>
      tpu.enqueue_dma source(%dma_start3A_29 : memref<80x128xf32, #tpu.memory_space<hbm>>) target(%arg9 : memref<80x128xf32, #tpu.memory_space<vmem>>) target_semaphore(%run_scoped3A : memref<!tpu.dma_semaphore, #tpu.memory_space<semaphore_mem>>)
      %dma_wait3A = arith.constant 0 : i32
      %dma_wait3A_30 = arith.constant 0 : i32
      %dma_wait3A_31 = tpu.memref_slice %arg5[%dma_wait3A, %dma_wait3A_30] : memref<10000x128xf32, #tpu.memory_space<hbm>> -> memref<80x128xf32, #tpu.memory_space<hbm>>
      %dma_wait3A_32 = arith.constant 0 : i32
      %dma_wait3A_33 = arith.constant 0 : i32
      %dma_wait3A_34 = tpu.memref_slice %arg5[%dma_wait3A_32, %dma_wait3A_33] : memref<10000x128xf32, #tpu.memory_space<hbm>> -> memref<80x128xf32, #tpu.memory_space<hbm>>
      tpu.wait_dma2 semaphore(%run_scoped3A : memref<!tpu.dma_semaphore, #tpu.memory_space<semaphore_mem>>) src(%dma_wait3A_34 : memref<80x128xf32, #tpu.memory_space<hbm>>) dst(%arg9 : memref<80x128xf32, #tpu.memory_space<vmem>>)
      tpu.yield
    }) : () -> ()
    %lt3A = arith.constant 15 : i32
    %lt3A_1 = arith.cmpi slt, %arg1, %lt3A : i32
    %convert_element_type3A = arith.extui %lt3A_1 : i1 to i32
    %cond3A = arith.constant 0 : i32
    %cond3A_2 = arith.cmpi ne, %convert_element_type3A, %cond3A : i32
    scf.if %cond3A_2 {
      %mul3A_25 = arith.constant 624 : i32
      %mul3A_26 = arith.muli %arg1, %mul3A_25 : i32
      %multiple_of3A = tpu.assume_multiple %mul3A_26, 8 : i32
      %scan3A_27 = arith.constant 0 : i32
      %scan3A_28 = arith.constant 0 : i32
      %scan3A_29 = arith.constant 7 : i32
      %scan3A_30 = arith.addi %scan3A_28, %scan3A_29 : i32
      %scan3A_31 = arith.constant 1 : i32
      scf.for %scan3A_36 = %scan3A_28 to %scan3A_30 step %scan3A_31  : i32 {
        %mul3A_37 = arith.constant 80 : i32
        %mul3A_38 = arith.muli %scan3A_36, %mul3A_37 : i32
        %add3A_39 = arith.addi %multiple_of3A, %mul3A_38 : i32
        %multiple_of3A_40 = tpu.assume_multiple %add3A_39, 8 : i32
        "tpu.region"() ({
          %run_scoped3A = tpu.sem_alloc : memref<!tpu.dma_semaphore, #tpu.memory_space<semaphore_mem>>
          %dma_start3A = arith.constant 0 : i32
          %dma_start3A_41 = arith.constant 0 : i32
          %dma_start3A_42 = tpu.memref_slice %arg9[%dma_start3A, %dma_start3A_41] : memref<80x128xf32, #tpu.memory_space<vmem>> -> memref<80x128xf32, #tpu.memory_space<vmem>>
          %dma_start3A_43 = arith.constant 0 : i32
          %dma_start3A_44 = tpu.memref_slice %arg10[%multiple_of3A_40, %dma_start3A_43] : memref<10000x128xf32, #tpu.memory_space<vmem_shared>> -> memref<80x128xf32, #tpu.memory_space<vmem_shared>>
          %dma_start3A_45 = arith.constant 0 : i32
          %dma_start3A_46 = tpu.memref_slice %arg10[%multiple_of3A_40, %dma_start3A_45] : memref<10000x128xf32, #tpu.memory_space<vmem_shared>> -> memref<80x128xf32, #tpu.memory_space<vmem_shared>>
          %dma_start3A_47 = arith.constant 0 : i32
          %dma_start3A_48 = arith.constant 0 : i32
          %dma_start3A_49 = tpu.memref_slice %arg9[%dma_start3A_47, %dma_start3A_48] : memref<80x128xf32, #tpu.memory_space<vmem>> -> memref<80x128xf32, #tpu.memory_space<vmem>>
          tpu.enqueue_dma source(%dma_start3A_49 : memref<80x128xf32, #tpu.memory_space<vmem>>) target(%dma_start3A_46 : memref<80x128xf32, #tpu.memory_space<vmem_shared>>) target_semaphore(%run_scoped3A : memref<!tpu.dma_semaphore, #tpu.memory_space<semaphore_mem>>)
          %dma_wait3A = arith.constant 0 : i32
          %dma_wait3A_50 = arith.constant 0 : i32
          %dma_wait3A_51 = tpu.memref_slice %arg9[%dma_wait3A, %dma_wait3A_50] : memref<80x128xf32, #tpu.memory_space<vmem>> -> memref<80x128xf32, #tpu.memory_space<vmem>>
          %dma_wait3A_52 = arith.constant 0 : i32
          %dma_wait3A_53 = tpu.memref_slice %arg10[%multiple_of3A_40, %dma_wait3A_52] : memref<10000x128xf32, #tpu.memory_space<vmem_shared>> -> memref<80x128xf32, #tpu.memory_space<vmem_shared>>
          %dma_wait3A_54 = arith.constant 0 : i32
          %dma_wait3A_55 = tpu.memref_slice %arg10[%multiple_of3A_40, %dma_wait3A_54] : memref<10000x128xf32, #tpu.memory_space<vmem_shared>> -> memref<80x128xf32, #tpu.memory_space<vmem_shared>>
          %dma_wait3A_56 = arith.constant 0 : i32
          %dma_wait3A_57 = arith.constant 0 : i32
          %dma_wait3A_58 = tpu.memref_slice %arg9[%dma_wait3A_56, %dma_wait3A_57] : memref<80x128xf32, #tpu.memory_space<vmem>> -> memref<80x128xf32, #tpu.memory_space<vmem>>
          tpu.wait_dma2 semaphore(%run_scoped3A : memref<!tpu.dma_semaphore, #tpu.memory_space<semaphore_mem>>) src(%dma_wait3A_58 : memref<80x128xf32, #tpu.memory_space<vmem>>) dst(%dma_wait3A_55 : memref<80x128xf32, #tpu.memory_space<vmem_shared>>)
          tpu.yield
        }) : () -> ()
      }
      %scan3A_32 = arith.constant 7 : i32
      %add3A_33 = arith.constant 560 : i32
      %add3A_34 = arith.addi %multiple_of3A, %add3A_33 : i32
      %multiple_of3A_35 = tpu.assume_multiple %add3A_34, 8 : i32
      "tpu.region"() ({
        %run_scoped3A = tpu.sem_alloc : memref<!tpu.dma_semaphore, #tpu.memory_space<semaphore_mem>>
        %dma_start3A = arith.constant 0 : i32
        %dma_start3A_36 = arith.constant 0 : i32
        %dma_start3A_37 = tpu.memref_slice %arg9[%dma_start3A, %dma_start3A_36] : memref<80x128xf32, #tpu.memory_space<vmem>> -> memref<64x128xf32, #tpu.memory_space<vmem>>
        %dma_start3A_38 = arith.constant 0 : i32
        %dma_start3A_39 = tpu.memref_slice %arg10[%multiple_of3A_35, %dma_start3A_38] : memref<10000x128xf32, #tpu.memory_space<vmem_shared>> -> memref<64x128xf32, #tpu.memory_space<vmem_shared>>
        %dma_start3A_40 = arith.constant 0 : i32
        %dma_start3A_41 = tpu.memref_slice %arg10[%multiple_of3A_35, %dma_start3A_40] : memref<10000x128xf32, #tpu.memory_space<vmem_shared>> -> memref<64x128xf32, #tpu.memory_space<vmem_shared>>
        %dma_start3A_42 = arith.constant 0 : i32
        %dma_start3A_43 = arith.constant 0 : i32
        %dma_start3A_44 = tpu.memref_slice %arg9[%dma_start3A_42, %dma_start3A_43] : memref<80x128xf32, #tpu.memory_space<vmem>> -> memref<64x128xf32, #tpu.memory_space<vmem>>
        tpu.enqueue_dma source(%dma_start3A_44 : memref<64x128xf32, #tpu.memory_space<vmem>>) target(%dma_start3A_41 : memref<64x128xf32, #tpu.memory_space<vmem_shared>>) target_semaphore(%run_scoped3A : memref<!tpu.dma_semaphore, #tpu.memory_space<semaphore_mem>>)
        %dma_wait3A = arith.constant 0 : i32
        %dma_wait3A_45 = arith.constant 0 : i32
        %dma_wait3A_46 = tpu.memref_slice %arg9[%dma_wait3A, %dma_wait3A_45] : memref<80x128xf32, #tpu.memory_space<vmem>> -> memref<64x128xf32, #tpu.memory_space<vmem>>
        %dma_wait3A_47 = arith.constant 0 : i32
        %dma_wait3A_48 = tpu.memref_slice %arg10[%multiple_of3A_35, %dma_wait3A_47] : memref<10000x128xf32, #tpu.memory_space<vmem_shared>> -> memref<64x128xf32, #tpu.memory_space<vmem_shared>>
        %dma_wait3A_49 = arith.constant 0 : i32
        %dma_wait3A_50 = tpu.memref_slice %arg10[%multiple_of3A_35, %dma_wait3A_49] : memref<10000x128xf32, #tpu.memory_space<vmem_shared>> -> memref<64x128xf32, #tpu.memory_space<vmem_shared>>
        %dma_wait3A_51 = arith.constant 0 : i32
        %dma_wait3A_52 = arith.constant 0 : i32
        %dma_wait3A_53 = tpu.memref_slice %arg9[%dma_wait3A_51, %dma_wait3A_52] : memref<80x128xf32, #tpu.memory_space<vmem>> -> memref<64x128xf32, #tpu.memory_space<vmem>>
        tpu.wait_dma2 semaphore(%run_scoped3A : memref<!tpu.dma_semaphore, #tpu.memory_space<semaphore_mem>>) src(%dma_wait3A_53 : memref<64x128xf32, #tpu.memory_space<vmem>>) dst(%dma_wait3A_50 : memref<64x128xf32, #tpu.memory_space<vmem_shared>>)
        tpu.yield
      }) : () -> ()
    } else {
    }
    %eq3A = arith.constant 15 : i32
    %eq3A_3 = arith.cmpi eq, %arg1, %eq3A : i32
    %convert_element_type3A_4 = arith.extui %eq3A_3 : i1 to i32
    %cond3A_5 = arith.constant 0 : i32
    %cond3A_6 = arith.cmpi ne, %convert_element_type3A_4, %cond3A_5 : i32
    scf.if %cond3A_6 {
      %scan3A_25 = arith.constant 0 : i32
      %scan3A_26 = arith.constant 0 : i32
      %scan3A_27 = arith.constant 8 : i32
      %scan3A_28 = arith.addi %scan3A_26, %scan3A_27 : i32
      %scan3A_29 = arith.constant 1 : i32
      scf.for %scan3A_31 = %scan3A_26 to %scan3A_28 step %scan3A_29  : i32 {
        %mul3A_32 = arith.constant 80 : i32
        %mul3A_33 = arith.muli %scan3A_31, %mul3A_32 : i32
        %add3A_34 = arith.constant 9360 : i32
        %add3A_35 = arith.addi %add3A_34, %mul3A_33 : i32
        %multiple_of3A = tpu.assume_multiple %add3A_35, 8 : i32
        "tpu.region"() ({
          %run_scoped3A = tpu.sem_alloc : memref<!tpu.dma_semaphore, #tpu.memory_space<semaphore_mem>>
          %dma_start3A = arith.constant 0 : i32
          %dma_start3A_36 = arith.constant 0 : i32
          %dma_start3A_37 = tpu.memref_slice %arg9[%dma_start3A, %dma_start3A_36] : memref<80x128xf32, #tpu.memory_space<vmem>> -> memref<80x128xf32, #tpu.memory_space<vmem>>
          %dma_start3A_38 = arith.constant 0 : i32
          %dma_start3A_39 = tpu.memref_slice %arg10[%multiple_of3A, %dma_start3A_38] : memref<10000x128xf32, #tpu.memory_space<vmem_shared>> -> memref<80x128xf32, #tpu.memory_space<vmem_shared>>
          %dma_start3A_40 = arith.constant 0 : i32
          %dma_start3A_41 = tpu.memref_slice %arg10[%multiple_of3A, %dma_start3A_40] : memref<10000x128xf32, #tpu.memory_space<vmem_shared>> -> memref<80x128xf32, #tpu.memory_space<vmem_shared>>
          %dma_start3A_42 = arith.constant 0 : i32
          %dma_start3A_43 = arith.constant 0 : i32
          %dma_start3A_44 = tpu.memref_slice %arg9[%dma_start3A_42, %dma_start3A_43] : memref<80x128xf32, #tpu.memory_space<vmem>> -> memref<80x128xf32, #tpu.memory_space<vmem>>
          tpu.enqueue_dma source(%dma_start3A_44 : memref<80x128xf32, #tpu.memory_space<vmem>>) target(%dma_start3A_41 : memref<80x128xf32, #tpu.memory_space<vmem_shared>>) target_semaphore(%run_scoped3A : memref<!tpu.dma_semaphore, #tpu.memory_space<semaphore_mem>>)
          %dma_wait3A = arith.constant 0 : i32
          %dma_wait3A_45 = arith.constant 0 : i32
          %dma_wait3A_46 = tpu.memref_slice %arg9[%dma_wait3A, %dma_wait3A_45] : memref<80x128xf32, #tpu.memory_space<vmem>> -> memref<80x128xf32, #tpu.memory_space<vmem>>
          %dma_wait3A_47 = arith.constant 0 : i32
          %dma_wait3A_48 = tpu.memref_slice %arg10[%multiple_of3A, %dma_wait3A_47] : memref<10000x128xf32, #tpu.memory_space<vmem_shared>> -> memref<80x128xf32, #tpu.memory_space<vmem_shared>>
          %dma_wait3A_49 = arith.constant 0 : i32
          %dma_wait3A_50 = tpu.memref_slice %arg10[%multiple_of3A, %dma_wait3A_49] : memref<10000x128xf32, #tpu.memory_space<vmem_shared>> -> memref<80x128xf32, #tpu.memory_space<vmem_shared>>
          %dma_wait3A_51 = arith.constant 0 : i32
          %dma_wait3A_52 = arith.constant 0 : i32
          %dma_wait3A_53 = tpu.memref_slice %arg9[%dma_wait3A_51, %dma_wait3A_52] : memref<80x128xf32, #tpu.memory_space<vmem>> -> memref<80x128xf32, #tpu.memory_space<vmem>>
          tpu.wait_dma2 semaphore(%run_scoped3A : memref<!tpu.dma_semaphore, #tpu.memory_space<semaphore_mem>>) src(%dma_wait3A_53 : memref<80x128xf32, #tpu.memory_space<vmem>>) dst(%dma_wait3A_50 : memref<80x128xf32, #tpu.memory_space<vmem_shared>>)
          tpu.yield
        }) : () -> ()
      }
      %scan3A_30 = arith.constant 8 : i32
    } else {
    }
    %barrier3A = arith.constant 0 : index
    tpu.barrier barrier_id(%barrier3A)
    %mul3A_7 = arith.constant 10000 : i32
    %mul3A_8 = arith.muli %add3A, %mul3A_7 : i32
    %scan3A = arith.constant 0 : i32
    %scan3A_9 = arith.constant 0 : i32
    %scan3A_10 = arith.constant 125 : i32
    %scan3A_11 = arith.addi %scan3A_9, %scan3A_10 : i32
    %scan3A_12 = arith.constant 1 : i32
    scf.for %scan3A_25 = %scan3A_9 to %scan3A_11 step %scan3A_12  : i32 {
      %mul3A_26 = arith.constant 80 : i32
      %mul3A_27 = arith.muli %scan3A_25, %mul3A_26 : i32
      %add3A_28 = arith.addi %mul3A_8, %mul3A_27 : i32
      %multiple_of3A = tpu.assume_multiple %add3A_28, 8 : i32
      "tpu.region"() ({
        %run_scoped3A = tpu.sem_alloc : memref<!tpu.dma_semaphore, #tpu.memory_space<semaphore_mem>>
        %dma_start3A_33 = tpu.memref_slice %arg3[%multiple_of3A] : memref<320000xi32, #tpu.memory_space<hbm>> -> memref<80xi32, #tpu.memory_space<hbm>>
        %dma_start3A_34 = tpu.memref_slice %arg3[%multiple_of3A] : memref<320000xi32, #tpu.memory_space<hbm>> -> memref<80xi32, #tpu.memory_space<hbm>>
        tpu.enqueue_dma source(%dma_start3A_34 : memref<80xi32, #tpu.memory_space<hbm>>) target(%arg7 : memref<80xi32, #tpu.memory_space<vmem>>) target_semaphore(%run_scoped3A : memref<!tpu.dma_semaphore, #tpu.memory_space<semaphore_mem>>)
        %dma_wait3A_35 = tpu.memref_slice %arg3[%multiple_of3A] : memref<320000xi32, #tpu.memory_space<hbm>> -> memref<80xi32, #tpu.memory_space<hbm>>
        %dma_wait3A_36 = tpu.memref_slice %arg3[%multiple_of3A] : memref<320000xi32, #tpu.memory_space<hbm>> -> memref<80xi32, #tpu.memory_space<hbm>>
        tpu.wait_dma2 semaphore(%run_scoped3A : memref<!tpu.dma_semaphore, #tpu.memory_space<semaphore_mem>>) src(%dma_wait3A_36 : memref<80xi32, #tpu.memory_space<hbm>>) dst(%arg7 : memref<80xi32, #tpu.memory_space<vmem>>)
        tpu.yield
      }) : () -> ()
      "tpu.region"() ({
        %run_scoped3A = tpu.sem_alloc : memref<!tpu.dma_semaphore, #tpu.memory_space<semaphore_mem>>
        %dma_start3A_33 = tpu.memref_slice %arg4[%multiple_of3A] : memref<320000xi32, #tpu.memory_space<hbm>> -> memref<80xi32, #tpu.memory_space<hbm>>
        %dma_start3A_34 = tpu.memref_slice %arg4[%multiple_of3A] : memref<320000xi32, #tpu.memory_space<hbm>> -> memref<80xi32, #tpu.memory_space<hbm>>
        tpu.enqueue_dma source(%dma_start3A_34 : memref<80xi32, #tpu.memory_space<hbm>>) target(%arg8 : memref<80xi32, #tpu.memory_space<vmem>>) target_semaphore(%run_scoped3A : memref<!tpu.dma_semaphore, #tpu.memory_space<semaphore_mem>>)
        %dma_wait3A_35 = tpu.memref_slice %arg4[%multiple_of3A] : memref<320000xi32, #tpu.memory_space<hbm>> -> memref<80xi32, #tpu.memory_space<hbm>>
        %dma_wait3A_36 = tpu.memref_slice %arg4[%multiple_of3A] : memref<320000xi32, #tpu.memory_space<hbm>> -> memref<80xi32, #tpu.memory_space<hbm>>
        tpu.wait_dma2 semaphore(%run_scoped3A : memref<!tpu.dma_semaphore, #tpu.memory_space<semaphore_mem>>) src(%dma_wait3A_36 : memref<80xi32, #tpu.memory_space<hbm>>) dst(%arg8 : memref<80xi32, #tpu.memory_space<vmem>>)
        tpu.yield
      }) : () -> ()
      %dma_start3A = arith.constant 0 : i32
      %dma_start3A_29 = arith.constant 0 : i32
      %dma_start3A_30 = tpu.memref_slice %arg2[%dma_start3A, %dma_start3A_29] : memref<10000x128xf32, #tpu.memory_space<hbm>> -> memref<10000x128xf32, #tpu.memory_space<hbm>>
      tpu.enqueue_indirect_dma source(%dma_start3A_30 : memref<10000x128xf32, #tpu.memory_space<hbm>>) target(%arg9 : memref<80x128xf32, #tpu.memory_space<vmem>>) offsets(%arg7 : memref<80xi32, #tpu.memory_space<vmem>>) semaphore(%arg11 : memref<!tpu.dma_semaphore, #tpu.memory_space<semaphore_mem>>)
      %dma_wait3A = arith.constant 0 : i32
      %dma_wait3A_31 = arith.constant 0 : i32
      %dma_wait3A_32 = tpu.memref_slice %arg2[%dma_wait3A, %dma_wait3A_31] : memref<10000x128xf32, #tpu.memory_space<hbm>> -> memref<10000x128xf32, #tpu.memory_space<hbm>>
      tpu.wait_indirect_dma semaphore(%arg11 : memref<!tpu.dma_semaphore, #tpu.memory_space<semaphore_mem>>) src(%dma_wait3A_32 : memref<10000x128xf32, #tpu.memory_space<hbm>>) dst(%arg9 : memref<80x128xf32, #tpu.memory_space<vmem>>)
      "tpu.region"() ({
        %run_scoped3A = tpu.sem_alloc : memref<!tpu.dma_semaphore, #tpu.memory_space<semaphore_mem>>
        %dma_start3A_33 = arith.constant 0 : i32
        %dma_start3A_34 = arith.constant 0 : i32
        %dma_start3A_35 = tpu.memref_slice %arg10[%dma_start3A_33, %dma_start3A_34] : memref<10000x128xf32, #tpu.memory_space<vmem_shared>> -> memref<10000x128xf32, #tpu.memory_space<vmem_shared>>
        tpu.enqueue_indirect_dma source(%arg9 : memref<80x128xf32, #tpu.memory_space<vmem>>) target(%dma_start3A_35 : memref<10000x128xf32, #tpu.memory_space<vmem_shared>>) offsets(%arg8 : memref<80xi32, #tpu.memory_space<vmem>>) semaphore(%run_scoped3A : memref<!tpu.dma_semaphore, #tpu.memory_space<semaphore_mem>>) {add = true}
        %dma_wait3A_36 = arith.constant 0 : i32
        %dma_wait3A_37 = arith.constant 0 : i32
        %dma_wait3A_38 = tpu.memref_slice %arg10[%dma_wait3A_36, %dma_wait3A_37] : memref<10000x128xf32, #tpu.memory_space<vmem_shared>> -> memref<10000x128xf32, #tpu.memory_space<vmem_shared>>
        tpu.wait_indirect_dma semaphore(%run_scoped3A : memref<!tpu.dma_semaphore, #tpu.memory_space<semaphore_mem>>) src(%arg9 : memref<80x128xf32, #tpu.memory_space<vmem>>) dst(%dma_wait3A_38 : memref<10000x128xf32, #tpu.memory_space<vmem_shared>>)
        tpu.yield
      }) : () -> ()
    }
    %scan3A_13 = arith.constant 125 : i32
    %barrier3A_14 = arith.constant 0 : index
    tpu.barrier barrier_id(%barrier3A_14)
    %lt3A_15 = arith.constant 15 : i32
    %lt3A_16 = arith.cmpi slt, %arg1, %lt3A_15 : i32
    %convert_element_type3A_17 = arith.extui %lt3A_16 : i1 to i32
    %cond3A_18 = arith.constant 0 : i32
    %cond3A_19 = arith.cmpi ne, %convert_element_type3A_17, %cond3A_18 : i32
    scf.if %cond3A_19 {
      %mul3A_25 = arith.constant 624 : i32
      %mul3A_26 = arith.muli %arg1, %mul3A_25 : i32
      %multiple_of3A = tpu.assume_multiple %mul3A_26, 8 : i32
      %scan3A_27 = arith.constant 0 : i32
      %scan3A_28 = arith.constant 0 : i32
      %scan3A_29 = arith.constant 7 : i32
      %scan3A_30 = arith.addi %scan3A_28, %scan3A_29 : i32
      %scan3A_31 = arith.constant 1 : i32
      scf.for %scan3A_40 = %scan3A_28 to %scan3A_30 step %scan3A_31  : i32 {
        %mul3A_41 = arith.constant 80 : i32
        %mul3A_42 = arith.muli %scan3A_40, %mul3A_41 : i32
        %add3A_43 = arith.addi %multiple_of3A, %mul3A_42 : i32
        %multiple_of3A_44 = tpu.assume_multiple %add3A_43, 8 : i32
        %mul3A_45 = arith.constant 10000 : i32
        %mul3A_46 = arith.muli %arg0, %mul3A_45 : i32
        %add3A_47 = arith.addi %mul3A_46, %multiple_of3A_44 : i32
        %multiple_of3A_48 = tpu.assume_multiple %add3A_47, 8 : i32
        "tpu.region"() ({
          %run_scoped3A = tpu.sem_alloc : memref<!tpu.dma_semaphore, #tpu.memory_space<semaphore_mem>>
          %dma_start3A = arith.constant 0 : i32
          %dma_start3A_49 = arith.constant 0 : i32
          %dma_start3A_50 = tpu.memref_slice %arg9[%dma_start3A, %dma_start3A_49] : memref<80x128xf32, #tpu.memory_space<vmem>> -> memref<80x128xf32, #tpu.memory_space<vmem>>
          %dma_start3A_51 = arith.constant 0 : i32
          %dma_start3A_52 = tpu.memref_slice %arg10[%multiple_of3A_44, %dma_start3A_51] : memref<10000x128xf32, #tpu.memory_space<vmem_shared>> -> memref<80x128xf32, #tpu.memory_space<vmem_shared>>
          %dma_start3A_53 = arith.constant 0 : i32
          %dma_start3A_54 = arith.constant 0 : i32
          %dma_start3A_55 = tpu.memref_slice %arg9[%dma_start3A_53, %dma_start3A_54] : memref<80x128xf32, #tpu.memory_space<vmem>> -> memref<80x128xf32, #tpu.memory_space<vmem>>
          %dma_start3A_56 = arith.constant 0 : i32
          %dma_start3A_57 = tpu.memref_slice %arg10[%multiple_of3A_44, %dma_start3A_56] : memref<10000x128xf32, #tpu.memory_space<vmem_shared>> -> memref<80x128xf32, #tpu.memory_space<vmem_shared>>
          tpu.enqueue_dma source(%dma_start3A_57 : memref<80x128xf32, #tpu.memory_space<vmem_shared>>) target(%dma_start3A_55 : memref<80x128xf32, #tpu.memory_space<vmem>>) target_semaphore(%run_scoped3A : memref<!tpu.dma_semaphore, #tpu.memory_space<semaphore_mem>>)
          %dma_wait3A = arith.constant 0 : i32
          %dma_wait3A_58 = arith.constant 0 : i32
          %dma_wait3A_59 = tpu.memref_slice %arg9[%dma_wait3A, %dma_wait3A_58] : memref<80x128xf32, #tpu.memory_space<vmem>> -> memref<80x128xf32, #tpu.memory_space<vmem>>
          %dma_wait3A_60 = arith.constant 0 : i32
          %dma_wait3A_61 = tpu.memref_slice %arg10[%multiple_of3A_44, %dma_wait3A_60] : memref<10000x128xf32, #tpu.memory_space<vmem_shared>> -> memref<80x128xf32, #tpu.memory_space<vmem_shared>>
          %dma_wait3A_62 = arith.constant 0 : i32
          %dma_wait3A_63 = arith.constant 0 : i32
          %dma_wait3A_64 = tpu.memref_slice %arg9[%dma_wait3A_62, %dma_wait3A_63] : memref<80x128xf32, #tpu.memory_space<vmem>> -> memref<80x128xf32, #tpu.memory_space<vmem>>
          %dma_wait3A_65 = arith.constant 0 : i32
          %dma_wait3A_66 = tpu.memref_slice %arg10[%multiple_of3A_44, %dma_wait3A_65] : memref<10000x128xf32, #tpu.memory_space<vmem_shared>> -> memref<80x128xf32, #tpu.memory_space<vmem_shared>>
          tpu.wait_dma2 semaphore(%run_scoped3A : memref<!tpu.dma_semaphore, #tpu.memory_space<semaphore_mem>>) src(%dma_wait3A_66 : memref<80x128xf32, #tpu.memory_space<vmem_shared>>) dst(%dma_wait3A_64 : memref<80x128xf32, #tpu.memory_space<vmem>>)
          tpu.yield
        }) : () -> ()
        "tpu.region"() ({
          %run_scoped3A = tpu.sem_alloc : memref<!tpu.dma_semaphore, #tpu.memory_space<semaphore_mem>>
          %dma_start3A = arith.constant 0 : i32
          %dma_start3A_49 = arith.constant 0 : i32
          %dma_start3A_50 = tpu.memref_slice %arg9[%dma_start3A, %dma_start3A_49] : memref<80x128xf32, #tpu.memory_space<vmem>> -> memref<80x128xf32, #tpu.memory_space<vmem>>
          %dma_start3A_51 = arith.constant 0 : i32
          %dma_start3A_52 = tpu.memref_slice %arg6[%multiple_of3A_48, %dma_start3A_51] : memref<20000x128xf32, #tpu.memory_space<hbm>> -> memref<80x128xf32, #tpu.memory_space<hbm>>
          %dma_start3A_53 = arith.constant 0 : i32
          %dma_start3A_54 = tpu.memref_slice %arg6[%multiple_of3A_48, %dma_start3A_53] : memref<20000x128xf32, #tpu.memory_space<hbm>> -> memref<80x128xf32, #tpu.memory_space<hbm>>
          %dma_start3A_55 = arith.constant 0 : i32
          %dma_start3A_56 = arith.constant 0 : i32
          %dma_start3A_57 = tpu.memref_slice %arg9[%dma_start3A_55, %dma_start3A_56] : memref<80x128xf32, #tpu.memory_space<vmem>> -> memref<80x128xf32, #tpu.memory_space<vmem>>
          tpu.enqueue_dma source(%dma_start3A_57 : memref<80x128xf32, #tpu.memory_space<vmem>>) target(%dma_start3A_54 : memref<80x128xf32, #tpu.memory_space<hbm>>) target_semaphore(%run_scoped3A : memref<!tpu.dma_semaphore, #tpu.memory_space<semaphore_mem>>)
          %dma_wait3A = arith.constant 0 : i32
          %dma_wait3A_58 = arith.constant 0 : i32
          %dma_wait3A_59 = tpu.memref_slice %arg9[%dma_wait3A, %dma_wait3A_58] : memref<80x128xf32, #tpu.memory_space<vmem>> -> memref<80x128xf32, #tpu.memory_space<vmem>>
          %dma_wait3A_60 = arith.constant 0 : i32
          %dma_wait3A_61 = tpu.memref_slice %arg6[%multiple_of3A_48, %dma_wait3A_60] : memref<20000x128xf32, #tpu.memory_space<hbm>> -> memref<80x128xf32, #tpu.memory_space<hbm>>
          %dma_wait3A_62 = arith.constant 0 : i32
          %dma_wait3A_63 = tpu.memref_slice %arg6[%multiple_of3A_48, %dma_wait3A_62] : memref<20000x128xf32, #tpu.memory_space<hbm>> -> memref<80x128xf32, #tpu.memory_space<hbm>>
          %dma_wait3A_64 = arith.constant 0 : i32
          %dma_wait3A_65 = arith.constant 0 : i32
          %dma_wait3A_66 = tpu.memref_slice %arg9[%dma_wait3A_64, %dma_wait3A_65] : memref<80x128xf32, #tpu.memory_space<vmem>> -> memref<80x128xf32, #tpu.memory_space<vmem>>
          tpu.wait_dma2 semaphore(%run_scoped3A : memref<!tpu.dma_semaphore, #tpu.memory_space<semaphore_mem>>) src(%dma_wait3A_66 : memref<80x128xf32, #tpu.memory_space<vmem>>) dst(%dma_wait3A_63 : memref<80x128xf32, #tpu.memory_space<hbm>>)
          tpu.yield
        }) : () -> ()
      }
      %scan3A_32 = arith.constant 7 : i32
      %add3A_33 = arith.constant 560 : i32
      %add3A_34 = arith.addi %multiple_of3A, %add3A_33 : i32
      %multiple_of3A_35 = tpu.assume_multiple %add3A_34, 8 : i32
      %mul3A_36 = arith.constant 10000 : i32
      %mul3A_37 = arith.muli %arg0, %mul3A_36 : i32
      %add3A_38 = arith.addi %mul3A_37, %multiple_of3A_35 : i32
      %multiple_of3A_39 = tpu.assume_multiple %add3A_38, 8 : i32
      "tpu.region"() ({
        %run_scoped3A = tpu.sem_alloc : memref<!tpu.dma_semaphore, #tpu.memory_space<semaphore_mem>>
        %dma_start3A = arith.constant 0 : i32
        %dma_start3A_40 = arith.constant 0 : i32
        %dma_start3A_41 = tpu.memref_slice %arg9[%dma_start3A, %dma_start3A_40] : memref<80x128xf32, #tpu.memory_space<vmem>> -> memref<64x128xf32, #tpu.memory_space<vmem>>
        %dma_start3A_42 = arith.constant 0 : i32
        %dma_start3A_43 = tpu.memref_slice %arg10[%multiple_of3A_35, %dma_start3A_42] : memref<10000x128xf32, #tpu.memory_space<vmem_shared>> -> memref<64x128xf32, #tpu.memory_space<vmem_shared>>
        %dma_start3A_44 = arith.constant 0 : i32
        %dma_start3A_45 = arith.constant 0 : i32
        %dma_start3A_46 = tpu.memref_slice %arg9[%dma_start3A_44, %dma_start3A_45] : memref<80x128xf32, #tpu.memory_space<vmem>> -> memref<64x128xf32, #tpu.memory_space<vmem>>
        %dma_start3A_47 = arith.constant 0 : i32
        %dma_start3A_48 = tpu.memref_slice %arg10[%multiple_of3A_35, %dma_start3A_47] : memref<10000x128xf32, #tpu.memory_space<vmem_shared>> -> memref<64x128xf32, #tpu.memory_space<vmem_shared>>
        tpu.enqueue_dma source(%dma_start3A_48 : memref<64x128xf32, #tpu.memory_space<vmem_shared>>) target(%dma_start3A_46 : memref<64x128xf32, #tpu.memory_space<vmem>>) target_semaphore(%run_scoped3A : memref<!tpu.dma_semaphore, #tpu.memory_space<semaphore_mem>>)
        %dma_wait3A = arith.constant 0 : i32
        %dma_wait3A_49 = arith.constant 0 : i32
        %dma_wait3A_50 = tpu.memref_slice %arg9[%dma_wait3A, %dma_wait3A_49] : memref<80x128xf32, #tpu.memory_space<vmem>> -> memref<64x128xf32, #tpu.memory_space<vmem>>
        %dma_wait3A_51 = arith.constant 0 : i32
        %dma_wait3A_52 = tpu.memref_slice %arg10[%multiple_of3A_35, %dma_wait3A_51] : memref<10000x128xf32, #tpu.memory_space<vmem_shared>> -> memref<64x128xf32, #tpu.memory_space<vmem_shared>>
        %dma_wait3A_53 = arith.constant 0 : i32
        %dma_wait3A_54 = arith.constant 0 : i32
        %dma_wait3A_55 = tpu.memref_slice %arg9[%dma_wait3A_53, %dma_wait3A_54] : memref<80x128xf32, #tpu.memory_space<vmem>> -> memref<64x128xf32, #tpu.memory_space<vmem>>
        %dma_wait3A_56 = arith.constant 0 : i32
        %dma_wait3A_57 = tpu.memref_slice %arg10[%multiple_of3A_35, %dma_wait3A_56] : memref<10000x128xf32, #tpu.memory_space<vmem_shared>> -> memref<64x128xf32, #tpu.memory_space<vmem_shared>>
        tpu.wait_dma2 semaphore(%run_scoped3A : memref<!tpu.dma_semaphore, #tpu.memory_space<semaphore_mem>>) src(%dma_wait3A_57 : memref<64x128xf32, #tpu.memory_space<vmem_shared>>) dst(%dma_wait3A_55 : memref<64x128xf32, #tpu.memory_space<vmem>>)
        tpu.yield
      }) : () -> ()
      "tpu.region"() ({
        %run_scoped3A = tpu.sem_alloc : memref<!tpu.dma_semaphore, #tpu.memory_space<semaphore_mem>>
        %dma_start3A = arith.constant 0 : i32
        %dma_start3A_40 = arith.constant 0 : i32
        %dma_start3A_41 = tpu.memref_slice %arg9[%dma_start3A, %dma_start3A_40] : memref<80x128xf32, #tpu.memory_space<vmem>> -> memref<64x128xf32, #tpu.memory_space<vmem>>
        %dma_start3A_42 = arith.constant 0 : i32
        %dma_start3A_43 = tpu.memref_slice %arg6[%multiple_of3A_39, %dma_start3A_42] : memref<20000x128xf32, #tpu.memory_space<hbm>> -> memref<64x128xf32, #tpu.memory_space<hbm>>
        %dma_start3A_44 = arith.constant 0 : i32
        %dma_start3A_45 = tpu.memref_slice %arg6[%multiple_of3A_39, %dma_start3A_44] : memref<20000x128xf32, #tpu.memory_space<hbm>> -> memref<64x128xf32, #tpu.memory_space<hbm>>
        %dma_start3A_46 = arith.constant 0 : i32
        %dma_start3A_47 = arith.constant 0 : i32
        %dma_start3A_48 = tpu.memref_slice %arg9[%dma_start3A_46, %dma_start3A_47] : memref<80x128xf32, #tpu.memory_space<vmem>> -> memref<64x128xf32, #tpu.memory_space<vmem>>
        tpu.enqueue_dma source(%dma_start3A_48 : memref<64x128xf32, #tpu.memory_space<vmem>>) target(%dma_start3A_45 : memref<64x128xf32, #tpu.memory_space<hbm>>) target_semaphore(%run_scoped3A : memref<!tpu.dma_semaphore, #tpu.memory_space<semaphore_mem>>)
        %dma_wait3A = arith.constant 0 : i32
        %dma_wait3A_49 = arith.constant 0 : i32
        %dma_wait3A_50 = tpu.memref_slice %arg9[%dma_wait3A, %dma_wait3A_49] : memref<80x128xf32, #tpu.memory_space<vmem>> -> memref<64x128xf32, #tpu.memory_space<vmem>>
        %dma_wait3A_51 = arith.constant 0 : i32
        %dma_wait3A_52 = tpu.memref_slice %arg6[%multiple_of3A_39, %dma_wait3A_51] : memref<20000x128xf32, #tpu.memory_space<hbm>> -> memref<64x128xf32, #tpu.memory_space<hbm>>
        %dma_wait3A_53 = arith.constant 0 : i32
        %dma_wait3A_54 = tpu.memref_slice %arg6[%multiple_of3A_39, %dma_wait3A_53] : memref<20000x128xf32, #tpu.memory_space<hbm>> -> memref<64x128xf32, #tpu.memory_space<hbm>>
        %dma_wait3A_55 = arith.constant 0 : i32
        %dma_wait3A_56 = arith.constant 0 : i32
        %dma_wait3A_57 = tpu.memref_slice %arg9[%dma_wait3A_55, %dma_wait3A_56] : memref<80x128xf32, #tpu.memory_space<vmem>> -> memref<64x128xf32, #tpu.memory_space<vmem>>
        tpu.wait_dma2 semaphore(%run_scoped3A : memref<!tpu.dma_semaphore, #tpu.memory_space<semaphore_mem>>) src(%dma_wait3A_57 : memref<64x128xf32, #tpu.memory_space<vmem>>) dst(%dma_wait3A_54 : memref<64x128xf32, #tpu.memory_space<hbm>>)
        tpu.yield
      }) : () -> ()
    } else {
    }
    %eq3A_20 = arith.constant 15 : i32
    %eq3A_21 = arith.cmpi eq, %arg1, %eq3A_20 : i32
    %convert_element_type3A_22 = arith.extui %eq3A_21 : i1 to i32
    %cond3A_23 = arith.constant 0 : i32
    %cond3A_24 = arith.cmpi ne, %convert_element_type3A_22, %cond3A_23 : i32
    scf.if %cond3A_24 {
      %scan3A_25 = arith.constant 0 : i32
      %scan3A_26 = arith.constant 0 : i32
      %scan3A_27 = arith.constant 8 : i32
      %scan3A_28 = arith.addi %scan3A_26, %scan3A_27 : i32
      %scan3A_29 = arith.constant 1 : i32
      scf.for %scan3A_31 = %scan3A_26 to %scan3A_28 step %scan3A_29  : i32 {
        %mul3A_32 = arith.constant 80 : i32
        %mul3A_33 = arith.muli %scan3A_31, %mul3A_32 : i32
        %add3A_34 = arith.constant 9360 : i32
        %add3A_35 = arith.addi %add3A_34, %mul3A_33 : i32
        %multiple_of3A = tpu.assume_multiple %add3A_35, 8 : i32
        %mul3A_36 = arith.constant 10000 : i32
        %mul3A_37 = arith.muli %arg0, %mul3A_36 : i32
        %add3A_38 = arith.addi %mul3A_37, %multiple_of3A : i32
        %multiple_of3A_39 = tpu.assume_multiple %add3A_38, 8 : i32
        "tpu.region"() ({
          %run_scoped3A = tpu.sem_alloc : memref<!tpu.dma_semaphore, #tpu.memory_space<semaphore_mem>>
          %dma_start3A = arith.constant 0 : i32
          %dma_start3A_40 = arith.constant 0 : i32
          %dma_start3A_41 = tpu.memref_slice %arg9[%dma_start3A, %dma_start3A_40] : memref<80x128xf32, #tpu.memory_space<vmem>> -> memref<80x128xf32, #tpu.memory_space<vmem>>
          %dma_start3A_42 = arith.constant 0 : i32
          %dma_start3A_43 = tpu.memref_slice %arg10[%multiple_of3A, %dma_start3A_42] : memref<10000x128xf32, #tpu.memory_space<vmem_shared>> -> memref<80x128xf32, #tpu.memory_space<vmem_shared>>
          %dma_start3A_44 = arith.constant 0 : i32
          %dma_start3A_45 = arith.constant 0 : i32
          %dma_start3A_46 = tpu.memref_slice %arg9[%dma_start3A_44, %dma_start3A_45] : memref<80x128xf32, #tpu.memory_space<vmem>> -> memref<80x128xf32, #tpu.memory_space<vmem>>
          %dma_start3A_47 = arith.constant 0 : i32
          %dma_start3A_48 = tpu.memref_slice %arg10[%multiple_of3A, %dma_start3A_47] : memref<10000x128xf32, #tpu.memory_space<vmem_shared>> -> memref<80x128xf32, #tpu.memory_space<vmem_shared>>
          tpu.enqueue_dma source(%dma_start3A_48 : memref<80x128xf32, #tpu.memory_space<vmem_shared>>) target(%dma_start3A_46 : memref<80x128xf32, #tpu.memory_space<vmem>>) target_semaphore(%run_scoped3A : memref<!tpu.dma_semaphore, #tpu.memory_space<semaphore_mem>>)
          %dma_wait3A = arith.constant 0 : i32
          %dma_wait3A_49 = arith.constant 0 : i32
          %dma_wait3A_50 = tpu.memref_slice %arg9[%dma_wait3A, %dma_wait3A_49] : memref<80x128xf32, #tpu.memory_space<vmem>> -> memref<80x128xf32, #tpu.memory_space<vmem>>
          %dma_wait3A_51 = arith.constant 0 : i32
          %dma_wait3A_52 = tpu.memref_slice %arg10[%multiple_of3A, %dma_wait3A_51] : memref<10000x128xf32, #tpu.memory_space<vmem_shared>> -> memref<80x128xf32, #tpu.memory_space<vmem_shared>>
          %dma_wait3A_53 = arith.constant 0 : i32
          %dma_wait3A_54 = arith.constant 0 : i32
          %dma_wait3A_55 = tpu.memref_slice %arg9[%dma_wait3A_53, %dma_wait3A_54] : memref<80x128xf32, #tpu.memory_space<vmem>> -> memref<80x128xf32, #tpu.memory_space<vmem>>
          %dma_wait3A_56 = arith.constant 0 : i32
          %dma_wait3A_57 = tpu.memref_slice %arg10[%multiple_of3A, %dma_wait3A_56] : memref<10000x128xf32, #tpu.memory_space<vmem_shared>> -> memref<80x128xf32, #tpu.memory_space<vmem_shared>>
          tpu.wait_dma2 semaphore(%run_scoped3A : memref<!tpu.dma_semaphore, #tpu.memory_space<semaphore_mem>>) src(%dma_wait3A_57 : memref<80x128xf32, #tpu.memory_space<vmem_shared>>) dst(%dma_wait3A_55 : memref<80x128xf32, #tpu.memory_space<vmem>>)
          tpu.yield
        }) : () -> ()
        "tpu.region"() ({
          %run_scoped3A = tpu.sem_alloc : memref<!tpu.dma_semaphore, #tpu.memory_space<semaphore_mem>>
          %dma_start3A = arith.constant 0 : i32
          %dma_start3A_40 = arith.constant 0 : i32
          %dma_start3A_41 = tpu.memref_slice %arg9[%dma_start3A, %dma_start3A_40] : memref<80x128xf32, #tpu.memory_space<vmem>> -> memref<80x128xf32, #tpu.memory_space<vmem>>
          %dma_start3A_42 = arith.constant 0 : i32
          %dma_start3A_43 = tpu.memref_slice %arg6[%multiple_of3A_39, %dma_start3A_42] : memref<20000x128xf32, #tpu.memory_space<hbm>> -> memref<80x128xf32, #tpu.memory_space<hbm>>
          %dma_start3A_44 = arith.constant 0 : i32
          %dma_start3A_45 = tpu.memref_slice %arg6[%multiple_of3A_39, %dma_start3A_44] : memref<20000x128xf32, #tpu.memory_space<hbm>> -> memref<80x128xf32, #tpu.memory_space<hbm>>
          %dma_start3A_46 = arith.constant 0 : i32
          %dma_start3A_47 = arith.constant 0 : i32
          %dma_start3A_48 = tpu.memref_slice %arg9[%dma_start3A_46, %dma_start3A_47] : memref<80x128xf32, #tpu.memory_space<vmem>> -> memref<80x128xf32, #tpu.memory_space<vmem>>
          tpu.enqueue_dma source(%dma_start3A_48 : memref<80x128xf32, #tpu.memory_space<vmem>>) target(%dma_start3A_45 : memref<80x128xf32, #tpu.memory_space<hbm>>) target_semaphore(%run_scoped3A : memref<!tpu.dma_semaphore, #tpu.memory_space<semaphore_mem>>)
          %dma_wait3A = arith.constant 0 : i32
          %dma_wait3A_49 = arith.constant 0 : i32
          %dma_wait3A_50 = tpu.memref_slice %arg9[%dma_wait3A, %dma_wait3A_49] : memref<80x128xf32, #tpu.memory_space<vmem>> -> memref<80x128xf32, #tpu.memory_space<vmem>>
          %dma_wait3A_51 = arith.constant 0 : i32
          %dma_wait3A_52 = tpu.memref_slice %arg6[%multiple_of3A_39, %dma_wait3A_51] : memref<20000x128xf32, #tpu.memory_space<hbm>> -> memref<80x128xf32, #tpu.memory_space<hbm>>
          %dma_wait3A_53 = arith.constant 0 : i32
          %dma_wait3A_54 = tpu.memref_slice %arg6[%multiple_of3A_39, %dma_wait3A_53] : memref<20000x128xf32, #tpu.memory_space<hbm>> -> memref<80x128xf32, #tpu.memory_space<hbm>>
          %dma_wait3A_55 = arith.constant 0 : i32
          %dma_wait3A_56 = arith.constant 0 : i32
          %dma_wait3A_57 = tpu.memref_slice %arg9[%dma_wait3A_55, %dma_wait3A_56] : memref<80x128xf32, #tpu.memory_space<vmem>> -> memref<80x128xf32, #tpu.memory_space<vmem>>
          tpu.wait_dma2 semaphore(%run_scoped3A : memref<!tpu.dma_semaphore, #tpu.memory_space<semaphore_mem>>) src(%dma_wait3A_57 : memref<80x128xf32, #tpu.memory_space<vmem>>) dst(%dma_wait3A_54 : memref<80x128xf32, #tpu.memory_space<hbm>>)
          tpu.yield
        }) : () -> ()
      }
      %scan3A_30 = arith.constant 8 : i32
    } else {
    }
    return
  }
}

#map = affine_map<(d0, d1) -> (0, 0)>
#map1 = affine_map<(d0, d1) -> (0)>
module attributes {stable_mosaic.version = 14 : i64} {
  func.func @body(%arg0: i32, %arg1: i32, %arg2: memref<10000x128xf32, #tpu.memory_space<hbm>>, %arg3: memref<320000xi32, #tpu.memory_space<hbm>>, %arg4: memref<320000xi32, #tpu.memory_space<hbm>>, %arg5: memref<10000x128xf32, #tpu.memory_space<hbm>>, %arg6: memref<20000x128xf32, #tpu.memory_space<hbm>>, %arg7: memref<80xi32, #tpu.memory_space<vmem>>, %arg8: memref<80xi32, #tpu.memory_space<vmem>>, %arg9: memref<80x128xf32, #tpu.memory_space<vmem>>, %arg10: memref<10000x128xf32, #tpu.memory_space<vmem_shared>>, %arg11: memref<!tpu.dma_semaphore, #tpu.memory_space<semaphore_mem>>) attributes {dimension_semantics = [#tpu.dimension_semantics<core_parallel>, #tpu.dimension_semantics<subcore_parallel>], iteration_bounds = array<i64: 2, 16>, scalar_prefetch = 0 : i64, scratch_operands = 5 : i64, tpu.core_type = #tpu.core_type<sc_vector_subcore>, window_params = [{transform_indices = #map}, {transform_indices = #map1}, {transform_indices = #map1}, {transform_indices = #map}, {transform_indices = #map}]} {
    %mul3A = arith.constant 2 : i32
    %mul3A_0 = arith.muli %arg1, %mul3A : i32
    %add3A = arith.addi %mul3A_0, %arg0 : i32
    "tpu.region"() ({
      %run_scoped3A = tpu.sem_alloc : memref<!tpu.dma_semaphore, #tpu.memory_space<semaphore_mem>>
      %dma_start3A = arith.constant 0 : i32
      %dma_start3A_25 = arith.constant 0 : i32
      %dma_start3A_26 = tpu.memref_slice %arg5[%dma_start3A, %dma_start3A_25] : memref<10000x128xf32, #tpu.memory_space<hbm>> -> memref<80x128xf32, #tpu.memory_space<hbm>>
      %dma_start3A_27 = arith.constant 0 : i32
      %dma_start3A_28 = arith.constant 0 : i32
      %dma_start3A_29 = tpu.memref_slice %arg5[%dma_start3A_27, %dma_start3A_28] : memref<10000x128xf32, #tpu.memory_space<hbm>> -> memref<80x128xf32, #tpu.memory_space<hbm>>
      tpu.enqueue_dma source(%dma_start3A_29 : memref<80x128xf32, #tpu.memory_space<hbm>>) target(%arg9 : memref<80x128xf32, #tpu.memory_space<vmem>>) target_semaphore(%run_scoped3A : memref<!tpu.dma_semaphore, #tpu.memory_space<semaphore_mem>>)
      %dma_wait3A = arith.constant 0 : i32
      %dma_wait3A_30 = arith.constant 0 : i32
      %dma_wait3A_31 = tpu.memref_slice %arg5[%dma_wait3A, %dma_wait3A_30] : memref<10000x128xf32, #tpu.memory_space<hbm>> -> memref<80x128xf32, #tpu.memory_space<hbm>>
      %dma_wait3A_32 = arith.constant 0 : i32
      %dma_wait3A_33 = arith.constant 0 : i32
      %dma_wait3A_34 = tpu.memref_slice %arg5[%dma_wait3A_32, %dma_wait3A_33] : memref<10000x128xf32, #tpu.memory_space<hbm>> -> memref<80x128xf32, #tpu.memory_space<hbm>>
      tpu.wait_dma2 semaphore(%run_scoped3A : memref<!tpu.dma_semaphore, #tpu.memory_space<semaphore_mem>>) src(%dma_wait3A_34 : memref<80x128xf32, #tpu.memory_space<hbm>>) dst(%arg9 : memref<80x128xf32, #tpu.memory_space<vmem>>)
      tpu.yield
    }) : () -> ()
    %lt3A = arith.constant 15 : i32
    %lt3A_1 = arith.cmpi slt, %arg1, %lt3A : i32
    %convert_element_type3A = arith.extui %lt3A_1 : i1 to i32
    %cond3A = arith.constant 0 : i32
    %cond3A_2 = arith.cmpi ne, %convert_element_type3A, %cond3A : i32
    scf.if %cond3A_2 {
      %mul3A_25 = arith.constant 624 : i32
      %mul3A_26 = arith.muli %arg1, %mul3A_25 : i32
      %multiple_of3A = tpu.assume_multiple %mul3A_26, 8 : i32
      %scan3A_27 = arith.constant 0 : i32
      %scan3A_28 = arith.constant 0 : i32
      %scan3A_29 = arith.constant 7 : i32
      %scan3A_30 = arith.addi %scan3A_28, %scan3A_29 : i32
      %scan3A_31 = arith.constant 1 : i32
      scf.for %scan3A_36 = %scan3A_28 to %scan3A_30 step %scan3A_31  : i32 {
        %mul3A_37 = arith.constant 80 : i32
        %mul3A_38 = arith.muli %scan3A_36, %mul3A_37 : i32
        %add3A_39 = arith.addi %multiple_of3A, %mul3A_38 : i32
        %multiple_of3A_40 = tpu.assume_multiple %add3A_39, 8 : i32
        "tpu.region"() ({
          %run_scoped3A = tpu.sem_alloc : memref<!tpu.dma_semaphore, #tpu.memory_space<semaphore_mem>>
          %dma_start3A = arith.constant 0 : i32
          %dma_start3A_41 = arith.constant 0 : i32
          %dma_start3A_42 = tpu.memref_slice %arg9[%dma_start3A, %dma_start3A_41] : memref<80x128xf32, #tpu.memory_space<vmem>> -> memref<80x128xf32, #tpu.memory_space<vmem>>
          %dma_start3A_43 = arith.constant 0 : i32
          %dma_start3A_44 = tpu.memref_slice %arg10[%multiple_of3A_40, %dma_start3A_43] : memref<10000x128xf32, #tpu.memory_space<vmem_shared>> -> memref<80x128xf32, #tpu.memory_space<vmem_shared>>
          %dma_start3A_45 = arith.constant 0 : i32
          %dma_start3A_46 = tpu.memref_slice %arg10[%multiple_of3A_40, %dma_start3A_45] : memref<10000x128xf32, #tpu.memory_space<vmem_shared>> -> memref<80x128xf32, #tpu.memory_space<vmem_shared>>
          %dma_start3A_47 = arith.constant 0 : i32
          %dma_start3A_48 = arith.constant 0 : i32
          %dma_start3A_49 = tpu.memref_slice %arg9[%dma_start3A_47, %dma_start3A_48] : memref<80x128xf32, #tpu.memory_space<vmem>> -> memref<80x128xf32, #tpu.memory_space<vmem>>
          tpu.enqueue_dma source(%dma_start3A_49 : memref<80x128xf32, #tpu.memory_space<vmem>>) target(%dma_start3A_46 : memref<80x128xf32, #tpu.memory_space<vmem_shared>>) target_semaphore(%run_scoped3A : memref<!tpu.dma_semaphore, #tpu.memory_space<semaphore_mem>>)
          %dma_wait3A = arith.constant 0 : i32
          %dma_wait3A_50 = arith.constant 0 : i32
          %dma_wait3A_51 = tpu.memref_slice %arg9[%dma_wait3A, %dma_wait3A_50] : memref<80x128xf32, #tpu.memory_space<vmem>> -> memref<80x128xf32, #tpu.memory_space<vmem>>
          %dma_wait3A_52 = arith.constant 0 : i32
          %dma_wait3A_53 = tpu.memref_slice %arg10[%multiple_of3A_40, %dma_wait3A_52] : memref<10000x128xf32, #tpu.memory_space<vmem_shared>> -> memref<80x128xf32, #tpu.memory_space<vmem_shared>>
          %dma_wait3A_54 = arith.constant 0 : i32
          %dma_wait3A_55 = tpu.memref_slice %arg10[%multiple_of3A_40, %dma_wait3A_54] : memref<10000x128xf32, #tpu.memory_space<vmem_shared>> -> memref<80x128xf32, #tpu.memory_space<vmem_shared>>
          %dma_wait3A_56 = arith.constant 0 : i32
          %dma_wait3A_57 = arith.constant 0 : i32
          %dma_wait3A_58 = tpu.memref_slice %arg9[%dma_wait3A_56, %dma_wait3A_57] : memref<80x128xf32, #tpu.memory_space<vmem>> -> memref<80x128xf32, #tpu.memory_space<vmem>>
          tpu.wait_dma2 semaphore(%run_scoped3A : memref<!tpu.dma_semaphore, #tpu.memory_space<semaphore_mem>>) src(%dma_wait3A_58 : memref<80x128xf32, #tpu.memory_space<vmem>>) dst(%dma_wait3A_55 : memref<80x128xf32, #tpu.memory_space<vmem_shared>>)
          tpu.yield
        }) : () -> ()
      }
      %scan3A_32 = arith.constant 7 : i32
      %add3A_33 = arith.constant 560 : i32
      %add3A_34 = arith.addi %multiple_of3A, %add3A_33 : i32
      %multiple_of3A_35 = tpu.assume_multiple %add3A_34, 8 : i32
      "tpu.region"() ({
        %run_scoped3A = tpu.sem_alloc : memref<!tpu.dma_semaphore, #tpu.memory_space<semaphore_mem>>
        %dma_start3A = arith.constant 0 : i32
        %dma_start3A_36 = arith.constant 0 : i32
        %dma_start3A_37 = tpu.memref_slice %arg9[%dma_start3A, %dma_start3A_36] : memref<80x128xf32, #tpu.memory_space<vmem>> -> memref<64x128xf32, #tpu.memory_space<vmem>>
        %dma_start3A_38 = arith.constant 0 : i32
        %dma_start3A_39 = tpu.memref_slice %arg10[%multiple_of3A_35, %dma_start3A_38] : memref<10000x128xf32, #tpu.memory_space<vmem_shared>> -> memref<64x128xf32, #tpu.memory_space<vmem_shared>>
        %dma_start3A_40 = arith.constant 0 : i32
        %dma_start3A_41 = tpu.memref_slice %arg10[%multiple_of3A_35, %dma_start3A_40] : memref<10000x128xf32, #tpu.memory_space<vmem_shared>> -> memref<64x128xf32, #tpu.memory_space<vmem_shared>>
        %dma_start3A_42 = arith.constant 0 : i32
        %dma_start3A_43 = arith.constant 0 : i32
        %dma_start3A_44 = tpu.memref_slice %arg9[%dma_start3A_42, %dma_start3A_43] : memref<80x128xf32, #tpu.memory_space<vmem>> -> memref<64x128xf32, #tpu.memory_space<vmem>>
        tpu.enqueue_dma source(%dma_start3A_44 : memref<64x128xf32, #tpu.memory_space<vmem>>) target(%dma_start3A_41 : memref<64x128xf32, #tpu.memory_space<vmem_shared>>) target_semaphore(%run_scoped3A : memref<!tpu.dma_semaphore, #tpu.memory_space<semaphore_mem>>)
        %dma_wait3A = arith.constant 0 : i32
        %dma_wait3A_45 = arith.constant 0 : i32
        %dma_wait3A_46 = tpu.memref_slice %arg9[%dma_wait3A, %dma_wait3A_45] : memref<80x128xf32, #tpu.memory_space<vmem>> -> memref<64x128xf32, #tpu.memory_space<vmem>>
        %dma_wait3A_47 = arith.constant 0 : i32
        %dma_wait3A_48 = tpu.memref_slice %arg10[%multiple_of3A_35, %dma_wait3A_47] : memref<10000x128xf32, #tpu.memory_space<vmem_shared>> -> memref<64x128xf32, #tpu.memory_space<vmem_shared>>
        %dma_wait3A_49 = arith.constant 0 : i32
        %dma_wait3A_50 = tpu.memref_slice %arg10[%multiple_of3A_35, %dma_wait3A_49] : memref<10000x128xf32, #tpu.memory_space<vmem_shared>> -> memref<64x128xf32, #tpu.memory_space<vmem_shared>>
        %dma_wait3A_51 = arith.constant 0 : i32
        %dma_wait3A_52 = arith.constant 0 : i32
        %dma_wait3A_53 = tpu.memref_slice %arg9[%dma_wait3A_51, %dma_wait3A_52] : memref<80x128xf32, #tpu.memory_space<vmem>> -> memref<64x128xf32, #tpu.memory_space<vmem>>
        tpu.wait_dma2 semaphore(%run_scoped3A : memref<!tpu.dma_semaphore, #tpu.memory_space<semaphore_mem>>) src(%dma_wait3A_53 : memref<64x128xf32, #tpu.memory_space<vmem>>) dst(%dma_wait3A_50 : memref<64x128xf32, #tpu.memory_space<vmem_shared>>)
        tpu.yield
      }) : () -> ()
    } else {
    }
    %eq3A = arith.constant 15 : i32
    %eq3A_3 = arith.cmpi eq, %arg1, %eq3A : i32
    %convert_element_type3A_4 = arith.extui %eq3A_3 : i1 to i32
    %cond3A_5 = arith.constant 0 : i32
    %cond3A_6 = arith.cmpi ne, %convert_element_type3A_4, %cond3A_5 : i32
    scf.if %cond3A_6 {
      %scan3A_25 = arith.constant 0 : i32
      %scan3A_26 = arith.constant 0 : i32
      %scan3A_27 = arith.constant 8 : i32
      %scan3A_28 = arith.addi %scan3A_26, %scan3A_27 : i32
      %scan3A_29 = arith.constant 1 : i32
      scf.for %scan3A_31 = %scan3A_26 to %scan3A_28 step %scan3A_29  : i32 {
        %mul3A_32 = arith.constant 80 : i32
        %mul3A_33 = arith.muli %scan3A_31, %mul3A_32 : i32
        %add3A_34 = arith.constant 9360 : i32
        %add3A_35 = arith.addi %add3A_34, %mul3A_33 : i32
        %multiple_of3A = tpu.assume_multiple %add3A_35, 8 : i32
        "tpu.region"() ({
          %run_scoped3A = tpu.sem_alloc : memref<!tpu.dma_semaphore, #tpu.memory_space<semaphore_mem>>
          %dma_start3A = arith.constant 0 : i32
          %dma_start3A_36 = arith.constant 0 : i32
          %dma_start3A_37 = tpu.memref_slice %arg9[%dma_start3A, %dma_start3A_36] : memref<80x128xf32, #tpu.memory_space<vmem>> -> memref<80x128xf32, #tpu.memory_space<vmem>>
          %dma_start3A_38 = arith.constant 0 : i32
          %dma_start3A_39 = tpu.memref_slice %arg10[%multiple_of3A, %dma_start3A_38] : memref<10000x128xf32, #tpu.memory_space<vmem_shared>> -> memref<80x128xf32, #tpu.memory_space<vmem_shared>>
          %dma_start3A_40 = arith.constant 0 : i32
          %dma_start3A_41 = tpu.memref_slice %arg10[%multiple_of3A, %dma_start3A_40] : memref<10000x128xf32, #tpu.memory_space<vmem_shared>> -> memref<80x128xf32, #tpu.memory_space<vmem_shared>>
          %dma_start3A_42 = arith.constant 0 : i32
          %dma_start3A_43 = arith.constant 0 : i32
          %dma_start3A_44 = tpu.memref_slice %arg9[%dma_start3A_42, %dma_start3A_43] : memref<80x128xf32, #tpu.memory_space<vmem>> -> memref<80x128xf32, #tpu.memory_space<vmem>>
          tpu.enqueue_dma source(%dma_start3A_44 : memref<80x128xf32, #tpu.memory_space<vmem>>) target(%dma_start3A_41 : memref<80x128xf32, #tpu.memory_space<vmem_shared>>) target_semaphore(%run_scoped3A : memref<!tpu.dma_semaphore, #tpu.memory_space<semaphore_mem>>)
          %dma_wait3A = arith.constant 0 : i32
          %dma_wait3A_45 = arith.constant 0 : i32
          %dma_wait3A_46 = tpu.memref_slice %arg9[%dma_wait3A, %dma_wait3A_45] : memref<80x128xf32, #tpu.memory_space<vmem>> -> memref<80x128xf32, #tpu.memory_space<vmem>>
          %dma_wait3A_47 = arith.constant 0 : i32
          %dma_wait3A_48 = tpu.memref_slice %arg10[%multiple_of3A, %dma_wait3A_47] : memref<10000x128xf32, #tpu.memory_space<vmem_shared>> -> memref<80x128xf32, #tpu.memory_space<vmem_shared>>
          %dma_wait3A_49 = arith.constant 0 : i32
          %dma_wait3A_50 = tpu.memref_slice %arg10[%multiple_of3A, %dma_wait3A_49] : memref<10000x128xf32, #tpu.memory_space<vmem_shared>> -> memref<80x128xf32, #tpu.memory_space<vmem_shared>>
          %dma_wait3A_51 = arith.constant 0 : i32
          %dma_wait3A_52 = arith.constant 0 : i32
          %dma_wait3A_53 = tpu.memref_slice %arg9[%dma_wait3A_51, %dma_wait3A_52] : memref<80x128xf32, #tpu.memory_space<vmem>> -> memref<80x128xf32, #tpu.memory_space<vmem>>
          tpu.wait_dma2 semaphore(%run_scoped3A : memref<!tpu.dma_semaphore, #tpu.memory_space<semaphore_mem>>) src(%dma_wait3A_53 : memref<80x128xf32, #tpu.memory_space<vmem>>) dst(%dma_wait3A_50 : memref<80x128xf32, #tpu.memory_space<vmem_shared>>)
          tpu.yield
        }) : () -> ()
      }
      %scan3A_30 = arith.constant 8 : i32
    } else {
    }
    %barrier3A = arith.constant 0 : index
    tpu.barrier barrier_id(%barrier3A)
    %mul3A_7 = arith.constant 10000 : i32
    %mul3A_8 = arith.muli %add3A, %mul3A_7 : i32
    %scan3A = arith.constant 0 : i32
    %scan3A_9 = arith.constant 0 : i32
    %scan3A_10 = arith.constant 125 : i32
    %scan3A_11 = arith.addi %scan3A_9, %scan3A_10 : i32
    %scan3A_12 = arith.constant 1 : i32
    scf.for %scan3A_25 = %scan3A_9 to %scan3A_11 step %scan3A_12  : i32 {
      %mul3A_26 = arith.constant 80 : i32
      %mul3A_27 = arith.muli %scan3A_25, %mul3A_26 : i32
      %add3A_28 = arith.addi %mul3A_8, %mul3A_27 : i32
      %multiple_of3A = tpu.assume_multiple %add3A_28, 8 : i32
      "tpu.region"() ({
        %run_scoped3A = tpu.sem_alloc : memref<!tpu.dma_semaphore, #tpu.memory_space<semaphore_mem>>
        %dma_start3A_33 = tpu.memref_slice %arg3[%multiple_of3A] : memref<320000xi32, #tpu.memory_space<hbm>> -> memref<80xi32, #tpu.memory_space<hbm>>
        %dma_start3A_34 = tpu.memref_slice %arg3[%multiple_of3A] : memref<320000xi32, #tpu.memory_space<hbm>> -> memref<80xi32, #tpu.memory_space<hbm>>
        tpu.enqueue_dma source(%dma_start3A_34 : memref<80xi32, #tpu.memory_space<hbm>>) target(%arg7 : memref<80xi32, #tpu.memory_space<vmem>>) target_semaphore(%run_scoped3A : memref<!tpu.dma_semaphore, #tpu.memory_space<semaphore_mem>>)
        %dma_wait3A_35 = tpu.memref_slice %arg3[%multiple_of3A] : memref<320000xi32, #tpu.memory_space<hbm>> -> memref<80xi32, #tpu.memory_space<hbm>>
        %dma_wait3A_36 = tpu.memref_slice %arg3[%multiple_of3A] : memref<320000xi32, #tpu.memory_space<hbm>> -> memref<80xi32, #tpu.memory_space<hbm>>
        tpu.wait_dma2 semaphore(%run_scoped3A : memref<!tpu.dma_semaphore, #tpu.memory_space<semaphore_mem>>) src(%dma_wait3A_36 : memref<80xi32, #tpu.memory_space<hbm>>) dst(%arg7 : memref<80xi32, #tpu.memory_space<vmem>>)
        tpu.yield
      }) : () -> ()
      "tpu.region"() ({
        %run_scoped3A = tpu.sem_alloc : memref<!tpu.dma_semaphore, #tpu.memory_space<semaphore_mem>>
        %dma_start3A_33 = tpu.memref_slice %arg4[%multiple_of3A] : memref<320000xi32, #tpu.memory_space<hbm>> -> memref<80xi32, #tpu.memory_space<hbm>>
        %dma_start3A_34 = tpu.memref_slice %arg4[%multiple_of3A] : memref<320000xi32, #tpu.memory_space<hbm>> -> memref<80xi32, #tpu.memory_space<hbm>>
        tpu.enqueue_dma source(%dma_start3A_34 : memref<80xi32, #tpu.memory_space<hbm>>) target(%arg8 : memref<80xi32, #tpu.memory_space<vmem>>) target_semaphore(%run_scoped3A : memref<!tpu.dma_semaphore, #tpu.memory_space<semaphore_mem>>)
        %dma_wait3A_35 = tpu.memref_slice %arg4[%multiple_of3A] : memref<320000xi32, #tpu.memory_space<hbm>> -> memref<80xi32, #tpu.memory_space<hbm>>
        %dma_wait3A_36 = tpu.memref_slice %arg4[%multiple_of3A] : memref<320000xi32, #tpu.memory_space<hbm>> -> memref<80xi32, #tpu.memory_space<hbm>>
        tpu.wait_dma2 semaphore(%run_scoped3A : memref<!tpu.dma_semaphore, #tpu.memory_space<semaphore_mem>>) src(%dma_wait3A_36 : memref<80xi32, #tpu.memory_space<hbm>>) dst(%arg8 : memref<80xi32, #tpu.memory_space<vmem>>)
        tpu.yield
      }) : () -> ()
      %dma_start3A = arith.constant 0 : i32
      %dma_start3A_29 = arith.constant 0 : i32
      %dma_start3A_30 = tpu.memref_slice %arg2[%dma_start3A, %dma_start3A_29] : memref<10000x128xf32, #tpu.memory_space<hbm>> -> memref<10000x128xf32, #tpu.memory_space<hbm>>
      tpu.enqueue_indirect_dma source(%dma_start3A_30 : memref<10000x128xf32, #tpu.memory_space<hbm>>) target(%arg9 : memref<80x128xf32, #tpu.memory_space<vmem>>) offsets(%arg7 : memref<80xi32, #tpu.memory_space<vmem>>) semaphore(%arg11 : memref<!tpu.dma_semaphore, #tpu.memory_space<semaphore_mem>>)
      %dma_wait3A = arith.constant 0 : i32
      %dma_wait3A_31 = arith.constant 0 : i32
      %dma_wait3A_32 = tpu.memref_slice %arg2[%dma_wait3A, %dma_wait3A_31] : memref<10000x128xf32, #tpu.memory_space<hbm>> -> memref<10000x128xf32, #tpu.memory_space<hbm>>
      tpu.wait_indirect_dma semaphore(%arg11 : memref<!tpu.dma_semaphore, #tpu.memory_space<semaphore_mem>>) src(%dma_wait3A_32 : memref<10000x128xf32, #tpu.memory_space<hbm>>) dst(%arg9 : memref<80x128xf32, #tpu.memory_space<vmem>>)
      "tpu.region"() ({
        %run_scoped3A = tpu.sem_alloc : memref<!tpu.dma_semaphore, #tpu.memory_space<semaphore_mem>>
        %dma_start3A_33 = arith.constant 0 : i32
        %dma_start3A_34 = arith.constant 0 : i32
        %dma_start3A_35 = tpu.memref_slice %arg10[%dma_start3A_33, %dma_start3A_34] : memref<10000x128xf32, #tpu.memory_space<vmem_shared>> -> memref<10000x128xf32, #tpu.memory_space<vmem_shared>>
        tpu.enqueue_indirect_dma source(%arg9 : memref<80x128xf32, #tpu.memory_space<vmem>>) target(%dma_start3A_35 : memref<10000x128xf32, #tpu.memory_space<vmem_shared>>) offsets(%arg8 : memref<80xi32, #tpu.memory_space<vmem>>) semaphore(%run_scoped3A : memref<!tpu.dma_semaphore, #tpu.memory_space<semaphore_mem>>) {add = true}
        %dma_wait3A_36 = arith.constant 0 : i32
        %dma_wait3A_37 = arith.constant 0 : i32
        %dma_wait3A_38 = tpu.memref_slice %arg10[%dma_wait3A_36, %dma_wait3A_37] : memref<10000x128xf32, #tpu.memory_space<vmem_shared>> -> memref<10000x128xf32, #tpu.memory_space<vmem_shared>>
        tpu.wait_indirect_dma semaphore(%run_scoped3A : memref<!tpu.dma_semaphore, #tpu.memory_space<semaphore_mem>>) src(%arg9 : memref<80x128xf32, #tpu.memory_space<vmem>>) dst(%dma_wait3A_38 : memref<10000x128xf32, #tpu.memory_space<vmem_shared>>)
        tpu.yield
      }) : () -> ()
    }
    %scan3A_13 = arith.constant 125 : i32
    %barrier3A_14 = arith.constant 0 : index
    tpu.barrier barrier_id(%barrier3A_14)
    %lt3A_15 = arith.constant 15 : i32
    %lt3A_16 = arith.cmpi slt, %arg1, %lt3A_15 : i32
    %convert_element_type3A_17 = arith.extui %lt3A_16 : i1 to i32
    %cond3A_18 = arith.constant 0 : i32
    %cond3A_19 = arith.cmpi ne, %convert_element_type3A_17, %cond3A_18 : i32
    scf.if %cond3A_19 {
      %mul3A_25 = arith.constant 624 : i32
      %mul3A_26 = arith.muli %arg1, %mul3A_25 : i32
      %multiple_of3A = tpu.assume_multiple %mul3A_26, 8 : i32
      %scan3A_27 = arith.constant 0 : i32
      %scan3A_28 = arith.constant 0 : i32
      %scan3A_29 = arith.constant 7 : i32
      %scan3A_30 = arith.addi %scan3A_28, %scan3A_29 : i32
      %scan3A_31 = arith.constant 1 : i32
      scf.for %scan3A_40 = %scan3A_28 to %scan3A_30 step %scan3A_31  : i32 {
        %mul3A_41 = arith.constant 80 : i32
        %mul3A_42 = arith.muli %scan3A_40, %mul3A_41 : i32
        %add3A_43 = arith.addi %multiple_of3A, %mul3A_42 : i32
        %multiple_of3A_44 = tpu.assume_multiple %add3A_43, 8 : i32
        %mul3A_45 = arith.constant 10000 : i32
        %mul3A_46 = arith.muli %arg0, %mul3A_45 : i32
        %add3A_47 = arith.addi %mul3A_46, %multiple_of3A_44 : i32
        %multiple_of3A_48 = tpu.assume_multiple %add3A_47, 8 : i32
        "tpu.region"() ({
          %run_scoped3A = tpu.sem_alloc : memref<!tpu.dma_semaphore, #tpu.memory_space<semaphore_mem>>
          %dma_start3A = arith.constant 0 : i32
          %dma_start3A_49 = arith.constant 0 : i32
          %dma_start3A_50 = tpu.memref_slice %arg9[%dma_start3A, %dma_start3A_49] : memref<80x128xf32, #tpu.memory_space<vmem>> -> memref<80x128xf32, #tpu.memory_space<vmem>>
          %dma_start3A_51 = arith.constant 0 : i32
          %dma_start3A_52 = tpu.memref_slice %arg10[%multiple_of3A_44, %dma_start3A_51] : memref<10000x128xf32, #tpu.memory_space<vmem_shared>> -> memref<80x128xf32, #tpu.memory_space<vmem_shared>>
          %dma_start3A_53 = arith.constant 0 : i32
          %dma_start3A_54 = arith.constant 0 : i32
          %dma_start3A_55 = tpu.memref_slice %arg9[%dma_start3A_53, %dma_start3A_54] : memref<80x128xf32, #tpu.memory_space<vmem>> -> memref<80x128xf32, #tpu.memory_space<vmem>>
          %dma_start3A_56 = arith.constant 0 : i32
          %dma_start3A_57 = tpu.memref_slice %arg10[%multiple_of3A_44, %dma_start3A_56] : memref<10000x128xf32, #tpu.memory_space<vmem_shared>> -> memref<80x128xf32, #tpu.memory_space<vmem_shared>>
          tpu.enqueue_dma source(%dma_start3A_57 : memref<80x128xf32, #tpu.memory_space<vmem_shared>>) target(%dma_start3A_55 : memref<80x128xf32, #tpu.memory_space<vmem>>) target_semaphore(%run_scoped3A : memref<!tpu.dma_semaphore, #tpu.memory_space<semaphore_mem>>)
          %dma_wait3A = arith.constant 0 : i32
          %dma_wait3A_58 = arith.constant 0 : i32
          %dma_wait3A_59 = tpu.memref_slice %arg9[%dma_wait3A, %dma_wait3A_58] : memref<80x128xf32, #tpu.memory_space<vmem>> -> memref<80x128xf32, #tpu.memory_space<vmem>>
          %dma_wait3A_60 = arith.constant 0 : i32
          %dma_wait3A_61 = tpu.memref_slice %arg10[%multiple_of3A_44, %dma_wait3A_60] : memref<10000x128xf32, #tpu.memory_space<vmem_shared>> -> memref<80x128xf32, #tpu.memory_space<vmem_shared>>
          %dma_wait3A_62 = arith.constant 0 : i32
          %dma_wait3A_63 = arith.constant 0 : i32
          %dma_wait3A_64 = tpu.memref_slice %arg9[%dma_wait3A_62, %dma_wait3A_63] : memref<80x128xf32, #tpu.memory_space<vmem>> -> memref<80x128xf32, #tpu.memory_space<vmem>>
          %dma_wait3A_65 = arith.constant 0 : i32
          %dma_wait3A_66 = tpu.memref_slice %arg10[%multiple_of3A_44, %dma_wait3A_65] : memref<10000x128xf32, #tpu.memory_space<vmem_shared>> -> memref<80x128xf32, #tpu.memory_space<vmem_shared>>
          tpu.wait_dma2 semaphore(%run_scoped3A : memref<!tpu.dma_semaphore, #tpu.memory_space<semaphore_mem>>) src(%dma_wait3A_66 : memref<80x128xf32, #tpu.memory_space<vmem_shared>>) dst(%dma_wait3A_64 : memref<80x128xf32, #tpu.memory_space<vmem>>)
          tpu.yield
        }) : () -> ()
        "tpu.region"() ({
          %run_scoped3A = tpu.sem_alloc : memref<!tpu.dma_semaphore, #tpu.memory_space<semaphore_mem>>
          %dma_start3A = arith.constant 0 : i32
          %dma_start3A_49 = arith.constant 0 : i32
          %dma_start3A_50 = tpu.memref_slice %arg9[%dma_start3A, %dma_start3A_49] : memref<80x128xf32, #tpu.memory_space<vmem>> -> memref<80x128xf32, #tpu.memory_space<vmem>>
          %dma_start3A_51 = arith.constant 0 : i32
          %dma_start3A_52 = tpu.memref_slice %arg6[%multiple_of3A_48, %dma_start3A_51] : memref<20000x128xf32, #tpu.memory_space<hbm>> -> memref<80x128xf32, #tpu.memory_space<hbm>>
          %dma_start3A_53 = arith.constant 0 : i32
          %dma_start3A_54 = tpu.memref_slice %arg6[%multiple_of3A_48, %dma_start3A_53] : memref<20000x128xf32, #tpu.memory_space<hbm>> -> memref<80x128xf32, #tpu.memory_space<hbm>>
          %dma_start3A_55 = arith.constant 0 : i32
          %dma_start3A_56 = arith.constant 0 : i32
          %dma_start3A_57 = tpu.memref_slice %arg9[%dma_start3A_55, %dma_start3A_56] : memref<80x128xf32, #tpu.memory_space<vmem>> -> memref<80x128xf32, #tpu.memory_space<vmem>>
          tpu.enqueue_dma source(%dma_start3A_57 : memref<80x128xf32, #tpu.memory_space<vmem>>) target(%dma_start3A_54 : memref<80x128xf32, #tpu.memory_space<hbm>>) target_semaphore(%run_scoped3A : memref<!tpu.dma_semaphore, #tpu.memory_space<semaphore_mem>>)
          %dma_wait3A = arith.constant 0 : i32
          %dma_wait3A_58 = arith.constant 0 : i32
          %dma_wait3A_59 = tpu.memref_slice %arg9[%dma_wait3A, %dma_wait3A_58] : memref<80x128xf32, #tpu.memory_space<vmem>> -> memref<80x128xf32, #tpu.memory_space<vmem>>
          %dma_wait3A_60 = arith.constant 0 : i32
          %dma_wait3A_61 = tpu.memref_slice %arg6[%multiple_of3A_48, %dma_wait3A_60] : memref<20000x128xf32, #tpu.memory_space<hbm>> -> memref<80x128xf32, #tpu.memory_space<hbm>>
          %dma_wait3A_62 = arith.constant 0 : i32
          %dma_wait3A_63 = tpu.memref_slice %arg6[%multiple_of3A_48, %dma_wait3A_62] : memref<20000x128xf32, #tpu.memory_space<hbm>> -> memref<80x128xf32, #tpu.memory_space<hbm>>
          %dma_wait3A_64 = arith.constant 0 : i32
          %dma_wait3A_65 = arith.constant 0 : i32
          %dma_wait3A_66 = tpu.memref_slice %arg9[%dma_wait3A_64, %dma_wait3A_65] : memref<80x128xf32, #tpu.memory_space<vmem>> -> memref<80x128xf32, #tpu.memory_space<vmem>>
          tpu.wait_dma2 semaphore(%run_scoped3A : memref<!tpu.dma_semaphore, #tpu.memory_space<semaphore_mem>>) src(%dma_wait3A_66 : memref<80x128xf32, #tpu.memory_space<vmem>>) dst(%dma_wait3A_63 : memref<80x128xf32, #tpu.memory_space<hbm>>)
          tpu.yield
        }) : () -> ()
      }
      %scan3A_32 = arith.constant 7 : i32
      %add3A_33 = arith.constant 560 : i32
      %add3A_34 = arith.addi %multiple_of3A, %add3A_33 : i32
      %multiple_of3A_35 = tpu.assume_multiple %add3A_34, 8 : i32
      %mul3A_36 = arith.constant 10000 : i32
      %mul3A_37 = arith.muli %arg0, %mul3A_36 : i32
      %add3A_38 = arith.addi %mul3A_37, %multiple_of3A_35 : i32
      %multiple_of3A_39 = tpu.assume_multiple %add3A_38, 8 : i32
      "tpu.region"() ({
        %run_scoped3A = tpu.sem_alloc : memref<!tpu.dma_semaphore, #tpu.memory_space<semaphore_mem>>
        %dma_start3A = arith.constant 0 : i32
        %dma_start3A_40 = arith.constant 0 : i32
        %dma_start3A_41 = tpu.memref_slice %arg9[%dma_start3A, %dma_start3A_40] : memref<80x128xf32, #tpu.memory_space<vmem>> -> memref<64x128xf32, #tpu.memory_space<vmem>>
        %dma_start3A_42 = arith.constant 0 : i32
        %dma_start3A_43 = tpu.memref_slice %arg10[%multiple_of3A_35, %dma_start3A_42] : memref<10000x128xf32, #tpu.memory_space<vmem_shared>> -> memref<64x128xf32, #tpu.memory_space<vmem_shared>>
        %dma_start3A_44 = arith.constant 0 : i32
        %dma_start3A_45 = arith.constant 0 : i32
        %dma_start3A_46 = tpu.memref_slice %arg9[%dma_start3A_44, %dma_start3A_45] : memref<80x128xf32, #tpu.memory_space<vmem>> -> memref<64x128xf32, #tpu.memory_space<vmem>>
        %dma_start3A_47 = arith.constant 0 : i32
        %dma_start3A_48 = tpu.memref_slice %arg10[%multiple_of3A_35, %dma_start3A_47] : memref<10000x128xf32, #tpu.memory_space<vmem_shared>> -> memref<64x128xf32, #tpu.memory_space<vmem_shared>>
        tpu.enqueue_dma source(%dma_start3A_48 : memref<64x128xf32, #tpu.memory_space<vmem_shared>>) target(%dma_start3A_46 : memref<64x128xf32, #tpu.memory_space<vmem>>) target_semaphore(%run_scoped3A : memref<!tpu.dma_semaphore, #tpu.memory_space<semaphore_mem>>)
        %dma_wait3A = arith.constant 0 : i32
        %dma_wait3A_49 = arith.constant 0 : i32
        %dma_wait3A_50 = tpu.memref_slice %arg9[%dma_wait3A, %dma_wait3A_49] : memref<80x128xf32, #tpu.memory_space<vmem>> -> memref<64x128xf32, #tpu.memory_space<vmem>>
        %dma_wait3A_51 = arith.constant 0 : i32
        %dma_wait3A_52 = tpu.memref_slice %arg10[%multiple_of3A_35, %dma_wait3A_51] : memref<10000x128xf32, #tpu.memory_space<vmem_shared>> -> memref<64x128xf32, #tpu.memory_space<vmem_shared>>
        %dma_wait3A_53 = arith.constant 0 : i32
        %dma_wait3A_54 = arith.constant 0 : i32
        %dma_wait3A_55 = tpu.memref_slice %arg9[%dma_wait3A_53, %dma_wait3A_54] : memref<80x128xf32, #tpu.memory_space<vmem>> -> memref<64x128xf32, #tpu.memory_space<vmem>>
        %dma_wait3A_56 = arith.constant 0 : i32
        %dma_wait3A_57 = tpu.memref_slice %arg10[%multiple_of3A_35, %dma_wait3A_56] : memref<10000x128xf32, #tpu.memory_space<vmem_shared>> -> memref<64x128xf32, #tpu.memory_space<vmem_shared>>
        tpu.wait_dma2 semaphore(%run_scoped3A : memref<!tpu.dma_semaphore, #tpu.memory_space<semaphore_mem>>) src(%dma_wait3A_57 : memref<64x128xf32, #tpu.memory_space<vmem_shared>>) dst(%dma_wait3A_55 : memref<64x128xf32, #tpu.memory_space<vmem>>)
        tpu.yield
      }) : () -> ()
      "tpu.region"() ({
        %run_scoped3A = tpu.sem_alloc : memref<!tpu.dma_semaphore, #tpu.memory_space<semaphore_mem>>
        %dma_start3A = arith.constant 0 : i32
        %dma_start3A_40 = arith.constant 0 : i32
        %dma_start3A_41 = tpu.memref_slice %arg9[%dma_start3A, %dma_start3A_40] : memref<80x128xf32, #tpu.memory_space<vmem>> -> memref<64x128xf32, #tpu.memory_space<vmem>>
        %dma_start3A_42 = arith.constant 0 : i32
        %dma_start3A_43 = tpu.memref_slice %arg6[%multiple_of3A_39, %dma_start3A_42] : memref<20000x128xf32, #tpu.memory_space<hbm>> -> memref<64x128xf32, #tpu.memory_space<hbm>>
        %dma_start3A_44 = arith.constant 0 : i32
        %dma_start3A_45 = tpu.memref_slice %arg6[%multiple_of3A_39, %dma_start3A_44] : memref<20000x128xf32, #tpu.memory_space<hbm>> -> memref<64x128xf32, #tpu.memory_space<hbm>>
        %dma_start3A_46 = arith.constant 0 : i32
        %dma_start3A_47 = arith.constant 0 : i32
        %dma_start3A_48 = tpu.memref_slice %arg9[%dma_start3A_46, %dma_start3A_47] : memref<80x128xf32, #tpu.memory_space<vmem>> -> memref<64x128xf32, #tpu.memory_space<vmem>>
        tpu.enqueue_dma source(%dma_start3A_48 : memref<64x128xf32, #tpu.memory_space<vmem>>) target(%dma_start3A_45 : memref<64x128xf32, #tpu.memory_space<hbm>>) target_semaphore(%run_scoped3A : memref<!tpu.dma_semaphore, #tpu.memory_space<semaphore_mem>>)
        %dma_wait3A = arith.constant 0 : i32
        %dma_wait3A_49 = arith.constant 0 : i32
        %dma_wait3A_50 = tpu.memref_slice %arg9[%dma_wait3A, %dma_wait3A_49] : memref<80x128xf32, #tpu.memory_space<vmem>> -> memref<64x128xf32, #tpu.memory_space<vmem>>
        %dma_wait3A_51 = arith.constant 0 : i32
        %dma_wait3A_52 = tpu.memref_slice %arg6[%multiple_of3A_39, %dma_wait3A_51] : memref<20000x128xf32, #tpu.memory_space<hbm>> -> memref<64x128xf32, #tpu.memory_space<hbm>>
        %dma_wait3A_53 = arith.constant 0 : i32
        %dma_wait3A_54 = tpu.memref_slice %arg6[%multiple_of3A_39, %dma_wait3A_53] : memref<20000x128xf32, #tpu.memory_space<hbm>> -> memref<64x128xf32, #tpu.memory_space<hbm>>
        %dma_wait3A_55 = arith.constant 0 : i32
        %dma_wait3A_56 = arith.constant 0 : i32
        %dma_wait3A_57 = tpu.memref_slice %arg9[%dma_wait3A_55, %dma_wait3A_56] : memref<80x128xf32, #tpu.memory_space<vmem>> -> memref<64x128xf32, #tpu.memory_space<vmem>>
        tpu.wait_dma2 semaphore(%run_scoped3A : memref<!tpu.dma_semaphore, #tpu.memory_space<semaphore_mem>>) src(%dma_wait3A_57 : memref<64x128xf32, #tpu.memory_space<vmem>>) dst(%dma_wait3A_54 : memref<64x128xf32, #tpu.memory_space<hbm>>)
        tpu.yield
      }) : () -> ()
    } else {
    }
    %eq3A_20 = arith.constant 15 : i32
    %eq3A_21 = arith.cmpi eq, %arg1, %eq3A_20 : i32
    %convert_element_type3A_22 = arith.extui %eq3A_21 : i1 to i32
    %cond3A_23 = arith.constant 0 : i32
    %cond3A_24 = arith.cmpi ne, %convert_element_type3A_22, %cond3A_23 : i32
    scf.if %cond3A_24 {
      %scan3A_25 = arith.constant 0 : i32
      %scan3A_26 = arith.constant 0 : i32
      %scan3A_27 = arith.constant 8 : i32
      %scan3A_28 = arith.addi %scan3A_26, %scan3A_27 : i32
      %scan3A_29 = arith.constant 1 : i32
      scf.for %scan3A_31 = %scan3A_26 to %scan3A_28 step %scan3A_29  : i32 {
        %mul3A_32 = arith.constant 80 : i32
        %mul3A_33 = arith.muli %scan3A_31, %mul3A_32 : i32
        %add3A_34 = arith.constant 9360 : i32
        %add3A_35 = arith.addi %add3A_34, %mul3A_33 : i32
        %multiple_of3A = tpu.assume_multiple %add3A_35, 8 : i32
        %mul3A_36 = arith.constant 10000 : i32
        %mul3A_37 = arith.muli %arg0, %mul3A_36 : i32
        %add3A_38 = arith.addi %mul3A_37, %multiple_of3A : i32
        %multiple_of3A_39 = tpu.assume_multiple %add3A_38, 8 : i32
        "tpu.region"() ({
          %run_scoped3A = tpu.sem_alloc : memref<!tpu.dma_semaphore, #tpu.memory_space<semaphore_mem>>
          %dma_start3A = arith.constant 0 : i32
          %dma_start3A_40 = arith.constant 0 : i32
          %dma_start3A_41 = tpu.memref_slice %arg9[%dma_start3A, %dma_start3A_40] : memref<80x128xf32, #tpu.memory_space<vmem>> -> memref<80x128xf32, #tpu.memory_space<vmem>>
          %dma_start3A_42 = arith.constant 0 : i32
          %dma_start3A_43 = tpu.memref_slice %arg10[%multiple_of3A, %dma_start3A_42] : memref<10000x128xf32, #tpu.memory_space<vmem_shared>> -> memref<80x128xf32, #tpu.memory_space<vmem_shared>>
          %dma_start3A_44 = arith.constant 0 : i32
          %dma_start3A_45 = arith.constant 0 : i32
          %dma_start3A_46 = tpu.memref_slice %arg9[%dma_start3A_44, %dma_start3A_45] : memref<80x128xf32, #tpu.memory_space<vmem>> -> memref<80x128xf32, #tpu.memory_space<vmem>>
          %dma_start3A_47 = arith.constant 0 : i32
          %dma_start3A_48 = tpu.memref_slice %arg10[%multiple_of3A, %dma_start3A_47] : memref<10000x128xf32, #tpu.memory_space<vmem_shared>> -> memref<80x128xf32, #tpu.memory_space<vmem_shared>>
          tpu.enqueue_dma source(%dma_start3A_48 : memref<80x128xf32, #tpu.memory_space<vmem_shared>>) target(%dma_start3A_46 : memref<80x128xf32, #tpu.memory_space<vmem>>) target_semaphore(%run_scoped3A : memref<!tpu.dma_semaphore, #tpu.memory_space<semaphore_mem>>)
          %dma_wait3A = arith.constant 0 : i32
          %dma_wait3A_49 = arith.constant 0 : i32
          %dma_wait3A_50 = tpu.memref_slice %arg9[%dma_wait3A, %dma_wait3A_49] : memref<80x128xf32, #tpu.memory_space<vmem>> -> memref<80x128xf32, #tpu.memory_space<vmem>>
          %dma_wait3A_51 = arith.constant 0 : i32
          %dma_wait3A_52 = tpu.memref_slice %arg10[%multiple_of3A, %dma_wait3A_51] : memref<10000x128xf32, #tpu.memory_space<vmem_shared>> -> memref<80x128xf32, #tpu.memory_space<vmem_shared>>
          %dma_wait3A_53 = arith.constant 0 : i32
          %dma_wait3A_54 = arith.constant 0 : i32
          %dma_wait3A_55 = tpu.memref_slice %arg9[%dma_wait3A_53, %dma_wait3A_54] : memref<80x128xf32, #tpu.memory_space<vmem>> -> memref<80x128xf32, #tpu.memory_space<vmem>>
          %dma_wait3A_56 = arith.constant 0 : i32
          %dma_wait3A_57 = tpu.memref_slice %arg10[%multiple_of3A, %dma_wait3A_56] : memref<10000x128xf32, #tpu.memory_space<vmem_shared>> -> memref<80x128xf32, #tpu.memory_space<vmem_shared>>
          tpu.wait_dma2 semaphore(%run_scoped3A : memref<!tpu.dma_semaphore, #tpu.memory_space<semaphore_mem>>) src(%dma_wait3A_57 : memref<80x128xf32, #tpu.memory_space<vmem_shared>>) dst(%dma_wait3A_55 : memref<80x128xf32, #tpu.memory_space<vmem>>)
          tpu.yield
        }) : () -> ()
        "tpu.region"() ({
          %run_scoped3A = tpu.sem_alloc : memref<!tpu.dma_semaphore, #tpu.memory_space<semaphore_mem>>
          %dma_start3A = arith.constant 0 : i32
          %dma_start3A_40 = arith.constant 0 : i32
          %dma_start3A_41 = tpu.memref_slice %arg9[%dma_start3A, %dma_start3A_40] : memref<80x128xf32, #tpu.memory_space<vmem>> -> memref<80x128xf32, #tpu.memory_space<vmem>>
          %dma_start3A_42 = arith.constant 0 : i32
          %dma_start3A_43 = tpu.memref_slice %arg6[%multiple_of3A_39, %dma_start3A_42] : memref<20000x128xf32, #tpu.memory_space<hbm>> -> memref<80x128xf32, #tpu.memory_space<hbm>>
          %dma_start3A_44 = arith.constant 0 : i32
          %dma_start3A_45 = tpu.memref_slice %arg6[%multiple_of3A_39, %dma_start3A_44] : memref<20000x128xf32, #tpu.memory_space<hbm>> -> memref<80x128xf32, #tpu.memory_space<hbm>>
          %dma_start3A_46 = arith.constant 0 : i32
          %dma_start3A_47 = arith.constant 0 : i32
          %dma_start3A_48 = tpu.memref_slice %arg9[%dma_start3A_46, %dma_start3A_47] : memref<80x128xf32, #tpu.memory_space<vmem>> -> memref<80x128xf32, #tpu.memory_space<vmem>>
          tpu.enqueue_dma source(%dma_start3A_48 : memref<80x128xf32, #tpu.memory_space<vmem>>) target(%dma_start3A_45 : memref<80x128xf32, #tpu.memory_space<hbm>>) target_semaphore(%run_scoped3A : memref<!tpu.dma_semaphore, #tpu.memory_space<semaphore_mem>>)
          %dma_wait3A = arith.constant 0 : i32
          %dma_wait3A_49 = arith.constant 0 : i32
          %dma_wait3A_50 = tpu.memref_slice %arg9[%dma_wait3A, %dma_wait3A_49] : memref<80x128xf32, #tpu.memory_space<vmem>> -> memref<80x128xf32, #tpu.memory_space<vmem>>
          %dma_wait3A_51 = arith.constant 0 : i32
          %dma_wait3A_52 = tpu.memref_slice %arg6[%multiple_of3A_39, %dma_wait3A_51] : memref<20000x128xf32, #tpu.memory_space<hbm>> -> memref<80x128xf32, #tpu.memory_space<hbm>>
          %dma_wait3A_53 = arith.constant 0 : i32
          %dma_wait3A_54 = tpu.memref_slice %arg6[%multiple_of3A_39, %dma_wait3A_53] : memref<20000x128xf32, #tpu.memory_space<hbm>> -> memref<80x128xf32, #tpu.memory_space<hbm>>
          %dma_wait3A_55 = arith.constant 0 : i32
          %dma_wait3A_56 = arith.constant 0 : i32
          %dma_wait3A_57 = tpu.memref_slice %arg9[%dma_wait3A_55, %dma_wait3A_56] : memref<80x128xf32, #tpu.memory_space<vmem>> -> memref<80x128xf32, #tpu.memory_space<vmem>>
          tpu.wait_dma2 semaphore(%run_scoped3A : memref<!tpu.dma_semaphore, #tpu.memory_space<semaphore_mem>>) src(%dma_wait3A_57 : memref<80x128xf32, #tpu.memory_space<vmem>>) dst(%dma_wait3A_54 : memref<80x128xf32, #tpu.memory_space<hbm>>)
          tpu.yield
        }) : () -> ()
      }
      %scan3A_30 = arith.constant 8 : i32
    } else {
    }
    return
  }
}

module attributes {stable_mosaic.version = 14 : i64} {
  func.func @_dense_body(%arg0: i32, %arg1: memref<2000x128xf32, #tpu.memory_space<vmem>>, %arg2: memref<2x2000x128xf32, #tpu.memory_space<vmem>>, %arg3: memref<2x2000x128xf32, #tpu.memory_space<vmem>>, %arg4: memref<128x128xf32, #tpu.memory_space<vmem>>, %arg5: memref<128x128xf32, #tpu.memory_space<vmem>>, %arg6: memref<1x128xf32, #tpu.memory_space<vmem>>, %arg7: memref<2000x128xf32, #tpu.memory_space<vmem>>) attributes {dimension_semantics = [#tpu.dimension_semantics<arbitrary>], iteration_bounds = array<i64: 5>, scalar_prefetch = 0 : i64, scratch_operands = 0 : i64, tpu.core_type = #tpu.core_type<tc>, window_params = [{transform_indices = @transform_0, window_bounds = array<i64: 2000, 128>}, {transform_indices = @transform_1, window_bounds = array<i64: 2, 2000, 128>}, {transform_indices = @transform_2, window_bounds = array<i64: 2, 2000, 128>}, {pipeline_mode = #tpu.pipeline_mode<synchronous>, transform_indices = @transform_3, window_bounds = array<i64: 128, 128>}, {pipeline_mode = #tpu.pipeline_mode<synchronous>, transform_indices = @transform_4, window_bounds = array<i64: 128, 128>}, {pipeline_mode = #tpu.pipeline_mode<synchronous>, transform_indices = @transform_5, window_bounds = array<i64: 1, 128>}, {transform_indices = @transform_6, window_bounds = array<i64: 2000, 128>}]} {
    %get3A = arith.constant 0 : index
    %get3A_0 = arith.constant 0 : index
    %get3A_1 = arith.constant 0 : index
    %get3A_2 = vector.load %arg3[%get3A, %get3A_0, %get3A_1] : memref<2x2000x128xf32, #tpu.memory_space<vmem>>, vector<1x2000x1xf32>
    %get3A_3 = vector.shape_cast %get3A_2 : vector<1x2000x1xf32> to vector<2000x1xf32>
    %get3A_4 = arith.constant 1 : index
    %get3A_5 = arith.constant 0 : index
    %get3A_6 = arith.constant 0 : index
    %get3A_7 = vector.load %arg3[%get3A_4, %get3A_5, %get3A_6] : memref<2x2000x128xf32, #tpu.memory_space<vmem>>, vector<1x2000x1xf32>
    %get3A_8 = vector.shape_cast %get3A_7 : vector<1x2000x1xf32> to vector<2000x1xf32>
    %add3A = arith.addf %get3A_3, %get3A_8 : vector<2000x1xf32>
    %get3A_9 = arith.constant 0 : index
    %get3A_10 = arith.constant 0 : index
    %get3A_11 = arith.constant 0 : index
    %get3A_12 = vector.load %arg2[%get3A_9, %get3A_10, %get3A_11] : memref<2x2000x128xf32, #tpu.memory_space<vmem>>, vector<1x2000x128xf32>
    %get3A_13 = vector.shape_cast %get3A_12 : vector<1x2000x128xf32> to vector<2000x128xf32>
    %get3A_14 = arith.constant 1 : index
    %get3A_15 = arith.constant 0 : index
    %get3A_16 = arith.constant 0 : index
    %get3A_17 = vector.load %arg2[%get3A_14, %get3A_15, %get3A_16] : memref<2x2000x128xf32, #tpu.memory_space<vmem>>, vector<1x2000x128xf32>
    %get3A_18 = vector.shape_cast %get3A_17 : vector<1x2000x128xf32> to vector<2000x128xf32>
    %add3A_19 = arith.addf %get3A_13, %get3A_18 : vector<2000x128xf32>
    %max3A = arith.constant 1.000000e+00 : f32
    %max3A_20 = vector.broadcast %max3A : f32 to vector<2000x1xf32>
    %max3A_21 = arith.maximumf %add3A, %max3A_20 : vector<2000x1xf32>
    %div3A = vector.broadcast %max3A_21 : vector<2000x1xf32> to vector<2000x128xf32>
    %div3A_22 = arith.divf %add3A_19, %div3A : vector<2000x128xf32>
    %get3A_23 = arith.constant 0 : index
    %get3A_24 = arith.constant 0 : index
    %get3A_25 = vector.load %arg4[%get3A_23, %get3A_24] : memref<128x128xf32, #tpu.memory_space<vmem>>, vector<128x128xf32>
    %dot_general3A = arith.constant dense<0.000000e+00> : vector<2000x128xf32>
    %dot_general3A_26 = tpu.matmul %div3A_22, %get3A_25, %dot_general3A {dimension_numbers = #tpu.dot_dimension_numbers<[1], [0], [0], [1], [0, 0, 1, 1], [], []>, transpose_lhs_hint = false} : vector<2000x128xf32>, vector<128x128xf32>, vector<2000x128xf32> -> vector<2000x128xf32>
    %get3A_27 = arith.constant 0 : index
    %get3A_28 = arith.constant 0 : index
    %get3A_29 = vector.load %arg1[%get3A_27, %get3A_28] : memref<2000x128xf32, #tpu.memory_space<vmem>>, vector<2000x128xf32>
    %get3A_30 = arith.constant 0 : index
    %get3A_31 = arith.constant 0 : index
    %get3A_32 = vector.load %arg5[%get3A_30, %get3A_31] : memref<128x128xf32, #tpu.memory_space<vmem>>, vector<128x128xf32>
    %dot_general3A_33 = arith.constant dense<0.000000e+00> : vector<2000x128xf32>
    %dot_general3A_34 = tpu.matmul %get3A_29, %get3A_32, %dot_general3A_33 {dimension_numbers = #tpu.dot_dimension_numbers<[1], [0], [0], [1], [0, 0, 1, 1], [], []>, transpose_lhs_hint = false} : vector<2000x128xf32>, vector<128x128xf32>, vector<2000x128xf32> -> vector<2000x128xf32>
    %add3A_35 = arith.addf %dot_general3A_26, %dot_general3A_34 : vector<2000x128xf32>
    %get3A_36 = arith.constant 0 : index
    %get3A_37 = arith.constant 0 : index
    %get3A_38 = vector.load %arg6[%get3A_36, %get3A_37] : memref<1x128xf32, #tpu.memory_space<vmem>>, vector<1x128xf32>
    %add3A_39 = vector.broadcast %get3A_38 : vector<1x128xf32> to vector<2000x128xf32>
    %add3A_40 = arith.addf %add3A_35, %add3A_39 : vector<2000x128xf32>
    %mul3A = arith.mulf %add3A_40, %add3A_40 : vector<2000x128xf32>
    %reduce_sum3A = arith.constant dense<0.000000e+00> : vector<2000xf32>
    %reduce_sum3A_41 = vector.multi_reduction <add>, %mul3A, %reduce_sum3A [1] : vector<2000x128xf32> to vector<2000xf32>
    %broadcast_in_dim3A = vector.shape_cast %reduce_sum3A_41 : vector<2000xf32> to vector<2000x1xf32>
    %max3A_42 = arith.constant 1.000000e-24 : f32
    %max3A_43 = vector.broadcast %max3A_42 : f32 to vector<2000x1xf32>
    %max3A_44 = arith.maximumf %broadcast_in_dim3A, %max3A_43 : vector<2000x1xf32>
    %rsqrt3A = math.rsqrt %max3A_44 : vector<2000x1xf32>
    %mul3A_45 = vector.broadcast %rsqrt3A : vector<2000x1xf32> to vector<2000x128xf32>
    %mul3A_46 = arith.mulf %add3A_40, %mul3A_45 : vector<2000x128xf32>
    %max3A_47 = arith.constant 0.000000e+00 : f32
    %max3A_48 = vector.broadcast %max3A_47 : f32 to vector<2000x128xf32>
    %max3A_49 = arith.maximumf %mul3A_46, %max3A_48 : vector<2000x128xf32>
    %swap3A = arith.constant 0 : index
    %swap3A_50 = arith.constant 0 : index
    %swap3A_51 = vector.load %arg7[%swap3A, %swap3A_50] : memref<2000x128xf32, #tpu.memory_space<vmem>>, vector<2000x128xf32>
    tpu.vector_store %arg7[%swap3A, %swap3A_50], %max3A_49 {strides = array<i32>} : memref<2000x128xf32, #tpu.memory_space<vmem>>, vector<2000x128xf32>,
    return
  }
  func.func @transform_0(%arg0: i32) -> (i32, i32) {
    %c0_i32 = arith.constant 0 : i32
    %c0_i32_0 = arith.constant 0 : i32
    return %arg0, %c0_i32 : i32, i32
  }
  func.func @transform_1(%arg0: i32) -> (i32, i32, i32) {
    %c0_i32 = arith.constant 0 : i32
    %c0_i32_0 = arith.constant 0 : i32
    %c0_i32_1 = arith.constant 0 : i32
    return %c0_i32, %arg0, %c0_i32_0 : i32, i32, i32
  }
  func.func @transform_2(%arg0: i32) -> (i32, i32, i32) {
    %c0_i32 = arith.constant 0 : i32
    %c0_i32_0 = arith.constant 0 : i32
    %c0_i32_1 = arith.constant 0 : i32
    return %c0_i32, %arg0, %c0_i32_0 : i32, i32, i32
  }
  func.func @transform_3(%arg0: i32) -> (i32, i32) {
    %c0_i32 = arith.constant 0 : i32
    %c0_i32_0 = arith.constant 0 : i32
    %c0_i32_1 = arith.constant 0 : i32
    return %c0_i32, %c0_i32_0 : i32, i32
  }
  func.func @transform_4(%arg0: i32) -> (i32, i32) {
    %c0_i32 = arith.constant 0 : i32
    %c0_i32_0 = arith.constant 0 : i32
    %c0_i32_1 = arith.constant 0 : i32
    return %c0_i32, %c0_i32_0 : i32, i32
  }
  func.func @transform_5(%arg0: i32) -> (i32, i32) {
    %c0_i32 = arith.constant 0 : i32
    %c0_i32_0 = arith.constant 0 : i32
    %c0_i32_1 = arith.constant 0 : i32
    return %c0_i32, %c0_i32_0 : i32, i32
  }
  func.func @transform_6(%arg0: i32) -> (i32, i32) {
    %c0_i32 = arith.constant 0 : i32
    %c0_i32_0 = arith.constant 0 : i32
    return %arg0, %c0_i32 : i32, i32
  }
}

module attributes {stable_mosaic.version = 14 : i64} {
  func.func @_dense_body(%arg0: i32, %arg1: memref<2000x128xf32, #tpu.memory_space<vmem>>, %arg2: memref<2x2000x128xf32, #tpu.memory_space<vmem>>, %arg3: memref<2x2000x128xf32, #tpu.memory_space<vmem>>, %arg4: memref<128x128xf32, #tpu.memory_space<vmem>>, %arg5: memref<128x128xf32, #tpu.memory_space<vmem>>, %arg6: memref<1x128xf32, #tpu.memory_space<vmem>>, %arg7: memref<2000x128xf32, #tpu.memory_space<vmem>>) attributes {dimension_semantics = [#tpu.dimension_semantics<arbitrary>], iteration_bounds = array<i64: 5>, scalar_prefetch = 0 : i64, scratch_operands = 0 : i64, tpu.core_type = #tpu.core_type<tc>, window_params = [{transform_indices = @transform_0, window_bounds = array<i64: 2000, 128>}, {transform_indices = @transform_1, window_bounds = array<i64: 2, 2000, 128>}, {transform_indices = @transform_2, window_bounds = array<i64: 2, 2000, 128>}, {pipeline_mode = #tpu.pipeline_mode<synchronous>, transform_indices = @transform_3, window_bounds = array<i64: 128, 128>}, {pipeline_mode = #tpu.pipeline_mode<synchronous>, transform_indices = @transform_4, window_bounds = array<i64: 128, 128>}, {pipeline_mode = #tpu.pipeline_mode<synchronous>, transform_indices = @transform_5, window_bounds = array<i64: 1, 128>}, {transform_indices = @transform_6, window_bounds = array<i64: 2000, 128>}]} {
    %get3A = arith.constant 0 : index
    %get3A_0 = arith.constant 0 : index
    %get3A_1 = arith.constant 0 : index
    %get3A_2 = vector.load %arg3[%get3A, %get3A_0, %get3A_1] : memref<2x2000x128xf32, #tpu.memory_space<vmem>>, vector<1x2000x1xf32>
    %get3A_3 = vector.shape_cast %get3A_2 : vector<1x2000x1xf32> to vector<2000x1xf32>
    %get3A_4 = arith.constant 1 : index
    %get3A_5 = arith.constant 0 : index
    %get3A_6 = arith.constant 0 : index
    %get3A_7 = vector.load %arg3[%get3A_4, %get3A_5, %get3A_6] : memref<2x2000x128xf32, #tpu.memory_space<vmem>>, vector<1x2000x1xf32>
    %get3A_8 = vector.shape_cast %get3A_7 : vector<1x2000x1xf32> to vector<2000x1xf32>
    %add3A = arith.addf %get3A_3, %get3A_8 : vector<2000x1xf32>
    %get3A_9 = arith.constant 0 : index
    %get3A_10 = arith.constant 0 : index
    %get3A_11 = arith.constant 0 : index
    %get3A_12 = vector.load %arg2[%get3A_9, %get3A_10, %get3A_11] : memref<2x2000x128xf32, #tpu.memory_space<vmem>>, vector<1x2000x128xf32>
    %get3A_13 = vector.shape_cast %get3A_12 : vector<1x2000x128xf32> to vector<2000x128xf32>
    %get3A_14 = arith.constant 1 : index
    %get3A_15 = arith.constant 0 : index
    %get3A_16 = arith.constant 0 : index
    %get3A_17 = vector.load %arg2[%get3A_14, %get3A_15, %get3A_16] : memref<2x2000x128xf32, #tpu.memory_space<vmem>>, vector<1x2000x128xf32>
    %get3A_18 = vector.shape_cast %get3A_17 : vector<1x2000x128xf32> to vector<2000x128xf32>
    %add3A_19 = arith.addf %get3A_13, %get3A_18 : vector<2000x128xf32>
    %max3A = arith.constant 1.000000e+00 : f32
    %max3A_20 = vector.broadcast %max3A : f32 to vector<2000x1xf32>
    %max3A_21 = arith.maximumf %add3A, %max3A_20 : vector<2000x1xf32>
    %div3A = vector.broadcast %max3A_21 : vector<2000x1xf32> to vector<2000x128xf32>
    %div3A_22 = arith.divf %add3A_19, %div3A : vector<2000x128xf32>
    %get3A_23 = arith.constant 0 : index
    %get3A_24 = arith.constant 0 : index
    %get3A_25 = vector.load %arg4[%get3A_23, %get3A_24] : memref<128x128xf32, #tpu.memory_space<vmem>>, vector<128x128xf32>
    %dot_general3A = arith.constant dense<0.000000e+00> : vector<2000x128xf32>
    %dot_general3A_26 = tpu.matmul %div3A_22, %get3A_25, %dot_general3A {dimension_numbers = #tpu.dot_dimension_numbers<[1], [0], [0], [1], [0, 0, 1, 1], [], []>, transpose_lhs_hint = false} : vector<2000x128xf32>, vector<128x128xf32>, vector<2000x128xf32> -> vector<2000x128xf32>
    %get3A_27 = arith.constant 0 : index
    %get3A_28 = arith.constant 0 : index
    %get3A_29 = vector.load %arg1[%get3A_27, %get3A_28] : memref<2000x128xf32, #tpu.memory_space<vmem>>, vector<2000x128xf32>
    %get3A_30 = arith.constant 0 : index
    %get3A_31 = arith.constant 0 : index
    %get3A_32 = vector.load %arg5[%get3A_30, %get3A_31] : memref<128x128xf32, #tpu.memory_space<vmem>>, vector<128x128xf32>
    %dot_general3A_33 = arith.constant dense<0.000000e+00> : vector<2000x128xf32>
    %dot_general3A_34 = tpu.matmul %get3A_29, %get3A_32, %dot_general3A_33 {dimension_numbers = #tpu.dot_dimension_numbers<[1], [0], [0], [1], [0, 0, 1, 1], [], []>, transpose_lhs_hint = false} : vector<2000x128xf32>, vector<128x128xf32>, vector<2000x128xf32> -> vector<2000x128xf32>
    %add3A_35 = arith.addf %dot_general3A_26, %dot_general3A_34 : vector<2000x128xf32>
    %get3A_36 = arith.constant 0 : index
    %get3A_37 = arith.constant 0 : index
    %get3A_38 = vector.load %arg6[%get3A_36, %get3A_37] : memref<1x128xf32, #tpu.memory_space<vmem>>, vector<1x128xf32>
    %add3A_39 = vector.broadcast %get3A_38 : vector<1x128xf32> to vector<2000x128xf32>
    %add3A_40 = arith.addf %add3A_35, %add3A_39 : vector<2000x128xf32>
    %mul3A = arith.mulf %add3A_40, %add3A_40 : vector<2000x128xf32>
    %reduce_sum3A = arith.constant dense<0.000000e+00> : vector<2000xf32>
    %reduce_sum3A_41 = vector.multi_reduction <add>, %mul3A, %reduce_sum3A [1] : vector<2000x128xf32> to vector<2000xf32>
    %broadcast_in_dim3A = vector.shape_cast %reduce_sum3A_41 : vector<2000xf32> to vector<2000x1xf32>
    %max3A_42 = arith.constant 1.000000e-24 : f32
    %max3A_43 = vector.broadcast %max3A_42 : f32 to vector<2000x1xf32>
    %max3A_44 = arith.maximumf %broadcast_in_dim3A, %max3A_43 : vector<2000x1xf32>
    %rsqrt3A = math.rsqrt %max3A_44 : vector<2000x1xf32>
    %mul3A_45 = vector.broadcast %rsqrt3A : vector<2000x1xf32> to vector<2000x128xf32>
    %mul3A_46 = arith.mulf %add3A_40, %mul3A_45 : vector<2000x128xf32>
    %max3A_47 = arith.constant 0.000000e+00 : f32
    %max3A_48 = vector.broadcast %max3A_47 : f32 to vector<2000x128xf32>
    %max3A_49 = arith.maximumf %mul3A_46, %max3A_48 : vector<2000x128xf32>
    %swap3A = arith.constant 0 : index
    %swap3A_50 = arith.constant 0 : index
    %swap3A_51 = vector.load %arg7[%swap3A, %swap3A_50] : memref<2000x128xf32, #tpu.memory_space<vmem>>, vector<2000x128xf32>
    tpu.vector_store %arg7[%swap3A, %swap3A_50], %max3A_49 {strides = array<i32>} : memref<2000x128xf32, #tpu.memory_space<vmem>>, vector<2000x128xf32>,
    return
  }
  func.func @transform_0(%arg0: i32) -> (i32, i32) {
    %c0_i32 = arith.constant 0 : i32
    %c0_i32_0 = arith.constant 0 : i32
    return %arg0, %c0_i32 : i32, i32
  }
  func.func @transform_1(%arg0: i32) -> (i32, i32, i32) {
    %c0_i32 = arith.constant 0 : i32
    %c0_i32_0 = arith.constant 0 : i32
    %c0_i32_1 = arith.constant 0 : i32
    return %c0_i32, %arg0, %c0_i32_0 : i32, i32, i32
  }
  func.func @transform_2(%arg0: i32) -> (i32, i32, i32) {
    %c0_i32 = arith.constant 0 : i32
    %c0_i32_0 = arith.constant 0 : i32
    %c0_i32_1 = arith.constant 0 : i32
    return %c0_i32, %arg0, %c0_i32_0 : i32, i32, i32
  }
  func.func @transform_3(%arg0: i32) -> (i32, i32) {
    %c0_i32 = arith.constant 0 : i32
    %c0_i32_0 = arith.constant 0 : i32
    %c0_i32_1 = arith.constant 0 : i32
    return %c0_i32, %c0_i32_0 : i32, i32
  }
  func.func @transform_4(%arg0: i32) -> (i32, i32) {
    %c0_i32 = arith.constant 0 : i32
    %c0_i32_0 = arith.constant 0 : i32
    %c0_i32_1 = arith.constant 0 : i32
    return %c0_i32, %c0_i32_0 : i32, i32
  }
  func.func @transform_5(%arg0: i32) -> (i32, i32) {
    %c0_i32 = arith.constant 0 : i32
    %c0_i32_0 = arith.constant 0 : i32
    %c0_i32_1 = arith.constant 0 : i32
    return %c0_i32, %c0_i32_0 : i32, i32
  }
  func.func @transform_6(%arg0: i32) -> (i32, i32) {
    %c0_i32 = arith.constant 0 : i32
    %c0_i32_0 = arith.constant 0 : i32
    return %arg0, %c0_i32 : i32, i32
  }
}

</mosaic_0001>

<sc_bundles>
// kernel: kernel.12.cloned.1.call-start
scs
__scs_entry_jumppad:
0x0: {  	(pc) =	sbr.rel $0x88, $3  }
0x1: {  	(tag) =	ssettag $0x0;
	lr =	simm.s32 $0x1  }
0x2: {  	[smem:$0x3F96] =	sst lr;
	_ =	strace $0xD0000000  }
0x3: {  	_ = 	snop  }
0x4: {  	_ = 	snop  }
0x5: {  	_ = 	snop  }
0x6: {  	_ = 	snop  }
0x7: {  	_ = 	snop  }
__scs_overlays_trampoline_lowered:
0x8: {  	[smem:$0x3FA5] =	sst s0  }
0x9: {  	[smem:$0x3FA6] =	sst s1  }
0xa: {  	[smem:$0x3FA7] =	sst s2  }
0xb: {  	[smem:$0x3FA8] =	sst s3  }
0xc: {  	[smem:$0x3FA9] =	sst s4  }
0xd: {  	[smem:$0x3FAA] =	sst s5  }
0xe: {  	[smem:$0x3FAB] =	sst s6  }
0xf: {  	[smem:$0x3FAC] =	sst s7  }
0x10: {  	[smem:$0x3FAD] =	sst s8  }
0x11: {  	[smem:$0x3FAE] =	sst s9;
	s0 =	simm.s32 @!p0 $0x0  }
0x12: {  	s1 =	sld [smem:$0x3F94];
	s0 =	simm.s32 @p0 $0x1  }
0x13: {  	[smem:$0x3FAF] =	sst s0;
	s0 =	simm.s32 @!p1 $0x0  }
0x14: {  	s2 =	sld [smem:$0x3F93];
	s0 =	simm.s32 @p1 $0x1  }
0x15: {  	[smem:$0x3FB0] =	sst s0;
	s0 =	simm.s32 @!p2 $0x0  }
0x16: {  	s3 =	sld [smem:$0x3FDB];
	s0 =	simm.s32 @p2 $0x1  }
0x17: {  	s4 =	simm.s32 $0x1BF5;
	[smem:$0x3FB2] =	sst s0  }
0x18: {  	s0 =	sld [smem:$0x3F95];
	_ =	swait.ge [sflag:s4], $0x0  }
0x19: {  	s7 =	sld [smem:$0x3F96]  }
0x1a: {  	s8 =	sadd.s32 $0xFFFFE003, lr  }
0x1b: {  	s9 =	sadd.s32 $0xFFFFFEF7, lr;
	s5 =	simm.s32 $0xFFFFFFFF;
	p2 =	slt.u32 s8, $0xFFFFF086  }
0x1c: {  	p1 =	slt.u32 s9, $0xF7A;
	s5 =	simm.s32 @!p2 $0x0  }
0x1d: {  	s5 =	simm.s32 @p1 $0x1;
	p0 =	seq.s32 s7, s2  }
0x1e: {  	s7 =	smul.u32 @!p0 $0xF7A, s2;
	p2 =	seq.s32 @!p0 s5, $0x0  }
0x1f: {  	s9 =	smul.u32 $0xF7A, s1;
	s8 =	simm.s32 @!p0 $0x1BF5;
	p2 =	por !p2, p0  }
0x20: {  	[sflag:s8] =	ssyncset.s32 @!p0 $0xFFFFF086;
	s6 =	sadd.s32 @!p0 s3, s7;
	s7 =	simm.s32 @!p0 $0x108  }
0x21: {  	s3 =	sadd.s32 s3, s9;
	s6 =	sadd.s32 @!p0 $0x88, s6;
	s7 =	simm.s32 @p2 $0x1082  }
0x22: {  	[simem:s7], [sflag:s8] =	dma.local @!p0 [hbm:s6], $0xF7A  }
0x23: {  	s9 =	sor.u32 $0xD0000000, s2;
	s6 =	simm.s32 $0x108;
	_ =	swait.ge @!p0 [sflag:s8], $0x0  }
0x24: {  	s3 =	sadd.s32 $0x88, s3;
	s6 =	simm.s32 @!p1 $0x1082;
	[sflag:s4] =	ssyncset.s32 $0xFFFFF086  }
0x25: {  	[simem:s6], [sflag:s4] =	dma.local [hbm:s3], $0xF7A  }
0x26: {  	[smem:$0x3F96] =	sst s1;
	(tag) =	ssettag s2;
	_ =	strace s9  }
0x27: {  	s1 =	sld [smem:$0x3FA6]  }
0x28: {  	s2 =	sld [smem:$0x3FA7]  }
0x29: {  	s4 =	sld [smem:$0x3FA9]  }
0x2a: {  	p0 =	seq.s32 s5, $0x0;
	s5 =	sld [smem:$0x3FAA]  }
0x2b: {  	s6 =	sld [smem:$0x3FAB]  }
0x2c: {  	s7 =	sld [smem:$0x3FAC]  }
0x2d: {  	s3 =	simm.s32 $0x108;
	s8 =	sld [smem:$0x3FAD]  }
0x2e: {  	s3 =	simm.s32 @!p0 $0x1082;
	s9 =	sld [smem:$0x3FAE]  }
0x2f: {  	lr =	sadd.s32 s0, s3;
	s0 =	sld [smem:$0x3FA5]  }
0x30: {  	s3 =	sld [smem:$0x3FA8]  }
0x31: {  	[smem:$0x3FB1] =	sst s10  }
0x32: {  	s10 =	sld [smem:$0x3FAF];
	_ =	sdelay $0x3  }
0x33: {  	p0 =	seq.s32 s10, $0x1;
	s10 =	sld [smem:$0x3FB1];
	_ =	sdelay $0x3  }
0x34: {  	[smem:$0x3FB1] =	sst s10  }
0x35: {  	s10 =	sld [smem:$0x3FB0];
	_ =	sdelay $0x3  }
0x36: {  	p1 =	seq.s32 s10, $0x1;
	s10 =	sld [smem:$0x3FB1];
	_ =	sdelay $0x3  }
0x37: {  	[smem:$0x3FB1] =	sst s10  }
0x38: {  	s10 =	sld [smem:$0x3FB2]  }
0x39: {  	_ = 	snop;
	(pc) =	sbr.ind lr, $3  }
0x3a: {  	_ = 	snop  }
0x3b: {  	_ = 	snop  }
0x3c: {  	p2 =	seq.s32 s10, $0x1;
	s10 =	sld [smem:$0x3FB1]  }
0x3d: {  	_ =	shalt  }
0x3e: {  	_ =	shalt  }
0x3f: {  	_ =	shalt  }
0x40: {  	_ =	shalt  }
0x41: {  	_ =	shalt  }
0x42: {  	_ =	shalt  }
0x43: {  	_ =	shalt  }
0x44: {  	_ =	shalt  }
0x45: {  	_ =	shalt  }
0x46: {  	_ =	shalt  }
0x47: {  	_ =	shalt  }
0x48: {  	_ =	shalt  }
0x49: {  	_ =	shalt  }
0x4a: {  	_ =	shalt  }
0x4b: {  	_ =	shalt  }
0x4c: {  	_ =	shalt  }
0x4d: {  	_ =	shalt  }
0x4e: {  	_ =	shalt  }
0x4f: {  	_ =	shalt  }
0x50: {  	_ =	shalt  }
0x51: {  	_ =	shalt  }
0x52: {  	_ =	shalt  }
0x53: {  	_ =	shalt  }
0x54: {  	_ =	shalt  }
0x55: {  	_ =	shalt  }
0x56: {  	_ =	shalt  }
0x57: {  	_ =	shalt  }
0x58: {  	_ =	shalt  }
0x59: {  	_ =	shalt  }
0x5a: {  	_ =	shalt  }
0x5b: {  	_ =	shalt  }
0x5c: {  	_ =	shalt  }
0x5d: {  	_ =	shalt  }
0x5e: {  	_ =	shalt  }
0x5f: {  	_ =	shalt  }
0x60: {  	_ =	shalt  }
0x61: {  	_ =	shalt  }
0x62: {  	_ =	shalt  }
0x63: {  	_ =	shalt  }
0x64: {  	_ =	shalt  }
0x65: {  	_ =	shalt  }
0x66: {  	_ =	shalt  }
0x67: {  	_ =	shalt  }
0x68: {  	_ =	shalt  }
0x69: {  	_ =	shalt  }
0x6a: {  	_ =	shalt  }
0x6b: {  	_ =	shalt  }
0x6c: {  	_ =	shalt  }
0x6d: {  	_ =	shalt  }
0x6e: {  	_ =	shalt  }
0x6f: {  	_ =	shalt  }
0x70: {  	_ =	shalt  }
0x71: {  	_ =	shalt  }
0x72: {  	_ =	shalt  }
0x73: {  	_ =	shalt  }
0x74: {  	_ =	shalt  }
0x75: {  	_ =	shalt  }
0x76: {  	_ =	shalt  }
0x77: {  	_ =	shalt  }
0x78: {  	_ =	shalt  }
0x79: {  	_ =	shalt  }
0x7a: {  	_ =	shalt  }
0x7b: {  	_ =	shalt  }
0x7c: {  	_ =	shalt  }
0x7d: {  	_ =	shalt  }
0x7e: {  	_ =	shalt  }
0x7f: {  	_ =	shalt  }
0x80: {  	_ =	shalt  }
0x81: {  	_ =	shalt  }
0x82: {  	_ =	shalt  }
0x83: {  	_ =	shalt  }
0x84: {  	_ =	shalt  }
0x85: {  	_ =	shalt  }
0x86: {  	_ =	shalt  }
0x87: {  	_ =	shalt  }
.Lfunc_end0:
.L_simem_size_0:
called_computation.1_lowered:
.L_overlay_start_0:
0x88: {  	s2 =	sld [smem:$0x3FD9]  }
0x89: {  	s3 =	sld [smem:$0x3FFE];
	_ =	sdelay $0x1  }
0x8a: {  	s1 =	srdreg.scid  }
0x8b: {  	s0 =	sand.u32 $0x1, s1  }
0x8c: {  	s17 =	sshll.u32 s0, $0xA;
	s2 =	sadd.s32 s3, s2  }
0x8d: {  	s2 =	sadd.s32 s2, s17  }
0x8e: {  	[smem:$0x3FBD] =	sst s2  }
0x8f: {  	_ = 	snop  }
0x90: {  	s4 =	sld [smem:$0x3FC9]  }
0x91: {  	s18 =	sld [smem:$0x3FD0];
	(tm) =	ssettm $0x1  }
0x92: {  	s19 =	sld [smem:$0x3FFB];
	_ =	sdelay $0x3  }
0x93: {  	_ =	strace s19  }
0x94: {  	s2 =	sld [smem:$0x3FFC];
	_ =	sdelay $0x3  }
0x95: {  	_ =	strace s2  }
0x96: {  	s2 =	sld [smem:$0x3FFD];
	_ =	sdelay $0x3  }
0x97: {  	_ =	strace s2  }
0x98: {  	_ =	strace $0x8FFFFFFF  }
0x99: {  	s20 =	sld [smem:$0x3FDB];
	_ =	sdelay $0x1  }
0x9a: {  	s5 =	simm.s32 $_scs_section_size  }
0x9b: {  	s6 =	simm.s32 $_size__tile_overlayer_lowered;
	s7 =	simm.s32 $_tile_overlayer_lowered  }
0x9c: {  	s8 =	simm.s32 $0x1BFF;
	s21 =	sshll.u32 s7, $0x1;
	s5 =	sadd.s32 s5, s20  }
0x9d: {  	s22 =	simm.s32 $0x0;
	s6 =	sshll.u32 s6, $0x1;
	s7 =	sadd.s32 s21, s5  }
0x9e: {  	[timem:s22], [sflag:s8] =	dma.local [hbm:s7], s6  }
0x9f: {  	_ =	swait.ge [sflag:s8], s6  }
0xa0: {  	s6 =	ssub.s32 $0x0, s6;
	[sflag:s8] =	ssyncset.done $0x0  }
0xa1: {  	[sflag:s8] =	ssyncadd.s32 s6;
	_ =	sdelay $0x1  }
0xa2: {  	s23 =	simm.s32 $0x1B8B  }
0xa3: {  	_ =	swait.ge [sflag:s23], $0x1  }
0xa4: {  	[sflag:s23] =	ssyncset.done $0x0  }
0xa5: {  	[sflag:s23] =	ssyncadd.s32 $0xFFFFFFFF  }
0xa6: {  	s6 =	sld [smem:$0x0]  }
0xa7: {  	s7 =	sand.u32 $0xFFFFFFFE, s1  }
0xa8: {  	p0 =	sne.s32 s1, s7  }
0xa9: {  	s7 =	sshll.u32 @p0 s7, $0xE  }
0xaa: {  	s7 =	sadd.s32 @p0 $0x11B8D, s7;
	s8 =	sshll.u32 @p0 s6, $0x11  }
0xab: {  	s7 =	sor.u32 @p0 s8, s7  }
0xac: {  	[sflag:s7] =	ssyncadd.remote.s32 @p0 $0x1;
	_ =	sdelay $0x1  }
0xad: {  	s7 =	simm.s32 @p0 $0x1B8D  }
0xae: {  	_ =	swait.eq @p0 [sflag:s7], $0x1  }
0xaf: {  	[sflag:s7] =	ssyncadd.s32 @p0 $0xFFFFFFFF  }
0xb0: {  	s8 =	sshll.u32 @!p0 s1, $0xE  }
0xb1: {  	s8 =	sor.u32 @!p0 $0x4000, s8;
	s7 =	simm.s32 @!p0 $0x1B8D  }
0xb2: {  	s6 =	sshll.u32 @!p0 s6, $0x11;
	s8 =	sadd.s32 @!p0 $0x11B8D, s8;
	_ =	swait.eq @!p0 [sflag:s7], $0x1  }
0xb3: {  	s6 =	sor.u32 @!p0 s6, s8;
	[sflag:s7] =	ssyncadd.s32 @!p0 $0xFFFFFFFF  }
0xb4: {  	s25 =	simm.s32 $0x1B8E;
	s24 =	sld [smem:$0x3FFE];
	[sflag:s6] =	ssyncadd.remote.s32 @!p0 $0x1  }
0xb5: {  	s26 =	simm.s32 $execute0_lowered;
	[smem:$0x3FD2] =	sst s25  }
0xb6: {  	s7 =	sshll.u32 s26, $0x1;
	_ =	strace $0x80000049;
	[dreg:$0x1] =	wrdreg $0xFFFFFFFF  }
0xb7: {  	s28 =	simm.s32 $_size_execute0_lowered;
	s5 =	sadd.s32 s5, s7;
	[dreg:$0x0] =	wrdreg $0x0  }
0xb8: {  	s7 =	sshll.u32 s28, $0x1;
	[dreg:$0x2] =	wrdreg s5  }
0xb9: {  	[dreg:$0x3] =	wrdreg s7  }
0xba: {  	[dreg:$0x4] =	wrdreg $0xC0  }
0xbb: {  	_ =	task [dreg:s22], $0x5FFFF  }
0xbc: {  	[dreg:$0x1] =	wrdreg $0xFFFFFFFF  }
0xbd: {  	[dreg:$0x0] =	wrdreg $0x60  }
0xbe: {  	[dreg:$0x2] =	wrdreg s4  }
0xbf: {  	[dreg:$0x3] =	wrdreg s24  }
0xc0: {  	[dreg:$0x4] =	wrdreg s18  }
0xc1: {  	[dreg:$0x5] =	wrdreg $0x29000  }
0xc2: {  	[dreg:$0x6] =	wrdreg $0xA  }
0xc3: {  	_ =	task.clear_ibuf [dreg:s22], $0x7FFFF;
	_ =	strace $0x90000049  }
0xc4: {  	s29 =	simm.s32 $0xA;
	_ =	strace $0x8000004B  }
0xc5: {  	_ =	swait.ge [sflag:s29], $0x1  }
0xc6: {  	[sflag:s29] =	ssyncadd.s32 $0xFFFFFFFF  }
0xc7: {  	_ =	strace $0x9000004B  }
0xc8: {  	_ =	sfence  }
0xc9: {  	s30 =	sld [smem:$0x0];
	_ =	sdelay $0x2  }
0xca: {  	s31 =	sshll.u32 s1, $0xD;
	s1 =	sshrl.u32 s1, $0x2  }
0xcb: {  	s4 =	sand.u32 $0x4000, s31;
	s1 =	sadd.s32 s1, s30  }
0xcc: {  	s0 =	sor.u32 s4, s0;
	s1 =	sshll.u32 s1, $0x11  }
0xcd: {  	s0 =	sor.u32 s1, s0  }
0xce: {  	s0 =	sadd.s32 $0x8F2B, s0  }
0xcf: {  	[sflag:s0] =	ssyncadd.remote.s32 $0x1  }
0xd0: {  	_ =	sfence.sel $0xFFFF  }
0xd1: {  	[dreg:$0x0] =	wrdreg $0xFFFFFFFF;
	(pc) =	sbr.abs _section_cstart, $3  }
0xd2: {  	[dreg:$0x1] =	wrdreg $0xFFFFFFFF  }
0xd3: {  	_ =	task.clear_ibuf [dreg:s22], $0x2FFFF;
	_ =	strace $0x9FFFFFFF  }
0xd4: {  	(tm) =	ssettm $0x7FFFFFFF  }
0xd5: {  	_ =	shalt  }
tec
execute0_lowered:
.L_overlay_start_1:
0x0: {  	(tag) =	ssettag $0x1  }
0x1: {  	s0 =	rddreg [dreg:$0x0]  }
0x2: {  	s2 =	rddreg [dreg:$0x1];
	s1 =	srdreg.scid  }
0x3: {  	s14 =	stileid.u32;
	s4 =	rddreg [dreg:$0x3]  }
0x4: {  	s5 =	simm.s32 $0x0;
	s28 =	simm.s32 $0x0;
	s29 =	smul.u32 $0x4E20, s14  }
0x5: {  	s3 =	sand.u32 $0x1, s1;
	[smem:$0x7FF] =	sst s5;
	s8 =	smul.u32 $0x270, s14  }
0x6: {  	s6 =	smul.u32 $0x4E000, s14;
	p0 =	seq.s32 s14, $0xF;
	s14 =	sadd.s32 $0x124800, s4  }
0x7: {  	s7 =	smul.u32 $0x2710, s3;
	_ =	strace $0x8000004A;
	s9 =	ssub.s32 $0x2, s3  }
0x8: {  	s3 =	smul.u32 $0x27100, s3;
	s10 =	sshrl.u32 s9, $0x1;
	s6 =	sshrl.u32 s6, $0x2  }
0x9: {  	s11 =	sadd.s32 $0x230, s8;
	s15 =	sadd.s32 $0x50, s8;
	s17 =	sadd.s32 $0xA0, s8  }
0xa: {  	s24 =	sadd.s32 $0xF0, s8;
	s26 =	sadd.s32 $0x140, s8;
	s1 =	sadd.s32 s7, s29  }
0xb: {  	s9 =	ssub.s32 s9, s10;
	s6 =	sadd.s32 s6, s4;
	s30 =	sadd.s32 s7, s11  }
0xc: {  	s11 =	sshll.u32 s11, $0x7;
	s12 =	sadd.s32 s7, s8;
	s16 =	sshll.u32 s15, $0x7  }
0xd: {  	s19 =	sadd.s32 s7, s17;
	s21 =	sshll.u32 s17, $0x7;
	s25 =	sshll.u32 s24, $0x7  }
0xe: {  	s17 =	sadd.s32 $0x190, s8;
	s8 =	sadd.s32 $0x1E0, s8;
	s1 =	sshrl.u32 s1, $0x3  }
0xf: {  	s10 =	sshll.u32 s30, $0x4;
	s11 =	sadd.s32 s11, s4;
	s12 =	sshll.u32 s12, $0x4  }
0x10: {  	s9 =	smax.u32 s9, $0x1;
	s18 =	sadd.s32 s16, s4;
	[dreg:$0x5] =	wrdreg s11  }
0x11: {  	s22 =	sadd.s32 s21, s4;
	s29 =	sadd.s32 s25, s4;
	[dreg:$0x7] =	wrdreg s9  }
0x12: {  	s30 =	sadd.s32 s7, s26;
	s1 =	sadd.s32 s1, s2;
	[dreg:$0x9] =	wrdreg s18  }
0x13: {  	s2 =	sadd.s32 $0x65400, s2;
	s11 =	sshll.u32 s19, $0x4;
	[dreg:$0xb] =	wrdreg s22  }
0x14: {  	[dreg:$0xd] =	wrdreg s29;
	s18 =	sshll.u32 s17, $0x7;
	s29 =	sadd.s32 $0x11800, s6  }
0x15: {  	s10 =	sadd.s32 s2, s10;
	s13 =	sadd.s32 s2, s12;
	s23 =	sadd.s32 s2, s11  }
0x16: {  	s11 =	sshll.u32 s30, $0x4;
	s19 =	sadd.s32 s18, s4;
	[dreg:$0x1c] =	wrdreg s29  }
0x17: {  	s31 =	sadd.s32 $0x3000, s1;
	s12 =	sadd.s32 $0xF000, s6;
	[dreg:$0x6] =	wrdreg s10  }
0x18: {  	s18 =	sadd.s32 $0x12E800, s4;
	[dreg:$0x8] =	wrdreg s13;
	s10 =	sadd.s32 s7, s15  }
0x19: {  	[dreg:$0xc] =	wrdreg s23;
	s13 =	sshll.u32 s26, $0x7;
	s16 =	sadd.s32 s2, s11  }
0x1a: {  	[dreg:$0x11] =	wrdreg s19;
	s11 =	sadd.s32 $0xC800, s6;
	s10 =	sshll.u32 s10, $0x4  }
0x1b: {  	s19 =	sadd.s32 $0x131000, s4;
	s20 =	sadd.s32 s2, s10;
	s10 =	sadd.s32 s7, s24  }
0x1c: {  	s15 =	sadd.s32 s13, s4;
	[dreg:$0x10] =	wrdreg s16;
	s10 =	sshll.u32 s10, $0x4  }
0x1d: {  	s13 =	sshll.u32 s8, $0x7;
	[dreg:$0xf] =	wrdreg s15;
	s10 =	sadd.s32 s2, s10  }
0x1e: {  	s30 =	sadd.s32 s13, s4;
	[dreg:$0xe] =	wrdreg s10;
	s10 =	sadd.s32 s7, s17  }
0x1f: {  	[dreg:$0xa] =	wrdreg s20;
	s7 =	sadd.s32 s7, s8;
	s10 =	sshll.u32 s10, $0x4  }
0x20: {  	[dreg:$0x1d] =	wrdreg s30;
	s7 =	sshll.u32 s7, $0x4;
	s20 =	sadd.s32 s2, s10  }
0x21: {  	s7 =	sadd.s32 s2, s7;
	s2 =	sadd.s32 s2, s3;
	[dreg:$0x12] =	wrdreg s20  }
0x22: {  	s16 =	sadd.s32 $0x127000, s4;
	[dreg:$0x13] =	wrdreg s7;
	s3 =	sadd.s32 $0x24900, s2  }
0x23: {  	s15 =	sadd.s32 $0x129800, s4;
	s21 =	sadd.s32 $0x24E00, s2;
	[dreg:$0x14] =	wrdreg s3  }
0x24: {  	s8 =	sadd.s32 $0x7800, s6;
	s22 =	sadd.s32 $0x25300, s2;
	[dreg:$0x15] =	wrdreg s21  }
0x25: {  	s17 =	sadd.s32 $0x12C000, s4;
	s23 =	sadd.s32 $0x25800, s2;
	[dreg:$0x16] =	wrdreg s22  }
0x26: {  	s10 =	sadd.s32 $0xA000, s6;
	s24 =	sadd.s32 $0x25D00, s2;
	[dreg:$0x17] =	wrdreg s23  }
0x27: {  	s25 =	sadd.s32 $0x26200, s2;
	s26 =	sadd.s32 $0x26700, s2;
	[dreg:$0x18] =	wrdreg s24  }
.Ltmp0:
0x28: {  	s2 =	sadd.s32 $0x26C00, s2;
	[dreg:$0x19] =	wrdreg s25;
	(pc) =	sbr.rel .LBB2_1-.Ltmp0, $4  }
0x29: {  	s7 =	sadd.s32 $0x5000, s6;
	s20 =	sadd.s32 $0x133800, s4;
	[dreg:$0x1a] =	wrdreg s26  }
0x2a: {  	[dreg:$0x1b] =	wrdreg s2;
	s2 =	sadd.s32 $0xCE00, s1;
	s3 =	sadd.s32 $0x2800, s6  }
0x2b: {  	s21 =	sadd.s32 $0x136000, s4;
	s22 =	simm.s32 $0x100;
	s23 =	simm.s32 $0x2  }
0x2c: {  	s24 =	simm.s32 $0x80;
	s25 =	simm.s32 $0x50;
	s26 =	simm.s32 $0x1  }
.LBB2_5:
0x2d: {  	[tilespmem:s22], [sflag:$0x2] =	stream.linear.gather [spmem:s14], $0x2800, $0x38;
	[tilespmem:$0x16180] =	vst v63  }
0x2e: {  	_ =	swait.ge [sflag:s23], $0x2800  }
0x2f: {  	[sflag:s23] =	ssyncset.done $0x0  }
0x30: {  	s1 =	rddreg [dreg:$0x14];
	[sflag:s23] =	ssyncadd.s32 $0xFFFFD800  }
0x31: {  	[hbm4b:s1+s5] =	stream.linear.scatter [tilespmem:s22], [sflag:$0x2], $0x2800, $0x38;
	[tilespmem:$0x16180] =	vst v63  }
0x32: {  	_ =	swait.ge [sflag:s23], $0x2800  }
0x33: {  	[sflag:s23] =	ssyncset.done $0x0  }
0x34: {  	[sflag:s23] =	ssyncadd.s32 $0xFFFFD800  }
0x35: {  	[tilespmem:s22], [sflag:$0x2] =	stream.linear.gather [spmem:s16], $0x2800, $0x38;
	[tilespmem:$0x16180] =	vst v63  }
0x36: {  	_ =	swait.ge [sflag:s23], $0x2800  }
0x37: {  	[sflag:s23] =	ssyncset.done $0x0  }
0x38: {  	s13 =	rddreg [dreg:$0x15];
	[sflag:s23] =	ssyncadd.s32 $0xFFFFD800  }
0x39: {  	[hbm4b:s13+s5] =	stream.linear.scatter [tilespmem:s22], [sflag:$0x2], $0x2800, $0x38;
	[tilespmem:$0x16180] =	vst v63  }
0x3a: {  	_ =	swait.ge [sflag:s23], $0x2800  }
0x3b: {  	[sflag:s23] =	ssyncset.done $0x0  }
0x3c: {  	[sflag:s23] =	ssyncadd.s32 $0xFFFFD800  }
0x3d: {  	[tilespmem:s22], [sflag:$0x2] =	stream.linear.gather [spmem:s15], $0x2800, $0x38;
	[tilespmem:$0x16180] =	vst v63  }
0x3e: {  	_ =	swait.ge [sflag:s23], $0x2800  }
0x3f: {  	[sflag:s23] =	ssyncset.done $0x0  }
0x40: {  	s29 =	rddreg [dreg:$0x16];
	[sflag:s23] =	ssyncadd.s32 $0xFFFFD800  }
0x41: {  	[hbm4b:s29+s5] =	stream.linear.scatter [tilespmem:s22], [sflag:$0x2], $0x2800, $0x38;
	[tilespmem:$0x16180] =	vst v63  }
0x42: {  	_ =	swait.ge [sflag:s23], $0x2800  }
0x43: {  	[sflag:s23] =	ssyncset.done $0x0  }
0x44: {  	[sflag:s23] =	ssyncadd.s32 $0xFFFFD800  }
0x45: {  	[tilespmem:s22], [sflag:$0x2] =	stream.linear.gather [spmem:s17], $0x2800, $0x38;
	[tilespmem:$0x16180] =	vst v63  }
0x46: {  	_ =	swait.ge [sflag:s23], $0x2800  }
0x47: {  	[sflag:s23] =	ssyncset.done $0x0  }
0x48: {  	s30 =	rddreg [dreg:$0x17];
	[sflag:s23] =	ssyncadd.s32 $0xFFFFD800  }
0x49: {  	[hbm4b:s30+s5] =	stream.linear.scatter [tilespmem:s22], [sflag:$0x2], $0x2800, $0x38;
	[tilespmem:$0x16180] =	vst v63  }
0x4a: {  	_ =	swait.ge [sflag:s23], $0x2800  }
0x4b: {  	[sflag:s23] =	ssyncset.done $0x0  }
0x4c: {  	[sflag:s23] =	ssyncadd.s32 $0xFFFFD800  }
0x4d: {  	[tilespmem:s22], [sflag:$0x2] =	stream.linear.gather [spmem:s18], $0x2800, $0x38;
	[tilespmem:$0x16180] =	vst v63  }
0x4e: {  	_ =	swait.ge [sflag:s23], $0x2800  }
0x4f: {  	[sflag:s23] =	ssyncset.done $0x0  }
0x50: {  	s9 =	rddreg [dreg:$0x18];
	[sflag:s23] =	ssyncadd.s32 $0xFFFFD800  }
0x51: {  	[hbm4b:s9+s5] =	stream.linear.scatter [tilespmem:s22], [sflag:$0x2], $0x2800, $0x38;
	[tilespmem:$0x16180] =	vst v63  }
0x52: {  	_ =	swait.ge [sflag:s23], $0x2800  }
0x53: {  	[sflag:s23] =	ssyncset.done $0x0  }
0x54: {  	[sflag:s23] =	ssyncadd.s32 $0xFFFFD800  }
0x55: {  	[tilespmem:s22], [sflag:$0x2] =	stream.linear.gather [spmem:s19], $0x2800, $0x38;
	[tilespmem:$0x16180] =	vst v63  }
0x56: {  	_ =	swait.ge [sflag:s23], $0x2800  }
0x57: {  	[sflag:s23] =	ssyncset.done $0x0  }
0x58: {  	s13 =	rddreg [dreg:$0x19];
	[sflag:s23] =	ssyncadd.s32 $0xFFFFD800  }
0x59: {  	[hbm4b:s13+s5] =	stream.linear.scatter [tilespmem:s22], [sflag:$0x2], $0x2800, $0x38;
	[tilespmem:$0x16180] =	vst v63  }
0x5a: {  	_ =	swait.ge [sflag:s23], $0x2800  }
0x5b: {  	[sflag:s23] =	ssyncset.done $0x0  }
0x5c: {  	[sflag:s23] =	ssyncadd.s32 $0xFFFFD800  }
0x5d: {  	[tilespmem:s22], [sflag:$0x2] =	stream.linear.gather [spmem:s20], $0x2800, $0x38;
	[tilespmem:$0x16180] =	vst v63  }
0x5e: {  	_ =	swait.ge [sflag:s23], $0x2800  }
0x5f: {  	[sflag:s23] =	ssyncset.done $0x0  }
0x60: {  	s29 =	rddreg [dreg:$0x1a];
	[sflag:s23] =	ssyncadd.s32 $0xFFFFD800  }
0x61: {  	[hbm4b:s29+s5] =	stream.linear.scatter [tilespmem:s22], [sflag:$0x2], $0x2800, $0x38;
	[tilespmem:$0x16180] =	vst v63  }
0x62: {  	_ =	swait.ge [sflag:s23], $0x2800  }
0x63: {  	[sflag:s23] =	ssyncset.done $0x0  }
0x64: {  	[sflag:s23] =	ssyncadd.s32 $0xFFFFD800  }
0x65: {  	[tilespmem:s22], [sflag:$0x2] =	stream.linear.gather [spmem:s21], $0x2800, $0x38;
	[tilespmem:$0x16180] =	vst v63  }
0x66: {  	_ =	swait.ge [sflag:s23], $0x2800  }
0x67: {  	[sflag:s23] =	ssyncset.done $0x0  }
0x68: {  	s30 =	rddreg [dreg:$0x1b];
	[sflag:s23] =	ssyncadd.s32 $0xFFFFD800  }
0x69: {  	[hbm4b:s30+s5] =	stream.linear.scatter [tilespmem:s22], [sflag:$0x2], $0x2800, $0x38;
	[tilespmem:$0x16180] =	vst v63  }
0x6a: {  	_ =	swait.ge [sflag:s23], $0x2800  }
0x6b: {  	[sflag:s23] =	ssyncset.done $0x0  }
0x6c: {  	[sflag:s23] =	ssyncadd.s32 $0xFFFFD800  }
.LBB2_6:
0x6d: {  	s28 =	sadd.s32 $0x1, s28;
	s1 =	rddreg [dreg:$0x7]  }
0x6e: {  	p1 =	sne.s32 s28, s1  }
.Ltmp1:
0x6f: {  	_ = 	snop;
	(pc) =	sbr.rel @!p1 .LBB2_7-.Ltmp1, $1  }
0x70: {  	_ =	sdelay $0x3  }
.LBB2_1:
0x71: {  	s1 =	rddreg [dreg:$0x2]  }
0x72: {  	[tilespmem:s22], [sflag:$0x2] =	stream.linear.gather [hbm4b:s1+s5], $0x2800, $0x38;
	[tilespmem:$0x16180] =	vst v63  }
0x73: {  	_ =	swait.ge [sflag:s23], $0x2800  }
0x74: {  	[sflag:s23] =	ssyncset.done $0x0  }
0x75: {  	s29 =	simm.s32 @p0 $0x100;
	s30 =	simm.s32 @p0 $0x2;
	[sflag:s23] =	ssyncadd.s32 $0xFFFFD800  }
0x76: {  	[spmem:s14] =	stream.linear.scatter @p0 [tilespmem:s29], [sflag:$0x2], $0x2800, $0x38;
	[tilespmem:$0x16180] =	vst v63  }
0x77: {  	_ =	swait.ge @p0 [sflag:s30], $0x2800  }
0x78: {  	[sflag:s30] =	ssyncset.done @p0 $0x0  }
0x79: {  	[sflag:s30] =	ssyncadd.s32 @p0 $0xFFFFD800  }
0x7a: {  	[spmem:s16] =	stream.linear.scatter @p0 [tilespmem:s29], [sflag:$0x2], $0x2800, $0x38;
	[tilespmem:$0x16180] =	vst v63  }
0x7b: {  	_ =	swait.ge @p0 [sflag:s30], $0x2800  }
0x7c: {  	[sflag:s30] =	ssyncset.done @p0 $0x0  }
0x7d: {  	[sflag:s30] =	ssyncadd.s32 @p0 $0xFFFFD800  }
0x7e: {  	[spmem:s15] =	stream.linear.scatter @p0 [tilespmem:s29], [sflag:$0x2], $0x2800, $0x38;
	[tilespmem:$0x16180] =	vst v63  }
0x7f: {  	_ =	swait.ge @p0 [sflag:s30], $0x2800  }
0x80: {  	[sflag:s30] =	ssyncset.done @p0 $0x0  }
0x81: {  	[sflag:s30] =	ssyncadd.s32 @p0 $0xFFFFD800  }
0x82: {  	[spmem:s17] =	stream.linear.scatter @p0 [tilespmem:s29], [sflag:$0x2], $0x2800, $0x38;
	[tilespmem:$0x16180] =	vst v63  }
0x83: {  	_ =	swait.ge @p0 [sflag:s30], $0x2800  }
0x84: {  	[sflag:s30] =	ssyncset.done @p0 $0x0  }
0x85: {  	[sflag:s30] =	ssyncadd.s32 @p0 $0xFFFFD800  }
0x86: {  	[spmem:s18] =	stream.linear.scatter @p0 [tilespmem:s29], [sflag:$0x2], $0x2800, $0x38;
	[tilespmem:$0x16180] =	vst v63  }
0x87: {  	_ =	swait.ge @p0 [sflag:s30], $0x2800  }
0x88: {  	[sflag:s30] =	ssyncset.done @p0 $0x0  }
0x89: {  	[sflag:s30] =	ssyncadd.s32 @p0 $0xFFFFD800  }
0x8a: {  	[spmem:s19] =	stream.linear.scatter @p0 [tilespmem:s29], [sflag:$0x2], $0x2800, $0x38;
	[tilespmem:$0x16180] =	vst v63  }
0x8b: {  	_ =	swait.ge @p0 [sflag:s30], $0x2800  }
0x8c: {  	[sflag:s30] =	ssyncset.done @p0 $0x0  }
0x8d: {  	[sflag:s30] =	ssyncadd.s32 @p0 $0xFFFFD800  }
0x8e: {  	[spmem:s20] =	stream.linear.scatter @p0 [tilespmem:s29], [sflag:$0x2], $0x2800, $0x38;
	[tilespmem:$0x16180] =	vst v63  }
0x8f: {  	_ =	swait.ge @p0 [sflag:s30], $0x2800  }
0x90: {  	[sflag:s30] =	ssyncset.done @p0 $0x0  }
0x91: {  	[sflag:s30] =	ssyncadd.s32 @p0 $0xFFFFD800  }
0x92: {  	[spmem:s21] =	stream.linear.scatter @p0 [tilespmem:s29], [sflag:$0x2], $0x2800, $0x38;
	[tilespmem:$0x16180] =	vst v63  }
0x93: {  	_ =	swait.ge @p0 [sflag:s30], $0x2800  }
0x94: {  	[sflag:s30] =	ssyncset.done @p0 $0x0  }
0x95: {  	s29 =	simm.s32 @!p0 $0x100;
	[sflag:s30] =	ssyncadd.s32 @p0 $0xFFFFD800;
	s30 =	simm.s32 @!p0 $0x2  }
0x96: {  	[spmem:s6] =	stream.linear.scatter @!p0 [tilespmem:s29], [sflag:$0x2], $0x2800, $0x38;
	[tilespmem:$0x16180] =	vst v63  }
0x97: {  	_ =	swait.ge @!p0 [sflag:s30], $0x2800  }
0x98: {  	[sflag:s30] =	ssyncset.done @!p0 $0x0  }
0x99: {  	[sflag:s30] =	ssyncadd.s32 @!p0 $0xFFFFD800  }
0x9a: {  	[spmem:s3] =	stream.linear.scatter @!p0 [tilespmem:s29], [sflag:$0x2], $0x2800, $0x38;
	[tilespmem:$0x16180] =	vst v63  }
0x9b: {  	_ =	swait.ge @!p0 [sflag:s30], $0x2800  }
0x9c: {  	[sflag:s30] =	ssyncset.done @!p0 $0x0  }
0x9d: {  	[sflag:s30] =	ssyncadd.s32 @!p0 $0xFFFFD800  }
0x9e: {  	[spmem:s7] =	stream.linear.scatter @!p0 [tilespmem:s29], [sflag:$0x2], $0x2800, $0x38;
	[tilespmem:$0x16180] =	vst v63  }
0x9f: {  	_ =	swait.ge @!p0 [sflag:s30], $0x2800  }
0xa0: {  	[sflag:s30] =	ssyncset.done @!p0 $0x0  }
0xa1: {  	[sflag:s30] =	ssyncadd.s32 @!p0 $0xFFFFD800  }
0xa2: {  	[spmem:s8] =	stream.linear.scatter @!p0 [tilespmem:s29], [sflag:$0x2], $0x2800, $0x38;
	[tilespmem:$0x16180] =	vst v63  }
0xa3: {  	_ =	swait.ge @!p0 [sflag:s30], $0x2800  }
0xa4: {  	[sflag:s30] =	ssyncset.done @!p0 $0x0  }
0xa5: {  	[sflag:s30] =	ssyncadd.s32 @!p0 $0xFFFFD800  }
0xa6: {  	[spmem:s10] =	stream.linear.scatter @!p0 [tilespmem:s29], [sflag:$0x2], $0x2800, $0x38;
	[tilespmem:$0x16180] =	vst v63  }
0xa7: {  	_ =	swait.ge @!p0 [sflag:s30], $0x2800  }
0xa8: {  	[sflag:s30] =	ssyncset.done @!p0 $0x0  }
0xa9: {  	[sflag:s30] =	ssyncadd.s32 @!p0 $0xFFFFD800  }
0xaa: {  	[spmem:s11] =	stream.linear.scatter @!p0 [tilespmem:s29], [sflag:$0x2], $0x2800, $0x38;
	[tilespmem:$0x16180] =	vst v63  }
0xab: {  	_ =	swait.ge @!p0 [sflag:s30], $0x2800  }
0xac: {  	[sflag:s30] =	ssyncset.done @!p0 $0x0  }
0xad: {  	[sflag:s30] =	ssyncadd.s32 @!p0 $0xFFFFD800  }
0xae: {  	[spmem:s12] =	stream.linear.scatter @!p0 [tilespmem:s29], [sflag:$0x2], $0x2800, $0x38;
	[tilespmem:$0x16180] =	vst v63  }
0xaf: {  	_ =	swait.ge @!p0 [sflag:s30], $0x2800  }
0xb0: {  	[sflag:s30] =	ssyncset.done @!p0 $0x0  }
0xb1: {  	s1 =	rddreg [dreg:$0x1c];
	[sflag:s30] =	ssyncadd.s32 @!p0 $0xFFFFD800  }
0xb2: {  	[spmem:s1] =	stream.linear.scatter @!p0 [tilespmem:s29], [sflag:$0x2], $0x2000, $0x38;
	[tilespmem:$0x16180] =	vst v63  }
0xb3: {  	_ =	swait.ge @!p0 [sflag:s30], $0x2000  }
0xb4: {  	[sflag:s30] =	ssyncset.done @!p0 $0x0  }
0xb5: {  	[sflag:s30] =	ssyncadd.s32 @!p0 $0xFFFFE000  }
0xb6: {  	s29 =	sadd.s32 $0x0, s2;
	[bflag:$0x0] =	sbarrier.arrive $0xFFFF  }
0xb7: {  	[tilespmem:s5], [sflag:$0x2] =	stream.linear.gather [hbm4b:s29+s5], $0x50, $0x38;
	[tilespmem:$0x16180] =	vst v63  }
0xb8: {  	_ =	swait.ge [sflag:s23], $0x50  }
0xb9: {  	[sflag:s23] =	ssyncset.done $0x0  }
0xba: {  	s29 =	sadd.s32 $0x0, s31;
	[sflag:s23] =	ssyncadd.s32 $0xFFFFFFB0  }
0xbb: {  	[tilespmem:s24], [sflag:$0x2] =	stream.linear.gather [hbm4b:s29+s5], $0x50, $0x38;
	[tilespmem:$0x16180] =	vst v63  }
0xbc: {  	_ =	swait.ge [sflag:s23], $0x50  }
0xbd: {  	[sflag:s23] =	ssyncset.done $0x0  }
0xbe: {  	[sflag:s23] =	ssyncadd.s32 $0xFFFFFFB0  }
0xbf: {  	[tilespmem:s22], [sflag:$0x1] =	stream.indirect.gather [hbm4b:s0+s25], $0x80, s5, s25, $0xb8;
	[tilespmem:$0x16180] =	vst v63  }
0xc0: {  	_ =	swait.ge [sflag:s26], $0x2800  }
0xc1: {  	[sflag:s26] =	ssyncset.done $0x0  }
0xc2: {  	[sflag:s26] =	ssyncadd.s32 $0xFFFFD800  }
0xc3: {  	[spmem:s4] =	stream.indirect.scatter.add.f32 [tilespmem:s22], [sflag:$0x2], $0x80, s24, s25, $0xb8;
	[tilespmem:$0x16180] =	vst v63  }
0xc4: {  	_ =	swait.ge [sflag:s23], $0x2800  }
0xc5: {  	s30 =	simm.s32 $0x14;
	s29 =	simm.s32 $0xA;
	[sflag:s23] =	ssyncset.done $0x0  }
.LBB2_2:
0xc6: {  	s13 =	sadd.s32 s29, s2  }
0xc7: {  	[sflag:s23] =	ssyncadd.s32 $0xFFFFD800;
	s9 =	smov.u32 s30;
	s1 =	sadd.s32 $0xA, s30  }
0xc8: {  	[tilespmem:s5], [sflag:$0x2] =	stream.linear.gather [hbm4b:s13+s5], $0x50, $0x38;
	[tilespmem:$0x16180] =	vst v63  }
0xc9: {  	p1 =	sne.s32 s30, $0x4D8;
	_ =	swait.ge [sflag:s23], $0x50  }
0xca: {  	[sflag:s23] =	ssyncset.done $0x0  }
0xcb: {  	s13 =	sadd.s32 s29, s31;
	s29 =	smov.u32 s9;
	[sflag:s23] =	ssyncadd.s32 $0xFFFFFFB0  }
0xcc: {  	[tilespmem:s24], [sflag:$0x2] =	stream.linear.gather [hbm4b:s13+s5], $0x50, $0x38;
	[tilespmem:$0x16180] =	vst v63  }
0xcd: {  	_ =	swait.ge [sflag:s23], $0x50  }
0xce: {  	[sflag:s23] =	ssyncset.done $0x0  }
0xcf: {  	[sflag:s23] =	ssyncadd.s32 $0xFFFFFFB0  }
0xd0: {  	[tilespmem:s22], [sflag:$0x1] =	stream.indirect.gather [hbm4b:s0+s25], $0x80, s5, s25, $0xb8;
	[tilespmem:$0x16180] =	vst v63  }
0xd1: {  	_ =	swait.ge [sflag:s26], $0x2800  }
.Ltmp2:
0xd2: {  	[sflag:s26] =	ssyncset.done $0x0;
	(pc) =	sbr.rel @p1 .LBB2_2-.Ltmp2, $4  }
0xd3: {  	[sflag:s26] =	ssyncadd.s32 $0xFFFFD800  }
0xd4: {  	[spmem:s4] =	stream.indirect.scatter.add.f32 [tilespmem:s22], [sflag:$0x2], $0x80, s24, s25, $0xb8;
	[tilespmem:$0x16180] =	vst v63  }
0xd5: {  	_ =	swait.ge [sflag:s23], $0x2800  }
0xd6: {  	s30 =	smov.u32 s1;
	[sflag:s23] =	ssyncset.done $0x0  }
0xd7: {  	s1 =	sadd.s32 s29, s2;
	[sflag:s23] =	ssyncadd.s32 $0xFFFFD800  }
0xd8: {  	[tilespmem:s5], [sflag:$0x2] =	stream.linear.gather [hbm4b:s1+s5], $0x50, $0x38;
	[tilespmem:$0x16180] =	vst v63  }
0xd9: {  	_ =	swait.ge [sflag:s23], $0x50  }
0xda: {  	[sflag:s23] =	ssyncset.done $0x0  }
0xdb: {  	s30 =	sadd.s32 s29, s31;
	[sflag:s23] =	ssyncadd.s32 $0xFFFFFFB0  }
0xdc: {  	[tilespmem:s24], [sflag:$0x2] =	stream.linear.gather [hbm4b:s30+s5], $0x50, $0x38;
	[tilespmem:$0x16180] =	vst v63  }
0xdd: {  	_ =	swait.ge [sflag:s23], $0x50  }
0xde: {  	[sflag:s23] =	ssyncset.done $0x0  }
0xdf: {  	[sflag:s23] =	ssyncadd.s32 $0xFFFFFFB0  }
0xe0: {  	[tilespmem:s22], [sflag:$0x1] =	stream.indirect.gather [hbm4b:s0+s25], $0x80, s5, s25, $0xb8;
	[tilespmem:$0x16180] =	vst v63  }
0xe1: {  	_ =	swait.ge [sflag:s26], $0x2800  }
0xe2: {  	[sflag:s26] =	ssyncset.done $0x0  }
0xe3: {  	[sflag:s26] =	ssyncadd.s32 $0xFFFFD800  }
0xe4: {  	[spmem:s4] =	stream.indirect.scatter.add.f32 [tilespmem:s22], [sflag:$0x2], $0x80, s24, s25, $0xb8;
	[tilespmem:$0x16180] =	vst v63  }
.Ltmp3:
0xe5: {  	_ =	swait.ge [sflag:s23], $0x2800;
	(pc) =	sbr.rel @p0 .LBB2_5-.Ltmp3, $3  }
0xe6: {  	[sflag:s23] =	ssyncset.done $0x0  }
0xe7: {  	[sflag:s23] =	ssyncadd.s32 $0xFFFFD800  }
0xe8: {  	[bflag:$0x0] =	sbarrier.arrive $0xFFFF;
	_ =	sdelay $0x1  }
0xe9: {  	[tilespmem:s22], [sflag:$0x2] =	stream.linear.gather [spmem:s6], $0x2800, $0x38;
	[tilespmem:$0x16180] =	vst v63  }
0xea: {  	_ =	swait.ge [sflag:s23], $0x2800  }
0xeb: {  	[sflag:s23] =	ssyncset.done $0x0  }
0xec: {  	s1 =	rddreg [dreg:$0x8];
	[sflag:s23] =	ssyncadd.s32 $0xFFFFD800  }
0xed: {  	[hbm4b:s1+s5] =	stream.linear.scatter [tilespmem:s22], [sflag:$0x2], $0x2800, $0x38;
	[tilespmem:$0x16180] =	vst v63  }
0xee: {  	_ =	swait.ge [sflag:s23], $0x2800  }
0xef: {  	[sflag:s23] =	ssyncset.done $0x0  }
0xf0: {  	s29 =	rddreg [dreg:$0x9];
	[sflag:s23] =	ssyncadd.s32 $0xFFFFD800  }
0xf1: {  	[tilespmem:s22], [sflag:$0x2] =	stream.linear.gather [spmem:s29], $0x2800, $0x38;
	[tilespmem:$0x16180] =	vst v63  }
0xf2: {  	_ =	swait.ge [sflag:s23], $0x2800  }
0xf3: {  	[sflag:s23] =	ssyncset.done $0x0  }
0xf4: {  	s30 =	rddreg [dreg:$0xa];
	[sflag:s23] =	ssyncadd.s32 $0xFFFFD800  }
0xf5: {  	[hbm4b:s30+s5] =	stream.linear.scatter [tilespmem:s22], [sflag:$0x2], $0x2800, $0x38;
	[tilespmem:$0x16180] =	vst v63  }
0xf6: {  	_ =	swait.ge [sflag:s23], $0x2800  }
0xf7: {  	[sflag:s23] =	ssyncset.done $0x0  }
0xf8: {  	s9 =	rddreg [dreg:$0xb];
	[sflag:s23] =	ssyncadd.s32 $0xFFFFD800  }
0xf9: {  	[tilespmem:s22], [sflag:$0x2] =	stream.linear.gather [spmem:s9], $0x2800, $0x38;
	[tilespmem:$0x16180] =	vst v63  }
0xfa: {  	_ =	swait.ge [sflag:s23], $0x2800  }
0xfb: {  	[sflag:s23] =	ssyncset.done $0x0  }
0xfc: {  	s13 =	rddreg [dreg:$0xc];
	[sflag:s23] =	ssyncadd.s32 $0xFFFFD800  }
0xfd: {  	[hbm4b:s13+s5] =	stream.linear.scatter [tilespmem:s22], [sflag:$0x2], $0x2800, $0x38;
	[tilespmem:$0x16180] =	vst v63  }
0xfe: {  	_ =	swait.ge [sflag:s23], $0x2800  }
0xff: {  	[sflag:s23] =	ssyncset.done $0x0  }
0x100: {  	s29 =	rddreg [dreg:$0xd];
	[sflag:s23] =	ssyncadd.s32 $0xFFFFD800  }
0x101: {  	[tilespmem:s22], [sflag:$0x2] =	stream.linear.gather [spmem:s29], $0x2800, $0x38;
	[tilespmem:$0x16180] =	vst v63  }
0x102: {  	_ =	swait.ge [sflag:s23], $0x2800  }
0x103: {  	[sflag:s23] =	ssyncset.done $0x0  }
0x104: {  	s30 =	rddreg [dreg:$0xe];
	[sflag:s23] =	ssyncadd.s32 $0xFFFFD800  }
0x105: {  	[hbm4b:s30+s5] =	stream.linear.scatter [tilespmem:s22], [sflag:$0x2], $0x2800, $0x38;
	[tilespmem:$0x16180] =	vst v63  }
0x106: {  	_ =	swait.ge [sflag:s23], $0x2800  }
0x107: {  	[sflag:s23] =	ssyncset.done $0x0  }
0x108: {  	s9 =	rddreg [dreg:$0xf];
	[sflag:s23] =	ssyncadd.s32 $0xFFFFD800  }
0x109: {  	[tilespmem:s22], [sflag:$0x2] =	stream.linear.gather [spmem:s9], $0x2800, $0x38;
	[tilespmem:$0x16180] =	vst v63  }
0x10a: {  	_ =	swait.ge [sflag:s23], $0x2800  }
0x10b: {  	[sflag:s23] =	ssyncset.done $0x0  }
0x10c: {  	s13 =	rddreg [dreg:$0x10];
	[sflag:s23] =	ssyncadd.s32 $0xFFFFD800  }
0x10d: {  	[hbm4b:s13+s5] =	stream.linear.scatter [tilespmem:s22], [sflag:$0x2], $0x2800, $0x38;
	[tilespmem:$0x16180] =	vst v63  }
0x10e: {  	_ =	swait.ge [sflag:s23], $0x2800  }
0x10f: {  	[sflag:s23] =	ssyncset.done $0x0  }
0x110: {  	s29 =	rddreg [dreg:$0x11];
	[sflag:s23] =	ssyncadd.s32 $0xFFFFD800  }
0x111: {  	[tilespmem:s22], [sflag:$0x2] =	stream.linear.gather [spmem:s29], $0x2800, $0x38;
	[tilespmem:$0x16180] =	vst v63  }
0x112: {  	_ =	swait.ge [sflag:s23], $0x2800  }
0x113: {  	[sflag:s23] =	ssyncset.done $0x0  }
0x114: {  	s30 =	rddreg [dreg:$0x12];
	[sflag:s23] =	ssyncadd.s32 $0xFFFFD800  }
0x115: {  	[hbm4b:s30+s5] =	stream.linear.scatter [tilespmem:s22], [sflag:$0x2], $0x2800, $0x38;
	[tilespmem:$0x16180] =	vst v63  }
0x116: {  	_ =	swait.ge [sflag:s23], $0x2800  }
0x117: {  	[sflag:s23] =	ssyncset.done $0x0  }
0x118: {  	s9 =	rddreg [dreg:$0x1d];
	[sflag:s23] =	ssyncadd.s32 $0xFFFFD800  }
0x119: {  	[tilespmem:s22], [sflag:$0x2] =	stream.linear.gather [spmem:s9], $0x2800, $0x38;
	[tilespmem:$0x16180] =	vst v63  }
0x11a: {  	_ =	swait.ge [sflag:s23], $0x2800  }
0x11b: {  	[sflag:s23] =	ssyncset.done $0x0  }
0x11c: {  	s13 =	rddreg [dreg:$0x13];
	[sflag:s23] =	ssyncadd.s32 $0xFFFFD800  }
0x11d: {  	[hbm4b:s13+s5] =	stream.linear.scatter [tilespmem:s22], [sflag:$0x2], $0x2800, $0x38;
	[tilespmem:$0x16180] =	vst v63  }
0x11e: {  	_ =	swait.ge [sflag:s23], $0x2800  }
0x11f: {  	[sflag:s23] =	ssyncset.done $0x0  }
0x120: {  	s29 =	rddreg [dreg:$0x5];
	[sflag:s23] =	ssyncadd.s32 $0xFFFFD800  }
0x121: {  	[tilespmem:s22], [sflag:$0x2] =	stream.linear.gather [spmem:s29], $0x2000, $0x38;
	[tilespmem:$0x16180] =	vst v63  }
0x122: {  	_ =	swait.ge [sflag:s23], $0x2000  }
0x123: {  	[sflag:s23] =	ssyncset.done $0x0  }
.Ltmp4:
0x124: {  	s30 =	rddreg [dreg:$0x6];
	[sflag:s23] =	ssyncadd.s32 $0xFFFFE000;
	(pc) =	sbr.rel .LBB2_6-.Ltmp4, $4  }
0x125: {  	[hbm4b:s30+s5] =	stream.linear.scatter [tilespmem:s22], [sflag:$0x2], $0x2000, $0x38;
	[tilespmem:$0x16180] =	vst v63  }
0x126: {  	_ =	swait.ge [sflag:s23], $0x2000  }
0x127: {  	[sflag:s23] =	ssyncset.done $0x0  }
0x128: {  	[sflag:s23] =	ssyncadd.s32 $0xFFFFE000  }
.LBB2_7:
0x129: {  	_ =	sfence.sel $0x180000  }
0x12a: {  	[bflag:$0x0] =	sbarrier.arrive $0xFFFF  }
0x12b: {  	_ =	strace $0x9000004A  }
0x12c: {  	s0 =	stileid.u32;
	[bflag:$0x2] =	sbarrier.arrive $0xFFFF  }
0x12d: {  	p0 =	sne.s32 s0, $0x0;
	s0 =	rddreg [dreg:$0x4]  }
0x12e: {  	s0 =	sadd.s32 @!p0 $0x100000, s0  }
0x12f: {  	[sflag:s0] =	ssyncadd.tile.s32 @!p0 $0x1;
	_ =	shalt  }
.Lfunc_end2:
_tile_overlayer_lowered:
.L_overlay_start_2:
0x130: {  	(tag) =	ssettag $0x2  }
0x131: {  	s0 =	rddreg [dreg:$0x0];
	s2 =	stileid.u32  }
0x132: {  	s1 =	rddreg [dreg:$0x1];
	p0 =	sne.s32 s2, $0x0  }
0x133: {  	s3 =	rddreg [dreg:$0x2];
	[bflag:$0x3] =	sbarrier.arrive $0xFFFF;
	s2 =	simm.s32 @!p0 $0x1C02  }
0x134: {  	[timem:s3], [sflag:s2] =	dma.local @!p0 [hbm:s0], s1  }
0x135: {  	s0 =	simm.s32 @!p0 $0x2  }
0x136: {  	_ =	swait.ge @!p0 [sflag:s0], s1  }
0x137: {  	s1 =	ssub.s32 @!p0 $0x0, s1;
	[sflag:s0] =	ssyncset.done @!p0 $0x0  }
0x138: {  	[sflag:s0] =	ssyncadd.s32 @!p0 s1  }
0x139: {  	[bflag:$0x3] =	sbarrier.arrive $0xFFFF  }
0x13a: {  	_ =	shalt  }

// kernel: kernel.15.cloned.1.call-start
scs
__scs_entry_jumppad:
0x0: {  	(pc) =	sbr.rel $0x88, $3  }
0x1: {  	(tag) =	ssettag $0x0;
	lr =	simm.s32 $0x1  }
0x2: {  	[smem:$0x3F96] =	sst lr;
	_ =	strace $0xD0000000  }
0x3: {  	_ = 	snop  }
0x4: {  	_ = 	snop  }
0x5: {  	_ = 	snop  }
0x6: {  	_ = 	snop  }
0x7: {  	_ = 	snop  }
__scs_overlays_trampoline_lowered:
0x8: {  	[smem:$0x3FA5] =	sst s0  }
0x9: {  	[smem:$0x3FA6] =	sst s1  }
0xa: {  	[smem:$0x3FA7] =	sst s2  }
0xb: {  	[smem:$0x3FA8] =	sst s3  }
0xc: {  	[smem:$0x3FA9] =	sst s4  }
0xd: {  	[smem:$0x3FAA] =	sst s5  }
0xe: {  	[smem:$0x3FAB] =	sst s6  }
0xf: {  	[smem:$0x3FAC] =	sst s7  }
0x10: {  	[smem:$0x3FAD] =	sst s8  }
0x11: {  	[smem:$0x3FAE] =	sst s9;
	s0 =	simm.s32 @!p0 $0x0  }
0x12: {  	s1 =	sld [smem:$0x3F94];
	s0 =	simm.s32 @p0 $0x1  }
0x13: {  	[smem:$0x3FAF] =	sst s0;
	s0 =	simm.s32 @!p1 $0x0  }
0x14: {  	s2 =	sld [smem:$0x3F93];
	s0 =	simm.s32 @p1 $0x1  }
0x15: {  	[smem:$0x3FB0] =	sst s0;
	s0 =	simm.s32 @!p2 $0x0  }
0x16: {  	s3 =	sld [smem:$0x3FDB];
	s0 =	simm.s32 @p2 $0x1  }
0x17: {  	s4 =	simm.s32 $0x1BF5;
	[smem:$0x3FB2] =	sst s0  }
0x18: {  	s0 =	sld [smem:$0x3F95];
	_ =	swait.ge [sflag:s4], $0x0  }
0x19: {  	s7 =	sld [smem:$0x3F96]  }
0x1a: {  	s8 =	sadd.s32 $0xFFFFE003, lr  }
0x1b: {  	s9 =	sadd.s32 $0xFFFFFEF7, lr;
	s5 =	simm.s32 $0xFFFFFFFF;
	p2 =	slt.u32 s8, $0xFFFFF086  }
0x1c: {  	p1 =	slt.u32 s9, $0xF7A;
	s5 =	simm.s32 @!p2 $0x0  }
0x1d: {  	s5 =	simm.s32 @p1 $0x1;
	p0 =	seq.s32 s7, s2  }
0x1e: {  	s7 =	smul.u32 @!p0 $0xF7A, s2;
	p2 =	seq.s32 @!p0 s5, $0x0  }
0x1f: {  	s9 =	smul.u32 $0xF7A, s1;
	s8 =	simm.s32 @!p0 $0x1BF5;
	p2 =	por !p2, p0  }
0x20: {  	[sflag:s8] =	ssyncset.s32 @!p0 $0xFFFFF086;
	s6 =	sadd.s32 @!p0 s3, s7;
	s7 =	simm.s32 @!p0 $0x108  }
0x21: {  	s3 =	sadd.s32 s3, s9;
	s6 =	sadd.s32 @!p0 $0x88, s6;
	s7 =	simm.s32 @p2 $0x1082  }
0x22: {  	[simem:s7], [sflag:s8] =	dma.local @!p0 [hbm:s6], $0xF7A  }
0x23: {  	s9 =	sor.u32 $0xD0000000, s2;
	s6 =	simm.s32 $0x108;
	_ =	swait.ge @!p0 [sflag:s8], $0x0  }
0x24: {  	s3 =	sadd.s32 $0x88, s3;
	s6 =	simm.s32 @!p1 $0x1082;
	[sflag:s4] =	ssyncset.s32 $0xFFFFF086  }
0x25: {  	[simem:s6], [sflag:s4] =	dma.local [hbm:s3], $0xF7A  }
0x26: {  	[smem:$0x3F96] =	sst s1;
	(tag) =	ssettag s2;
	_ =	strace s9  }
0x27: {  	s1 =	sld [smem:$0x3FA6]  }
0x28: {  	s2 =	sld [smem:$0x3FA7]  }
0x29: {  	s4 =	sld [smem:$0x3FA9]  }
0x2a: {  	p0 =	seq.s32 s5, $0x0;
	s5 =	sld [smem:$0x3FAA]  }
0x2b: {  	s6 =	sld [smem:$0x3FAB]  }
0x2c: {  	s7 =	sld [smem:$0x3FAC]  }
0x2d: {  	s3 =	simm.s32 $0x108;
	s8 =	sld [smem:$0x3FAD]  }
0x2e: {  	s3 =	simm.s32 @!p0 $0x1082;
	s9 =	sld [smem:$0x3FAE]  }
0x2f: {  	lr =	sadd.s32 s0, s3;
	s0 =	sld [smem:$0x3FA5]  }
0x30: {  	s3 =	sld [smem:$0x3FA8]  }
0x31: {  	[smem:$0x3FB1] =	sst s10  }
0x32: {  	s10 =	sld [smem:$0x3FAF];
	_ =	sdelay $0x3  }
0x33: {  	p0 =	seq.s32 s10, $0x1;
	s10 =	sld [smem:$0x3FB1];
	_ =	sdelay $0x3  }
0x34: {  	[smem:$0x3FB1] =	sst s10  }
0x35: {  	s10 =	sld [smem:$0x3FB0];
	_ =	sdelay $0x3  }
0x36: {  	p1 =	seq.s32 s10, $0x1;
	s10 =	sld [smem:$0x3FB1];
	_ =	sdelay $0x3  }
0x37: {  	[smem:$0x3FB1] =	sst s10  }
0x38: {  	s10 =	sld [smem:$0x3FB2]  }
0x39: {  	_ = 	snop;
	(pc) =	sbr.ind lr, $3  }
0x3a: {  	_ = 	snop  }
0x3b: {  	_ = 	snop  }
0x3c: {  	p2 =	seq.s32 s10, $0x1;
	s10 =	sld [smem:$0x3FB1]  }
0x3d: {  	_ =	shalt  }
0x3e: {  	_ =	shalt  }
0x3f: {  	_ =	shalt  }
0x40: {  	_ =	shalt  }
0x41: {  	_ =	shalt  }
0x42: {  	_ =	shalt  }
0x43: {  	_ =	shalt  }
0x44: {  	_ =	shalt  }
0x45: {  	_ =	shalt  }
0x46: {  	_ =	shalt  }
0x47: {  	_ =	shalt  }
0x48: {  	_ =	shalt  }
0x49: {  	_ =	shalt  }
0x4a: {  	_ =	shalt  }
0x4b: {  	_ =	shalt  }
0x4c: {  	_ =	shalt  }
0x4d: {  	_ =	shalt  }
0x4e: {  	_ =	shalt  }
0x4f: {  	_ =	shalt  }
0x50: {  	_ =	shalt  }
0x51: {  	_ =	shalt  }
0x52: {  	_ =	shalt  }
0x53: {  	_ =	shalt  }
0x54: {  	_ =	shalt  }
0x55: {  	_ =	shalt  }
0x56: {  	_ =	shalt  }
0x57: {  	_ =	shalt  }
0x58: {  	_ =	shalt  }
0x59: {  	_ =	shalt  }
0x5a: {  	_ =	shalt  }
0x5b: {  	_ =	shalt  }
0x5c: {  	_ =	shalt  }
0x5d: {  	_ =	shalt  }
0x5e: {  	_ =	shalt  }
0x5f: {  	_ =	shalt  }
0x60: {  	_ =	shalt  }
0x61: {  	_ =	shalt  }
0x62: {  	_ =	shalt  }
0x63: {  	_ =	shalt  }
0x64: {  	_ =	shalt  }
0x65: {  	_ =	shalt  }
0x66: {  	_ =	shalt  }
0x67: {  	_ =	shalt  }
0x68: {  	_ =	shalt  }
0x69: {  	_ =	shalt  }
0x6a: {  	_ =	shalt  }
0x6b: {  	_ =	shalt  }
0x6c: {  	_ =	shalt  }
0x6d: {  	_ =	shalt  }
0x6e: {  	_ =	shalt  }
0x6f: {  	_ =	shalt  }
0x70: {  	_ =	shalt  }
0x71: {  	_ =	shalt  }
0x72: {  	_ =	shalt  }
0x73: {  	_ =	shalt  }
0x74: {  	_ =	shalt  }
0x75: {  	_ =	shalt  }
0x76: {  	_ =	shalt  }
0x77: {  	_ =	shalt  }
0x78: {  	_ =	shalt  }
0x79: {  	_ =	shalt  }
0x7a: {  	_ =	shalt  }
0x7b: {  	_ =	shalt  }
0x7c: {  	_ =	shalt  }
0x7d: {  	_ =	shalt  }
0x7e: {  	_ =	shalt  }
0x7f: {  	_ =	shalt  }
0x80: {  	_ =	shalt  }
0x81: {  	_ =	shalt  }
0x82: {  	_ =	shalt  }
0x83: {  	_ =	shalt  }
0x84: {  	_ =	shalt  }
0x85: {  	_ =	shalt  }
0x86: {  	_ =	shalt  }
0x87: {  	_ =	shalt  }
.Lfunc_end0:
.L_simem_size_0:
called_computation.2_lowered:
.L_overlay_start_0:
0x88: {  	s2 =	sld [smem:$0x3FD9]  }
0x89: {  	s3 =	sld [smem:$0x3FFE];
	_ =	sdelay $0x1  }
0x8a: {  	s1 =	srdreg.scid  }
0x8b: {  	s0 =	sand.u32 $0x1, s1  }
0x8c: {  	s17 =	sshll.u32 s0, $0xA;
	s2 =	sadd.s32 s3, s2  }
0x8d: {  	s2 =	sadd.s32 s2, s17  }
0x8e: {  	[smem:$0x3FBD] =	sst s2  }
0x8f: {  	_ = 	snop  }
0x90: {  	s2 =	sld [smem:$0x3FD0];
	(tm) =	ssettm $0x1  }
0x91: {  	s18 =	sld [smem:$0x3FFB];
	_ =	sdelay $0x3  }
0x92: {  	_ =	strace s18  }
0x93: {  	s3 =	sld [smem:$0x3FFC];
	_ =	sdelay $0x3  }
0x94: {  	_ =	strace s3  }
0x95: {  	s3 =	sld [smem:$0x3FFD];
	_ =	sdelay $0x3  }
0x96: {  	_ =	strace s3  }
0x97: {  	_ =	strace $0x8FFFFFFF  }
0x98: {  	s19 =	sld [smem:$0x3FDB];
	_ =	sdelay $0x1  }
0x99: {  	s4 =	simm.s32 $_scs_section_size  }
0x9a: {  	s5 =	simm.s32 $_size__tile_overlayer_lowered;
	s6 =	simm.s32 $_tile_overlayer_lowered  }
0x9b: {  	s22 =	simm.s32 $0x1BFF;
	s21 =	sshll.u32 s6, $0x1;
	s3 =	sadd.s32 s4, s19  }
0x9c: {  	s7 =	simm.s32 $0x0;
	s20 =	sshll.u32 s5, $0x1;
	s5 =	sadd.s32 s21, s3  }
0x9d: {  	[timem:s7], [sflag:s22] =	dma.local [hbm:s5], s20  }
0x9e: {  	_ =	swait.ge [sflag:s22], s20  }
0x9f: {  	s4 =	ssub.s32 $0x0, s20;
	[sflag:s22] =	ssyncset.done $0x0  }
0xa0: {  	[sflag:s22] =	ssyncadd.s32 s4;
	_ =	sdelay $0x1  }
0xa1: {  	s23 =	simm.s32 $0x1B8B  }
0xa2: {  	_ =	swait.ge [sflag:s23], $0x1  }
0xa3: {  	[sflag:s23] =	ssyncset.done $0x0  }
0xa4: {  	s25 =	simm.s32 $0x1B8E;
	s24 =	sld [smem:$0x3FFE];
	[sflag:s23] =	ssyncadd.s32 $0xFFFFFFFF  }
0xa5: {  	s26 =	simm.s32 $execute0_lowered;
	[smem:$0x3FD2] =	sst s25  }
0xa6: {  	s5 =	sshll.u32 s26, $0x1;
	_ =	strace $0x8000004C;
	[dreg:$0x1] =	wrdreg $0xFFFFFFFF  }
0xa7: {  	s28 =	simm.s32 $_size_execute0_lowered;
	s3 =	sadd.s32 s3, s5;
	[dreg:$0x0] =	wrdreg $0x0  }
0xa8: {  	s5 =	sshll.u32 s28, $0x1;
	[dreg:$0x2] =	wrdreg s3  }
0xa9: {  	[dreg:$0x3] =	wrdreg s5  }
0xaa: {  	[dreg:$0x4] =	wrdreg $0xC0  }
0xab: {  	_ =	task [dreg:s7], $0x5FFFF  }
0xac: {  	[dreg:$0x1] =	wrdreg $0xFFFFFFFF  }
0xad: {  	[dreg:$0x0] =	wrdreg $0x60  }
0xae: {  	[dreg:$0x2] =	wrdreg s24  }
0xaf: {  	[dreg:$0x3] =	wrdreg s2  }
0xb0: {  	[dreg:$0x4] =	wrdreg $0x29000  }
0xb1: {  	[dreg:$0x5] =	wrdreg $0x9  }
0xb2: {  	_ =	task.clear_ibuf [dreg:s7], $0x6FFFF;
	_ =	strace $0x9000004C  }
0xb3: {  	s29 =	simm.s32 $0x9;
	_ =	strace $0x8000004E  }
0xb4: {  	_ =	swait.ge [sflag:s29], $0x1  }
0xb5: {  	[sflag:s29] =	ssyncadd.s32 $0xFFFFFFFF  }
0xb6: {  	_ =	strace $0x9000004E  }
0xb7: {  	_ =	sfence  }
0xb8: {  	s30 =	sld [smem:$0x0];
	_ =	sdelay $0x2  }
0xb9: {  	s31 =	sshll.u32 s1, $0xD;
	s1 =	sshrl.u32 s1, $0x2  }
0xba: {  	s3 =	sand.u32 $0x4000, s31;
	s1 =	sadd.s32 s1, s30  }
0xbb: {  	s0 =	sor.u32 s3, s0;
	s1 =	sshll.u32 s1, $0x11  }
0xbc: {  	s0 =	sor.u32 s1, s0  }
0xbd: {  	s0 =	sadd.s32 $0x8F2B, s0  }
0xbe: {  	[sflag:s0] =	ssyncadd.remote.s32 $0x1  }
0xbf: {  	_ =	sfence.sel $0xFFFF  }
0xc0: {  	[dreg:$0x0] =	wrdreg $0xFFFFFFFF;
	(pc) =	sbr.abs _section_cstart, $3  }
0xc1: {  	[dreg:$0x1] =	wrdreg $0xFFFFFFFF  }
0xc2: {  	_ =	task.clear_ibuf [dreg:s7], $0x2FFFF;
	_ =	strace $0x9FFFFFFF  }
0xc3: {  	(tm) =	ssettm $0x7FFFFFFF  }
tec
execute0_lowered:
.L_overlay_start_1:
0x0: {  	(tag) =	ssettag $0x1  }
0x1: {  	s1 =	rddreg [dreg:$0x0];
	s0 =	srdreg.scid  }
0x2: {  	s3 =	rddreg [dreg:$0x2];
	s14 =	stileid.u32;
	s4 =	simm.s32 $0x0  }
0x3: {  	s28 =	simm.s32 $0x0;
	s2 =	sand.u32 $0x1, s0;
	s29 =	smul.u32 $0x4E20, s14  }
0x4: {  	[smem:$0x7FF] =	sst s4;
	s8 =	smul.u32 $0x270, s14;
	s5 =	sadd.s32 $0x65400, s1  }
0x5: {  	s6 =	smul.u32 $0x4E000, s14;
	p0 =	seq.s32 s14, $0xF;
	s14 =	sadd.s32 $0x124800, s3  }
0x6: {  	s7 =	smul.u32 $0x2710, s2;
	_ =	strace $0x8000004D;
	s9 =	ssub.s32 $0x2, s2  }
0x7: {  	s2 =	smul.u32 $0x27100, s2;
	s10 =	sshrl.u32 s9, $0x1;
	s6 =	sshrl.u32 s6, $0x2  }
0x8: {  	s11 =	sadd.s32 $0x230, s8;
	s15 =	sadd.s32 $0x50, s8;
	s17 =	sadd.s32 $0xA0, s8  }
0x9: {  	s24 =	sadd.s32 $0xF0, s8;
	s26 =	sadd.s32 $0x140, s8;
	s0 =	sadd.s32 s7, s29  }
0xa: {  	s9 =	ssub.s32 s9, s10;
	s6 =	sadd.s32 s6, s3;
	s30 =	sadd.s32 s7, s11  }
0xb: {  	s11 =	sshll.u32 s11, $0x7;
	s12 =	sadd.s32 s7, s8;
	s16 =	sshll.u32 s15, $0x7  }
0xc: {  	s19 =	sadd.s32 s7, s17;
	s21 =	sshll.u32 s17, $0x7;
	s25 =	sshll.u32 s24, $0x7  }
0xd: {  	s17 =	sadd.s32 $0x190, s8;
	s8 =	sadd.s32 $0x1E0, s8;
	s0 =	sshrl.u32 s0, $0x3  }
0xe: {  	s10 =	sshll.u32 s30, $0x4;
	s11 =	sadd.s32 s11, s3;
	s12 =	sshll.u32 s12, $0x4  }
0xf: {  	s9 =	smax.u32 s9, $0x1;
	s18 =	sadd.s32 s16, s3;
	[dreg:$0x4] =	wrdreg s11  }
0x10: {  	s22 =	sadd.s32 s21, s3;
	s29 =	sadd.s32 s25, s3;
	[dreg:$0x6] =	wrdreg s9  }
0x11: {  	s30 =	sadd.s32 s7, s26;
	s0 =	sadd.s32 s0, s1;
	[dreg:$0x8] =	wrdreg s18  }
0x12: {  	s1 =	sadd.s32 $0x8C600, s1;
	s11 =	sshll.u32 s19, $0x4;
	[dreg:$0xa] =	wrdreg s22  }
0x13: {  	[dreg:$0xc] =	wrdreg s29;
	s18 =	sshll.u32 s17, $0x7;
	s29 =	sadd.s32 $0x11800, s6  }
0x14: {  	s10 =	sadd.s32 s1, s10;
	s13 =	sadd.s32 s1, s12;
	s23 =	sadd.s32 s1, s11  }
0x15: {  	s11 =	sshll.u32 s30, $0x4;
	s19 =	sadd.s32 s18, s3;
	[dreg:$0x1b] =	wrdreg s29  }
0x16: {  	s31 =	sadd.s32 $0x3000, s0;
	s0 =	sadd.s32 $0xCE00, s0;
	[dreg:$0x5] =	wrdreg s10  }
0x17: {  	s12 =	sadd.s32 $0xF000, s6;
	s18 =	sadd.s32 $0x12E800, s3;
	[dreg:$0x7] =	wrdreg s13  }
0x18: {  	s10 =	sadd.s32 s7, s15;
	[dreg:$0xb] =	wrdreg s23;
	s13 =	sshll.u32 s26, $0x7  }
0x19: {  	s16 =	sadd.s32 s1, s11;
	[dreg:$0x10] =	wrdreg s19;
	s10 =	sshll.u32 s10, $0x4  }
0x1a: {  	s11 =	sadd.s32 $0xC800, s6;
	s20 =	sadd.s32 s1, s10;
	s10 =	sadd.s32 s7, s24  }
0x1b: {  	s15 =	sadd.s32 s13, s3;
	[dreg:$0xf] =	wrdreg s16;
	s10 =	sshll.u32 s10, $0x4  }
0x1c: {  	s13 =	sshll.u32 s8, $0x7;
	[dreg:$0xe] =	wrdreg s15;
	s10 =	sadd.s32 s1, s10  }
0x1d: {  	s30 =	sadd.s32 s13, s3;
	[dreg:$0xd] =	wrdreg s10;
	s10 =	sadd.s32 s7, s17  }
0x1e: {  	[dreg:$0x9] =	wrdreg s20;
	s7 =	sadd.s32 s7, s8;
	s10 =	sshll.u32 s10, $0x4  }
0x1f: {  	[dreg:$0x1c] =	wrdreg s30;
	s7 =	sshll.u32 s7, $0x4;
	s20 =	sadd.s32 s1, s10  }
0x20: {  	s7 =	sadd.s32 s1, s7;
	s1 =	sadd.s32 s1, s2;
	[dreg:$0x11] =	wrdreg s20  }
0x21: {  	s19 =	sadd.s32 $0x131000, s3;
	[dreg:$0x12] =	wrdreg s7;
	s2 =	sadd.s32 $0x24900, s1  }
0x22: {  	s16 =	sadd.s32 $0x127000, s3;
	s21 =	sadd.s32 $0x24E00, s1;
	[dreg:$0x13] =	wrdreg s2  }
0x23: {  	s15 =	sadd.s32 $0x129800, s3;
	s22 =	sadd.s32 $0x25300, s1;
	[dreg:$0x14] =	wrdreg s21  }
0x24: {  	s8 =	sadd.s32 $0x7800, s6;
	s23 =	sadd.s32 $0x25800, s1;
	[dreg:$0x15] =	wrdreg s22  }
0x25: {  	s17 =	sadd.s32 $0x12C000, s3;
	s24 =	sadd.s32 $0x25D00, s1;
	[dreg:$0x16] =	wrdreg s23  }
0x26: {  	s10 =	sadd.s32 $0xA000, s6;
	s25 =	sadd.s32 $0x26200, s1;
	[dreg:$0x17] =	wrdreg s24  }
.Ltmp0:
0x27: {  	s26 =	sadd.s32 $0x26700, s1;
	[dreg:$0x18] =	wrdreg s25;
	(pc) =	sbr.rel .LBB2_1-.Ltmp0, $4  }
0x28: {  	s1 =	sadd.s32 $0x26C00, s1;
	s7 =	sadd.s32 $0x5000, s6;
	[dreg:$0x19] =	wrdreg s26  }
0x29: {  	s20 =	sadd.s32 $0x133800, s3;
	[dreg:$0x1a] =	wrdreg s1;
	s2 =	sadd.s32 $0x2800, s6  }
0x2a: {  	s21 =	sadd.s32 $0x136000, s3;
	s22 =	simm.s32 $0x100;
	s23 =	simm.s32 $0x2  }
0x2b: {  	s24 =	simm.s32 $0x80;
	s25 =	simm.s32 $0x50;
	s26 =	simm.s32 $0x1  }
.LBB2_5:
0x2c: {  	[tilespmem:s22], [sflag:$0x2] =	stream.linear.gather [spmem:s14], $0x2800, $0x38;
	[tilespmem:$0x16180] =	vst v63  }
0x2d: {  	_ =	swait.ge [sflag:s23], $0x2800  }
0x2e: {  	[sflag:s23] =	ssyncset.done $0x0  }
0x2f: {  	s1 =	rddreg [dreg:$0x13];
	[sflag:s23] =	ssyncadd.s32 $0xFFFFD800  }
0x30: {  	[hbm4b:s1+s4] =	stream.linear.scatter [tilespmem:s22], [sflag:$0x2], $0x2800, $0x38;
	[tilespmem:$0x16180] =	vst v63  }
0x31: {  	_ =	swait.ge [sflag:s23], $0x2800  }
0x32: {  	[sflag:s23] =	ssyncset.done $0x0  }
0x33: {  	[sflag:s23] =	ssyncadd.s32 $0xFFFFD800  }
0x34: {  	[tilespmem:s22], [sflag:$0x2] =	stream.linear.gather [spmem:s16], $0x2800, $0x38;
	[tilespmem:$0x16180] =	vst v63  }
0x35: {  	_ =	swait.ge [sflag:s23], $0x2800  }
0x36: {  	[sflag:s23] =	ssyncset.done $0x0  }
0x37: {  	s13 =	rddreg [dreg:$0x14];
	[sflag:s23] =	ssyncadd.s32 $0xFFFFD800  }
0x38: {  	[hbm4b:s13+s4] =	stream.linear.scatter [tilespmem:s22], [sflag:$0x2], $0x2800, $0x38;
	[tilespmem:$0x16180] =	vst v63  }
0x39: {  	_ =	swait.ge [sflag:s23], $0x2800  }
0x3a: {  	[sflag:s23] =	ssyncset.done $0x0  }
0x3b: {  	[sflag:s23] =	ssyncadd.s32 $0xFFFFD800  }
0x3c: {  	[tilespmem:s22], [sflag:$0x2] =	stream.linear.gather [spmem:s15], $0x2800, $0x38;
	[tilespmem:$0x16180] =	vst v63  }
0x3d: {  	_ =	swait.ge [sflag:s23], $0x2800  }
0x3e: {  	[sflag:s23] =	ssyncset.done $0x0  }
0x3f: {  	s29 =	rddreg [dreg:$0x15];
	[sflag:s23] =	ssyncadd.s32 $0xFFFFD800  }
0x40: {  	[hbm4b:s29+s4] =	stream.linear.scatter [tilespmem:s22], [sflag:$0x2], $0x2800, $0x38;
	[tilespmem:$0x16180] =	vst v63  }
0x41: {  	_ =	swait.ge [sflag:s23], $0x2800  }
0x42: {  	[sflag:s23] =	ssyncset.done $0x0  }
0x43: {  	[sflag:s23] =	ssyncadd.s32 $0xFFFFD800  }
0x44: {  	[tilespmem:s22], [sflag:$0x2] =	stream.linear.gather [spmem:s17], $0x2800, $0x38;
	[tilespmem:$0x16180] =	vst v63  }
0x45: {  	_ =	swait.ge [sflag:s23], $0x2800  }
0x46: {  	[sflag:s23] =	ssyncset.done $0x0  }
0x47: {  	s30 =	rddreg [dreg:$0x16];
	[sflag:s23] =	ssyncadd.s32 $0xFFFFD800  }
0x48: {  	[hbm4b:s30+s4] =	stream.linear.scatter [tilespmem:s22], [sflag:$0x2], $0x2800, $0x38;
	[tilespmem:$0x16180] =	vst v63  }
0x49: {  	_ =	swait.ge [sflag:s23], $0x2800  }
0x4a: {  	[sflag:s23] =	ssyncset.done $0x0  }
0x4b: {  	[sflag:s23] =	ssyncadd.s32 $0xFFFFD800  }
0x4c: {  	[tilespmem:s22], [sflag:$0x2] =	stream.linear.gather [spmem:s18], $0x2800, $0x38;
	[tilespmem:$0x16180] =	vst v63  }
0x4d: {  	_ =	swait.ge [sflag:s23], $0x2800  }
0x4e: {  	[sflag:s23] =	ssyncset.done $0x0  }
0x4f: {  	s9 =	rddreg [dreg:$0x17];
	[sflag:s23] =	ssyncadd.s32 $0xFFFFD800  }
0x50: {  	[hbm4b:s9+s4] =	stream.linear.scatter [tilespmem:s22], [sflag:$0x2], $0x2800, $0x38;
	[tilespmem:$0x16180] =	vst v63  }
0x51: {  	_ =	swait.ge [sflag:s23], $0x2800  }
0x52: {  	[sflag:s23] =	ssyncset.done $0x0  }
0x53: {  	[sflag:s23] =	ssyncadd.s32 $0xFFFFD800  }
0x54: {  	[tilespmem:s22], [sflag:$0x2] =	stream.linear.gather [spmem:s19], $0x2800, $0x38;
	[tilespmem:$0x16180] =	vst v63  }
0x55: {  	_ =	swait.ge [sflag:s23], $0x2800  }
0x56: {  	[sflag:s23] =	ssyncset.done $0x0  }
0x57: {  	s13 =	rddreg [dreg:$0x18];
	[sflag:s23] =	ssyncadd.s32 $0xFFFFD800  }
0x58: {  	[hbm4b:s13+s4] =	stream.linear.scatter [tilespmem:s22], [sflag:$0x2], $0x2800, $0x38;
	[tilespmem:$0x16180] =	vst v63  }
0x59: {  	_ =	swait.ge [sflag:s23], $0x2800  }
0x5a: {  	[sflag:s23] =	ssyncset.done $0x0  }
0x5b: {  	[sflag:s23] =	ssyncadd.s32 $0xFFFFD800  }
0x5c: {  	[tilespmem:s22], [sflag:$0x2] =	stream.linear.gather [spmem:s20], $0x2800, $0x38;
	[tilespmem:$0x16180] =	vst v63  }
0x5d: {  	_ =	swait.ge [sflag:s23], $0x2800  }
0x5e: {  	[sflag:s23] =	ssyncset.done $0x0  }
0x5f: {  	s29 =	rddreg [dreg:$0x19];
	[sflag:s23] =	ssyncadd.s32 $0xFFFFD800  }
0x60: {  	[hbm4b:s29+s4] =	stream.linear.scatter [tilespmem:s22], [sflag:$0x2], $0x2800, $0x38;
	[tilespmem:$0x16180] =	vst v63  }
0x61: {  	_ =	swait.ge [sflag:s23], $0x2800  }
0x62: {  	[sflag:s23] =	ssyncset.done $0x0  }
0x63: {  	[sflag:s23] =	ssyncadd.s32 $0xFFFFD800  }
0x64: {  	[tilespmem:s22], [sflag:$0x2] =	stream.linear.gather [spmem:s21], $0x2800, $0x38;
	[tilespmem:$0x16180] =	vst v63  }
0x65: {  	_ =	swait.ge [sflag:s23], $0x2800  }
0x66: {  	[sflag:s23] =	ssyncset.done $0x0  }
0x67: {  	s30 =	rddreg [dreg:$0x1a];
	[sflag:s23] =	ssyncadd.s32 $0xFFFFD800  }
0x68: {  	[hbm4b:s30+s4] =	stream.linear.scatter [tilespmem:s22], [sflag:$0x2], $0x2800, $0x38;
	[tilespmem:$0x16180] =	vst v63  }
0x69: {  	_ =	swait.ge [sflag:s23], $0x2800  }
0x6a: {  	[sflag:s23] =	ssyncset.done $0x0  }
0x6b: {  	[sflag:s23] =	ssyncadd.s32 $0xFFFFD800  }
.LBB2_6:
0x6c: {  	s28 =	sadd.s32 $0x1, s28;
	s1 =	rddreg [dreg:$0x6]  }
0x6d: {  	p1 =	sne.s32 s28, s1  }
.Ltmp1:
0x6e: {  	_ = 	snop;
	(pc) =	sbr.rel @!p1 .LBB2_7-.Ltmp1, $1  }
0x6f: {  	_ =	sdelay $0x3  }
.LBB2_1:
0x70: {  	s1 =	rddreg [dreg:$0x1]  }
0x71: {  	[tilespmem:s22], [sflag:$0x2] =	stream.linear.gather [hbm4b:s1+s4], $0x2800, $0x38;
	[tilespmem:$0x16180] =	vst v63  }
0x72: {  	_ =	swait.ge [sflag:s23], $0x2800  }
0x73: {  	[sflag:s23] =	ssyncset.done $0x0  }
0x74: {  	s29 =	simm.s32 @p0 $0x100;
	s30 =	simm.s32 @p0 $0x2;
	[sflag:s23] =	ssyncadd.s32 $0xFFFFD800  }
0x75: {  	[spmem:s14] =	stream.linear.scatter @p0 [tilespmem:s29], [sflag:$0x2], $0x2800, $0x38;
	[tilespmem:$0x16180] =	vst v63  }
0x76: {  	_ =	swait.ge @p0 [sflag:s30], $0x2800  }
0x77: {  	[sflag:s30] =	ssyncset.done @p0 $0x0  }
0x78: {  	[sflag:s30] =	ssyncadd.s32 @p0 $0xFFFFD800  }
0x79: {  	[spmem:s16] =	stream.linear.scatter @p0 [tilespmem:s29], [sflag:$0x2], $0x2800, $0x38;
	[tilespmem:$0x16180] =	vst v63  }
0x7a: {  	_ =	swait.ge @p0 [sflag:s30], $0x2800  }
0x7b: {  	[sflag:s30] =	ssyncset.done @p0 $0x0  }
0x7c: {  	[sflag:s30] =	ssyncadd.s32 @p0 $0xFFFFD800  }
0x7d: {  	[spmem:s15] =	stream.linear.scatter @p0 [tilespmem:s29], [sflag:$0x2], $0x2800, $0x38;
	[tilespmem:$0x16180] =	vst v63  }
0x7e: {  	_ =	swait.ge @p0 [sflag:s30], $0x2800  }
0x7f: {  	[sflag:s30] =	ssyncset.done @p0 $0x0  }
0x80: {  	[sflag:s30] =	ssyncadd.s32 @p0 $0xFFFFD800  }
0x81: {  	[spmem:s17] =	stream.linear.scatter @p0 [tilespmem:s29], [sflag:$0x2], $0x2800, $0x38;
	[tilespmem:$0x16180] =	vst v63  }
0x82: {  	_ =	swait.ge @p0 [sflag:s30], $0x2800  }
0x83: {  	[sflag:s30] =	ssyncset.done @p0 $0x0  }
0x84: {  	[sflag:s30] =	ssyncadd.s32 @p0 $0xFFFFD800  }
0x85: {  	[spmem:s18] =	stream.linear.scatter @p0 [tilespmem:s29], [sflag:$0x2], $0x2800, $0x38;
	[tilespmem:$0x16180] =	vst v63  }
0x86: {  	_ =	swait.ge @p0 [sflag:s30], $0x2800  }
0x87: {  	[sflag:s30] =	ssyncset.done @p0 $0x0  }
0x88: {  	[sflag:s30] =	ssyncadd.s32 @p0 $0xFFFFD800  }
0x89: {  	[spmem:s19] =	stream.linear.scatter @p0 [tilespmem:s29], [sflag:$0x2], $0x2800, $0x38;
	[tilespmem:$0x16180] =	vst v63  }
0x8a: {  	_ =	swait.ge @p0 [sflag:s30], $0x2800  }
0x8b: {  	[sflag:s30] =	ssyncset.done @p0 $0x0  }
0x8c: {  	[sflag:s30] =	ssyncadd.s32 @p0 $0xFFFFD800  }
0x8d: {  	[spmem:s20] =	stream.linear.scatter @p0 [tilespmem:s29], [sflag:$0x2], $0x2800, $0x38;
	[tilespmem:$0x16180] =	vst v63  }
0x8e: {  	_ =	swait.ge @p0 [sflag:s30], $0x2800  }
0x8f: {  	[sflag:s30] =	ssyncset.done @p0 $0x0  }
0x90: {  	[sflag:s30] =	ssyncadd.s32 @p0 $0xFFFFD800  }
0x91: {  	[spmem:s21] =	stream.linear.scatter @p0 [tilespmem:s29], [sflag:$0x2], $0x2800, $0x38;
	[tilespmem:$0x16180] =	vst v63  }
0x92: {  	_ =	swait.ge @p0 [sflag:s30], $0x2800  }
0x93: {  	[sflag:s30] =	ssyncset.done @p0 $0x0  }
0x94: {  	s29 =	simm.s32 @!p0 $0x100;
	[sflag:s30] =	ssyncadd.s32 @p0 $0xFFFFD800;
	s30 =	simm.s32 @!p0 $0x2  }
0x95: {  	[spmem:s6] =	stream.linear.scatter @!p0 [tilespmem:s29], [sflag:$0x2], $0x2800, $0x38;
	[tilespmem:$0x16180] =	vst v63  }
0x96: {  	_ =	swait.ge @!p0 [sflag:s30], $0x2800  }
0x97: {  	[sflag:s30] =	ssyncset.done @!p0 $0x0  }
0x98: {  	[sflag:s30] =	ssyncadd.s32 @!p0 $0xFFFFD800  }
0x99: {  	[spmem:s2] =	stream.linear.scatter @!p0 [tilespmem:s29], [sflag:$0x2], $0x2800, $0x38;
	[tilespmem:$0x16180] =	vst v63  }
0x9a: {  	_ =	swait.ge @!p0 [sflag:s30], $0x2800  }
0x9b: {  	[sflag:s30] =	ssyncset.done @!p0 $0x0  }
0x9c: {  	[sflag:s30] =	ssyncadd.s32 @!p0 $0xFFFFD800  }
0x9d: {  	[spmem:s7] =	stream.linear.scatter @!p0 [tilespmem:s29], [sflag:$0x2], $0x2800, $0x38;
	[tilespmem:$0x16180] =	vst v63  }
0x9e: {  	_ =	swait.ge @!p0 [sflag:s30], $0x2800  }
0x9f: {  	[sflag:s30] =	ssyncset.done @!p0 $0x0  }
0xa0: {  	[sflag:s30] =	ssyncadd.s32 @!p0 $0xFFFFD800  }
0xa1: {  	[spmem:s8] =	stream.linear.scatter @!p0 [tilespmem:s29], [sflag:$0x2], $0x2800, $0x38;
	[tilespmem:$0x16180] =	vst v63  }
0xa2: {  	_ =	swait.ge @!p0 [sflag:s30], $0x2800  }
0xa3: {  	[sflag:s30] =	ssyncset.done @!p0 $0x0  }
0xa4: {  	[sflag:s30] =	ssyncadd.s32 @!p0 $0xFFFFD800  }
0xa5: {  	[spmem:s10] =	stream.linear.scatter @!p0 [tilespmem:s29], [sflag:$0x2], $0x2800, $0x38;
	[tilespmem:$0x16180] =	vst v63  }
0xa6: {  	_ =	swait.ge @!p0 [sflag:s30], $0x2800  }
0xa7: {  	[sflag:s30] =	ssyncset.done @!p0 $0x0  }
0xa8: {  	[sflag:s30] =	ssyncadd.s32 @!p0 $0xFFFFD800  }
0xa9: {  	[spmem:s11] =	stream.linear.scatter @!p0 [tilespmem:s29], [sflag:$0x2], $0x2800, $0x38;
	[tilespmem:$0x16180] =	vst v63  }
0xaa: {  	_ =	swait.ge @!p0 [sflag:s30], $0x2800  }
0xab: {  	[sflag:s30] =	ssyncset.done @!p0 $0x0  }
0xac: {  	[sflag:s30] =	ssyncadd.s32 @!p0 $0xFFFFD800  }
0xad: {  	[spmem:s12] =	stream.linear.scatter @!p0 [tilespmem:s29], [sflag:$0x2], $0x2800, $0x38;
	[tilespmem:$0x16180] =	vst v63  }
0xae: {  	_ =	swait.ge @!p0 [sflag:s30], $0x2800  }
0xaf: {  	[sflag:s30] =	ssyncset.done @!p0 $0x0  }
0xb0: {  	s1 =	rddreg [dreg:$0x1b];
	[sflag:s30] =	ssyncadd.s32 @!p0 $0xFFFFD800  }
0xb1: {  	[spmem:s1] =	stream.linear.scatter @!p0 [tilespmem:s29], [sflag:$0x2], $0x2000, $0x38;
	[tilespmem:$0x16180] =	vst v63  }
0xb2: {  	_ =	swait.ge @!p0 [sflag:s30], $0x2000  }
0xb3: {  	[sflag:s30] =	ssyncset.done @!p0 $0x0  }
0xb4: {  	[sflag:s30] =	ssyncadd.s32 @!p0 $0xFFFFE000  }
0xb5: {  	s29 =	sadd.s32 $0x0, s0;
	[bflag:$0x0] =	sbarrier.arrive $0xFFFF  }
0xb6: {  	[tilespmem:s4], [sflag:$0x2] =	stream.linear.gather [hbm4b:s29+s4], $0x50, $0x38;
	[tilespmem:$0x16180] =	vst v63  }
0xb7: {  	_ =	swait.ge [sflag:s23], $0x50  }
0xb8: {  	[sflag:s23] =	ssyncset.done $0x0  }
0xb9: {  	s29 =	sadd.s32 $0x0, s31;
	[sflag:s23] =	ssyncadd.s32 $0xFFFFFFB0  }
0xba: {  	[tilespmem:s24], [sflag:$0x2] =	stream.linear.gather [hbm4b:s29+s4], $0x50, $0x38;
	[tilespmem:$0x16180] =	vst v63  }
0xbb: {  	_ =	swait.ge [sflag:s23], $0x50  }
0xbc: {  	[sflag:s23] =	ssyncset.done $0x0  }
0xbd: {  	[sflag:s23] =	ssyncadd.s32 $0xFFFFFFB0  }
0xbe: {  	[tilespmem:s22], [sflag:$0x1] =	stream.indirect.gather [hbm4b:s5+s25], $0x80, s4, s25, $0xb8;
	[tilespmem:$0x16180] =	vst v63  }
0xbf: {  	_ =	swait.ge [sflag:s26], $0x2800  }
0xc0: {  	[sflag:s26] =	ssyncset.done $0x0  }
0xc1: {  	[sflag:s26] =	ssyncadd.s32 $0xFFFFD800  }
0xc2: {  	[spmem:s3] =	stream.indirect.scatter.add.f32 [tilespmem:s22], [sflag:$0x2], $0x80, s24, s25, $0xb8;
	[tilespmem:$0x16180] =	vst v63  }
0xc3: {  	_ =	swait.ge [sflag:s23], $0x2800  }
0xc4: {  	s30 =	simm.s32 $0x14;
	s29 =	simm.s32 $0xA;
	[sflag:s23] =	ssyncset.done $0x0  }
.LBB2_2:
0xc5: {  	s13 =	sadd.s32 s29, s0  }
0xc6: {  	[sflag:s23] =	ssyncadd.s32 $0xFFFFD800;
	s9 =	smov.u32 s30;
	s1 =	sadd.s32 $0xA, s30  }
0xc7: {  	[tilespmem:s4], [sflag:$0x2] =	stream.linear.gather [hbm4b:s13+s4], $0x50, $0x38;
	[tilespmem:$0x16180] =	vst v63  }
0xc8: {  	p1 =	sne.s32 s30, $0x4D8;
	_ =	swait.ge [sflag:s23], $0x50  }
0xc9: {  	[sflag:s23] =	ssyncset.done $0x0  }
0xca: {  	s13 =	sadd.s32 s29, s31;
	s29 =	smov.u32 s9;
	[sflag:s23] =	ssyncadd.s32 $0xFFFFFFB0  }
0xcb: {  	[tilespmem:s24], [sflag:$0x2] =	stream.linear.gather [hbm4b:s13+s4], $0x50, $0x38;
	[tilespmem:$0x16180] =	vst v63  }
0xcc: {  	_ =	swait.ge [sflag:s23], $0x50  }
0xcd: {  	[sflag:s23] =	ssyncset.done $0x0  }
0xce: {  	[sflag:s23] =	ssyncadd.s32 $0xFFFFFFB0  }
0xcf: {  	[tilespmem:s22], [sflag:$0x1] =	stream.indirect.gather [hbm4b:s5+s25], $0x80, s4, s25, $0xb8;
	[tilespmem:$0x16180] =	vst v63  }
0xd0: {  	_ =	swait.ge [sflag:s26], $0x2800  }
.Ltmp2:
0xd1: {  	[sflag:s26] =	ssyncset.done $0x0;
	(pc) =	sbr.rel @p1 .LBB2_2-.Ltmp2, $4  }
0xd2: {  	[sflag:s26] =	ssyncadd.s32 $0xFFFFD800  }
0xd3: {  	[spmem:s3] =	stream.indirect.scatter.add.f32 [tilespmem:s22], [sflag:$0x2], $0x80, s24, s25, $0xb8;
	[tilespmem:$0x16180] =	vst v63  }
0xd4: {  	_ =	swait.ge [sflag:s23], $0x2800  }
0xd5: {  	s30 =	smov.u32 s1;
	[sflag:s23] =	ssyncset.done $0x0  }
0xd6: {  	s1 =	sadd.s32 s29, s0;
	[sflag:s23] =	ssyncadd.s32 $0xFFFFD800  }
0xd7: {  	[tilespmem:s4], [sflag:$0x2] =	stream.linear.gather [hbm4b:s1+s4], $0x50, $0x38;
	[tilespmem:$0x16180] =	vst v63  }
0xd8: {  	_ =	swait.ge [sflag:s23], $0x50  }
0xd9: {  	[sflag:s23] =	ssyncset.done $0x0  }
0xda: {  	s30 =	sadd.s32 s29, s31;
	[sflag:s23] =	ssyncadd.s32 $0xFFFFFFB0  }
0xdb: {  	[tilespmem:s24], [sflag:$0x2] =	stream.linear.gather [hbm4b:s30+s4], $0x50, $0x38;
	[tilespmem:$0x16180] =	vst v63  }
0xdc: {  	_ =	swait.ge [sflag:s23], $0x50  }
0xdd: {  	[sflag:s23] =	ssyncset.done $0x0  }
0xde: {  	[sflag:s23] =	ssyncadd.s32 $0xFFFFFFB0  }
0xdf: {  	[tilespmem:s22], [sflag:$0x1] =	stream.indirect.gather [hbm4b:s5+s25], $0x80, s4, s25, $0xb8;
	[tilespmem:$0x16180] =	vst v63  }
0xe0: {  	_ =	swait.ge [sflag:s26], $0x2800  }
0xe1: {  	[sflag:s26] =	ssyncset.done $0x0  }
0xe2: {  	[sflag:s26] =	ssyncadd.s32 $0xFFFFD800  }
0xe3: {  	[spmem:s3] =	stream.indirect.scatter.add.f32 [tilespmem:s22], [sflag:$0x2], $0x80, s24, s25, $0xb8;
	[tilespmem:$0x16180] =	vst v63  }
.Ltmp3:
0xe4: {  	_ =	swait.ge [sflag:s23], $0x2800;
	(pc) =	sbr.rel @p0 .LBB2_5-.Ltmp3, $3  }
0xe5: {  	[sflag:s23] =	ssyncset.done $0x0  }
0xe6: {  	[sflag:s23] =	ssyncadd.s32 $0xFFFFD800  }
0xe7: {  	[bflag:$0x0] =	sbarrier.arrive $0xFFFF;
	_ =	sdelay $0x1  }
0xe8: {  	[tilespmem:s22], [sflag:$0x2] =	stream.linear.gather [spmem:s6], $0x2800, $0x38;
	[tilespmem:$0x16180] =	vst v63  }
0xe9: {  	_ =	swait.ge [sflag:s23], $0x2800  }
0xea: {  	[sflag:s23] =	ssyncset.done $0x0  }
0xeb: {  	s1 =	rddreg [dreg:$0x7];
	[sflag:s23] =	ssyncadd.s32 $0xFFFFD800  }
0xec: {  	[hbm4b:s1+s4] =	stream.linear.scatter [tilespmem:s22], [sflag:$0x2], $0x2800, $0x38;
	[tilespmem:$0x16180] =	vst v63  }
0xed: {  	_ =	swait.ge [sflag:s23], $0x2800  }
0xee: {  	[sflag:s23] =	ssyncset.done $0x0  }
0xef: {  	s29 =	rddreg [dreg:$0x8];
	[sflag:s23] =	ssyncadd.s32 $0xFFFFD800  }
0xf0: {  	[tilespmem:s22], [sflag:$0x2] =	stream.linear.gather [spmem:s29], $0x2800, $0x38;
	[tilespmem:$0x16180] =	vst v63  }
0xf1: {  	_ =	swait.ge [sflag:s23], $0x2800  }
0xf2: {  	[sflag:s23] =	ssyncset.done $0x0  }
0xf3: {  	s30 =	rddreg [dreg:$0x9];
	[sflag:s23] =	ssyncadd.s32 $0xFFFFD800  }
0xf4: {  	[hbm4b:s30+s4] =	stream.linear.scatter [tilespmem:s22], [sflag:$0x2], $0x2800, $0x38;
	[tilespmem:$0x16180] =	vst v63  }
0xf5: {  	_ =	swait.ge [sflag:s23], $0x2800  }
0xf6: {  	[sflag:s23] =	ssyncset.done $0x0  }
0xf7: {  	s9 =	rddreg [dreg:$0xa];
	[sflag:s23] =	ssyncadd.s32 $0xFFFFD800  }
0xf8: {  	[tilespmem:s22], [sflag:$0x2] =	stream.linear.gather [spmem:s9], $0x2800, $0x38;
	[tilespmem:$0x16180] =	vst v63  }
0xf9: {  	_ =	swait.ge [sflag:s23], $0x2800  }
0xfa: {  	[sflag:s23] =	ssyncset.done $0x0  }
0xfb: {  	s13 =	rddreg [dreg:$0xb];
	[sflag:s23] =	ssyncadd.s32 $0xFFFFD800  }
0xfc: {  	[hbm4b:s13+s4] =	stream.linear.scatter [tilespmem:s22], [sflag:$0x2], $0x2800, $0x38;
	[tilespmem:$0x16180] =	vst v63  }
0xfd: {  	_ =	swait.ge [sflag:s23], $0x2800  }
0xfe: {  	[sflag:s23] =	ssyncset.done $0x0  }
0xff: {  	s29 =	rddreg [dreg:$0xc];
	[sflag:s23] =	ssyncadd.s32 $0xFFFFD800  }
0x100: {  	[tilespmem:s22], [sflag:$0x2] =	stream.linear.gather [spmem:s29], $0x2800, $0x38;
	[tilespmem:$0x16180] =	vst v63  }
0x101: {  	_ =	swait.ge [sflag:s23], $0x2800  }
0x102: {  	[sflag:s23] =	ssyncset.done $0x0  }
0x103: {  	s30 =	rddreg [dreg:$0xd];
	[sflag:s23] =	ssyncadd.s32 $0xFFFFD800  }
0x104: {  	[hbm4b:s30+s4] =	stream.linear.scatter [tilespmem:s22], [sflag:$0x2], $0x2800, $0x38;
	[tilespmem:$0x16180] =	vst v63  }
0x105: {  	_ =	swait.ge [sflag:s23], $0x2800  }
0x106: {  	[sflag:s23] =	ssyncset.done $0x0  }
0x107: {  	s9 =	rddreg [dreg:$0xe];
	[sflag:s23] =	ssyncadd.s32 $0xFFFFD800  }
0x108: {  	[tilespmem:s22], [sflag:$0x2] =	stream.linear.gather [spmem:s9], $0x2800, $0x38;
	[tilespmem:$0x16180] =	vst v63  }
0x109: {  	_ =	swait.ge [sflag:s23], $0x2800  }
0x10a: {  	[sflag:s23] =	ssyncset.done $0x0  }
0x10b: {  	s13 =	rddreg [dreg:$0xf];
	[sflag:s23] =	ssyncadd.s32 $0xFFFFD800  }
0x10c: {  	[hbm4b:s13+s4] =	stream.linear.scatter [tilespmem:s22], [sflag:$0x2], $0x2800, $0x38;
	[tilespmem:$0x16180] =	vst v63  }
0x10d: {  	_ =	swait.ge [sflag:s23], $0x2800  }
0x10e: {  	[sflag:s23] =	ssyncset.done $0x0  }
0x10f: {  	s29 =	rddreg [dreg:$0x10];
	[sflag:s23] =	ssyncadd.s32 $0xFFFFD800  }
0x110: {  	[tilespmem:s22], [sflag:$0x2] =	stream.linear.gather [spmem:s29], $0x2800, $0x38;
	[tilespmem:$0x16180] =	vst v63  }
0x111: {  	_ =	swait.ge [sflag:s23], $0x2800  }
0x112: {  	[sflag:s23] =	ssyncset.done $0x0  }
0x113: {  	s30 =	rddreg [dreg:$0x11];
	[sflag:s23] =	ssyncadd.s32 $0xFFFFD800  }
0x114: {  	[hbm4b:s30+s4] =	stream.linear.scatter [tilespmem:s22], [sflag:$0x2], $0x2800, $0x38;
	[tilespmem:$0x16180] =	vst v63  }
0x115: {  	_ =	swait.ge [sflag:s23], $0x2800  }
0x116: {  	[sflag:s23] =	ssyncset.done $0x0  }
0x117: {  	s9 =	rddreg [dreg:$0x1c];
	[sflag:s23] =	ssyncadd.s32 $0xFFFFD800  }
0x118: {  	[tilespmem:s22], [sflag:$0x2] =	stream.linear.gather [spmem:s9], $0x2800, $0x38;
	[tilespmem:$0x16180] =	vst v63  }
0x119: {  	_ =	swait.ge [sflag:s23], $0x2800  }
0x11a: {  	[sflag:s23] =	ssyncset.done $0x0  }
0x11b: {  	s13 =	rddreg [dreg:$0x12];
	[sflag:s23] =	ssyncadd.s32 $0xFFFFD800  }
0x11c: {  	[hbm4b:s13+s4] =	stream.linear.scatter [tilespmem:s22], [sflag:$0x2], $0x2800, $0x38;
	[tilespmem:$0x16180] =	vst v63  }
0x11d: {  	_ =	swait.ge [sflag:s23], $0x2800  }
0x11e: {  	[sflag:s23] =	ssyncset.done $0x0  }
0x11f: {  	s29 =	rddreg [dreg:$0x4];
	[sflag:s23] =	ssyncadd.s32 $0xFFFFD800  }
0x120: {  	[tilespmem:s22], [sflag:$0x2] =	stream.linear.gather [spmem:s29], $0x2000, $0x38;
	[tilespmem:$0x16180] =	vst v63  }
0x121: {  	_ =	swait.ge [sflag:s23], $0x2000  }
0x122: {  	[sflag:s23] =	ssyncset.done $0x0  }
.Ltmp4:
0x123: {  	s30 =	rddreg [dreg:$0x5];
	[sflag:s23] =	ssyncadd.s32 $0xFFFFE000;
	(pc) =	sbr.rel .LBB2_6-.Ltmp4, $4  }
0x124: {  	[hbm4b:s30+s4] =	stream.linear.scatter [tilespmem:s22], [sflag:$0x2], $0x2000, $0x38;
	[tilespmem:$0x16180] =	vst v63  }
0x125: {  	_ =	swait.ge [sflag:s23], $0x2000  }
0x126: {  	[sflag:s23] =	ssyncset.done $0x0  }
0x127: {  	[sflag:s23] =	ssyncadd.s32 $0xFFFFE000  }
.LBB2_7:
0x128: {  	_ =	sfence.sel $0x180000  }
0x129: {  	[bflag:$0x0] =	sbarrier.arrive $0xFFFF  }
0x12a: {  	_ =	strace $0x9000004D  }
0x12b: {  	s0 =	stileid.u32;
	[bflag:$0x2] =	sbarrier.arrive $0xFFFF  }
0x12c: {  	p0 =	sne.s32 s0, $0x0;
	s0 =	rddreg [dreg:$0x3]  }
0x12d: {  	s0 =	sadd.s32 @!p0 $0x100000, s0  }
0x12e: {  	[sflag:s0] =	ssyncadd.tile.s32 @!p0 $0x1;
	_ =	shalt  }
.Lfunc_end2:
_tile_overlayer_lowered:
.L_overlay_start_2:
0x12f: {  	(tag) =	ssettag $0x2  }
0x130: {  	s0 =	rddreg [dreg:$0x0];
	s2 =	stileid.u32  }
0x131: {  	s1 =	rddreg [dreg:$0x1];
	p0 =	sne.s32 s2, $0x0  }
0x132: {  	s3 =	rddreg [dreg:$0x2];
	[bflag:$0x3] =	sbarrier.arrive $0xFFFF;
	s2 =	simm.s32 @!p0 $0x1C02  }
0x133: {  	[timem:s3], [sflag:s2] =	dma.local @!p0 [hbm:s0], s1  }
0x134: {  	s0 =	simm.s32 @!p0 $0x2  }
0x135: {  	_ =	swait.ge @!p0 [sflag:s0], s1  }
0x136: {  	s1 =	ssub.s32 @!p0 $0x0, s1;
	[sflag:s0] =	ssyncset.done @!p0 $0x0  }
0x137: {  	[sflag:s0] =	ssyncadd.s32 @!p0 s1  }
0x138: {  	[bflag:$0x3] =	sbarrier.arrive $0xFFFF  }
0x139: {  	_ =	shalt  }

// kernel: kernel.18.cloned.1.call-start
scs
__scs_entry_jumppad:
0x0: {  	(pc) =	sbr.rel $0x88, $3  }
0x1: {  	(tag) =	ssettag $0x0;
	lr =	simm.s32 $0x1  }
0x2: {  	[smem:$0x3F96] =	sst lr;
	_ =	strace $0xD0000000  }
0x3: {  	_ = 	snop  }
0x4: {  	_ = 	snop  }
0x5: {  	_ = 	snop  }
0x6: {  	_ = 	snop  }
0x7: {  	_ = 	snop  }
__scs_overlays_trampoline_lowered:
0x8: {  	[smem:$0x3FA5] =	sst s0  }
0x9: {  	[smem:$0x3FA6] =	sst s1  }
0xa: {  	[smem:$0x3FA7] =	sst s2  }
0xb: {  	[smem:$0x3FA8] =	sst s3  }
0xc: {  	[smem:$0x3FA9] =	sst s4  }
0xd: {  	[smem:$0x3FAA] =	sst s5  }
0xe: {  	[smem:$0x3FAB] =	sst s6  }
0xf: {  	[smem:$0x3FAC] =	sst s7  }
0x10: {  	[smem:$0x3FAD] =	sst s8  }
0x11: {  	[smem:$0x3FAE] =	sst s9;
	s0 =	simm.s32 @!p0 $0x0  }
0x12: {  	s1 =	sld [smem:$0x3F94];
	s0 =	simm.s32 @p0 $0x1  }
0x13: {  	[smem:$0x3FAF] =	sst s0;
	s0 =	simm.s32 @!p1 $0x0  }
0x14: {  	s2 =	sld [smem:$0x3F93];
	s0 =	simm.s32 @p1 $0x1  }
0x15: {  	[smem:$0x3FB0] =	sst s0;
	s0 =	simm.s32 @!p2 $0x0  }
0x16: {  	s3 =	sld [smem:$0x3FDB];
	s0 =	simm.s32 @p2 $0x1  }
0x17: {  	s4 =	simm.s32 $0x1BF5;
	[smem:$0x3FB2] =	sst s0  }
0x18: {  	s0 =	sld [smem:$0x3F95];
	_ =	swait.ge [sflag:s4], $0x0  }
0x19: {  	s7 =	sld [smem:$0x3F96]  }
0x1a: {  	s8 =	sadd.s32 $0xFFFFE003, lr  }
0x1b: {  	s9 =	sadd.s32 $0xFFFFFEF7, lr;
	s5 =	simm.s32 $0xFFFFFFFF;
	p2 =	slt.u32 s8, $0xFFFFF086  }
0x1c: {  	p1 =	slt.u32 s9, $0xF7A;
	s5 =	simm.s32 @!p2 $0x0  }
0x1d: {  	s5 =	simm.s32 @p1 $0x1;
	p0 =	seq.s32 s7, s2  }
0x1e: {  	s7 =	smul.u32 @!p0 $0xF7A, s2;
	p2 =	seq.s32 @!p0 s5, $0x0  }
0x1f: {  	s9 =	smul.u32 $0xF7A, s1;
	s8 =	simm.s32 @!p0 $0x1BF5;
	p2 =	por !p2, p0  }
0x20: {  	[sflag:s8] =	ssyncset.s32 @!p0 $0xFFFFF086;
	s6 =	sadd.s32 @!p0 s3, s7;
	s7 =	simm.s32 @!p0 $0x108  }
0x21: {  	s3 =	sadd.s32 s3, s9;
	s6 =	sadd.s32 @!p0 $0x88, s6;
	s7 =	simm.s32 @p2 $0x1082  }
0x22: {  	[simem:s7], [sflag:s8] =	dma.local @!p0 [hbm:s6], $0xF7A  }
0x23: {  	s9 =	sor.u32 $0xD0000000, s2;
	s6 =	simm.s32 $0x108;
	_ =	swait.ge @!p0 [sflag:s8], $0x0  }
0x24: {  	s3 =	sadd.s32 $0x88, s3;
	s6 =	simm.s32 @!p1 $0x1082;
	[sflag:s4] =	ssyncset.s32 $0xFFFFF086  }
0x25: {  	[simem:s6], [sflag:s4] =	dma.local [hbm:s3], $0xF7A  }
0x26: {  	[smem:$0x3F96] =	sst s1;
	(tag) =	ssettag s2;
	_ =	strace s9  }
0x27: {  	s1 =	sld [smem:$0x3FA6]  }
0x28: {  	s2 =	sld [smem:$0x3FA7]  }
0x29: {  	s4 =	sld [smem:$0x3FA9]  }
0x2a: {  	p0 =	seq.s32 s5, $0x0;
	s5 =	sld [smem:$0x3FAA]  }
0x2b: {  	s6 =	sld [smem:$0x3FAB]  }
0x2c: {  	s7 =	sld [smem:$0x3FAC]  }
0x2d: {  	s3 =	simm.s32 $0x108;
	s8 =	sld [smem:$0x3FAD]  }
0x2e: {  	s3 =	simm.s32 @!p0 $0x1082;
	s9 =	sld [smem:$0x3FAE]  }
0x2f: {  	lr =	sadd.s32 s0, s3;
	s0 =	sld [smem:$0x3FA5]  }
0x30: {  	s3 =	sld [smem:$0x3FA8]  }
0x31: {  	[smem:$0x3FB1] =	sst s10  }
0x32: {  	s10 =	sld [smem:$0x3FAF];
	_ =	sdelay $0x3  }
0x33: {  	p0 =	seq.s32 s10, $0x1;
	s10 =	sld [smem:$0x3FB1];
	_ =	sdelay $0x3  }
0x34: {  	[smem:$0x3FB1] =	sst s10  }
0x35: {  	s10 =	sld [smem:$0x3FB0];
	_ =	sdelay $0x3  }
0x36: {  	p1 =	seq.s32 s10, $0x1;
	s10 =	sld [smem:$0x3FB1];
	_ =	sdelay $0x3  }
0x37: {  	[smem:$0x3FB1] =	sst s10  }
0x38: {  	s10 =	sld [smem:$0x3FB2]  }
0x39: {  	_ = 	snop;
	(pc) =	sbr.ind lr, $3  }
0x3a: {  	_ = 	snop  }
0x3b: {  	_ = 	snop  }
0x3c: {  	p2 =	seq.s32 s10, $0x1;
	s10 =	sld [smem:$0x3FB1]  }
0x3d: {  	_ =	shalt  }
0x3e: {  	_ =	shalt  }
0x3f: {  	_ =	shalt  }
0x40: {  	_ =	shalt  }
0x41: {  	_ =	shalt  }
0x42: {  	_ =	shalt  }
0x43: {  	_ =	shalt  }
0x44: {  	_ =	shalt  }
0x45: {  	_ =	shalt  }
0x46: {  	_ =	shalt  }
0x47: {  	_ =	shalt  }
0x48: {  	_ =	shalt  }
0x49: {  	_ =	shalt  }
0x4a: {  	_ =	shalt  }
0x4b: {  	_ =	shalt  }
0x4c: {  	_ =	shalt  }
0x4d: {  	_ =	shalt  }
0x4e: {  	_ =	shalt  }
0x4f: {  	_ =	shalt  }
0x50: {  	_ =	shalt  }
0x51: {  	_ =	shalt  }
0x52: {  	_ =	shalt  }
0x53: {  	_ =	shalt  }
0x54: {  	_ =	shalt  }
0x55: {  	_ =	shalt  }
0x56: {  	_ =	shalt  }
0x57: {  	_ =	shalt  }
0x58: {  	_ =	shalt  }
0x59: {  	_ =	shalt  }
0x5a: {  	_ =	shalt  }
0x5b: {  	_ =	shalt  }
0x5c: {  	_ =	shalt  }
0x5d: {  	_ =	shalt  }
0x5e: {  	_ =	shalt  }
0x5f: {  	_ =	shalt  }
0x60: {  	_ =	shalt  }
0x61: {  	_ =	shalt  }
0x62: {  	_ =	shalt  }
0x63: {  	_ =	shalt  }
0x64: {  	_ =	shalt  }
0x65: {  	_ =	shalt  }
0x66: {  	_ =	shalt  }
0x67: {  	_ =	shalt  }
0x68: {  	_ =	shalt  }
0x69: {  	_ =	shalt  }
0x6a: {  	_ =	shalt  }
0x6b: {  	_ =	shalt  }
0x6c: {  	_ =	shalt  }
0x6d: {  	_ =	shalt  }
0x6e: {  	_ =	shalt  }
0x6f: {  	_ =	shalt  }
0x70: {  	_ =	shalt  }
0x71: {  	_ =	shalt  }
0x72: {  	_ =	shalt  }
0x73: {  	_ =	shalt  }
0x74: {  	_ =	shalt  }
0x75: {  	_ =	shalt  }
0x76: {  	_ =	shalt  }
0x77: {  	_ =	shalt  }
0x78: {  	_ =	shalt  }
0x79: {  	_ =	shalt  }
0x7a: {  	_ =	shalt  }
0x7b: {  	_ =	shalt  }
0x7c: {  	_ =	shalt  }
0x7d: {  	_ =	shalt  }
0x7e: {  	_ =	shalt  }
0x7f: {  	_ =	shalt  }
0x80: {  	_ =	shalt  }
0x81: {  	_ =	shalt  }
0x82: {  	_ =	shalt  }
0x83: {  	_ =	shalt  }
0x84: {  	_ =	shalt  }
0x85: {  	_ =	shalt  }
0x86: {  	_ =	shalt  }
0x87: {  	_ =	shalt  }
.Lfunc_end0:
.L_simem_size_0:
called_computation.3_lowered:
.L_overlay_start_0:
0x88: {  	s2 =	sld [smem:$0x3FD9]  }
0x89: {  	s3 =	sld [smem:$0x3FFE];
	_ =	sdelay $0x1  }
0x8a: {  	s1 =	srdreg.scid  }
0x8b: {  	s0 =	sand.u32 $0x1, s1  }
0x8c: {  	s17 =	sshll.u32 s0, $0xA;
	s2 =	sadd.s32 s3, s2  }
0x8d: {  	s2 =	sadd.s32 s2, s17  }
0x8e: {  	[smem:$0x3FBD] =	sst s2  }
0x8f: {  	_ = 	snop  }
0x90: {  	s2 =	sld [smem:$0x3FD0];
	(tm) =	ssettm $0x1  }
0x91: {  	s18 =	sld [smem:$0x3FFB];
	_ =	sdelay $0x3  }
0x92: {  	_ =	strace s18  }
0x93: {  	s3 =	sld [smem:$0x3FFC];
	_ =	sdelay $0x3  }
0x94: {  	_ =	strace s3  }
0x95: {  	s3 =	sld [smem:$0x3FFD];
	_ =	sdelay $0x3  }
0x96: {  	_ =	strace s3  }
0x97: {  	_ =	strace $0x8FFFFFFF  }
0x98: {  	s19 =	sld [smem:$0x3FDB];
	_ =	sdelay $0x1  }
0x99: {  	s4 =	simm.s32 $_scs_section_size  }
0x9a: {  	s5 =	simm.s32 $_size__tile_overlayer_lowered;
	s6 =	simm.s32 $_tile_overlayer_lowered  }
0x9b: {  	s22 =	simm.s32 $0x1BFF;
	s21 =	sshll.u32 s6, $0x1;
	s3 =	sadd.s32 s4, s19  }
0x9c: {  	s7 =	simm.s32 $0x0;
	s20 =	sshll.u32 s5, $0x1;
	s5 =	sadd.s32 s21, s3  }
0x9d: {  	[timem:s7], [sflag:s22] =	dma.local [hbm:s5], s20  }
0x9e: {  	_ =	swait.ge [sflag:s22], s20  }
0x9f: {  	s4 =	ssub.s32 $0x0, s20;
	[sflag:s22] =	ssyncset.done $0x0  }
0xa0: {  	[sflag:s22] =	ssyncadd.s32 s4;
	_ =	sdelay $0x1  }
0xa1: {  	s23 =	simm.s32 $0x1B8B  }
0xa2: {  	_ =	swait.ge [sflag:s23], $0x1  }
0xa3: {  	[sflag:s23] =	ssyncset.done $0x0  }
0xa4: {  	s25 =	simm.s32 $0x1B8E;
	s24 =	sld [smem:$0x3FFE];
	[sflag:s23] =	ssyncadd.s32 $0xFFFFFFFF  }
0xa5: {  	s26 =	simm.s32 $execute0_lowered;
	[smem:$0x3FD2] =	sst s25  }
0xa6: {  	s5 =	sshll.u32 s26, $0x1;
	_ =	strace $0x8000004F;
	[dreg:$0x1] =	wrdreg $0xFFFFFFFF  }
0xa7: {  	s28 =	simm.s32 $_size_execute0_lowered;
	s3 =	sadd.s32 s3, s5;
	[dreg:$0x0] =	wrdreg $0x0  }
0xa8: {  	s5 =	sshll.u32 s28, $0x1;
	[dreg:$0x2] =	wrdreg s3  }
0xa9: {  	[dreg:$0x3] =	wrdreg s5  }
0xaa: {  	[dreg:$0x4] =	wrdreg $0xC0  }
0xab: {  	_ =	task [dreg:s7], $0x5FFFF  }
0xac: {  	[dreg:$0x1] =	wrdreg $0xFFFFFFFF  }
0xad: {  	[dreg:$0x0] =	wrdreg $0x60  }
0xae: {  	[dreg:$0x2] =	wrdreg s24  }
0xaf: {  	[dreg:$0x3] =	wrdreg s2  }
0xb0: {  	[dreg:$0x4] =	wrdreg $0x29000  }
0xb1: {  	[dreg:$0x5] =	wrdreg $0x9  }
0xb2: {  	_ =	task.clear_ibuf [dreg:s7], $0x6FFFF;
	_ =	strace $0x9000004F  }
0xb3: {  	s29 =	simm.s32 $0x9;
	_ =	strace $0x80000051  }
0xb4: {  	_ =	swait.ge [sflag:s29], $0x1  }
0xb5: {  	[sflag:s29] =	ssyncadd.s32 $0xFFFFFFFF  }
0xb6: {  	_ =	strace $0x90000051  }
0xb7: {  	_ =	sfence  }
0xb8: {  	s30 =	sld [smem:$0x0];
	_ =	sdelay $0x2  }
0xb9: {  	s31 =	sshll.u32 s1, $0xD;
	s1 =	sshrl.u32 s1, $0x2  }
0xba: {  	s3 =	sand.u32 $0x4000, s31;
	s1 =	sadd.s32 s1, s30  }
0xbb: {  	s0 =	sor.u32 s3, s0;
	s1 =	sshll.u32 s1, $0x11  }
0xbc: {  	s0 =	sor.u32 s1, s0  }
0xbd: {  	s0 =	sadd.s32 $0x8F2B, s0  }
0xbe: {  	[sflag:s0] =	ssyncadd.remote.s32 $0x1  }
0xbf: {  	_ =	sfence.sel $0xFFFF  }
0xc0: {  	[dreg:$0x0] =	wrdreg $0xFFFFFFFF;
	(pc) =	sbr.abs _section_cstart, $3  }
0xc1: {  	[dreg:$0x1] =	wrdreg $0xFFFFFFFF  }
0xc2: {  	_ =	task.clear_ibuf [dreg:s7], $0x2FFFF;
	_ =	strace $0x9FFFFFFF  }
0xc3: {  	(tm) =	ssettm $0x7FFFFFFF  }
tec
execute0_lowered:
.L_overlay_start_1:
0x0: {  	(tag) =	ssettag $0x1  }
0x1: {  	s1 =	rddreg [dreg:$0x0];
	s0 =	srdreg.scid  }
0x2: {  	s3 =	rddreg [dreg:$0x2];
	s14 =	stileid.u32;
	s4 =	simm.s32 $0x0  }
0x3: {  	s28 =	simm.s32 $0x0;
	s2 =	sand.u32 $0x1, s0;
	s29 =	smul.u32 $0x4E20, s14  }
0x4: {  	[smem:$0x7FF] =	sst s4;
	s8 =	smul.u32 $0x270, s14;
	s5 =	sadd.s32 $0x65400, s1  }
0x5: {  	s6 =	smul.u32 $0x4E000, s14;
	p0 =	seq.s32 s14, $0xF;
	s14 =	sadd.s32 $0x124800, s3  }
0x6: {  	s7 =	smul.u32 $0x2710, s2;
	_ =	strace $0x80000050;
	s9 =	ssub.s32 $0x2, s2  }
0x7: {  	s2 =	smul.u32 $0x27100, s2;
	s10 =	sshrl.u32 s9, $0x1;
	s6 =	sshrl.u32 s6, $0x2  }
0x8: {  	s11 =	sadd.s32 $0x230, s8;
	s15 =	sadd.s32 $0x50, s8;
	s17 =	sadd.s32 $0xA0, s8  }
0x9: {  	s24 =	sadd.s32 $0xF0, s8;
	s26 =	sadd.s32 $0x140, s8;
	s0 =	sadd.s32 s7, s29  }
0xa: {  	s9 =	ssub.s32 s9, s10;
	s6 =	sadd.s32 s6, s3;
	s30 =	sadd.s32 s7, s11  }
0xb: {  	s11 =	sshll.u32 s11, $0x7;
	s12 =	sadd.s32 s7, s8;
	s16 =	sshll.u32 s15, $0x7  }
0xc: {  	s19 =	sadd.s32 s7, s17;
	s21 =	sshll.u32 s17, $0x7;
	s25 =	sshll.u32 s24, $0x7  }
0xd: {  	s17 =	sadd.s32 $0x190, s8;
	s8 =	sadd.s32 $0x1E0, s8;
	s0 =	sshrl.u32 s0, $0x3  }
0xe: {  	s10 =	sshll.u32 s30, $0x4;
	s11 =	sadd.s32 s11, s3;
	s12 =	sshll.u32 s12, $0x4  }
0xf: {  	s9 =	smax.u32 s9, $0x1;
	s18 =	sadd.s32 s16, s3;
	[dreg:$0x4] =	wrdreg s11  }
0x10: {  	s22 =	sadd.s32 s21, s3;
	s29 =	sadd.s32 s25, s3;
	[dreg:$0x6] =	wrdreg s9  }
0x11: {  	s30 =	sadd.s32 s7, s26;
	s0 =	sadd.s32 s0, s1;
	[dreg:$0x8] =	wrdreg s18  }
0x12: {  	s1 =	sadd.s32 $0x8C600, s1;
	s11 =	sshll.u32 s19, $0x4;
	[dreg:$0xa] =	wrdreg s22  }
0x13: {  	[dreg:$0xc] =	wrdreg s29;
	s18 =	sshll.u32 s17, $0x7;
	s29 =	sadd.s32 $0x11800, s6  }
0x14: {  	s10 =	sadd.s32 s1, s10;
	s13 =	sadd.s32 s1, s12;
	s23 =	sadd.s32 s1, s11  }
0x15: {  	s11 =	sshll.u32 s30, $0x4;
	s19 =	sadd.s32 s18, s3;
	[dreg:$0x1b] =	wrdreg s29  }
0x16: {  	s31 =	sadd.s32 $0x3000, s0;
	s0 =	sadd.s32 $0xCE00, s0;
	[dreg:$0x5] =	wrdreg s10  }
0x17: {  	s12 =	sadd.s32 $0xF000, s6;
	s18 =	sadd.s32 $0x12E800, s3;
	[dreg:$0x7] =	wrdreg s13  }
0x18: {  	s10 =	sadd.s32 s7, s15;
	[dreg:$0xb] =	wrdreg s23;
	s13 =	sshll.u32 s26, $0x7  }
0x19: {  	s16 =	sadd.s32 s1, s11;
	[dreg:$0x10] =	wrdreg s19;
	s10 =	sshll.u32 s10, $0x4  }
0x1a: {  	s11 =	sadd.s32 $0xC800, s6;
	s20 =	sadd.s32 s1, s10;
	s10 =	sadd.s32 s7, s24  }
0x1b: {  	s15 =	sadd.s32 s13, s3;
	[dreg:$0xf] =	wrdreg s16;
	s10 =	sshll.u32 s10, $0x4  }
0x1c: {  	s13 =	sshll.u32 s8, $0x7;
	[dreg:$0xe] =	wrdreg s15;
	s10 =	sadd.s32 s1, s10  }
0x1d: {  	s30 =	sadd.s32 s13, s3;
	[dreg:$0xd] =	wrdreg s10;
	s10 =	sadd.s32 s7, s17  }
0x1e: {  	[dreg:$0x9] =	wrdreg s20;
	s7 =	sadd.s32 s7, s8;
	s10 =	sshll.u32 s10, $0x4  }
0x1f: {  	[dreg:$0x1c] =	wrdreg s30;
	s7 =	sshll.u32 s7, $0x4;
	s20 =	sadd.s32 s1, s10  }
0x20: {  	s7 =	sadd.s32 s1, s7;
	s1 =	sadd.s32 s1, s2;
	[dreg:$0x11] =	wrdreg s20  }
0x21: {  	s19 =	sadd.s32 $0x131000, s3;
	[dreg:$0x12] =	wrdreg s7;
	s2 =	sadd.s32 $0x24900, s1  }
0x22: {  	s16 =	sadd.s32 $0x127000, s3;
	s21 =	sadd.s32 $0x24E00, s1;
	[dreg:$0x13] =	wrdreg s2  }
0x23: {  	s15 =	sadd.s32 $0x129800, s3;
	s22 =	sadd.s32 $0x25300, s1;
	[dreg:$0x14] =	wrdreg s21  }
0x24: {  	s8 =	sadd.s32 $0x7800, s6;
	s23 =	sadd.s32 $0x25800, s1;
	[dreg:$0x15] =	wrdreg s22  }
0x25: {  	s17 =	sadd.s32 $0x12C000, s3;
	s24 =	sadd.s32 $0x25D00, s1;
	[dreg:$0x16] =	wrdreg s23  }
0x26: {  	s10 =	sadd.s32 $0xA000, s6;
	s25 =	sadd.s32 $0x26200, s1;
	[dreg:$0x17] =	wrdreg s24  }
.Ltmp0:
0x27: {  	s26 =	sadd.s32 $0x26700, s1;
	[dreg:$0x18] =	wrdreg s25;
	(pc) =	sbr.rel .LBB2_1-.Ltmp0, $4  }
0x28: {  	s1 =	sadd.s32 $0x26C00, s1;
	s7 =	sadd.s32 $0x5000, s6;
	[dreg:$0x19] =	wrdreg s26  }
0x29: {  	s20 =	sadd.s32 $0x133800, s3;
	[dreg:$0x1a] =	wrdreg s1;
	s2 =	sadd.s32 $0x2800, s6  }
0x2a: {  	s21 =	sadd.s32 $0x136000, s3;
	s22 =	simm.s32 $0x100;
	s23 =	simm.s32 $0x2  }
0x2b: {  	s24 =	simm.s32 $0x80;
	s25 =	simm.s32 $0x50;
	s26 =	simm.s32 $0x1  }
.LBB2_5:
0x2c: {  	[tilespmem:s22], [sflag:$0x2] =	stream.linear.gather [spmem:s14], $0x2800, $0x38;
	[tilespmem:$0x16180] =	vst v63  }
0x2d: {  	_ =	swait.ge [sflag:s23], $0x2800  }
0x2e: {  	[sflag:s23] =	ssyncset.done $0x0  }
0x2f: {  	s1 =	rddreg [dreg:$0x13];
	[sflag:s23] =	ssyncadd.s32 $0xFFFFD800  }
0x30: {  	[hbm4b:s1+s4] =	stream.linear.scatter [tilespmem:s22], [sflag:$0x2], $0x2800, $0x38;
	[tilespmem:$0x16180] =	vst v63  }
0x31: {  	_ =	swait.ge [sflag:s23], $0x2800  }
0x32: {  	[sflag:s23] =	ssyncset.done $0x0  }
0x33: {  	[sflag:s23] =	ssyncadd.s32 $0xFFFFD800  }
0x34: {  	[tilespmem:s22], [sflag:$0x2] =	stream.linear.gather [spmem:s16], $0x2800, $0x38;
	[tilespmem:$0x16180] =	vst v63  }
0x35: {  	_ =	swait.ge [sflag:s23], $0x2800  }
0x36: {  	[sflag:s23] =	ssyncset.done $0x0  }
0x37: {  	s13 =	rddreg [dreg:$0x14];
	[sflag:s23] =	ssyncadd.s32 $0xFFFFD800  }
0x38: {  	[hbm4b:s13+s4] =	stream.linear.scatter [tilespmem:s22], [sflag:$0x2], $0x2800, $0x38;
	[tilespmem:$0x16180] =	vst v63  }
0x39: {  	_ =	swait.ge [sflag:s23], $0x2800  }
0x3a: {  	[sflag:s23] =	ssyncset.done $0x0  }
0x3b: {  	[sflag:s23] =	ssyncadd.s32 $0xFFFFD800  }
0x3c: {  	[tilespmem:s22], [sflag:$0x2] =	stream.linear.gather [spmem:s15], $0x2800, $0x38;
	[tilespmem:$0x16180] =	vst v63  }
0x3d: {  	_ =	swait.ge [sflag:s23], $0x2800  }
0x3e: {  	[sflag:s23] =	ssyncset.done $0x0  }
0x3f: {  	s29 =	rddreg [dreg:$0x15];
	[sflag:s23] =	ssyncadd.s32 $0xFFFFD800  }
0x40: {  	[hbm4b:s29+s4] =	stream.linear.scatter [tilespmem:s22], [sflag:$0x2], $0x2800, $0x38;
	[tilespmem:$0x16180] =	vst v63  }
0x41: {  	_ =	swait.ge [sflag:s23], $0x2800  }
0x42: {  	[sflag:s23] =	ssyncset.done $0x0  }
0x43: {  	[sflag:s23] =	ssyncadd.s32 $0xFFFFD800  }
0x44: {  	[tilespmem:s22], [sflag:$0x2] =	stream.linear.gather [spmem:s17], $0x2800, $0x38;
	[tilespmem:$0x16180] =	vst v63  }
0x45: {  	_ =	swait.ge [sflag:s23], $0x2800  }
0x46: {  	[sflag:s23] =	ssyncset.done $0x0  }
0x47: {  	s30 =	rddreg [dreg:$0x16];
	[sflag:s23] =	ssyncadd.s32 $0xFFFFD800  }
0x48: {  	[hbm4b:s30+s4] =	stream.linear.scatter [tilespmem:s22], [sflag:$0x2], $0x2800, $0x38;
	[tilespmem:$0x16180] =	vst v63  }
0x49: {  	_ =	swait.ge [sflag:s23], $0x2800  }
0x4a: {  	[sflag:s23] =	ssyncset.done $0x0  }
0x4b: {  	[sflag:s23] =	ssyncadd.s32 $0xFFFFD800  }
0x4c: {  	[tilespmem:s22], [sflag:$0x2] =	stream.linear.gather [spmem:s18], $0x2800, $0x38;
	[tilespmem:$0x16180] =	vst v63  }
0x4d: {  	_ =	swait.ge [sflag:s23], $0x2800  }
0x4e: {  	[sflag:s23] =	ssyncset.done $0x0  }
0x4f: {  	s9 =	rddreg [dreg:$0x17];
	[sflag:s23] =	ssyncadd.s32 $0xFFFFD800  }
0x50: {  	[hbm4b:s9+s4] =	stream.linear.scatter [tilespmem:s22], [sflag:$0x2], $0x2800, $0x38;
	[tilespmem:$0x16180] =	vst v63  }
0x51: {  	_ =	swait.ge [sflag:s23], $0x2800  }
0x52: {  	[sflag:s23] =	ssyncset.done $0x0  }
0x53: {  	[sflag:s23] =	ssyncadd.s32 $0xFFFFD800  }
0x54: {  	[tilespmem:s22], [sflag:$0x2] =	stream.linear.gather [spmem:s19], $0x2800, $0x38;
	[tilespmem:$0x16180] =	vst v63  }
0x55: {  	_ =	swait.ge [sflag:s23], $0x2800  }
0x56: {  	[sflag:s23] =	ssyncset.done $0x0  }
0x57: {  	s13 =	rddreg [dreg:$0x18];
	[sflag:s23] =	ssyncadd.s32 $0xFFFFD800  }
0x58: {  	[hbm4b:s13+s4] =	stream.linear.scatter [tilespmem:s22], [sflag:$0x2], $0x2800, $0x38;
	[tilespmem:$0x16180] =	vst v63  }
0x59: {  	_ =	swait.ge [sflag:s23], $0x2800  }
0x5a: {  	[sflag:s23] =	ssyncset.done $0x0  }
0x5b: {  	[sflag:s23] =	ssyncadd.s32 $0xFFFFD800  }
0x5c: {  	[tilespmem:s22], [sflag:$0x2] =	stream.linear.gather [spmem:s20], $0x2800, $0x38;
	[tilespmem:$0x16180] =	vst v63  }
0x5d: {  	_ =	swait.ge [sflag:s23], $0x2800  }
0x5e: {  	[sflag:s23] =	ssyncset.done $0x0  }
0x5f: {  	s29 =	rddreg [dreg:$0x19];
	[sflag:s23] =	ssyncadd.s32 $0xFFFFD800  }
0x60: {  	[hbm4b:s29+s4] =	stream.linear.scatter [tilespmem:s22], [sflag:$0x2], $0x2800, $0x38;
	[tilespmem:$0x16180] =	vst v63  }
0x61: {  	_ =	swait.ge [sflag:s23], $0x2800  }
0x62: {  	[sflag:s23] =	ssyncset.done $0x0  }
0x63: {  	[sflag:s23] =	ssyncadd.s32 $0xFFFFD800  }
0x64: {  	[tilespmem:s22], [sflag:$0x2] =	stream.linear.gather [spmem:s21], $0x2800, $0x38;
	[tilespmem:$0x16180] =	vst v63  }
0x65: {  	_ =	swait.ge [sflag:s23], $0x2800  }
0x66: {  	[sflag:s23] =	ssyncset.done $0x0  }
0x67: {  	s30 =	rddreg [dreg:$0x1a];
	[sflag:s23] =	ssyncadd.s32 $0xFFFFD800  }
0x68: {  	[hbm4b:s30+s4] =	stream.linear.scatter [tilespmem:s22], [sflag:$0x2], $0x2800, $0x38;
	[tilespmem:$0x16180] =	vst v63  }
0x69: {  	_ =	swait.ge [sflag:s23], $0x2800  }
0x6a: {  	[sflag:s23] =	ssyncset.done $0x0  }
0x6b: {  	[sflag:s23] =	ssyncadd.s32 $0xFFFFD800  }
.LBB2_6:
0x6c: {  	s28 =	sadd.s32 $0x1, s28;
	s1 =	rddreg [dreg:$0x6]  }
0x6d: {  	p1 =	sne.s32 s28, s1  }
.Ltmp1:
0x6e: {  	_ = 	snop;
	(pc) =	sbr.rel @!p1 .LBB2_7-.Ltmp1, $1  }
0x6f: {  	_ =	sdelay $0x3  }
.LBB2_1:
0x70: {  	s1 =	rddreg [dreg:$0x1]  }
0x71: {  	[tilespmem:s22], [sflag:$0x2] =	stream.linear.gather [hbm4b:s1+s4], $0x2800, $0x38;
	[tilespmem:$0x16180] =	vst v63  }
0x72: {  	_ =	swait.ge [sflag:s23], $0x2800  }
0x73: {  	[sflag:s23] =	ssyncset.done $0x0  }
0x74: {  	s29 =	simm.s32 @p0 $0x100;
	s30 =	simm.s32 @p0 $0x2;
	[sflag:s23] =	ssyncadd.s32 $0xFFFFD800  }
0x75: {  	[spmem:s14] =	stream.linear.scatter @p0 [tilespmem:s29], [sflag:$0x2], $0x2800, $0x38;
	[tilespmem:$0x16180] =	vst v63  }
0x76: {  	_ =	swait.ge @p0 [sflag:s30], $0x2800  }
0x77: {  	[sflag:s30] =	ssyncset.done @p0 $0x0  }
0x78: {  	[sflag:s30] =	ssyncadd.s32 @p0 $0xFFFFD800  }
0x79: {  	[spmem:s16] =	stream.linear.scatter @p0 [tilespmem:s29], [sflag:$0x2], $0x2800, $0x38;
	[tilespmem:$0x16180] =	vst v63  }
0x7a: {  	_ =	swait.ge @p0 [sflag:s30], $0x2800  }
0x7b: {  	[sflag:s30] =	ssyncset.done @p0 $0x0  }
0x7c: {  	[sflag:s30] =	ssyncadd.s32 @p0 $0xFFFFD800  }
0x7d: {  	[spmem:s15] =	stream.linear.scatter @p0 [tilespmem:s29], [sflag:$0x2], $0x2800, $0x38;
	[tilespmem:$0x16180] =	vst v63  }
0x7e: {  	_ =	swait.ge @p0 [sflag:s30], $0x2800  }
0x7f: {  	[sflag:s30] =	ssyncset.done @p0 $0x0  }
0x80: {  	[sflag:s30] =	ssyncadd.s32 @p0 $0xFFFFD800  }
0x81: {  	[spmem:s17] =	stream.linear.scatter @p0 [tilespmem:s29], [sflag:$0x2], $0x2800, $0x38;
	[tilespmem:$0x16180] =	vst v63  }
0x82: {  	_ =	swait.ge @p0 [sflag:s30], $0x2800  }
0x83: {  	[sflag:s30] =	ssyncset.done @p0 $0x0  }
0x84: {  	[sflag:s30] =	ssyncadd.s32 @p0 $0xFFFFD800  }
0x85: {  	[spmem:s18] =	stream.linear.scatter @p0 [tilespmem:s29], [sflag:$0x2], $0x2800, $0x38;
	[tilespmem:$0x16180] =	vst v63  }
0x86: {  	_ =	swait.ge @p0 [sflag:s30], $0x2800  }
0x87: {  	[sflag:s30] =	ssyncset.done @p0 $0x0  }
0x88: {  	[sflag:s30] =	ssyncadd.s32 @p0 $0xFFFFD800  }
0x89: {  	[spmem:s19] =	stream.linear.scatter @p0 [tilespmem:s29], [sflag:$0x2], $0x2800, $0x38;
	[tilespmem:$0x16180] =	vst v63  }
0x8a: {  	_ =	swait.ge @p0 [sflag:s30], $0x2800  }
0x8b: {  	[sflag:s30] =	ssyncset.done @p0 $0x0  }
0x8c: {  	[sflag:s30] =	ssyncadd.s32 @p0 $0xFFFFD800  }
0x8d: {  	[spmem:s20] =	stream.linear.scatter @p0 [tilespmem:s29], [sflag:$0x2], $0x2800, $0x38;
	[tilespmem:$0x16180] =	vst v63  }
0x8e: {  	_ =	swait.ge @p0 [sflag:s30], $0x2800  }
0x8f: {  	[sflag:s30] =	ssyncset.done @p0 $0x0  }
0x90: {  	[sflag:s30] =	ssyncadd.s32 @p0 $0xFFFFD800  }
0x91: {  	[spmem:s21] =	stream.linear.scatter @p0 [tilespmem:s29], [sflag:$0x2], $0x2800, $0x38;
	[tilespmem:$0x16180] =	vst v63  }
0x92: {  	_ =	swait.ge @p0 [sflag:s30], $0x2800  }
0x93: {  	[sflag:s30] =	ssyncset.done @p0 $0x0  }
0x94: {  	s29 =	simm.s32 @!p0 $0x100;
	[sflag:s30] =	ssyncadd.s32 @p0 $0xFFFFD800;
	s30 =	simm.s32 @!p0 $0x2  }
0x95: {  	[spmem:s6] =	stream.linear.scatter @!p0 [tilespmem:s29], [sflag:$0x2], $0x2800, $0x38;
	[tilespmem:$0x16180] =	vst v63  }
0x96: {  	_ =	swait.ge @!p0 [sflag:s30], $0x2800  }
0x97: {  	[sflag:s30] =	ssyncset.done @!p0 $0x0  }
0x98: {  	[sflag:s30] =	ssyncadd.s32 @!p0 $0xFFFFD800  }
0x99: {  	[spmem:s2] =	stream.linear.scatter @!p0 [tilespmem:s29], [sflag:$0x2], $0x2800, $0x38;
	[tilespmem:$0x16180] =	vst v63  }
0x9a: {  	_ =	swait.ge @!p0 [sflag:s30], $0x2800  }
0x9b: {  	[sflag:s30] =	ssyncset.done @!p0 $0x0  }
0x9c: {  	[sflag:s30] =	ssyncadd.s32 @!p0 $0xFFFFD800  }
0x9d: {  	[spmem:s7] =	stream.linear.scatter @!p0 [tilespmem:s29], [sflag:$0x2], $0x2800, $0x38;
	[tilespmem:$0x16180] =	vst v63  }
0x9e: {  	_ =	swait.ge @!p0 [sflag:s30], $0x2800  }
0x9f: {  	[sflag:s30] =	ssyncset.done @!p0 $0x0  }
0xa0: {  	[sflag:s30] =	ssyncadd.s32 @!p0 $0xFFFFD800  }
0xa1: {  	[spmem:s8] =	stream.linear.scatter @!p0 [tilespmem:s29], [sflag:$0x2], $0x2800, $0x38;
	[tilespmem:$0x16180] =	vst v63  }
0xa2: {  	_ =	swait.ge @!p0 [sflag:s30], $0x2800  }
0xa3: {  	[sflag:s30] =	ssyncset.done @!p0 $0x0  }
0xa4: {  	[sflag:s30] =	ssyncadd.s32 @!p0 $0xFFFFD800  }
0xa5: {  	[spmem:s10] =	stream.linear.scatter @!p0 [tilespmem:s29], [sflag:$0x2], $0x2800, $0x38;
	[tilespmem:$0x16180] =	vst v63  }
0xa6: {  	_ =	swait.ge @!p0 [sflag:s30], $0x2800  }
0xa7: {  	[sflag:s30] =	ssyncset.done @!p0 $0x0  }
0xa8: {  	[sflag:s30] =	ssyncadd.s32 @!p0 $0xFFFFD800  }
0xa9: {  	[spmem:s11] =	stream.linear.scatter @!p0 [tilespmem:s29], [sflag:$0x2], $0x2800, $0x38;
	[tilespmem:$0x16180] =	vst v63  }
0xaa: {  	_ =	swait.ge @!p0 [sflag:s30], $0x2800  }
0xab: {  	[sflag:s30] =	ssyncset.done @!p0 $0x0  }
0xac: {  	[sflag:s30] =	ssyncadd.s32 @!p0 $0xFFFFD800  }
0xad: {  	[spmem:s12] =	stream.linear.scatter @!p0 [tilespmem:s29], [sflag:$0x2], $0x2800, $0x38;
	[tilespmem:$0x16180] =	vst v63  }
0xae: {  	_ =	swait.ge @!p0 [sflag:s30], $0x2800  }
0xaf: {  	[sflag:s30] =	ssyncset.done @!p0 $0x0  }
0xb0: {  	s1 =	rddreg [dreg:$0x1b];
	[sflag:s30] =	ssyncadd.s32 @!p0 $0xFFFFD800  }
0xb1: {  	[spmem:s1] =	stream.linear.scatter @!p0 [tilespmem:s29], [sflag:$0x2], $0x2000, $0x38;
	[tilespmem:$0x16180] =	vst v63  }
0xb2: {  	_ =	swait.ge @!p0 [sflag:s30], $0x2000  }
0xb3: {  	[sflag:s30] =	ssyncset.done @!p0 $0x0  }
0xb4: {  	[sflag:s30] =	ssyncadd.s32 @!p0 $0xFFFFE000  }
0xb5: {  	s29 =	sadd.s32 $0x0, s0;
	[bflag:$0x0] =	sbarrier.arrive $0xFFFF  }
0xb6: {  	[tilespmem:s4], [sflag:$0x2] =	stream.linear.gather [hbm4b:s29+s4], $0x50, $0x38;
	[tilespmem:$0x16180] =	vst v63  }
0xb7: {  	_ =	swait.ge [sflag:s23], $0x50  }
0xb8: {  	[sflag:s23] =	ssyncset.done $0x0  }
0xb9: {  	s29 =	sadd.s32 $0x0, s31;
	[sflag:s23] =	ssyncadd.s32 $0xFFFFFFB0  }
0xba: {  	[tilespmem:s24], [sflag:$0x2] =	stream.linear.gather [hbm4b:s29+s4], $0x50, $0x38;
	[tilespmem:$0x16180] =	vst v63  }
0xbb: {  	_ =	swait.ge [sflag:s23], $0x50  }
0xbc: {  	[sflag:s23] =	ssyncset.done $0x0  }
0xbd: {  	[sflag:s23] =	ssyncadd.s32 $0xFFFFFFB0  }
0xbe: {  	[tilespmem:s22], [sflag:$0x1] =	stream.indirect.gather [hbm4b:s5+s25], $0x80, s4, s25, $0xb8;
	[tilespmem:$0x16180] =	vst v63  }
0xbf: {  	_ =	swait.ge [sflag:s26], $0x2800  }
0xc0: {  	[sflag:s26] =	ssyncset.done $0x0  }
0xc1: {  	[sflag:s26] =	ssyncadd.s32 $0xFFFFD800  }
0xc2: {  	[spmem:s3] =	stream.indirect.scatter.add.f32 [tilespmem:s22], [sflag:$0x2], $0x80, s24, s25, $0xb8;
	[tilespmem:$0x16180] =	vst v63  }
0xc3: {  	_ =	swait.ge [sflag:s23], $0x2800  }
0xc4: {  	s30 =	simm.s32 $0x14;
	s29 =	simm.s32 $0xA;
	[sflag:s23] =	ssyncset.done $0x0  }
.LBB2_2:
0xc5: {  	s13 =	sadd.s32 s29, s0  }
0xc6: {  	[sflag:s23] =	ssyncadd.s32 $0xFFFFD800;
	s9 =	smov.u32 s30;
	s1 =	sadd.s32 $0xA, s30  }
0xc7: {  	[tilespmem:s4], [sflag:$0x2] =	stream.linear.gather [hbm4b:s13+s4], $0x50, $0x38;
	[tilespmem:$0x16180] =	vst v63  }
0xc8: {  	p1 =	sne.s32 s30, $0x4D8;
	_ =	swait.ge [sflag:s23], $0x50  }
0xc9: {  	[sflag:s23] =	ssyncset.done $0x0  }
0xca: {  	s13 =	sadd.s32 s29, s31;
	s29 =	smov.u32 s9;
	[sflag:s23] =	ssyncadd.s32 $0xFFFFFFB0  }
0xcb: {  	[tilespmem:s24], [sflag:$0x2] =	stream.linear.gather [hbm4b:s13+s4], $0x50, $0x38;
	[tilespmem:$0x16180] =	vst v63  }
0xcc: {  	_ =	swait.ge [sflag:s23], $0x50  }
0xcd: {  	[sflag:s23] =	ssyncset.done $0x0  }
0xce: {  	[sflag:s23] =	ssyncadd.s32 $0xFFFFFFB0  }
0xcf: {  	[tilespmem:s22], [sflag:$0x1] =	stream.indirect.gather [hbm4b:s5+s25], $0x80, s4, s25, $0xb8;
	[tilespmem:$0x16180] =	vst v63  }
0xd0: {  	_ =	swait.ge [sflag:s26], $0x2800  }
.Ltmp2:
0xd1: {  	[sflag:s26] =	ssyncset.done $0x0;
	(pc) =	sbr.rel @p1 .LBB2_2-.Ltmp2, $4  }
0xd2: {  	[sflag:s26] =	ssyncadd.s32 $0xFFFFD800  }
0xd3: {  	[spmem:s3] =	stream.indirect.scatter.add.f32 [tilespmem:s22], [sflag:$0x2], $0x80, s24, s25, $0xb8;
	[tilespmem:$0x16180] =	vst v63  }
0xd4: {  	_ =	swait.ge [sflag:s23], $0x2800  }
0xd5: {  	s30 =	smov.u32 s1;
	[sflag:s23] =	ssyncset.done $0x0  }
0xd6: {  	s1 =	sadd.s32 s29, s0;
	[sflag:s23] =	ssyncadd.s32 $0xFFFFD800  }
0xd7: {  	[tilespmem:s4], [sflag:$0x2] =	stream.linear.gather [hbm4b:s1+s4], $0x50, $0x38;
	[tilespmem:$0x16180] =	vst v63  }
0xd8: {  	_ =	swait.ge [sflag:s23], $0x50  }
0xd9: {  	[sflag:s23] =	ssyncset.done $0x0  }
0xda: {  	s30 =	sadd.s32 s29, s31;
	[sflag:s23] =	ssyncadd.s32 $0xFFFFFFB0  }
0xdb: {  	[tilespmem:s24], [sflag:$0x2] =	stream.linear.gather [hbm4b:s30+s4], $0x50, $0x38;
	[tilespmem:$0x16180] =	vst v63  }
0xdc: {  	_ =	swait.ge [sflag:s23], $0x50  }
0xdd: {  	[sflag:s23] =	ssyncset.done $0x0  }
0xde: {  	[sflag:s23] =	ssyncadd.s32 $0xFFFFFFB0  }
0xdf: {  	[tilespmem:s22], [sflag:$0x1] =	stream.indirect.gather [hbm4b:s5+s25], $0x80, s4, s25, $0xb8;
	[tilespmem:$0x16180] =	vst v63  }
0xe0: {  	_ =	swait.ge [sflag:s26], $0x2800  }
0xe1: {  	[sflag:s26] =	ssyncset.done $0x0  }
0xe2: {  	[sflag:s26] =	ssyncadd.s32 $0xFFFFD800  }
0xe3: {  	[spmem:s3] =	stream.indirect.scatter.add.f32 [tilespmem:s22], [sflag:$0x2], $0x80, s24, s25, $0xb8;
	[tilespmem:$0x16180] =	vst v63  }
.Ltmp3:
0xe4: {  	_ =	swait.ge [sflag:s23], $0x2800;
	(pc) =	sbr.rel @p0 .LBB2_5-.Ltmp3, $3  }
0xe5: {  	[sflag:s23] =	ssyncset.done $0x0  }
0xe6: {  	[sflag:s23] =	ssyncadd.s32 $0xFFFFD800  }
0xe7: {  	[bflag:$0x0] =	sbarrier.arrive $0xFFFF;
	_ =	sdelay $0x1  }
0xe8: {  	[tilespmem:s22], [sflag:$0x2] =	stream.linear.gather [spmem:s6], $0x2800, $0x38;
	[tilespmem:$0x16180] =	vst v63  }
0xe9: {  	_ =	swait.ge [sflag:s23], $0x2800  }
0xea: {  	[sflag:s23] =	ssyncset.done $0x0  }
0xeb: {  	s1 =	rddreg [dreg:$0x7];
	[sflag:s23] =	ssyncadd.s32 $0xFFFFD800  }
0xec: {  	[hbm4b:s1+s4] =	stream.linear.scatter [tilespmem:s22], [sflag:$0x2], $0x2800, $0x38;
	[tilespmem:$0x16180] =	vst v63  }
0xed: {  	_ =	swait.ge [sflag:s23], $0x2800  }
0xee: {  	[sflag:s23] =	ssyncset.done $0x0  }
0xef: {  	s29 =	rddreg [dreg:$0x8];
	[sflag:s23] =	ssyncadd.s32 $0xFFFFD800  }
0xf0: {  	[tilespmem:s22], [sflag:$0x2] =	stream.linear.gather [spmem:s29], $0x2800, $0x38;
	[tilespmem:$0x16180] =	vst v63  }
0xf1: {  	_ =	swait.ge [sflag:s23], $0x2800  }
0xf2: {  	[sflag:s23] =	ssyncset.done $0x0  }
0xf3: {  	s30 =	rddreg [dreg:$0x9];
	[sflag:s23] =	ssyncadd.s32 $0xFFFFD800  }
0xf4: {  	[hbm4b:s30+s4] =	stream.linear.scatter [tilespmem:s22], [sflag:$0x2], $0x2800, $0x38;
	[tilespmem:$0x16180] =	vst v63  }
0xf5: {  	_ =	swait.ge [sflag:s23], $0x2800  }
0xf6: {  	[sflag:s23] =	ssyncset.done $0x0  }
0xf7: {  	s9 =	rddreg [dreg:$0xa];
	[sflag:s23] =	ssyncadd.s32 $0xFFFFD800  }
0xf8: {  	[tilespmem:s22], [sflag:$0x2] =	stream.linear.gather [spmem:s9], $0x2800, $0x38;
	[tilespmem:$0x16180] =	vst v63  }
0xf9: {  	_ =	swait.ge [sflag:s23], $0x2800  }
0xfa: {  	[sflag:s23] =	ssyncset.done $0x0  }
0xfb: {  	s13 =	rddreg [dreg:$0xb];
	[sflag:s23] =	ssyncadd.s32 $0xFFFFD800  }
0xfc: {  	[hbm4b:s13+s4] =	stream.linear.scatter [tilespmem:s22], [sflag:$0x2], $0x2800, $0x38;
	[tilespmem:$0x16180] =	vst v63  }
0xfd: {  	_ =	swait.ge [sflag:s23], $0x2800  }
0xfe: {  	[sflag:s23] =	ssyncset.done $0x0  }
0xff: {  	s29 =	rddreg [dreg:$0xc];
	[sflag:s23] =	ssyncadd.s32 $0xFFFFD800  }
0x100: {  	[tilespmem:s22], [sflag:$0x2] =	stream.linear.gather [spmem:s29], $0x2800, $0x38;
	[tilespmem:$0x16180] =	vst v63  }
0x101: {  	_ =	swait.ge [sflag:s23], $0x2800  }
0x102: {  	[sflag:s23] =	ssyncset.done $0x0  }
0x103: {  	s30 =	rddreg [dreg:$0xd];
	[sflag:s23] =	ssyncadd.s32 $0xFFFFD800  }
0x104: {  	[hbm4b:s30+s4] =	stream.linear.scatter [tilespmem:s22], [sflag:$0x2], $0x2800, $0x38;
	[tilespmem:$0x16180] =	vst v63  }
0x105: {  	_ =	swait.ge [sflag:s23], $0x2800  }
0x106: {  	[sflag:s23] =	ssyncset.done $0x0  }
0x107: {  	s9 =	rddreg [dreg:$0xe];
	[sflag:s23] =	ssyncadd.s32 $0xFFFFD800  }
0x108: {  	[tilespmem:s22], [sflag:$0x2] =	stream.linear.gather [spmem:s9], $0x2800, $0x38;
	[tilespmem:$0x16180] =	vst v63  }
0x109: {  	_ =	swait.ge [sflag:s23], $0x2800  }
0x10a: {  	[sflag:s23] =	ssyncset.done $0x0  }
0x10b: {  	s13 =	rddreg [dreg:$0xf];
	[sflag:s23] =	ssyncadd.s32 $0xFFFFD800  }
0x10c: {  	[hbm4b:s13+s4] =	stream.linear.scatter [tilespmem:s22], [sflag:$0x2], $0x2800, $0x38;
	[tilespmem:$0x16180] =	vst v63  }
0x10d: {  	_ =	swait.ge [sflag:s23], $0x2800  }
0x10e: {  	[sflag:s23] =	ssyncset.done $0x0  }
0x10f: {  	s29 =	rddreg [dreg:$0x10];
	[sflag:s23] =	ssyncadd.s32 $0xFFFFD800  }
0x110: {  	[tilespmem:s22], [sflag:$0x2] =	stream.linear.gather [spmem:s29], $0x2800, $0x38;
	[tilespmem:$0x16180] =	vst v63  }
0x111: {  	_ =	swait.ge [sflag:s23], $0x2800  }
0x112: {  	[sflag:s23] =	ssyncset.done $0x0  }
0x113: {  	s30 =	rddreg [dreg:$0x11];
	[sflag:s23] =	ssyncadd.s32 $0xFFFFD800  }
0x114: {  	[hbm4b:s30+s4] =	stream.linear.scatter [tilespmem:s22], [sflag:$0x2], $0x2800, $0x38;
	[tilespmem:$0x16180] =	vst v63  }
0x115: {  	_ =	swait.ge [sflag:s23], $0x2800  }
0x116: {  	[sflag:s23] =	ssyncset.done $0x0  }
0x117: {  	s9 =	rddreg [dreg:$0x1c];
	[sflag:s23] =	ssyncadd.s32 $0xFFFFD800  }
0x118: {  	[tilespmem:s22], [sflag:$0x2] =	stream.linear.gather [spmem:s9], $0x2800, $0x38;
	[tilespmem:$0x16180] =	vst v63  }
0x119: {  	_ =	swait.ge [sflag:s23], $0x2800  }
0x11a: {  	[sflag:s23] =	ssyncset.done $0x0  }
0x11b: {  	s13 =	rddreg [dreg:$0x12];
	[sflag:s23] =	ssyncadd.s32 $0xFFFFD800  }
0x11c: {  	[hbm4b:s13+s4] =	stream.linear.scatter [tilespmem:s22], [sflag:$0x2], $0x2800, $0x38;
	[tilespmem:$0x16180] =	vst v63  }
0x11d: {  	_ =	swait.ge [sflag:s23], $0x2800  }
0x11e: {  	[sflag:s23] =	ssyncset.done $0x0  }
0x11f: {  	s29 =	rddreg [dreg:$0x4];
	[sflag:s23] =	ssyncadd.s32 $0xFFFFD800  }
0x120: {  	[tilespmem:s22], [sflag:$0x2] =	stream.linear.gather [spmem:s29], $0x2000, $0x38;
	[tilespmem:$0x16180] =	vst v63  }
0x121: {  	_ =	swait.ge [sflag:s23], $0x2000  }
0x122: {  	[sflag:s23] =	ssyncset.done $0x0  }
.Ltmp4:
0x123: {  	s30 =	rddreg [dreg:$0x5];
	[sflag:s23] =	ssyncadd.s32 $0xFFFFE000;
	(pc) =	sbr.rel .LBB2_6-.Ltmp4, $4  }
0x124: {  	[hbm4b:s30+s4] =	stream.linear.scatter [tilespmem:s22], [sflag:$0x2], $0x2000, $0x38;
	[tilespmem:$0x16180] =	vst v63  }
0x125: {  	_ =	swait.ge [sflag:s23], $0x2000  }
0x126: {  	[sflag:s23] =	ssyncset.done $0x0  }
0x127: {  	[sflag:s23] =	ssyncadd.s32 $0xFFFFE000  }
.LBB2_7:
0x128: {  	_ =	sfence.sel $0x180000  }
0x129: {  	[bflag:$0x0] =	sbarrier.arrive $0xFFFF  }
0x12a: {  	_ =	strace $0x90000050  }
0x12b: {  	s0 =	stileid.u32;
	[bflag:$0x2] =	sbarrier.arrive $0xFFFF  }
0x12c: {  	p0 =	sne.s32 s0, $0x0;
	s0 =	rddreg [dreg:$0x3]  }
0x12d: {  	s0 =	sadd.s32 @!p0 $0x100000, s0  }
0x12e: {  	[sflag:s0] =	ssyncadd.tile.s32 @!p0 $0x1;
	_ =	shalt  }
.Lfunc_end2:
_tile_overlayer_lowered:
.L_overlay_start_2:
0x12f: {  	(tag) =	ssettag $0x2  }
0x130: {  	s0 =	rddreg [dreg:$0x0];
	s2 =	stileid.u32  }
0x131: {  	s1 =	rddreg [dreg:$0x1];
	p0 =	sne.s32 s2, $0x0  }
0x132: {  	s3 =	rddreg [dreg:$0x2];
	[bflag:$0x3] =	sbarrier.arrive $0xFFFF;
	s2 =	simm.s32 @!p0 $0x1C02  }
0x133: {  	[timem:s3], [sflag:s2] =	dma.local @!p0 [hbm:s0], s1  }
0x134: {  	s0 =	simm.s32 @!p0 $0x2  }
0x135: {  	_ =	swait.ge @!p0 [sflag:s0], s1  }
0x136: {  	s1 =	ssub.s32 @!p0 $0x0, s1;
	[sflag:s0] =	ssyncset.done @!p0 $0x0  }
0x137: {  	[sflag:s0] =	ssyncadd.s32 @!p0 s1  }
0x138: {  	[bflag:$0x3] =	sbarrier.arrive $0xFFFF  }
0x139: {  	_ =	shalt  }

// kernel: kernel.9.cloned.1.call-start
scs
__scs_entry_jumppad:
0x0: {  	(pc) =	sbr.rel $0x88, $3  }
0x1: {  	(tag) =	ssettag $0x0;
	lr =	simm.s32 $0x1  }
0x2: {  	[smem:$0x3F96] =	sst lr;
	_ =	strace $0xD0000000  }
0x3: {  	_ = 	snop  }
0x4: {  	_ = 	snop  }
0x5: {  	_ = 	snop  }
0x6: {  	_ = 	snop  }
0x7: {  	_ = 	snop  }
__scs_overlays_trampoline_lowered:
0x8: {  	[smem:$0x3FA5] =	sst s0  }
0x9: {  	[smem:$0x3FA6] =	sst s1  }
0xa: {  	[smem:$0x3FA7] =	sst s2  }
0xb: {  	[smem:$0x3FA8] =	sst s3  }
0xc: {  	[smem:$0x3FA9] =	sst s4  }
0xd: {  	[smem:$0x3FAA] =	sst s5  }
0xe: {  	[smem:$0x3FAB] =	sst s6  }
0xf: {  	[smem:$0x3FAC] =	sst s7  }
0x10: {  	[smem:$0x3FAD] =	sst s8  }
0x11: {  	[smem:$0x3FAE] =	sst s9;
	s0 =	simm.s32 @!p0 $0x0  }
0x12: {  	s1 =	sld [smem:$0x3F94];
	s0 =	simm.s32 @p0 $0x1  }
0x13: {  	[smem:$0x3FAF] =	sst s0;
	s0 =	simm.s32 @!p1 $0x0  }
0x14: {  	s2 =	sld [smem:$0x3F93];
	s0 =	simm.s32 @p1 $0x1  }
0x15: {  	[smem:$0x3FB0] =	sst s0;
	s0 =	simm.s32 @!p2 $0x0  }
0x16: {  	s3 =	sld [smem:$0x3FDB];
	s0 =	simm.s32 @p2 $0x1  }
0x17: {  	s4 =	simm.s32 $0x1BF5;
	[smem:$0x3FB2] =	sst s0  }
0x18: {  	s0 =	sld [smem:$0x3F95];
	_ =	swait.ge [sflag:s4], $0x0  }
0x19: {  	s7 =	sld [smem:$0x3F96]  }
0x1a: {  	s8 =	sadd.s32 $0xFFFFE003, lr  }
0x1b: {  	s9 =	sadd.s32 $0xFFFFFEF7, lr;
	s5 =	simm.s32 $0xFFFFFFFF;
	p2 =	slt.u32 s8, $0xFFFFF086  }
0x1c: {  	p1 =	slt.u32 s9, $0xF7A;
	s5 =	simm.s32 @!p2 $0x0  }
0x1d: {  	s5 =	simm.s32 @p1 $0x1;
	p0 =	seq.s32 s7, s2  }
0x1e: {  	s7 =	smul.u32 @!p0 $0xF7A, s2;
	p2 =	seq.s32 @!p0 s5, $0x0  }
0x1f: {  	s9 =	smul.u32 $0xF7A, s1;
	s8 =	simm.s32 @!p0 $0x1BF5;
	p2 =	por !p2, p0  }
0x20: {  	[sflag:s8] =	ssyncset.s32 @!p0 $0xFFFFF086;
	s6 =	sadd.s32 @!p0 s3, s7;
	s7 =	simm.s32 @!p0 $0x108  }
0x21: {  	s3 =	sadd.s32 s3, s9;
	s6 =	sadd.s32 @!p0 $0x88, s6;
	s7 =	simm.s32 @p2 $0x1082  }
0x22: {  	[simem:s7], [sflag:s8] =	dma.local @!p0 [hbm:s6], $0xF7A  }
0x23: {  	s9 =	sor.u32 $0xD0000000, s2;
	s6 =	simm.s32 $0x108;
	_ =	swait.ge @!p0 [sflag:s8], $0x0  }
0x24: {  	s3 =	sadd.s32 $0x88, s3;
	s6 =	simm.s32 @!p1 $0x1082;
	[sflag:s4] =	ssyncset.s32 $0xFFFFF086  }
0x25: {  	[simem:s6], [sflag:s4] =	dma.local [hbm:s3], $0xF7A  }
0x26: {  	[smem:$0x3F96] =	sst s1;
	(tag) =	ssettag s2;
	_ =	strace s9  }
0x27: {  	s1 =	sld [smem:$0x3FA6]  }
0x28: {  	s2 =	sld [smem:$0x3FA7]  }
0x29: {  	s4 =	sld [smem:$0x3FA9]  }
0x2a: {  	p0 =	seq.s32 s5, $0x0;
	s5 =	sld [smem:$0x3FAA]  }
0x2b: {  	s6 =	sld [smem:$0x3FAB]  }
0x2c: {  	s7 =	sld [smem:$0x3FAC]  }
0x2d: {  	s3 =	simm.s32 $0x108;
	s8 =	sld [smem:$0x3FAD]  }
0x2e: {  	s3 =	simm.s32 @!p0 $0x1082;
	s9 =	sld [smem:$0x3FAE]  }
0x2f: {  	lr =	sadd.s32 s0, s3;
	s0 =	sld [smem:$0x3FA5]  }
0x30: {  	s3 =	sld [smem:$0x3FA8]  }
0x31: {  	[smem:$0x3FB1] =	sst s10  }
0x32: {  	s10 =	sld [smem:$0x3FAF];
	_ =	sdelay $0x3  }
0x33: {  	p0 =	seq.s32 s10, $0x1;
	s10 =	sld [smem:$0x3FB1];
	_ =	sdelay $0x3  }
0x34: {  	[smem:$0x3FB1] =	sst s10  }
0x35: {  	s10 =	sld [smem:$0x3FB0];
	_ =	sdelay $0x3  }
0x36: {  	p1 =	seq.s32 s10, $0x1;
	s10 =	sld [smem:$0x3FB1];
	_ =	sdelay $0x3  }
0x37: {  	[smem:$0x3FB1] =	sst s10  }
0x38: {  	s10 =	sld [smem:$0x3FB2]  }
0x39: {  	_ = 	snop;
	(pc) =	sbr.ind lr, $3  }
0x3a: {  	_ = 	snop  }
0x3b: {  	_ = 	snop  }
0x3c: {  	p2 =	seq.s32 s10, $0x1;
	s10 =	sld [smem:$0x3FB1]  }
0x3d: {  	_ =	shalt  }
0x3e: {  	_ =	shalt  }
0x3f: {  	_ =	shalt  }
0x40: {  	_ =	shalt  }
0x41: {  	_ =	shalt  }
0x42: {  	_ =	shalt  }
0x43: {  	_ =	shalt  }
0x44: {  	_ =	shalt  }
0x45: {  	_ =	shalt  }
0x46: {  	_ =	shalt  }
0x47: {  	_ =	shalt  }
0x48: {  	_ =	shalt  }
0x49: {  	_ =	shalt  }
0x4a: {  	_ =	shalt  }
0x4b: {  	_ =	shalt  }
0x4c: {  	_ =	shalt  }
0x4d: {  	_ =	shalt  }
0x4e: {  	_ =	shalt  }
0x4f: {  	_ =	shalt  }
0x50: {  	_ =	shalt  }
0x51: {  	_ =	shalt  }
0x52: {  	_ =	shalt  }
0x53: {  	_ =	shalt  }
0x54: {  	_ =	shalt  }
0x55: {  	_ =	shalt  }
0x56: {  	_ =	shalt  }
0x57: {  	_ =	shalt  }
0x58: {  	_ =	shalt  }
0x59: {  	_ =	shalt  }
0x5a: {  	_ =	shalt  }
0x5b: {  	_ =	shalt  }
0x5c: {  	_ =	shalt  }
0x5d: {  	_ =	shalt  }
0x5e: {  	_ =	shalt  }
0x5f: {  	_ =	shalt  }
0x60: {  	_ =	shalt  }
0x61: {  	_ =	shalt  }
0x62: {  	_ =	shalt  }
0x63: {  	_ =	shalt  }
0x64: {  	_ =	shalt  }
0x65: {  	_ =	shalt  }
0x66: {  	_ =	shalt  }
0x67: {  	_ =	shalt  }
0x68: {  	_ =	shalt  }
0x69: {  	_ =	shalt  }
0x6a: {  	_ =	shalt  }
0x6b: {  	_ =	shalt  }
0x6c: {  	_ =	shalt  }
0x6d: {  	_ =	shalt  }
0x6e: {  	_ =	shalt  }
0x6f: {  	_ =	shalt  }
0x70: {  	_ =	shalt  }
0x71: {  	_ =	shalt  }
0x72: {  	_ =	shalt  }
0x73: {  	_ =	shalt  }
0x74: {  	_ =	shalt  }
0x75: {  	_ =	shalt  }
0x76: {  	_ =	shalt  }
0x77: {  	_ =	shalt  }
0x78: {  	_ =	shalt  }
0x79: {  	_ =	shalt  }
0x7a: {  	_ =	shalt  }
0x7b: {  	_ =	shalt  }
0x7c: {  	_ =	shalt  }
0x7d: {  	_ =	shalt  }
0x7e: {  	_ =	shalt  }
0x7f: {  	_ =	shalt  }
0x80: {  	_ =	shalt  }
0x81: {  	_ =	shalt  }
0x82: {  	_ =	shalt  }
0x83: {  	_ =	shalt  }
0x84: {  	_ =	shalt  }
0x85: {  	_ =	shalt  }
0x86: {  	_ =	shalt  }
0x87: {  	_ =	shalt  }
.Lfunc_end0:
.L_simem_size_0:
called_computation_lowered:
.L_overlay_start_0:
0x88: {  	s2 =	sld [smem:$0x3FD9]  }
0x89: {  	s3 =	sld [smem:$0x3FFE];
	_ =	sdelay $0x1  }
0x8a: {  	s1 =	srdreg.scid  }
0x8b: {  	s0 =	sand.u32 $0x1, s1  }
0x8c: {  	s17 =	sshll.u32 s0, $0xA;
	s2 =	sadd.s32 s3, s2  }
0x8d: {  	s2 =	sadd.s32 s2, s17  }
0x8e: {  	[smem:$0x3FBD] =	sst s2  }
0x8f: {  	_ = 	snop  }
0x90: {  	s2 =	sld [smem:$0x3FD0];
	(tm) =	ssettm $0x1  }
0x91: {  	s18 =	sld [smem:$0x3FFB];
	_ =	sdelay $0x3  }
0x92: {  	_ =	strace s18  }
0x93: {  	s3 =	sld [smem:$0x3FFC];
	_ =	sdelay $0x3  }
0x94: {  	_ =	strace s3  }
0x95: {  	s3 =	sld [smem:$0x3FFD];
	_ =	sdelay $0x3  }
0x96: {  	_ =	strace s3  }
0x97: {  	_ =	strace $0x8FFFFFFF  }
0x98: {  	s19 =	sld [smem:$0x3FDB];
	_ =	sdelay $0x1  }
0x99: {  	s4 =	simm.s32 $_scs_section_size  }
0x9a: {  	s5 =	simm.s32 $_size__tile_overlayer_lowered;
	s6 =	simm.s32 $_tile_overlayer_lowered  }
0x9b: {  	s22 =	simm.s32 $0x1BFF;
	s21 =	sshll.u32 s6, $0x1;
	s3 =	sadd.s32 s4, s19  }
0x9c: {  	s7 =	simm.s32 $0x0;
	s20 =	sshll.u32 s5, $0x1;
	s5 =	sadd.s32 s21, s3  }
0x9d: {  	[timem:s7], [sflag:s22] =	dma.local [hbm:s5], s20  }
0x9e: {  	_ =	swait.ge [sflag:s22], s20  }
0x9f: {  	s4 =	ssub.s32 $0x0, s20;
	[sflag:s22] =	ssyncset.done $0x0  }
0xa0: {  	[sflag:s22] =	ssyncadd.s32 s4;
	_ =	sdelay $0x1  }
0xa1: {  	s23 =	simm.s32 $0x1B8B  }
0xa2: {  	_ =	swait.ge [sflag:s23], $0x1  }
0xa3: {  	[sflag:s23] =	ssyncset.done $0x0  }
0xa4: {  	s25 =	simm.s32 $0x1B8E;
	s24 =	sld [smem:$0x3FFE];
	[sflag:s23] =	ssyncadd.s32 $0xFFFFFFFF  }
0xa5: {  	s26 =	simm.s32 $execute0_lowered;
	[smem:$0x3FD2] =	sst s25  }
0xa6: {  	s5 =	sshll.u32 s26, $0x1;
	_ =	strace $0x80000046;
	[dreg:$0x1] =	wrdreg $0xFFFFFFFF  }
0xa7: {  	s28 =	simm.s32 $_size_execute0_lowered;
	s3 =	sadd.s32 s3, s5;
	[dreg:$0x0] =	wrdreg $0x0  }
0xa8: {  	s5 =	sshll.u32 s28, $0x1;
	[dreg:$0x2] =	wrdreg s3  }
0xa9: {  	[dreg:$0x3] =	wrdreg s5  }
0xaa: {  	[dreg:$0x4] =	wrdreg $0xC0  }
0xab: {  	_ =	task [dreg:s7], $0x5FFFF  }
0xac: {  	[dreg:$0x1] =	wrdreg $0xFFFFFFFF  }
0xad: {  	[dreg:$0x0] =	wrdreg $0x60  }
0xae: {  	[dreg:$0x2] =	wrdreg s24  }
0xaf: {  	[dreg:$0x3] =	wrdreg s2  }
0xb0: {  	[dreg:$0x4] =	wrdreg $0x50800  }
0xb1: {  	[dreg:$0x5] =	wrdreg $0x9  }
0xb2: {  	_ =	task.clear_ibuf [dreg:s7], $0x6FFFF;
	_ =	strace $0x90000046  }
0xb3: {  	s29 =	simm.s32 $0x9;
	_ =	strace $0x80000048  }
0xb4: {  	_ =	swait.ge [sflag:s29], $0x1  }
0xb5: {  	[sflag:s29] =	ssyncadd.s32 $0xFFFFFFFF  }
0xb6: {  	_ =	strace $0x90000048  }
0xb7: {  	_ =	sfence  }
0xb8: {  	s30 =	sld [smem:$0x0];
	_ =	sdelay $0x2  }
0xb9: {  	s31 =	sshll.u32 s1, $0xD;
	s1 =	sshrl.u32 s1, $0x2  }
0xba: {  	s3 =	sand.u32 $0x4000, s31;
	s1 =	sadd.s32 s1, s30  }
0xbb: {  	s0 =	sor.u32 s3, s0;
	s1 =	sshll.u32 s1, $0x11  }
0xbc: {  	s0 =	sor.u32 s1, s0  }
0xbd: {  	s0 =	sadd.s32 $0x8F2B, s0  }
0xbe: {  	[sflag:s0] =	ssyncadd.remote.s32 $0x1  }
0xbf: {  	_ =	sfence.sel $0xFFFF  }
0xc0: {  	[dreg:$0x0] =	wrdreg $0xFFFFFFFF;
	(pc) =	sbr.abs _section_cstart, $3  }
0xc1: {  	[dreg:$0x1] =	wrdreg $0xFFFFFFFF  }
0xc2: {  	_ =	task.clear_ibuf [dreg:s7], $0x2FFFF;
	_ =	strace $0x9FFFFFFF  }
0xc3: {  	(tm) =	ssettm $0x7FFFFFFF  }
tec
execute0_lowered:
.L_overlay_start_1:
0x0: {  	(tag) =	ssettag $0x1  }
0x1: {  	s1 =	rddreg [dreg:$0x0]  }
0x2: {  	s0 =	srdreg.scid;
	s13 =	stileid.u32  }
0x3: {  	s3 =	rddreg [dreg:$0x2];
	s4 =	simm.s32 $0x0;
	s19 =	smul.u32 $0x4E20, s13  }
0x4: {  	s2 =	sand.u32 $0x1, s0;
	[smem:$0x7FF] =	sst s4;
	s8 =	smul.u32 $0x270, s13  }
0x5: {  	s9 =	smul.u32 $0x4E000, s13;
	s5 =	sadd.s32 $0x16C00, s1;
	p0 =	seq.s32 s13, $0xF  }
0x6: {  	s13 =	sadd.s32 $0x127000, s3;
	s7 =	smul.u32 $0x2710, s2;
	s6 =	ssub.s32 $0x2, s2  }
0x7: {  	_ =	strace $0x80000047;
	s2 =	smul.u32 $0x27100, s2;
	s10 =	sshrl.u32 s6, $0x1  }
0x8: {  	s20 =	sshrl.u32 s9, $0x2;
	s21 =	sadd.s32 $0x230, s8;
	s12 =	sadd.s32 $0x50, s8  }
0x9: {  	s26 =	sadd.s32 $0xA0, s8;
	s30 =	sadd.s32 $0xF0, s8;
	s15 =	sadd.s32 $0x140, s8  }
0xa: {  	s18 =	sadd.s32 $0x190, s8;
	s0 =	sadd.s32 s7, s19;
	s10 =	ssub.s32 s6, s10  }
0xb: {  	s6 =	sadd.s32 s20, s3;
	s11 =	sshll.u32 s21, $0x7;
	s9 =	sadd.s32 s7, s21  }
0xc: {  	s22 =	sadd.s32 s7, s8;
	s24 =	sadd.s32 s7, s12;
	s25 =	sshll.u32 s12, $0x7  }
0xd: {  	s28 =	sadd.s32 s7, s26;
	s29 =	sshll.u32 s26, $0x7;
	s14 =	sshll.u32 s30, $0x7  }
0xe: {  	s16 =	sadd.s32 s7, s15;
	s17 =	sshll.u32 s15, $0x7;
	s19 =	sshll.u32 s18, $0x7  }
0xf: {  	s20 =	sadd.s32 s7, s18;
	s8 =	sadd.s32 $0x1E0, s8;
	s12 =	sadd.s32 $0x124800, s3  }
0x10: {  	s15 =	sadd.s32 $0x129800, s3;
	s0 =	sshrl.u32 s0, $0x3;
	s11 =	sadd.s32 s11, s3  }
0x11: {  	s9 =	sshll.u32 s9, $0x4;
	s0 =	sadd.s32 s0, s1;
	s1 =	sadd.s32 $0x17200, s1  }
0x12: {  	[dreg:$0x4] =	wrdreg s11;
	s11 =	sshll.u32 s22, $0x4;
	s9 =	sadd.s32 s1, s9  }
0x13: {  	s18 =	sadd.s32 $0x131000, s3;
	s23 =	sadd.s32 s1, s11;
	[dreg:$0x5] =	wrdreg s9  }
0x14: {  	s21 =	sshll.u32 s20, $0x4;
	s11 =	sadd.s32 s25, s3;
	[dreg:$0x6] =	wrdreg s23  }
0x15: {  	s2 =	sadd.s32 s1, s2;
	[dreg:$0x7] =	wrdreg s11;
	s11 =	sadd.s32 s29, s3  }
0x16: {  	s20 =	sadd.s32 $0x136000, s3;
	s22 =	sadd.s32 $0x24900, s2;
	[dreg:$0x9] =	wrdreg s11  }
0x17: {  	s9 =	smax.u32 s10, $0x1;
	s23 =	sadd.s32 $0x24E00, s2;
	[dreg:$0x12] =	wrdreg s22  }
0x18: {  	s10 =	sshll.u32 s24, $0x4;
	s24 =	sadd.s32 $0x25300, s2;
	[dreg:$0x13] =	wrdreg s23  }
0x19: {  	s31 =	sadd.s32 $0x3000, s0;
	s25 =	sadd.s32 $0x25800, s2;
	[dreg:$0x14] =	wrdreg s24  }
0x1a: {  	s0 =	sadd.s32 $0x2800, s6;
	s26 =	sadd.s32 $0x25D00, s2;
	[dreg:$0x15] =	wrdreg s25  }
0x1b: {  	s29 =	sadd.s32 $0x26700, s2;
	s10 =	sadd.s32 s1, s10;
	[dreg:$0x16] =	wrdreg s26  }
0x1c: {  	s11 =	sadd.s32 s7, s30;
	s7 =	sadd.s32 s7, s8;
	[dreg:$0x18] =	wrdreg s29  }
0x1d: {  	s30 =	sadd.s32 $0x26C00, s2;
	s22 =	simm.s32 $0x1;
	s23 =	simm.s32 $0x80  }
0x1e: {  	s24 =	simm.s32 $0x50;
	s25 =	simm.s32 $0x0;
	[dreg:$0x8] =	wrdreg s10  }
0x1f: {  	s10 =	sshll.u32 s28, $0x4;
	s28 =	sadd.s32 $0x26200, s2;
	[dreg:$0x19] =	wrdreg s30  }
0x20: {  	s7 =	sshll.u32 s7, $0x4;
	s10 =	sadd.s32 s1, s10;
	[dreg:$0x17] =	wrdreg s28  }
0x21: {  	s2 =	sadd.s32 $0x5000, s6;
	[dreg:$0xa] =	wrdreg s10;
	s10 =	sshll.u32 s11, $0x4  }
0x22: {  	s11 =	sadd.s32 s14, s3;
	s14 =	sshll.u32 s8, $0x7;
	s8 =	sadd.s32 $0xA000, s6  }
0x23: {  	[dreg:$0xb] =	wrdreg s11;
	s10 =	sadd.s32 s1, s10;
	s11 =	sadd.s32 s17, s3  }
0x24: {  	s14 =	sadd.s32 s14, s3;
	s17 =	sadd.s32 $0x12C000, s3;
	[dreg:$0xc] =	wrdreg s10  }
0x25: {  	s10 =	sshll.u32 s16, $0x4;
	[dreg:$0xd] =	wrdreg s11;
	s11 =	sadd.s32 $0xF000, s6  }
.Ltmp0:
0x26: {  	s16 =	sadd.s32 $0x12E800, s3;
	s10 =	sadd.s32 s1, s10;
	(pc) =	sbr.rel .LBB2_1-.Ltmp0, $4  }
0x27: {  	[dreg:$0xe] =	wrdreg s10;
	s10 =	sadd.s32 s19, s3;
	s19 =	sadd.s32 $0x133800, s3  }
0x28: {  	[dreg:$0xf] =	wrdreg s10;
	s10 =	sadd.s32 s1, s21;
	s1 =	sadd.s32 s1, s7  }
0x29: {  	s7 =	sadd.s32 $0x7800, s6;
	s21 =	simm.s32 $0x2880;
	[dreg:$0x10] =	wrdreg s10  }
0x2a: {  	[dreg:$0x11] =	wrdreg s1;
	s1 =	sadd.s32 $0x11800, s6;
	s10 =	sadd.s32 $0xC800, s6  }
.LBB2_5:
0x2b: {  	[tilespmem:s21], [sflag:$0x1] =	stream.linear.gather [spmem:s12], $0x2800, $0x38;
	[tilespmem:$0x18900] =	vst v63  }
0x2c: {  	_ =	swait.ge [sflag:s22], $0x2800  }
0x2d: {  	[sflag:s22] =	ssyncset.done $0x0  }
0x2e: {  	s26 =	rddreg [dreg:$0x12];
	[sflag:s22] =	ssyncadd.s32 $0xFFFFD800  }
0x2f: {  	[hbm4b:s26+s4] =	stream.linear.scatter [tilespmem:s21], [sflag:$0x1], $0x2800, $0x38;
	[tilespmem:$0x18900] =	vst v63  }
0x30: {  	_ =	swait.ge [sflag:s22], $0x2800  }
0x31: {  	[sflag:s22] =	ssyncset.done $0x0  }
0x32: {  	[sflag:s22] =	ssyncadd.s32 $0xFFFFD800  }
0x33: {  	[tilespmem:s21], [sflag:$0x1] =	stream.linear.gather [spmem:s13], $0x2800, $0x38;
	[tilespmem:$0x18900] =	vst v63  }
0x34: {  	_ =	swait.ge [sflag:s22], $0x2800  }
0x35: {  	[sflag:s22] =	ssyncset.done $0x0  }
0x36: {  	s30 =	rddreg [dreg:$0x13];
	[sflag:s22] =	ssyncadd.s32 $0xFFFFD800  }
0x37: {  	[hbm4b:s30+s4] =	stream.linear.scatter [tilespmem:s21], [sflag:$0x1], $0x2800, $0x38;
	[tilespmem:$0x18900] =	vst v63  }
0x38: {  	_ =	swait.ge [sflag:s22], $0x2800  }
0x39: {  	[sflag:s22] =	ssyncset.done $0x0  }
0x3a: {  	[sflag:s22] =	ssyncadd.s32 $0xFFFFD800  }
0x3b: {  	[tilespmem:s21], [sflag:$0x1] =	stream.linear.gather [spmem:s15], $0x2800, $0x38;
	[tilespmem:$0x18900] =	vst v63  }
0x3c: {  	_ =	swait.ge [sflag:s22], $0x2800  }
0x3d: {  	[sflag:s22] =	ssyncset.done $0x0  }
0x3e: {  	s28 =	rddreg [dreg:$0x14];
	[sflag:s22] =	ssyncadd.s32 $0xFFFFD800  }
0x3f: {  	[hbm4b:s28+s4] =	stream.linear.scatter [tilespmem:s21], [sflag:$0x1], $0x2800, $0x38;
	[tilespmem:$0x18900] =	vst v63  }
0x40: {  	_ =	swait.ge [sflag:s22], $0x2800  }
0x41: {  	[sflag:s22] =	ssyncset.done $0x0  }
0x42: {  	[sflag:s22] =	ssyncadd.s32 $0xFFFFD800  }
0x43: {  	[tilespmem:s21], [sflag:$0x1] =	stream.linear.gather [spmem:s17], $0x2800, $0x38;
	[tilespmem:$0x18900] =	vst v63  }
0x44: {  	_ =	swait.ge [sflag:s22], $0x2800  }
0x45: {  	[sflag:s22] =	ssyncset.done $0x0  }
0x46: {  	s29 =	rddreg [dreg:$0x15];
	[sflag:s22] =	ssyncadd.s32 $0xFFFFD800  }
0x47: {  	[hbm4b:s29+s4] =	stream.linear.scatter [tilespmem:s21], [sflag:$0x1], $0x2800, $0x38;
	[tilespmem:$0x18900] =	vst v63  }
0x48: {  	_ =	swait.ge [sflag:s22], $0x2800  }
0x49: {  	[sflag:s22] =	ssyncset.done $0x0  }
0x4a: {  	[sflag:s22] =	ssyncadd.s32 $0xFFFFD800  }
0x4b: {  	[tilespmem:s21], [sflag:$0x1] =	stream.linear.gather [spmem:s16], $0x2800, $0x38;
	[tilespmem:$0x18900] =	vst v63  }
0x4c: {  	_ =	swait.ge [sflag:s22], $0x2800  }
0x4d: {  	[sflag:s22] =	ssyncset.done $0x0  }
0x4e: {  	s30 =	rddreg [dreg:$0x16];
	[sflag:s22] =	ssyncadd.s32 $0xFFFFD800  }
0x4f: {  	[hbm4b:s30+s4] =	stream.linear.scatter [tilespmem:s21], [sflag:$0x1], $0x2800, $0x38;
	[tilespmem:$0x18900] =	vst v63  }
0x50: {  	_ =	swait.ge [sflag:s22], $0x2800  }
0x51: {  	[sflag:s22] =	ssyncset.done $0x0  }
0x52: {  	[sflag:s22] =	ssyncadd.s32 $0xFFFFD800  }
0x53: {  	[tilespmem:s21], [sflag:$0x1] =	stream.linear.gather [spmem:s18], $0x2800, $0x38;
	[tilespmem:$0x18900] =	vst v63  }
0x54: {  	_ =	swait.ge [sflag:s22], $0x2800  }
0x55: {  	[sflag:s22] =	ssyncset.done $0x0  }
0x56: {  	s28 =	rddreg [dreg:$0x17];
	[sflag:s22] =	ssyncadd.s32 $0xFFFFD800  }
0x57: {  	[hbm4b:s28+s4] =	stream.linear.scatter [tilespmem:s21], [sflag:$0x1], $0x2800, $0x38;
	[tilespmem:$0x18900] =	vst v63  }
0x58: {  	_ =	swait.ge [sflag:s22], $0x2800  }
0x59: {  	[sflag:s22] =	ssyncset.done $0x0  }
0x5a: {  	[sflag:s22] =	ssyncadd.s32 $0xFFFFD800  }
0x5b: {  	[tilespmem:s21], [sflag:$0x1] =	stream.linear.gather [spmem:s19], $0x2800, $0x38;
	[tilespmem:$0x18900] =	vst v63  }
0x5c: {  	_ =	swait.ge [sflag:s22], $0x2800  }
0x5d: {  	[sflag:s22] =	ssyncset.done $0x0  }
0x5e: {  	s29 =	rddreg [dreg:$0x18];
	[sflag:s22] =	ssyncadd.s32 $0xFFFFD800  }
0x5f: {  	[hbm4b:s29+s4] =	stream.linear.scatter [tilespmem:s21], [sflag:$0x1], $0x2800, $0x38;
	[tilespmem:$0x18900] =	vst v63  }
0x60: {  	_ =	swait.ge [sflag:s22], $0x2800  }
0x61: {  	[sflag:s22] =	ssyncset.done $0x0  }
0x62: {  	[sflag:s22] =	ssyncadd.s32 $0xFFFFD800  }
0x63: {  	[tilespmem:s21], [sflag:$0x1] =	stream.linear.gather [spmem:s20], $0x2800, $0x38;
	[tilespmem:$0x18900] =	vst v63  }
0x64: {  	_ =	swait.ge [sflag:s22], $0x2800  }
0x65: {  	[sflag:s22] =	ssyncset.done $0x0  }
0x66: {  	s30 =	rddreg [dreg:$0x19];
	[sflag:s22] =	ssyncadd.s32 $0xFFFFD800  }
0x67: {  	[hbm4b:s30+s4] =	stream.linear.scatter [tilespmem:s21], [sflag:$0x1], $0x2800, $0x38;
	[tilespmem:$0x18900] =	vst v63  }
0x68: {  	_ =	swait.ge [sflag:s22], $0x2800  }
0x69: {  	[sflag:s22] =	ssyncset.done $0x0  }
0x6a: {  	[sflag:s22] =	ssyncadd.s32 $0xFFFFD800  }
.LBB2_6:
0x6b: {  	s25 =	sadd.s32 $0x1, s25  }
0x6c: {  	p1 =	sne.s32 s25, s9  }
.Ltmp1:
0x6d: {  	_ = 	snop;
	(pc) =	sbr.rel @!p1 .LBB2_7-.Ltmp1, $1  }
0x6e: {  	_ =	sdelay $0x3  }
.LBB2_1:
0x6f: {  	s26 =	rddreg [dreg:$0x1]  }
0x70: {  	[tilespmem:s21], [sflag:$0x1] =	stream.linear.gather [hbm4b:s26+s4], $0x2800, $0x38;
	[tilespmem:$0x18900] =	vst v63  }
0x71: {  	_ =	swait.ge [sflag:s22], $0x2800  }
0x72: {  	[sflag:s22] =	ssyncset.done $0x0  }
0x73: {  	[sflag:s22] =	ssyncadd.s32 $0xFFFFD800  }
0x74: {  	[tilespmem:s23], [sflag:$0x1] =	stream.linear.gather [hbm4b:s5+s4], $0x2800, $0x38;
	[tilespmem:$0x18900] =	vst v63  }
0x75: {  	_ =	swait.ge [sflag:s22], $0x2800  }
0x76: {  	[sflag:s22] =	ssyncset.done $0x0  }
0x77: {  	s28 =	simm.s32 @p0 $0x1;
	s26 =	simm.s32 @p0 $0x2880;
	[sflag:s22] =	ssyncadd.s32 $0xFFFFD800  }
0x78: {  	[spmem:s12] =	stream.linear.scatter @p0 [tilespmem:s26], [sflag:$0x1], $0x2800, $0x38;
	[tilespmem:$0x18900] =	vst v63  }
0x79: {  	_ =	swait.ge @p0 [sflag:s28], $0x2800  }
0x7a: {  	[sflag:s28] =	ssyncset.done @p0 $0x0  }
0x7b: {  	[sflag:s28] =	ssyncadd.s32 @p0 $0xFFFFD800  }
0x7c: {  	[spmem:s13] =	stream.linear.scatter @p0 [tilespmem:s26], [sflag:$0x1], $0x2800, $0x38;
	[tilespmem:$0x18900] =	vst v63  }
0x7d: {  	_ =	swait.ge @p0 [sflag:s28], $0x2800  }
0x7e: {  	[sflag:s28] =	ssyncset.done @p0 $0x0  }
0x7f: {  	[sflag:s28] =	ssyncadd.s32 @p0 $0xFFFFD800  }
0x80: {  	[spmem:s15] =	stream.linear.scatter @p0 [tilespmem:s26], [sflag:$0x1], $0x2800, $0x38;
	[tilespmem:$0x18900] =	vst v63  }
0x81: {  	_ =	swait.ge @p0 [sflag:s28], $0x2800  }
0x82: {  	[sflag:s28] =	ssyncset.done @p0 $0x0  }
0x83: {  	[sflag:s28] =	ssyncadd.s32 @p0 $0xFFFFD800  }
0x84: {  	[spmem:s17] =	stream.linear.scatter @p0 [tilespmem:s26], [sflag:$0x1], $0x2800, $0x38;
	[tilespmem:$0x18900] =	vst v63  }
0x85: {  	_ =	swait.ge @p0 [sflag:s28], $0x2800  }
0x86: {  	[sflag:s28] =	ssyncset.done @p0 $0x0  }
0x87: {  	[sflag:s28] =	ssyncadd.s32 @p0 $0xFFFFD800  }
0x88: {  	[spmem:s16] =	stream.linear.scatter @p0 [tilespmem:s26], [sflag:$0x1], $0x2800, $0x38;
	[tilespmem:$0x18900] =	vst v63  }
0x89: {  	_ =	swait.ge @p0 [sflag:s28], $0x2800  }
0x8a: {  	[sflag:s28] =	ssyncset.done @p0 $0x0  }
0x8b: {  	[sflag:s28] =	ssyncadd.s32 @p0 $0xFFFFD800  }
0x8c: {  	[spmem:s18] =	stream.linear.scatter @p0 [tilespmem:s26], [sflag:$0x1], $0x2800, $0x38;
	[tilespmem:$0x18900] =	vst v63  }
0x8d: {  	_ =	swait.ge @p0 [sflag:s28], $0x2800  }
0x8e: {  	[sflag:s28] =	ssyncset.done @p0 $0x0  }
0x8f: {  	[sflag:s28] =	ssyncadd.s32 @p0 $0xFFFFD800  }
0x90: {  	[spmem:s19] =	stream.linear.scatter @p0 [tilespmem:s26], [sflag:$0x1], $0x2800, $0x38;
	[tilespmem:$0x18900] =	vst v63  }
0x91: {  	_ =	swait.ge @p0 [sflag:s28], $0x2800  }
0x92: {  	[sflag:s28] =	ssyncset.done @p0 $0x0  }
0x93: {  	[sflag:s28] =	ssyncadd.s32 @p0 $0xFFFFD800  }
0x94: {  	[spmem:s20] =	stream.linear.scatter @p0 [tilespmem:s26], [sflag:$0x1], $0x2800, $0x38;
	[tilespmem:$0x18900] =	vst v63  }
0x95: {  	_ =	swait.ge @p0 [sflag:s28], $0x2800  }
0x96: {  	[sflag:s28] =	ssyncset.done @p0 $0x0  }
0x97: {  	s26 =	simm.s32 @!p0 $0x2880;
	[sflag:s28] =	ssyncadd.s32 @p0 $0xFFFFD800;
	s28 =	simm.s32 @!p0 $0x1  }
0x98: {  	[spmem:s6] =	stream.linear.scatter @!p0 [tilespmem:s26], [sflag:$0x1], $0x2800, $0x38;
	[tilespmem:$0x18900] =	vst v63  }
0x99: {  	_ =	swait.ge @!p0 [sflag:s28], $0x2800  }
0x9a: {  	[sflag:s28] =	ssyncset.done @!p0 $0x0  }
0x9b: {  	[sflag:s28] =	ssyncadd.s32 @!p0 $0xFFFFD800  }
0x9c: {  	[spmem:s0] =	stream.linear.scatter @!p0 [tilespmem:s26], [sflag:$0x1], $0x2800, $0x38;
	[tilespmem:$0x18900] =	vst v63  }
0x9d: {  	_ =	swait.ge @!p0 [sflag:s28], $0x2800  }
0x9e: {  	[sflag:s28] =	ssyncset.done @!p0 $0x0  }
0x9f: {  	[sflag:s28] =	ssyncadd.s32 @!p0 $0xFFFFD800  }
0xa0: {  	[spmem:s2] =	stream.linear.scatter @!p0 [tilespmem:s26], [sflag:$0x1], $0x2800, $0x38;
	[tilespmem:$0x18900] =	vst v63  }
0xa1: {  	_ =	swait.ge @!p0 [sflag:s28], $0x2800  }
0xa2: {  	[sflag:s28] =	ssyncset.done @!p0 $0x0  }
0xa3: {  	[sflag:s28] =	ssyncadd.s32 @!p0 $0xFFFFD800  }
0xa4: {  	[spmem:s7] =	stream.linear.scatter @!p0 [tilespmem:s26], [sflag:$0x1], $0x2800, $0x38;
	[tilespmem:$0x18900] =	vst v63  }
0xa5: {  	_ =	swait.ge @!p0 [sflag:s28], $0x2800  }
0xa6: {  	[sflag:s28] =	ssyncset.done @!p0 $0x0  }
0xa7: {  	[sflag:s28] =	ssyncadd.s32 @!p0 $0xFFFFD800  }
0xa8: {  	[spmem:s8] =	stream.linear.scatter @!p0 [tilespmem:s26], [sflag:$0x1], $0x2800, $0x38;
	[tilespmem:$0x18900] =	vst v63  }
0xa9: {  	_ =	swait.ge @!p0 [sflag:s28], $0x2800  }
0xaa: {  	[sflag:s28] =	ssyncset.done @!p0 $0x0  }
0xab: {  	[sflag:s28] =	ssyncadd.s32 @!p0 $0xFFFFD800  }
0xac: {  	[spmem:s10] =	stream.linear.scatter @!p0 [tilespmem:s26], [sflag:$0x1], $0x2800, $0x38;
	[tilespmem:$0x18900] =	vst v63  }
0xad: {  	_ =	swait.ge @!p0 [sflag:s28], $0x2800  }
0xae: {  	[sflag:s28] =	ssyncset.done @!p0 $0x0  }
0xaf: {  	[sflag:s28] =	ssyncadd.s32 @!p0 $0xFFFFD800  }
0xb0: {  	[spmem:s11] =	stream.linear.scatter @!p0 [tilespmem:s26], [sflag:$0x1], $0x2800, $0x38;
	[tilespmem:$0x18900] =	vst v63  }
0xb1: {  	_ =	swait.ge @!p0 [sflag:s28], $0x2800  }
0xb2: {  	[sflag:s28] =	ssyncset.done @!p0 $0x0  }
0xb3: {  	[sflag:s28] =	ssyncadd.s32 @!p0 $0xFFFFD800  }
0xb4: {  	[spmem:s1] =	stream.linear.scatter @!p0 [tilespmem:s26], [sflag:$0x1], $0x2000, $0x38;
	[tilespmem:$0x18900] =	vst v63  }
0xb5: {  	_ =	swait.ge @!p0 [sflag:s28], $0x2000  }
0xb6: {  	[sflag:s28] =	ssyncset.done @!p0 $0x0  }
0xb7: {  	[sflag:s28] =	ssyncadd.s32 @!p0 $0xFFFFE000  }
0xb8: {  	s30 =	sadd.s32 $0x0, s31;
	[bflag:$0x0] =	sbarrier.arrive $0xFFFF  }
0xb9: {  	[tilespmem:s4], [sflag:$0x1] =	stream.linear.gather [hbm4b:s30+s4], $0x50, $0x38;
	[tilespmem:$0x18900] =	vst v63  }
0xba: {  	_ =	swait.ge [sflag:s22], $0x50  }
0xbb: {  	[sflag:s22] =	ssyncset.done $0x0  }
0xbc: {  	[sflag:s22] =	ssyncadd.s32 $0xFFFFFFB0  }
0xbd: {  	[spmem:s3] =	stream.indirect.scatter.add.f32 [tilespmem:s23], [sflag:$0x1], $0x80, s4, s24, $0xb8;
	[tilespmem:$0x18900] =	vst v63  }
0xbe: {  	_ =	swait.ge [sflag:s22], $0x2800  }
0xbf: {  	s26 =	simm.s32 $0xA;
	s28 =	simm.s32 $0x14;
	[sflag:s22] =	ssyncset.done $0x0  }
.LBB2_2:
0xc0: {  	s29 =	sadd.s32 s26, s31  }
0xc1: {  	[sflag:s22] =	ssyncadd.s32 $0xFFFFD800;
	s26 =	smov.u32 s28;
	s30 =	sadd.s32 $0xA, s28  }
0xc2: {  	[tilespmem:s4], [sflag:$0x1] =	stream.linear.gather [hbm4b:s29+s4], $0x50, $0x38;
	[tilespmem:$0x18900] =	vst v63  }
0xc3: {  	p1 =	sne.s32 s28, $0x4D8;
	_ =	swait.ge [sflag:s22], $0x50  }
.Ltmp2:
0xc4: {  	[sflag:s22] =	ssyncset.done $0x0;
	(pc) =	sbr.rel @p1 .LBB2_2-.Ltmp2, $4  }
0xc5: {  	[sflag:s22] =	ssyncadd.s32 $0xFFFFFFB0  }
0xc6: {  	[spmem:s3] =	stream.indirect.scatter.add.f32 [tilespmem:s23], [sflag:$0x1], $0x80, s4, s24, $0xb8;
	[tilespmem:$0x18900] =	vst v63  }
0xc7: {  	_ =	swait.ge [sflag:s22], $0x2800  }
0xc8: {  	s28 =	smov.u32 s30;
	[sflag:s22] =	ssyncset.done $0x0  }
0xc9: {  	s26 =	sadd.s32 s26, s31;
	[sflag:s22] =	ssyncadd.s32 $0xFFFFD800  }
0xca: {  	[tilespmem:s4], [sflag:$0x1] =	stream.linear.gather [hbm4b:s26+s4], $0x50, $0x38;
	[tilespmem:$0x18900] =	vst v63  }
0xcb: {  	_ =	swait.ge [sflag:s22], $0x50  }
0xcc: {  	[sflag:s22] =	ssyncset.done $0x0  }
0xcd: {  	[sflag:s22] =	ssyncadd.s32 $0xFFFFFFB0  }
0xce: {  	[spmem:s3] =	stream.indirect.scatter.add.f32 [tilespmem:s23], [sflag:$0x1], $0x80, s4, s24, $0xb8;
	[tilespmem:$0x18900] =	vst v63  }
.Ltmp3:
0xcf: {  	_ =	swait.ge [sflag:s22], $0x2800;
	(pc) =	sbr.rel @p0 .LBB2_5-.Ltmp3, $3  }
0xd0: {  	[sflag:s22] =	ssyncset.done $0x0  }
0xd1: {  	[sflag:s22] =	ssyncadd.s32 $0xFFFFD800  }
0xd2: {  	[bflag:$0x0] =	sbarrier.arrive $0xFFFF;
	_ =	sdelay $0x1  }
0xd3: {  	[tilespmem:s21], [sflag:$0x1] =	stream.linear.gather [spmem:s6], $0x2800, $0x38;
	[tilespmem:$0x18900] =	vst v63  }
0xd4: {  	_ =	swait.ge [sflag:s22], $0x2800  }
0xd5: {  	[sflag:s22] =	ssyncset.done $0x0  }
0xd6: {  	s26 =	rddreg [dreg:$0x6];
	[sflag:s22] =	ssyncadd.s32 $0xFFFFD800  }
0xd7: {  	[hbm4b:s26+s4] =	stream.linear.scatter [tilespmem:s21], [sflag:$0x1], $0x2800, $0x38;
	[tilespmem:$0x18900] =	vst v63  }
0xd8: {  	_ =	swait.ge [sflag:s22], $0x2800  }
0xd9: {  	[sflag:s22] =	ssyncset.done $0x0  }
0xda: {  	s30 =	rddreg [dreg:$0x7];
	[sflag:s22] =	ssyncadd.s32 $0xFFFFD800  }
0xdb: {  	[tilespmem:s21], [sflag:$0x1] =	stream.linear.gather [spmem:s30], $0x2800, $0x38;
	[tilespmem:$0x18900] =	vst v63  }
0xdc: {  	_ =	swait.ge [sflag:s22], $0x2800  }
0xdd: {  	[sflag:s22] =	ssyncset.done $0x0  }
0xde: {  	s28 =	rddreg [dreg:$0x8];
	[sflag:s22] =	ssyncadd.s32 $0xFFFFD800  }
0xdf: {  	[hbm4b:s28+s4] =	stream.linear.scatter [tilespmem:s21], [sflag:$0x1], $0x2800, $0x38;
	[tilespmem:$0x18900] =	vst v63  }
0xe0: {  	_ =	swait.ge [sflag:s22], $0x2800  }
0xe1: {  	[sflag:s22] =	ssyncset.done $0x0  }
0xe2: {  	s29 =	rddreg [dreg:$0x9];
	[sflag:s22] =	ssyncadd.s32 $0xFFFFD800  }
0xe3: {  	[tilespmem:s21], [sflag:$0x1] =	stream.linear.gather [spmem:s29], $0x2800, $0x38;
	[tilespmem:$0x18900] =	vst v63  }
0xe4: {  	_ =	swait.ge [sflag:s22], $0x2800  }
0xe5: {  	[sflag:s22] =	ssyncset.done $0x0  }
0xe6: {  	s30 =	rddreg [dreg:$0xa];
	[sflag:s22] =	ssyncadd.s32 $0xFFFFD800  }
0xe7: {  	[hbm4b:s30+s4] =	stream.linear.scatter [tilespmem:s21], [sflag:$0x1], $0x2800, $0x38;
	[tilespmem:$0x18900] =	vst v63  }
0xe8: {  	_ =	swait.ge [sflag:s22], $0x2800  }
0xe9: {  	[sflag:s22] =	ssyncset.done $0x0  }
0xea: {  	s28 =	rddreg [dreg:$0xb];
	[sflag:s22] =	ssyncadd.s32 $0xFFFFD800  }
0xeb: {  	[tilespmem:s21], [sflag:$0x1] =	stream.linear.gather [spmem:s28], $0x2800, $0x38;
	[tilespmem:$0x18900] =	vst v63  }
0xec: {  	_ =	swait.ge [sflag:s22], $0x2800  }
0xed: {  	[sflag:s22] =	ssyncset.done $0x0  }
0xee: {  	s29 =	rddreg [dreg:$0xc];
	[sflag:s22] =	ssyncadd.s32 $0xFFFFD800  }
0xef: {  	[hbm4b:s29+s4] =	stream.linear.scatter [tilespmem:s21], [sflag:$0x1], $0x2800, $0x38;
	[tilespmem:$0x18900] =	vst v63  }
0xf0: {  	_ =	swait.ge [sflag:s22], $0x2800  }
0xf1: {  	[sflag:s22] =	ssyncset.done $0x0  }
0xf2: {  	s30 =	rddreg [dreg:$0xd];
	[sflag:s22] =	ssyncadd.s32 $0xFFFFD800  }
0xf3: {  	[tilespmem:s21], [sflag:$0x1] =	stream.linear.gather [spmem:s30], $0x2800, $0x38;
	[tilespmem:$0x18900] =	vst v63  }
0xf4: {  	_ =	swait.ge [sflag:s22], $0x2800  }
0xf5: {  	[sflag:s22] =	ssyncset.done $0x0  }
0xf6: {  	s28 =	rddreg [dreg:$0xe];
	[sflag:s22] =	ssyncadd.s32 $0xFFFFD800  }
0xf7: {  	[hbm4b:s28+s4] =	stream.linear.scatter [tilespmem:s21], [sflag:$0x1], $0x2800, $0x38;
	[tilespmem:$0x18900] =	vst v63  }
0xf8: {  	_ =	swait.ge [sflag:s22], $0x2800  }
0xf9: {  	[sflag:s22] =	ssyncset.done $0x0  }
0xfa: {  	s29 =	rddreg [dreg:$0xf];
	[sflag:s22] =	ssyncadd.s32 $0xFFFFD800  }
0xfb: {  	[tilespmem:s21], [sflag:$0x1] =	stream.linear.gather [spmem:s29], $0x2800, $0x38;
	[tilespmem:$0x18900] =	vst v63  }
0xfc: {  	_ =	swait.ge [sflag:s22], $0x2800  }
0xfd: {  	[sflag:s22] =	ssyncset.done $0x0  }
0xfe: {  	s30 =	rddreg [dreg:$0x10];
	[sflag:s22] =	ssyncadd.s32 $0xFFFFD800  }
0xff: {  	[hbm4b:s30+s4] =	stream.linear.scatter [tilespmem:s21], [sflag:$0x1], $0x2800, $0x38;
	[tilespmem:$0x18900] =	vst v63  }
0x100: {  	_ =	swait.ge [sflag:s22], $0x2800  }
0x101: {  	[sflag:s22] =	ssyncset.done $0x0  }
0x102: {  	[sflag:s22] =	ssyncadd.s32 $0xFFFFD800  }
0x103: {  	[tilespmem:s21], [sflag:$0x1] =	stream.linear.gather [spmem:s14], $0x2800, $0x38;
	[tilespmem:$0x18900] =	vst v63  }
0x104: {  	_ =	swait.ge [sflag:s22], $0x2800  }
0x105: {  	[sflag:s22] =	ssyncset.done $0x0  }
0x106: {  	s28 =	rddreg [dreg:$0x11];
	[sflag:s22] =	ssyncadd.s32 $0xFFFFD800  }
0x107: {  	[hbm4b:s28+s4] =	stream.linear.scatter [tilespmem:s21], [sflag:$0x1], $0x2800, $0x38;
	[tilespmem:$0x18900] =	vst v63  }
0x108: {  	_ =	swait.ge [sflag:s22], $0x2800  }
0x109: {  	[sflag:s22] =	ssyncset.done $0x0  }
0x10a: {  	s29 =	rddreg [dreg:$0x4];
	[sflag:s22] =	ssyncadd.s32 $0xFFFFD800  }
0x10b: {  	[tilespmem:s21], [sflag:$0x1] =	stream.linear.gather [spmem:s29], $0x2000, $0x38;
	[tilespmem:$0x18900] =	vst v63  }
0x10c: {  	_ =	swait.ge [sflag:s22], $0x2000  }
0x10d: {  	[sflag:s22] =	ssyncset.done $0x0  }
.Ltmp4:
0x10e: {  	s30 =	rddreg [dreg:$0x5];
	[sflag:s22] =	ssyncadd.s32 $0xFFFFE000;
	(pc) =	sbr.rel .LBB2_6-.Ltmp4, $4  }
0x10f: {  	[hbm4b:s30+s4] =	stream.linear.scatter [tilespmem:s21], [sflag:$0x1], $0x2000, $0x38;
	[tilespmem:$0x18900] =	vst v63  }
0x110: {  	_ =	swait.ge [sflag:s22], $0x2000  }
0x111: {  	[sflag:s22] =	ssyncset.done $0x0  }
0x112: {  	[sflag:s22] =	ssyncadd.s32 $0xFFFFE000  }
.LBB2_7:
0x113: {  	_ =	sfence.sel $0x180000  }
0x114: {  	[bflag:$0x0] =	sbarrier.arrive $0xFFFF  }
0x115: {  	_ =	strace $0x90000047  }
0x116: {  	s0 =	stileid.u32;
	[bflag:$0x2] =	sbarrier.arrive $0xFFFF  }
0x117: {  	p0 =	sne.s32 s0, $0x0;
	s0 =	rddreg [dreg:$0x3]  }
0x118: {  	s0 =	sadd.s32 @!p0 $0x100000, s0  }
0x119: {  	[sflag:s0] =	ssyncadd.tile.s32 @!p0 $0x1;
	_ =	shalt  }
.Lfunc_end2:
_tile_overlayer_lowered:
.L_overlay_start_2:
0x11a: {  	(tag) =	ssettag $0x2  }
0x11b: {  	s0 =	rddreg [dreg:$0x0];
	s2 =	stileid.u32  }
0x11c: {  	s1 =	rddreg [dreg:$0x1];
	p0 =	sne.s32 s2, $0x0  }
0x11d: {  	s3 =	rddreg [dreg:$0x2];
	[bflag:$0x3] =	sbarrier.arrive $0xFFFF;
	s2 =	simm.s32 @!p0 $0x1C01  }
0x11e: {  	[timem:s3], [sflag:s2] =	dma.local @!p0 [hbm:s0], s1  }
0x11f: {  	s0 =	simm.s32 @!p0 $0x1  }
0x120: {  	_ =	swait.ge @!p0 [sflag:s0], s1  }
0x121: {  	s1 =	ssub.s32 @!p0 $0x0, s1;
	[sflag:s0] =	ssyncset.done @!p0 $0x0  }
0x122: {  	[sflag:s0] =	ssyncadd.s32 @!p0 s1  }
0x123: {  	[bflag:$0x3] =	sbarrier.arrive $0xFFFF  }
0x124: {  	_ =	shalt  }

</sc_bundles>
